<compile_context>
chip_gen: v7x
topology: tpu7x:2x2x1
jax: 0.10.2.dev20260603
libtpu: 0.0.44.dev20260713+nightly
codegen_flags: <defaults>
</compile_context>

<pallas_src>
import functools

import jax
import jax.numpy as jnp
from jax import lax
from jax.experimental import pallas as pl
from jax.experimental.pallas import tpu as pltpu
from jax.experimental.pallas import tpu_sc as plsc

N = 10000
NP = 10240
E = 320000
DP = 160
DH = DP // 2
LANES = 16
NC = 2
NS = 16
EDGES_PER_TILE = E // NS
CHUNK = 80
NCHUNK = EDGES_PER_TILE // CHUNK
ROWS_PER_SUB = NP // NS
TROWS_PER_SUB = N // NS


def _sc_aggregate(xcat, eidx, attr, w, zeros):
    mesh = plsc.VectorSubcoreMesh(core_axis_name="c", subcore_axis_name="s")

    @functools.partial(
        pl.kernel,
        out_type=jax.ShapeDtypeStruct((NC, NP, DH), jnp.float32),
        mesh=mesh,
        compiler_params=pltpu.CompilerParams(
            use_tc_tiling_on_sc=False, needs_layout_passes=False),
        scratch_types=[
            pltpu.VMEM_SHARED((NP, DH), jnp.float32),
            pltpu.VMEM_SHARED((N, DH), jnp.float32),
            pltpu.VMEM((CHUNK,), jnp.int32),
            pltpu.VMEM((CHUNK,), jnp.int32),
            pltpu.VMEM((CHUNK,), jnp.int32),
            pltpu.VMEM((CHUNK,), jnp.int32),
            pltpu.VMEM((CHUNK,), jnp.float32),
            pltpu.VMEM((CHUNK,), jnp.float32),
            pltpu.VMEM((CHUNK, DH), jnp.float32),
            pltpu.VMEM((CHUNK, DH), jnp.float32),
            pltpu.VMEM((CHUNK, DH), jnp.float32),
            pltpu.VMEM((CHUNK, DH), jnp.float32),
            pltpu.VMEM((DH,), jnp.float32),
            pltpu.SemaphoreType.DMA,
            pltpu.SemaphoreType.DMA,
            pltpu.SemaphoreType.DMA,
            pltpu.SemaphoreType.DMA,
            pltpu.SemaphoreType.DMA,
            pltpu.SemaphoreType.DMA,
        ],
    )
    def k(xcat_hbm, ei_hbm, attr_hbm, w_hbm, z_hbm,
          out_hbm, aggr_sh, table_sh, src0, src1, dst0, dst1, at0, at1,
          rows0, rows1, msg0, msg1, w_v,
          isem0, isem1, gsem0, gsem1, ssem0, ssem1):
        cid = lax.axis_index("c")
        sid = lax.axis_index("s")
        srcb = (src0, src1)
        dstb = (dst0, dst1)
        atb = (at0, at1)
        rowsb = (rows0, rows1)
        msgb = (msg0, msg1)
        isem = (isem0, isem1)
        gsem = (gsem0, gsem1)
        ssem = (ssem0, ssem1)

        t0 = sid * TROWS_PER_SUB
        c0 = cid * DH
        pltpu.sync_copy(xcat_hbm.at[pl.ds(t0, TROWS_PER_SUB), pl.ds(c0, DH)],
                        table_sh.at[pl.ds(t0, TROWS_PER_SUB)])

        pltpu.sync_copy(z_hbm, rows0)
        r0 = sid * ROWS_PER_SUB
        for rep in range(ROWS_PER_SUB // CHUNK):
            pltpu.async_copy(rows0, aggr_sh.at[pl.ds(r0 + rep * CHUNK, CHUNK)],
                             gsem0)
        for rep in range(ROWS_PER_SUB // CHUNK):
            pltpu.make_async_copy(rows0,
                                  aggr_sh.at[pl.ds(r0, CHUNK)], gsem0).wait()
        pltpu.sync_copy(w_hbm.at[cid], w_v)
        wregs = tuple(w_v[pl.ds(j * LANES, LANES)]
                      for j in range(DH // LANES))
        plsc.subcore_barrier()

        base = sid * EDGES_PER_TILE

        def issue_idx(kk, p):
            off = base + kk * CHUNK
            pltpu.async_copy(ei_hbm.at[0, pl.ds(off, CHUNK)], srcb[p], isem[p])
            pltpu.async_copy(ei_hbm.at[1, pl.ds(off, CHUNK)], dstb[p], isem[p])
            pltpu.async_copy(attr_hbm.at[pl.ds(off, CHUNK)], atb[p], isem[p])

        def wait_idx(p):
            pltpu.make_async_copy(ei_hbm.at[0, pl.ds(0, CHUNK)],
                                  srcb[p], isem[p]).wait()
            pltpu.make_async_copy(ei_hbm.at[1, pl.ds(0, CHUNK)],
                                  dstb[p], isem[p]).wait()
            pltpu.make_async_copy(attr_hbm.at[pl.ds(0, CHUNK)],
                                  atb[p], isem[p]).wait()

        def compute(p):
            rows_v, msg_v, attr_v = rowsb[p], msgb[p], atb[p]

            @plsc.parallel_loop(0, CHUNK // LANES, unroll=2)
            def _(g):
                a16 = attr_v[pl.ds(g * LANES, LANES)]
                for t in range(LANES):
                    a = a16[t]
                    i = g * LANES + t
                    for j in range(DH // LANES):
                        sl = pl.ds(j * LANES, LANES)
                        m = jnp.maximum(rows_v.at[i][sl] + a * wregs[j], 0.0)
                        msg_v.at[i][sl] = m

        issue_idx(0, 0)
        wait_idx(0)
        pltpu.async_copy(table_sh.at[srcb[0]], rowsb[0], gsem[0])
        issue_idx(1, 1)

        @pl.loop(0, (NCHUNK + 1) // 2)
        def _(kkk):
            for par in range(2):
                kk = kkk * 2 + par
                p, p2 = par, 1 - par

                @pl.when(kk + 1 < NCHUNK)
                def _():
                    wait_idx(p2)
                    pltpu.async_copy(table_sh.at[srcb[p2]], rowsb[p2],
                                     gsem[p2])

                @pl.when(kk >= 2)
                def _():
                    pltpu.make_async_copy(
                        msgb[p], aggr_sh.at[dstb[p]], ssem[p]).wait()

                @pl.when(kk < NCHUNK)
                def _():
                    pltpu.make_async_copy(
                        table_sh.at[srcb[p]], rowsb[p], gsem[p]).wait()
                    compute(p)

                @pl.when(kk + 2 < NCHUNK)
                def _():
                    issue_idx(kk + 2, p)

                @pl.when(kk < NCHUNK)
                def _():
                    pltpu.async_copy(msgb[p], aggr_sh.at[dstb[p]],
                                     ssem[p], add=True)

        for q in (NCHUNK - 2, NCHUNK - 1):
            qp = q % 2
            pltpu.make_async_copy(msgb[qp], aggr_sh.at[dstb[qp]],
                                  ssem[qp]).wait()

        plsc.subcore_barrier()
        pltpu.sync_copy(aggr_sh.at[pl.ds(r0, ROWS_PER_SUB)],
                        out_hbm.at[cid, pl.ds(r0, ROWS_PER_SUB)])

    return k(xcat, eidx, attr, w, zeros)


BLK = 1000


def _dot(a, b):
    return lax.dot_general(a.astype(jnp.bfloat16), b.astype(jnp.bfloat16),
                           (((1,), (0,)), ((), ())),
                           preferred_element_type=jnp.float32)


def _mlp_body(xp_ref, p0_ref, p1_ref, bp_ref, w1_ref, w1a_ref, w1b_ref,
              b1_ref, w2_ref, b2_ref, o_ref):
    z = _dot(xp_ref[...], w1_ref[...])
    z += _dot(p0_ref[0], w1a_ref[...])
    z += _dot(p1_ref[0], w1b_ref[...])
    z += b1_ref[...] - _dot(bp_ref[...], w1_ref[...])
    z = jnp.maximum(z, 0.0)
    o_ref[...] = _dot(z, w2_ref[...]) + b2_ref[...]


def _tc_mlp(x_pad, parts, bp, w1p, w1a, w1b, b1, w2, b2):
    grid = (N // BLK,)
    return pl.pallas_call(
        _mlp_body,
        grid=grid,
        in_specs=[
            pl.BlockSpec((BLK, DP), lambda i: (i, 0)),
            pl.BlockSpec((1, BLK, DH), lambda i: (0, i, 0)),
            pl.BlockSpec((1, BLK, DH), lambda i: (1, i, 0)),
            pl.BlockSpec((1, DP), lambda i: (0, 0)),
            pl.BlockSpec((DP, 1024), lambda i: (0, 0)),
            pl.BlockSpec((DH, 1024), lambda i: (0, 0)),
            pl.BlockSpec((DH, 1024), lambda i: (0, 0)),
            pl.BlockSpec((1, 1024), lambda i: (0, 0)),
            pl.BlockSpec((1024, 64), lambda i: (0, 0)),
            pl.BlockSpec((1, 64), lambda i: (0, 0)),
        ],
        out_specs=pl.BlockSpec((BLK, 64), lambda i: (i, 0)),
        out_shape=jax.ShapeDtypeStruct((N, 64), jnp.float32),
        compiler_params=pltpu.CompilerParams(
            dimension_semantics=("parallel",)),
    )(x_pad, parts, parts, bp, w1p, w1a, w1b, b1, w2, b2)


def kernel(x, edge_index, edge_attr, rsig, W_edge, b_edge, W1, b1, W2, b2):
    x_in = jnp.concatenate([x, rsig], axis=-1)
    w_pad = jnp.pad(W_edge[0], (0, DP - W_edge.shape[1]))
    b_pad = jnp.pad(b_edge, (0, DP - b_edge.shape[0]))
    xcat = jnp.pad(x_in + b_edge[None, :],
                   ((0, 0), (0, DP - x_in.shape[1])))
    wh = w_pad.reshape(NC, DH)
    attr = edge_attr.reshape(E)
    zeros = jnp.zeros((CHUNK, DH), jnp.float32)

    parts = _sc_aggregate(xcat, edge_index, attr, wh, zeros)

    w1p = jnp.pad(W1, ((0, DP - W1.shape[0]), (0, 0)))
    out = _tc_mlp(xcat, parts, b_pad.reshape(1, DP), w1p,
                  w1p[:DH], w1p[DH:], b1.reshape(1, -1), W2,
                  b2.reshape(1, -1))
    return out

# --- scband reference (transcript-rebuilt; emitter-appended) ---
"""Pipeline reference for scband-model3-d-30940944401189 (READ-ONLY COPY).

The authoritative reference and input builder live on the scoring server;
editing this copy changes nothing except your own understanding.
"""

import jax, jax.numpy as jnp
import numpy as np

N = 10000
E = 320000
INIT_DIM = 128
RSD = 1
IN_DIM = INIT_DIM + RSD  # 129
HID = 1024
EMB = 64


def setup_inputs(seed: int = 0) -> dict:
    key = jax.random.key(seed)
    ks = jax.random.split(key, 10)
    x = jax.random.normal(ks[0], (N, INIT_DIM), dtype=jnp.float32)
    edge_index = jax.random.randint(ks[1], (2, E), 0, N, dtype=jnp.int32)
    edge_attr = jax.random.normal(ks[2], (E, 1), dtype=jnp.float32)
    # RandomSignal module: concatenates a random feature column onto x
    rsig = jax.random.normal(ks[3], (N, RSD), dtype=jnp.float32)
    # GINEConv learned params: edge linear (edge_dim=1 -> IN_DIM) + MLP nn
    W_edge = jax.random.normal(ks[4], (1, IN_DIM), dtype=jnp.float32) * (1.0 / np.sqrt(1))
    b_edge = jnp.zeros((IN_DIM,), dtype=jnp.float32)
    W1 = jax.random.normal(ks[5], (IN_DIM, HID), dtype=jnp.float32) * (1.0 / np.sqrt(IN_DIM))
    b1 = jnp.zeros((HID,), dtype=jnp.float32)
    W2 = jax.random.normal(ks[6], (HID, EMB), dtype=jnp.float32) * (1.0 / np.sqrt(HID))
    b2 = jnp.zeros((EMB,), dtype=jnp.float32)
    return {"x": x, "edge_index": edge_index, "edge_attr": edge_attr,
            "rsig": rsig, "W_edge": W_edge, "b_edge": b_edge,
            "W1": W1, "b1": b1, "W2": W2, "b2": b2}


def reference(x, edge_index, edge_attr, rsig, W_edge, b_edge, W1, b1, W2, b2):
    # RandomSignal: append random feature column -> [N, 129]
    x_in = jnp.concatenate([x, rsig], axis=-1)
    # GINEConv (eps=0, train_eps=False):
    # message_j = ReLU(x_j + Linear(edge_attr)); aggregate sum into dst; out = nn((1+eps)*x_i + aggr)
    e = edge_attr @ W_edge + b_edge            # [E, 129]
    src = edge_index[0]
    dst = edge_index[1]
    msg = jax.nn.relu(x_in[src] + e)           # gather + elementwise [E, 129]
    aggr = jnp.zeros_like(x_in).at[dst].add(msg)  # scatter-add [N, 129]
    h = x_in + aggr                            # (1 + eps) * x with eps = 0
    h = jax.nn.relu(h @ W1 + b1)               # MLP layer 1
    out = h @ W2 + b2                          # MLP layer 2 -> [N, 64]
    # dropout p=0.01 is inactive in eval mode; num_layers=1 so no residual blocks
    return out

if __name__ == "__main__":
    import jax
    _d = setup_inputs()
    print(jax.jit(kernel)(*tuple(_d.values())))

</pallas_src>

<mosaic_0001>
#map = affine_map<(d0, d1) -> (0, 0)>
#map1 = affine_map<(d0, d1) -> (0)>
#map2 = affine_map<(d0, d1) -> (0, 0, 0)>
module attributes {stable_mosaic.version = 14 : i64} {
  func.func @k(%arg0: i32, %arg1: i32, %arg2: memref<10000x160xf32, #tpu.memory_space<hbm>>, %arg3: memref<2x320000xi32, #tpu.memory_space<hbm>>, %arg4: memref<320000xf32, #tpu.memory_space<hbm>>, %arg5: memref<2x80xf32, #tpu.memory_space<hbm>>, %arg6: memref<80x80xf32, #tpu.memory_space<hbm>>, %arg7: memref<2x10240x80xf32, #tpu.memory_space<hbm>>, %arg8: memref<10240x80xf32, #tpu.memory_space<vmem_shared>>, %arg9: memref<10000x80xf32, #tpu.memory_space<vmem_shared>>, %arg10: memref<80xi32, #tpu.memory_space<vmem>>, %arg11: memref<80xi32, #tpu.memory_space<vmem>>, %arg12: memref<80xi32, #tpu.memory_space<vmem>>, %arg13: memref<80xi32, #tpu.memory_space<vmem>>, %arg14: memref<80xf32, #tpu.memory_space<vmem>>, %arg15: memref<80xf32, #tpu.memory_space<vmem>>, %arg16: memref<80x80xf32, #tpu.memory_space<vmem>>, %arg17: memref<80x80xf32, #tpu.memory_space<vmem>>, %arg18: memref<80x80xf32, #tpu.memory_space<vmem>>, %arg19: memref<80x80xf32, #tpu.memory_space<vmem>>, %arg20: memref<80xf32, #tpu.memory_space<vmem>>, %arg21: memref<!tpu.dma_semaphore, #tpu.memory_space<semaphore_mem>>, %arg22: memref<!tpu.dma_semaphore, #tpu.memory_space<semaphore_mem>>, %arg23: memref<!tpu.dma_semaphore, #tpu.memory_space<semaphore_mem>>, %arg24: memref<!tpu.dma_semaphore, #tpu.memory_space<semaphore_mem>>, %arg25: memref<!tpu.dma_semaphore, #tpu.memory_space<semaphore_mem>>, %arg26: memref<!tpu.dma_semaphore, #tpu.memory_space<semaphore_mem>>) attributes {dimension_semantics = [#tpu.dimension_semantics<core_parallel>, #tpu.dimension_semantics<subcore_parallel>], iteration_bounds = array<i64: 2, 16>, scalar_prefetch = 0 : i64, scratch_operands = 19 : i64, tpu.core_type = #tpu.core_type<sc_vector_subcore>, window_params = [{transform_indices = #map}, {transform_indices = #map}, {transform_indices = #map1}, {transform_indices = #map}, {transform_indices = #map}, {transform_indices = #map2}]} {
    %mul3A = arith.constant 625 : i32
    %mul3A_0 = arith.muli %arg1, %mul3A : i32
    %mul3A_1 = arith.constant 80 : i32
    %mul3A_2 = arith.muli %arg0, %mul3A_1 : i32
    "tpu.region"() ({
      %run_scoped3A = tpu.sem_alloc : memref<!tpu.dma_semaphore, #tpu.memory_space<semaphore_mem>>
      %dma_start3A_153 = arith.constant 0 : i32
      %dma_start3A_154 = tpu.memref_slice %arg9[%mul3A_0, %dma_start3A_153] : memref<10000x80xf32, #tpu.memory_space<vmem_shared>> -> memref<625x80xf32, #tpu.memory_space<vmem_shared>>
      %dma_start3A_155 = tpu.memref_slice %arg2[%mul3A_0, %mul3A_2] : memref<10000x160xf32, #tpu.memory_space<hbm>> -> memref<625x80xf32, #tpu.memory_space<hbm>>
      tpu.enqueue_dma source(%dma_start3A_155 : memref<625x80xf32, #tpu.memory_space<hbm>>) target(%dma_start3A_154 : memref<625x80xf32, #tpu.memory_space<vmem_shared>>) target_semaphore(%run_scoped3A : memref<!tpu.dma_semaphore, #tpu.memory_space<semaphore_mem>>)
      %dma_wait3A_156 = arith.constant 0 : i32
      %dma_wait3A_157 = tpu.memref_slice %arg9[%mul3A_0, %dma_wait3A_156] : memref<10000x80xf32, #tpu.memory_space<vmem_shared>> -> memref<625x80xf32, #tpu.memory_space<vmem_shared>>
      %dma_wait3A_158 = tpu.memref_slice %arg2[%mul3A_0, %mul3A_2] : memref<10000x160xf32, #tpu.memory_space<hbm>> -> memref<625x80xf32, #tpu.memory_space<hbm>>
      tpu.wait_dma2 semaphore(%run_scoped3A : memref<!tpu.dma_semaphore, #tpu.memory_space<semaphore_mem>>) src(%dma_wait3A_158 : memref<625x80xf32, #tpu.memory_space<hbm>>) dst(%dma_wait3A_157 : memref<625x80xf32, #tpu.memory_space<vmem_shared>>)
      tpu.yield
    }) : () -> ()
    "tpu.region"() ({
      %run_scoped3A = tpu.sem_alloc : memref<!tpu.dma_semaphore, #tpu.memory_space<semaphore_mem>>
      tpu.enqueue_dma source(%arg6 : memref<80x80xf32, #tpu.memory_space<hbm>>) target(%arg16 : memref<80x80xf32, #tpu.memory_space<vmem>>) target_semaphore(%run_scoped3A : memref<!tpu.dma_semaphore, #tpu.memory_space<semaphore_mem>>)
      tpu.wait_dma2 semaphore(%run_scoped3A : memref<!tpu.dma_semaphore, #tpu.memory_space<semaphore_mem>>) src(%arg6 : memref<80x80xf32, #tpu.memory_space<hbm>>) dst(%arg16 : memref<80x80xf32, #tpu.memory_space<vmem>>)
      tpu.yield
    }) : () -> ()
    %mul3A_3 = arith.constant 640 : i32
    %mul3A_4 = arith.muli %arg1, %mul3A_3 : i32
    %add3A = arith.constant 0 : i32
    %add3A_5 = arith.addi %mul3A_4, %add3A : i32
    %dma_start3A = arith.constant 0 : i32
    %dma_start3A_6 = tpu.memref_slice %arg8[%add3A_5, %dma_start3A] : memref<10240x80xf32, #tpu.memory_space<vmem_shared>> -> memref<80x80xf32, #tpu.memory_space<vmem_shared>>
    %dma_start3A_7 = arith.constant 0 : i32
    %dma_start3A_8 = tpu.memref_slice %arg8[%add3A_5, %dma_start3A_7] : memref<10240x80xf32, #tpu.memory_space<vmem_shared>> -> memref<80x80xf32, #tpu.memory_space<vmem_shared>>
    tpu.enqueue_dma source(%arg16 : memref<80x80xf32, #tpu.memory_space<vmem>>) target(%dma_start3A_8 : memref<80x80xf32, #tpu.memory_space<vmem_shared>>) target_semaphore(%arg23 : memref<!tpu.dma_semaphore, #tpu.memory_space<semaphore_mem>>)
    %add3A_9 = arith.constant 80 : i32
    %add3A_10 = arith.addi %mul3A_4, %add3A_9 : i32
    %dma_start3A_11 = arith.constant 0 : i32
    %dma_start3A_12 = tpu.memref_slice %arg8[%add3A_10, %dma_start3A_11] : memref<10240x80xf32, #tpu.memory_space<vmem_shared>> -> memref<80x80xf32, #tpu.memory_space<vmem_shared>>
    %dma_start3A_13 = arith.constant 0 : i32
    %dma_start3A_14 = tpu.memref_slice %arg8[%add3A_10, %dma_start3A_13] : memref<10240x80xf32, #tpu.memory_space<vmem_shared>> -> memref<80x80xf32, #tpu.memory_space<vmem_shared>>
    tpu.enqueue_dma source(%arg16 : memref<80x80xf32, #tpu.memory_space<vmem>>) target(%dma_start3A_14 : memref<80x80xf32, #tpu.memory_space<vmem_shared>>) target_semaphore(%arg23 : memref<!tpu.dma_semaphore, #tpu.memory_space<semaphore_mem>>)
    %add3A_15 = arith.constant 160 : i32
    %add3A_16 = arith.addi %mul3A_4, %add3A_15 : i32
    %dma_start3A_17 = arith.constant 0 : i32
    %dma_start3A_18 = tpu.memref_slice %arg8[%add3A_16, %dma_start3A_17] : memref<10240x80xf32, #tpu.memory_space<vmem_shared>> -> memref<80x80xf32, #tpu.memory_space<vmem_shared>>
    %dma_start3A_19 = arith.constant 0 : i32
    %dma_start3A_20 = tpu.memref_slice %arg8[%add3A_16, %dma_start3A_19] : memref<10240x80xf32, #tpu.memory_space<vmem_shared>> -> memref<80x80xf32, #tpu.memory_space<vmem_shared>>
    tpu.enqueue_dma source(%arg16 : memref<80x80xf32, #tpu.memory_space<vmem>>) target(%dma_start3A_20 : memref<80x80xf32, #tpu.memory_space<vmem_shared>>) target_semaphore(%arg23 : memref<!tpu.dma_semaphore, #tpu.memory_space<semaphore_mem>>)
    %add3A_21 = arith.constant 240 : i32
    %add3A_22 = arith.addi %mul3A_4, %add3A_21 : i32
    %dma_start3A_23 = arith.constant 0 : i32
    %dma_start3A_24 = tpu.memref_slice %arg8[%add3A_22, %dma_start3A_23] : memref<10240x80xf32, #tpu.memory_space<vmem_shared>> -> memref<80x80xf32, #tpu.memory_space<vmem_shared>>
    %dma_start3A_25 = arith.constant 0 : i32
    %dma_start3A_26 = tpu.memref_slice %arg8[%add3A_22, %dma_start3A_25] : memref<10240x80xf32, #tpu.memory_space<vmem_shared>> -> memref<80x80xf32, #tpu.memory_space<vmem_shared>>
    tpu.enqueue_dma source(%arg16 : memref<80x80xf32, #tpu.memory_space<vmem>>) target(%dma_start3A_26 : memref<80x80xf32, #tpu.memory_space<vmem_shared>>) target_semaphore(%arg23 : memref<!tpu.dma_semaphore, #tpu.memory_space<semaphore_mem>>)
    %add3A_27 = arith.constant 320 : i32
    %add3A_28 = arith.addi %mul3A_4, %add3A_27 : i32
    %dma_start3A_29 = arith.constant 0 : i32
    %dma_start3A_30 = tpu.memref_slice %arg8[%add3A_28, %dma_start3A_29] : memref<10240x80xf32, #tpu.memory_space<vmem_shared>> -> memref<80x80xf32, #tpu.memory_space<vmem_shared>>
    %dma_start3A_31 = arith.constant 0 : i32
    %dma_start3A_32 = tpu.memref_slice %arg8[%add3A_28, %dma_start3A_31] : memref<10240x80xf32, #tpu.memory_space<vmem_shared>> -> memref<80x80xf32, #tpu.memory_space<vmem_shared>>
    tpu.enqueue_dma source(%arg16 : memref<80x80xf32, #tpu.memory_space<vmem>>) target(%dma_start3A_32 : memref<80x80xf32, #tpu.memory_space<vmem_shared>>) target_semaphore(%arg23 : memref<!tpu.dma_semaphore, #tpu.memory_space<semaphore_mem>>)
    %add3A_33 = arith.constant 400 : i32
    %add3A_34 = arith.addi %mul3A_4, %add3A_33 : i32
    %dma_start3A_35 = arith.constant 0 : i32
    %dma_start3A_36 = tpu.memref_slice %arg8[%add3A_34, %dma_start3A_35] : memref<10240x80xf32, #tpu.memory_space<vmem_shared>> -> memref<80x80xf32, #tpu.memory_space<vmem_shared>>
    %dma_start3A_37 = arith.constant 0 : i32
    %dma_start3A_38 = tpu.memref_slice %arg8[%add3A_34, %dma_start3A_37] : memref<10240x80xf32, #tpu.memory_space<vmem_shared>> -> memref<80x80xf32, #tpu.memory_space<vmem_shared>>
    tpu.enqueue_dma source(%arg16 : memref<80x80xf32, #tpu.memory_space<vmem>>) target(%dma_start3A_38 : memref<80x80xf32, #tpu.memory_space<vmem_shared>>) target_semaphore(%arg23 : memref<!tpu.dma_semaphore, #tpu.memory_space<semaphore_mem>>)
    %add3A_39 = arith.constant 480 : i32
    %add3A_40 = arith.addi %mul3A_4, %add3A_39 : i32
    %dma_start3A_41 = arith.constant 0 : i32
    %dma_start3A_42 = tpu.memref_slice %arg8[%add3A_40, %dma_start3A_41] : memref<10240x80xf32, #tpu.memory_space<vmem_shared>> -> memref<80x80xf32, #tpu.memory_space<vmem_shared>>
    %dma_start3A_43 = arith.constant 0 : i32
    %dma_start3A_44 = tpu.memref_slice %arg8[%add3A_40, %dma_start3A_43] : memref<10240x80xf32, #tpu.memory_space<vmem_shared>> -> memref<80x80xf32, #tpu.memory_space<vmem_shared>>
    tpu.enqueue_dma source(%arg16 : memref<80x80xf32, #tpu.memory_space<vmem>>) target(%dma_start3A_44 : memref<80x80xf32, #tpu.memory_space<vmem_shared>>) target_semaphore(%arg23 : memref<!tpu.dma_semaphore, #tpu.memory_space<semaphore_mem>>)
    %add3A_45 = arith.constant 560 : i32
    %add3A_46 = arith.addi %mul3A_4, %add3A_45 : i32
    %dma_start3A_47 = arith.constant 0 : i32
    %dma_start3A_48 = tpu.memref_slice %arg8[%add3A_46, %dma_start3A_47] : memref<10240x80xf32, #tpu.memory_space<vmem_shared>> -> memref<80x80xf32, #tpu.memory_space<vmem_shared>>
    %dma_start3A_49 = arith.constant 0 : i32
    %dma_start3A_50 = tpu.memref_slice %arg8[%add3A_46, %dma_start3A_49] : memref<10240x80xf32, #tpu.memory_space<vmem_shared>> -> memref<80x80xf32, #tpu.memory_space<vmem_shared>>
    tpu.enqueue_dma source(%arg16 : memref<80x80xf32, #tpu.memory_space<vmem>>) target(%dma_start3A_50 : memref<80x80xf32, #tpu.memory_space<vmem_shared>>) target_semaphore(%arg23 : memref<!tpu.dma_semaphore, #tpu.memory_space<semaphore_mem>>)
    %dma_wait3A = arith.constant 0 : i32
    %dma_wait3A_51 = tpu.memref_slice %arg8[%mul3A_4, %dma_wait3A] : memref<10240x80xf32, #tpu.memory_space<vmem_shared>> -> memref<80x80xf32, #tpu.memory_space<vmem_shared>>
    %dma_wait3A_52 = arith.constant 0 : i32
    %dma_wait3A_53 = tpu.memref_slice %arg8[%mul3A_4, %dma_wait3A_52] : memref<10240x80xf32, #tpu.memory_space<vmem_shared>> -> memref<80x80xf32, #tpu.memory_space<vmem_shared>>
    tpu.wait_dma2 semaphore(%arg23 : memref<!tpu.dma_semaphore, #tpu.memory_space<semaphore_mem>>) src(%arg16 : memref<80x80xf32, #tpu.memory_space<vmem>>) dst(%dma_wait3A_53 : memref<80x80xf32, #tpu.memory_space<vmem_shared>>)
    %dma_wait3A_54 = arith.constant 0 : i32
    %dma_wait3A_55 = tpu.memref_slice %arg8[%mul3A_4, %dma_wait3A_54] : memref<10240x80xf32, #tpu.memory_space<vmem_shared>> -> memref<80x80xf32, #tpu.memory_space<vmem_shared>>
    %dma_wait3A_56 = arith.constant 0 : i32
    %dma_wait3A_57 = tpu.memref_slice %arg8[%mul3A_4, %dma_wait3A_56] : memref<10240x80xf32, #tpu.memory_space<vmem_shared>> -> memref<80x80xf32, #tpu.memory_space<vmem_shared>>
    tpu.wait_dma2 semaphore(%arg23 : memref<!tpu.dma_semaphore, #tpu.memory_space<semaphore_mem>>) src(%arg16 : memref<80x80xf32, #tpu.memory_space<vmem>>) dst(%dma_wait3A_57 : memref<80x80xf32, #tpu.memory_space<vmem_shared>>)
    %dma_wait3A_58 = arith.constant 0 : i32
    %dma_wait3A_59 = tpu.memref_slice %arg8[%mul3A_4, %dma_wait3A_58] : memref<10240x80xf32, #tpu.memory_space<vmem_shared>> -> memref<80x80xf32, #tpu.memory_space<vmem_shared>>
    %dma_wait3A_60 = arith.constant 0 : i32
    %dma_wait3A_61 = tpu.memref_slice %arg8[%mul3A_4, %dma_wait3A_60] : memref<10240x80xf32, #tpu.memory_space<vmem_shared>> -> memref<80x80xf32, #tpu.memory_space<vmem_shared>>
    tpu.wait_dma2 semaphore(%arg23 : memref<!tpu.dma_semaphore, #tpu.memory_space<semaphore_mem>>) src(%arg16 : memref<80x80xf32, #tpu.memory_space<vmem>>) dst(%dma_wait3A_61 : memref<80x80xf32, #tpu.memory_space<vmem_shared>>)
    %dma_wait3A_62 = arith.constant 0 : i32
    %dma_wait3A_63 = tpu.memref_slice %arg8[%mul3A_4, %dma_wait3A_62] : memref<10240x80xf32, #tpu.memory_space<vmem_shared>> -> memref<80x80xf32, #tpu.memory_space<vmem_shared>>
    %dma_wait3A_64 = arith.constant 0 : i32
    %dma_wait3A_65 = tpu.memref_slice %arg8[%mul3A_4, %dma_wait3A_64] : memref<10240x80xf32, #tpu.memory_space<vmem_shared>> -> memref<80x80xf32, #tpu.memory_space<vmem_shared>>
    tpu.wait_dma2 semaphore(%arg23 : memref<!tpu.dma_semaphore, #tpu.memory_space<semaphore_mem>>) src(%arg16 : memref<80x80xf32, #tpu.memory_space<vmem>>) dst(%dma_wait3A_65 : memref<80x80xf32, #tpu.memory_space<vmem_shared>>)
    %dma_wait3A_66 = arith.constant 0 : i32
    %dma_wait3A_67 = tpu.memref_slice %arg8[%mul3A_4, %dma_wait3A_66] : memref<10240x80xf32, #tpu.memory_space<vmem_shared>> -> memref<80x80xf32, #tpu.memory_space<vmem_shared>>
    %dma_wait3A_68 = arith.constant 0 : i32
    %dma_wait3A_69 = tpu.memref_slice %arg8[%mul3A_4, %dma_wait3A_68] : memref<10240x80xf32, #tpu.memory_space<vmem_shared>> -> memref<80x80xf32, #tpu.memory_space<vmem_shared>>
    tpu.wait_dma2 semaphore(%arg23 : memref<!tpu.dma_semaphore, #tpu.memory_space<semaphore_mem>>) src(%arg16 : memref<80x80xf32, #tpu.memory_space<vmem>>) dst(%dma_wait3A_69 : memref<80x80xf32, #tpu.memory_space<vmem_shared>>)
    %dma_wait3A_70 = arith.constant 0 : i32
    %dma_wait3A_71 = tpu.memref_slice %arg8[%mul3A_4, %dma_wait3A_70] : memref<10240x80xf32, #tpu.memory_space<vmem_shared>> -> memref<80x80xf32, #tpu.memory_space<vmem_shared>>
    %dma_wait3A_72 = arith.constant 0 : i32
    %dma_wait3A_73 = tpu.memref_slice %arg8[%mul3A_4, %dma_wait3A_72] : memref<10240x80xf32, #tpu.memory_space<vmem_shared>> -> memref<80x80xf32, #tpu.memory_space<vmem_shared>>
    tpu.wait_dma2 semaphore(%arg23 : memref<!tpu.dma_semaphore, #tpu.memory_space<semaphore_mem>>) src(%arg16 : memref<80x80xf32, #tpu.memory_space<vmem>>) dst(%dma_wait3A_73 : memref<80x80xf32, #tpu.memory_space<vmem_shared>>)
    %dma_wait3A_74 = arith.constant 0 : i32
    %dma_wait3A_75 = tpu.memref_slice %arg8[%mul3A_4, %dma_wait3A_74] : memref<10240x80xf32, #tpu.memory_space<vmem_shared>> -> memref<80x80xf32, #tpu.memory_space<vmem_shared>>
    %dma_wait3A_76 = arith.constant 0 : i32
    %dma_wait3A_77 = tpu.memref_slice %arg8[%mul3A_4, %dma_wait3A_76] : memref<10240x80xf32, #tpu.memory_space<vmem_shared>> -> memref<80x80xf32, #tpu.memory_space<vmem_shared>>
    tpu.wait_dma2 semaphore(%arg23 : memref<!tpu.dma_semaphore, #tpu.memory_space<semaphore_mem>>) src(%arg16 : memref<80x80xf32, #tpu.memory_space<vmem>>) dst(%dma_wait3A_77 : memref<80x80xf32, #tpu.memory_space<vmem_shared>>)
    %dma_wait3A_78 = arith.constant 0 : i32
    %dma_wait3A_79 = tpu.memref_slice %arg8[%mul3A_4, %dma_wait3A_78] : memref<10240x80xf32, #tpu.memory_space<vmem_shared>> -> memref<80x80xf32, #tpu.memory_space<vmem_shared>>
    %dma_wait3A_80 = arith.constant 0 : i32
    %dma_wait3A_81 = tpu.memref_slice %arg8[%mul3A_4, %dma_wait3A_80] : memref<10240x80xf32, #tpu.memory_space<vmem_shared>> -> memref<80x80xf32, #tpu.memory_space<vmem_shared>>
    tpu.wait_dma2 semaphore(%arg23 : memref<!tpu.dma_semaphore, #tpu.memory_space<semaphore_mem>>) src(%arg16 : memref<80x80xf32, #tpu.memory_space<vmem>>) dst(%dma_wait3A_81 : memref<80x80xf32, #tpu.memory_space<vmem_shared>>)
    "tpu.region"() ({
      %run_scoped3A = tpu.sem_alloc : memref<!tpu.dma_semaphore, #tpu.memory_space<semaphore_mem>>
      %dma_start3A_153 = arith.constant 0 : i32
      %dma_start3A_154 = tpu.memref_slice %arg5[%arg0, %dma_start3A_153] : memref<2x80xf32, #tpu.memory_space<hbm>> -> memref<1x80xf32, #tpu.memory_space<hbm>>
      %dma_start3A_155 = tpu.memref_squeeze %dma_start3A_154 : memref<1x80xf32, #tpu.memory_space<hbm>> -> memref<80xf32, #tpu.memory_space<hbm>>
      %dma_start3A_156 = arith.constant 0 : i32
      %dma_start3A_157 = tpu.memref_slice %arg5[%arg0, %dma_start3A_156] : memref<2x80xf32, #tpu.memory_space<hbm>> -> memref<1x80xf32, #tpu.memory_space<hbm>>
      %dma_start3A_158 = tpu.memref_squeeze %dma_start3A_157 : memref<1x80xf32, #tpu.memory_space<hbm>> -> memref<80xf32, #tpu.memory_space<hbm>>
      tpu.enqueue_dma source(%dma_start3A_158 : memref<80xf32, #tpu.memory_space<hbm>>) target(%arg20 : memref<80xf32, #tpu.memory_space<vmem>>) target_semaphore(%run_scoped3A : memref<!tpu.dma_semaphore, #tpu.memory_space<semaphore_mem>>)
      %dma_wait3A_159 = arith.constant 0 : i32
      %dma_wait3A_160 = tpu.memref_slice %arg5[%arg0, %dma_wait3A_159] : memref<2x80xf32, #tpu.memory_space<hbm>> -> memref<1x80xf32, #tpu.memory_space<hbm>>
      %dma_wait3A_161 = tpu.memref_squeeze %dma_wait3A_160 : memref<1x80xf32, #tpu.memory_space<hbm>> -> memref<80xf32, #tpu.memory_space<hbm>>
      %dma_wait3A_162 = arith.constant 0 : i32
      %dma_wait3A_163 = tpu.memref_slice %arg5[%arg0, %dma_wait3A_162] : memref<2x80xf32, #tpu.memory_space<hbm>> -> memref<1x80xf32, #tpu.memory_space<hbm>>
      %dma_wait3A_164 = tpu.memref_squeeze %dma_wait3A_163 : memref<1x80xf32, #tpu.memory_space<hbm>> -> memref<80xf32, #tpu.memory_space<hbm>>
      tpu.wait_dma2 semaphore(%run_scoped3A : memref<!tpu.dma_semaphore, #tpu.memory_space<semaphore_mem>>) src(%dma_wait3A_164 : memref<80xf32, #tpu.memory_space<hbm>>) dst(%arg20 : memref<80xf32, #tpu.memory_space<vmem>>)
      tpu.yield
    }) : () -> ()
    %get3A = arith.constant 0 : index
    %get3A_82 = tpu.vector_load %arg20[%get3A] {strides = array<i32>} : memref<80xf32, #tpu.memory_space<vmem>>, vector<16xf32>,
    %get3A_83 = arith.constant 16 : index
    %get3A_84 = tpu.vector_load %arg20[%get3A_83] {strides = array<i32>} : memref<80xf32, #tpu.memory_space<vmem>>, vector<16xf32>,
    %get3A_85 = arith.constant 32 : index
    %get3A_86 = tpu.vector_load %arg20[%get3A_85] {strides = array<i32>} : memref<80xf32, #tpu.memory_space<vmem>>, vector<16xf32>,
    %get3A_87 = arith.constant 48 : index
    %get3A_88 = tpu.vector_load %arg20[%get3A_87] {strides = array<i32>} : memref<80xf32, #tpu.memory_space<vmem>>, vector<16xf32>,
    %get3A_89 = arith.constant 64 : index
    %get3A_90 = tpu.vector_load %arg20[%get3A_89] {strides = array<i32>} : memref<80xf32, #tpu.memory_space<vmem>>, vector<16xf32>,
    %barrier3A = arith.constant 0 : index
    tpu.barrier barrier_id(%barrier3A)
    %mul3A_91 = arith.constant 20000 : i32
    %mul3A_92 = arith.muli %arg1, %mul3A_91 : i32
    %add3A_93 = arith.constant 0 : i32
    %add3A_94 = arith.addi %mul3A_92, %add3A_93 : i32
    %dma_start3A_95 = arith.constant 0 : i32
    %dma_start3A_96 = tpu.memref_slice %arg3[%dma_start3A_95, %add3A_94] : memref<2x320000xi32, #tpu.memory_space<hbm>> -> memref<1x80xi32, #tpu.memory_space<hbm>>
    %dma_start3A_97 = tpu.memref_squeeze %dma_start3A_96 : memref<1x80xi32, #tpu.memory_space<hbm>> -> memref<80xi32, #tpu.memory_space<hbm>>
    %dma_start3A_98 = tpu.memref_slice %arg3[%dma_start3A_95, %add3A_94] : memref<2x320000xi32, #tpu.memory_space<hbm>> -> memref<1x80xi32, #tpu.memory_space<hbm>>
    %dma_start3A_99 = tpu.memref_squeeze %dma_start3A_98 : memref<1x80xi32, #tpu.memory_space<hbm>> -> memref<80xi32, #tpu.memory_space<hbm>>
    tpu.enqueue_dma source(%dma_start3A_99 : memref<80xi32, #tpu.memory_space<hbm>>) target(%arg10 : memref<80xi32, #tpu.memory_space<vmem>>) target_semaphore(%arg21 : memref<!tpu.dma_semaphore, #tpu.memory_space<semaphore_mem>>)
    %dma_start3A_100 = arith.constant 1 : i32
    %dma_start3A_101 = tpu.memref_slice %arg3[%dma_start3A_100, %add3A_94] : memref<2x320000xi32, #tpu.memory_space<hbm>> -> memref<1x80xi32, #tpu.memory_space<hbm>>
    %dma_start3A_102 = tpu.memref_squeeze %dma_start3A_101 : memref<1x80xi32, #tpu.memory_space<hbm>> -> memref<80xi32, #tpu.memory_space<hbm>>
    %dma_start3A_103 = tpu.memref_slice %arg3[%dma_start3A_100, %add3A_94] : memref<2x320000xi32, #tpu.memory_space<hbm>> -> memref<1x80xi32, #tpu.memory_space<hbm>>
    %dma_start3A_104 = tpu.memref_squeeze %dma_start3A_103 : memref<1x80xi32, #tpu.memory_space<hbm>> -> memref<80xi32, #tpu.memory_space<hbm>>
    tpu.enqueue_dma source(%dma_start3A_104 : memref<80xi32, #tpu.memory_space<hbm>>) target(%arg12 : memref<80xi32, #tpu.memory_space<vmem>>) target_semaphore(%arg21 : memref<!tpu.dma_semaphore, #tpu.memory_space<semaphore_mem>>)
    %dma_start3A_105 = tpu.memref_slice %arg4[%add3A_94] : memref<320000xf32, #tpu.memory_space<hbm>> -> memref<80xf32, #tpu.memory_space<hbm>>
    %dma_start3A_106 = tpu.memref_slice %arg4[%add3A_94] : memref<320000xf32, #tpu.memory_space<hbm>> -> memref<80xf32, #tpu.memory_space<hbm>>
    tpu.enqueue_dma source(%dma_start3A_106 : memref<80xf32, #tpu.memory_space<hbm>>) target(%arg14 : memref<80xf32, #tpu.memory_space<vmem>>) target_semaphore(%arg21 : memref<!tpu.dma_semaphore, #tpu.memory_space<semaphore_mem>>)
    %dma_wait3A_107 = arith.constant 0 : i32
    %dma_wait3A_108 = arith.constant 0 : i32
    %dma_wait3A_109 = tpu.memref_slice %arg3[%dma_wait3A_107, %dma_wait3A_108] : memref<2x320000xi32, #tpu.memory_space<hbm>> -> memref<1x80xi32, #tpu.memory_space<hbm>>
    %dma_wait3A_110 = tpu.memref_squeeze %dma_wait3A_109 : memref<1x80xi32, #tpu.memory_space<hbm>> -> memref<80xi32, #tpu.memory_space<hbm>>
    %dma_wait3A_111 = arith.constant 0 : i32
    %dma_wait3A_112 = tpu.memref_slice %arg3[%dma_wait3A_107, %dma_wait3A_111] : memref<2x320000xi32, #tpu.memory_space<hbm>> -> memref<1x80xi32, #tpu.memory_space<hbm>>
    %dma_wait3A_113 = tpu.memref_squeeze %dma_wait3A_112 : memref<1x80xi32, #tpu.memory_space<hbm>> -> memref<80xi32, #tpu.memory_space<hbm>>
    tpu.wait_dma2 semaphore(%arg21 : memref<!tpu.dma_semaphore, #tpu.memory_space<semaphore_mem>>) src(%dma_wait3A_113 : memref<80xi32, #tpu.memory_space<hbm>>) dst(%arg10 : memref<80xi32, #tpu.memory_space<vmem>>)
    %dma_wait3A_114 = arith.constant 1 : i32
    %dma_wait3A_115 = arith.constant 0 : i32
    %dma_wait3A_116 = tpu.memref_slice %arg3[%dma_wait3A_114, %dma_wait3A_115] : memref<2x320000xi32, #tpu.memory_space<hbm>> -> memref<1x80xi32, #tpu.memory_space<hbm>>
    %dma_wait3A_117 = tpu.memref_squeeze %dma_wait3A_116 : memref<1x80xi32, #tpu.memory_space<hbm>> -> memref<80xi32, #tpu.memory_space<hbm>>
    %dma_wait3A_118 = arith.constant 0 : i32
    %dma_wait3A_119 = tpu.memref_slice %arg3[%dma_wait3A_114, %dma_wait3A_118] : memref<2x320000xi32, #tpu.memory_space<hbm>> -> memref<1x80xi32, #tpu.memory_space<hbm>>
    %dma_wait3A_120 = tpu.memref_squeeze %dma_wait3A_119 : memref<1x80xi32, #tpu.memory_space<hbm>> -> memref<80xi32, #tpu.memory_space<hbm>>
    tpu.wait_dma2 semaphore(%arg21 : memref<!tpu.dma_semaphore, #tpu.memory_space<semaphore_mem>>) src(%dma_wait3A_120 : memref<80xi32, #tpu.memory_space<hbm>>) dst(%arg12 : memref<80xi32, #tpu.memory_space<vmem>>)
    %dma_wait3A_121 = arith.constant 0 : i32
    %dma_wait3A_122 = tpu.memref_slice %arg4[%dma_wait3A_121] : memref<320000xf32, #tpu.memory_space<hbm>> -> memref<80xf32, #tpu.memory_space<hbm>>
    %dma_wait3A_123 = arith.constant 0 : i32
    %dma_wait3A_124 = tpu.memref_slice %arg4[%dma_wait3A_123] : memref<320000xf32, #tpu.memory_space<hbm>> -> memref<80xf32, #tpu.memory_space<hbm>>
    tpu.wait_dma2 semaphore(%arg21 : memref<!tpu.dma_semaphore, #tpu.memory_space<semaphore_mem>>) src(%dma_wait3A_124 : memref<80xf32, #tpu.memory_space<hbm>>) dst(%arg14 : memref<80xf32, #tpu.memory_space<vmem>>)
    %dma_start3A_125 = arith.constant 0 : i32
    %dma_start3A_126 = arith.constant 0 : i32
    %dma_start3A_127 = tpu.memref_slice %arg9[%dma_start3A_125, %dma_start3A_126] : memref<10000x80xf32, #tpu.memory_space<vmem_shared>> -> memref<10000x80xf32, #tpu.memory_space<vmem_shared>>
    tpu.enqueue_indirect_dma source(%dma_start3A_127 : memref<10000x80xf32, #tpu.memory_space<vmem_shared>>) target(%arg16 : memref<80x80xf32, #tpu.memory_space<vmem>>) offsets(%arg10 : memref<80xi32, #tpu.memory_space<vmem>>) semaphore(%arg23 : memref<!tpu.dma_semaphore, #tpu.memory_space<semaphore_mem>>)
    %add3A_128 = arith.constant 80 : i32
    %add3A_129 = arith.addi %mul3A_92, %add3A_128 : i32
    %dma_start3A_130 = arith.constant 0 : i32
    %dma_start3A_131 = tpu.memref_slice %arg3[%dma_start3A_130, %add3A_129] : memref<2x320000xi32, #tpu.memory_space<hbm>> -> memref<1x80xi32, #tpu.memory_space<hbm>>
    %dma_start3A_132 = tpu.memref_squeeze %dma_start3A_131 : memref<1x80xi32, #tpu.memory_space<hbm>> -> memref<80xi32, #tpu.memory_space<hbm>>
    %dma_start3A_133 = tpu.memref_slice %arg3[%dma_start3A_130, %add3A_129] : memref<2x320000xi32, #tpu.memory_space<hbm>> -> memref<1x80xi32, #tpu.memory_space<hbm>>
    %dma_start3A_134 = tpu.memref_squeeze %dma_start3A_133 : memref<1x80xi32, #tpu.memory_space<hbm>> -> memref<80xi32, #tpu.memory_space<hbm>>
    tpu.enqueue_dma source(%dma_start3A_134 : memref<80xi32, #tpu.memory_space<hbm>>) target(%arg11 : memref<80xi32, #tpu.memory_space<vmem>>) target_semaphore(%arg22 : memref<!tpu.dma_semaphore, #tpu.memory_space<semaphore_mem>>)
    %dma_start3A_135 = arith.constant 1 : i32
    %dma_start3A_136 = tpu.memref_slice %arg3[%dma_start3A_135, %add3A_129] : memref<2x320000xi32, #tpu.memory_space<hbm>> -> memref<1x80xi32, #tpu.memory_space<hbm>>
    %dma_start3A_137 = tpu.memref_squeeze %dma_start3A_136 : memref<1x80xi32, #tpu.memory_space<hbm>> -> memref<80xi32, #tpu.memory_space<hbm>>
    %dma_start3A_138 = tpu.memref_slice %arg3[%dma_start3A_135, %add3A_129] : memref<2x320000xi32, #tpu.memory_space<hbm>> -> memref<1x80xi32, #tpu.memory_space<hbm>>
    %dma_start3A_139 = tpu.memref_squeeze %dma_start3A_138 : memref<1x80xi32, #tpu.memory_space<hbm>> -> memref<80xi32, #tpu.memory_space<hbm>>
    tpu.enqueue_dma source(%dma_start3A_139 : memref<80xi32, #tpu.memory_space<hbm>>) target(%arg13 : memref<80xi32, #tpu.memory_space<vmem>>) target_semaphore(%arg22 : memref<!tpu.dma_semaphore, #tpu.memory_space<semaphore_mem>>)
    %dma_start3A_140 = tpu.memref_slice %arg4[%add3A_129] : memref<320000xf32, #tpu.memory_space<hbm>> -> memref<80xf32, #tpu.memory_space<hbm>>
    %dma_start3A_141 = tpu.memref_slice %arg4[%add3A_129] : memref<320000xf32, #tpu.memory_space<hbm>> -> memref<80xf32, #tpu.memory_space<hbm>>
    tpu.enqueue_dma source(%dma_start3A_141 : memref<80xf32, #tpu.memory_space<hbm>>) target(%arg15 : memref<80xf32, #tpu.memory_space<vmem>>) target_semaphore(%arg22 : memref<!tpu.dma_semaphore, #tpu.memory_space<semaphore_mem>>)
    %scan3A = arith.constant 0 : i32
    %scan3A_142 = arith.constant 125 : i32
    %scan3A_143 = arith.addi %scan3A, %scan3A_142 : i32
    %scan3A_144 = arith.constant 1 : i32
    scf.for %scan3A_153 = %scan3A to %scan3A_143 step %scan3A_144  : i32 {
      %mul3A_154 = arith.constant 1 : i32
      %mul3A_155 = arith.muli %scan3A_153, %mul3A_154 : i32
      %add3A_156 = arith.constant 0 : i32
      %add3A_157 = arith.addi %add3A_156, %mul3A_155 : i32
      %mul3A_158 = arith.constant 2 : i32
      %mul3A_159 = arith.muli %add3A_157, %mul3A_158 : i32
      %add3A_160 = arith.constant 0 : i32
      %add3A_161 = arith.addi %mul3A_159, %add3A_160 : i32
      %add3A_162 = arith.constant 1 : i32
      %add3A_163 = arith.addi %add3A_161, %add3A_162 : i32
      %lt3A = arith.constant 250 : i32
      %lt3A_164 = arith.cmpi slt, %add3A_163, %lt3A : i32
      %convert_element_type3A = arith.extui %lt3A_164 : i1 to i32
      %cond3A = arith.constant 0 : i32
      %cond3A_165 = arith.cmpi ne, %convert_element_type3A, %cond3A : i32
      scf.if %cond3A_165 {
        %dma_wait3A_220 = arith.constant 0 : i32
        %dma_wait3A_221 = arith.constant 0 : i32
        %dma_wait3A_222 = tpu.memref_slice %arg3[%dma_wait3A_220, %dma_wait3A_221] : memref<2x320000xi32, #tpu.memory_space<hbm>> -> memref<1x80xi32, #tpu.memory_space<hbm>>
        %dma_wait3A_223 = tpu.memref_squeeze %dma_wait3A_222 : memref<1x80xi32, #tpu.memory_space<hbm>> -> memref<80xi32, #tpu.memory_space<hbm>>
        %dma_wait3A_224 = arith.constant 0 : i32
        %dma_wait3A_225 = tpu.memref_slice %arg3[%dma_wait3A_220, %dma_wait3A_224] : memref<2x320000xi32, #tpu.memory_space<hbm>> -> memref<1x80xi32, #tpu.memory_space<hbm>>
        %dma_wait3A_226 = tpu.memref_squeeze %dma_wait3A_225 : memref<1x80xi32, #tpu.memory_space<hbm>> -> memref<80xi32, #tpu.memory_space<hbm>>
        tpu.wait_dma2 semaphore(%arg22 : memref<!tpu.dma_semaphore, #tpu.memory_space<semaphore_mem>>) src(%dma_wait3A_226 : memref<80xi32, #tpu.memory_space<hbm>>) dst(%arg11 : memref<80xi32, #tpu.memory_space<vmem>>)
        %dma_wait3A_227 = arith.constant 1 : i32
        %dma_wait3A_228 = arith.constant 0 : i32
        %dma_wait3A_229 = tpu.memref_slice %arg3[%dma_wait3A_227, %dma_wait3A_228] : memref<2x320000xi32, #tpu.memory_space<hbm>> -> memref<1x80xi32, #tpu.memory_space<hbm>>
        %dma_wait3A_230 = tpu.memref_squeeze %dma_wait3A_229 : memref<1x80xi32, #tpu.memory_space<hbm>> -> memref<80xi32, #tpu.memory_space<hbm>>
        %dma_wait3A_231 = arith.constant 0 : i32
        %dma_wait3A_232 = tpu.memref_slice %arg3[%dma_wait3A_227, %dma_wait3A_231] : memref<2x320000xi32, #tpu.memory_space<hbm>> -> memref<1x80xi32, #tpu.memory_space<hbm>>
        %dma_wait3A_233 = tpu.memref_squeeze %dma_wait3A_232 : memref<1x80xi32, #tpu.memory_space<hbm>> -> memref<80xi32, #tpu.memory_space<hbm>>
        tpu.wait_dma2 semaphore(%arg22 : memref<!tpu.dma_semaphore, #tpu.memory_space<semaphore_mem>>) src(%dma_wait3A_233 : memref<80xi32, #tpu.memory_space<hbm>>) dst(%arg13 : memref<80xi32, #tpu.memory_space<vmem>>)
        %dma_wait3A_234 = arith.constant 0 : i32
        %dma_wait3A_235 = tpu.memref_slice %arg4[%dma_wait3A_234] : memref<320000xf32, #tpu.memory_space<hbm>> -> memref<80xf32, #tpu.memory_space<hbm>>
        %dma_wait3A_236 = arith.constant 0 : i32
        %dma_wait3A_237 = tpu.memref_slice %arg4[%dma_wait3A_236] : memref<320000xf32, #tpu.memory_space<hbm>> -> memref<80xf32, #tpu.memory_space<hbm>>
        tpu.wait_dma2 semaphore(%arg22 : memref<!tpu.dma_semaphore, #tpu.memory_space<semaphore_mem>>) src(%dma_wait3A_237 : memref<80xf32, #tpu.memory_space<hbm>>) dst(%arg15 : memref<80xf32, #tpu.memory_space<vmem>>)
        %dma_start3A_238 = arith.constant 0 : i32
        %dma_start3A_239 = arith.constant 0 : i32
        %dma_start3A_240 = tpu.memref_slice %arg9[%dma_start3A_238, %dma_start3A_239] : memref<10000x80xf32, #tpu.memory_space<vmem_shared>> -> memref<10000x80xf32, #tpu.memory_space<vmem_shared>>
        tpu.enqueue_indirect_dma source(%dma_start3A_240 : memref<10000x80xf32, #tpu.memory_space<vmem_shared>>) target(%arg17 : memref<80x80xf32, #tpu.memory_space<vmem>>) offsets(%arg11 : memref<80xi32, #tpu.memory_space<vmem>>) semaphore(%arg24 : memref<!tpu.dma_semaphore, #tpu.memory_space<semaphore_mem>>)
      } else {
      }
      %ge3A = arith.constant 2 : i32
      %ge3A_166 = arith.cmpi sge, %add3A_161, %ge3A : i32
      %convert_element_type3A_167 = arith.extui %ge3A_166 : i1 to i32
      %cond3A_168 = arith.constant 0 : i32
      %cond3A_169 = arith.cmpi ne, %convert_element_type3A_167, %cond3A_168 : i32
      scf.if %cond3A_169 {
        %dma_wait3A_220 = arith.constant 0 : i32
        %dma_wait3A_221 = arith.constant 0 : i32
        %dma_wait3A_222 = tpu.memref_slice %arg8[%dma_wait3A_220, %dma_wait3A_221] : memref<10240x80xf32, #tpu.memory_space<vmem_shared>> -> memref<10240x80xf32, #tpu.memory_space<vmem_shared>>
        tpu.wait_indirect_dma semaphore(%arg25 : memref<!tpu.dma_semaphore, #tpu.memory_space<semaphore_mem>>) src(%arg18 : memref<80x80xf32, #tpu.memory_space<vmem>>) dst(%dma_wait3A_222 : memref<10240x80xf32, #tpu.memory_space<vmem_shared>>)
      } else {
      }
      %lt3A_170 = arith.constant 250 : i32
      %lt3A_171 = arith.cmpi slt, %add3A_161, %lt3A_170 : i32
      %convert_element_type3A_172 = arith.extui %lt3A_171 : i1 to i32
      %cond3A_173 = arith.constant 0 : i32
      %cond3A_174 = arith.cmpi ne, %convert_element_type3A_172, %cond3A_173 : i32
      scf.if %cond3A_174 {
        %dma_wait3A_220 = arith.constant 0 : i32
        %dma_wait3A_221 = arith.constant 0 : i32
        %dma_wait3A_222 = tpu.memref_slice %arg9[%dma_wait3A_220, %dma_wait3A_221] : memref<10000x80xf32, #tpu.memory_space<vmem_shared>> -> memref<10000x80xf32, #tpu.memory_space<vmem_shared>>
        tpu.wait_indirect_dma semaphore(%arg23 : memref<!tpu.dma_semaphore, #tpu.memory_space<semaphore_mem>>) src(%dma_wait3A_222 : memref<10000x80xf32, #tpu.memory_space<vmem_shared>>) dst(%arg16 : memref<80x80xf32, #tpu.memory_space<vmem>>)
        %parallel_loop3A = arith.constant 0 : i32
        %parallel_loop3A_223 = arith.constant 5 : i32
        %parallel_loop3A_224 = arith.constant 1 : i32
        scf.for %parallel_loop3A_225 = %parallel_loop3A to %parallel_loop3A_223 step %parallel_loop3A_224  : i32 {
          %parallel_loop3A_226 = arith.constant 16 : i32
          %parallel_loop3A_227 = arith.muli %parallel_loop3A_225, %parallel_loop3A_226 : i32
          %parallel_loop3A_228 = arith.index_cast %parallel_loop3A_227 : i32 to index
          %parallel_loop3A_229 = tpu.vector_load %arg14[%parallel_loop3A_228] {strides = array<i32>} : memref<80xf32, #tpu.memory_space<vmem>>, vector<16xf32>,
          %parallel_loop3A_230 = vector.extract_strided_slice %parallel_loop3A_229 {offsets = [0], sizes = [1], strides = [1]} : vector<16xf32> to vector<1xf32>
          %parallel_loop3A_231 = vector.extract %parallel_loop3A_230[0] : f32 from vector<1xf32>
          %parallel_loop3A_232 = arith.constant 16 : i32
          %parallel_loop3A_233 = arith.muli %parallel_loop3A_225, %parallel_loop3A_232 : i32
          %parallel_loop3A_234 = arith.constant 0 : i32
          %parallel_loop3A_235 = arith.addi %parallel_loop3A_233, %parallel_loop3A_234 : i32
          %parallel_loop3A_236 = arith.constant 0 : i32
          %parallel_loop3A_237 = tpu.memref_slice %arg16[%parallel_loop3A_235, %parallel_loop3A_236] : memref<80x80xf32, #tpu.memory_space<vmem>> -> memref<1x80xf32, #tpu.memory_space<vmem>>
          %parallel_loop3A_238 = tpu.memref_squeeze %parallel_loop3A_237 : memref<1x80xf32, #tpu.memory_space<vmem>> -> memref<80xf32, #tpu.memory_space<vmem>>
          %parallel_loop3A_239 = arith.constant 0 : index
          %parallel_loop3A_240 = tpu.vector_load %parallel_loop3A_238[%parallel_loop3A_239] {strides = array<i32>} : memref<80xf32, #tpu.memory_space<vmem>>, vector<16xf32>,
          %parallel_loop3A_241 = vector.broadcast %parallel_loop3A_231 : f32 to vector<16xf32>
          %parallel_loop3A_242 = arith.mulf %parallel_loop3A_241, %get3A_82 : vector<16xf32>
          %parallel_loop3A_243 = arith.addf %parallel_loop3A_240, %parallel_loop3A_242 : vector<16xf32>
          %parallel_loop3A_244 = arith.constant 0.000000e+00 : f32
          %parallel_loop3A_245 = vector.broadcast %parallel_loop3A_244 : f32 to vector<16xf32>
          %parallel_loop3A_246 = arith.maximumf %parallel_loop3A_243, %parallel_loop3A_245 : vector<16xf32>
          %parallel_loop3A_247 = arith.constant 0 : i32
          %parallel_loop3A_248 = tpu.memref_slice %arg18[%parallel_loop3A_235, %parallel_loop3A_247] : memref<80x80xf32, #tpu.memory_space<vmem>> -> memref<1x80xf32, #tpu.memory_space<vmem>>
          %parallel_loop3A_249 = tpu.memref_squeeze %parallel_loop3A_248 : memref<1x80xf32, #tpu.memory_space<vmem>> -> memref<80xf32, #tpu.memory_space<vmem>>
          %parallel_loop3A_250 = arith.constant 0 : index
          %parallel_loop3A_251 = tpu.vector_load %parallel_loop3A_249[%parallel_loop3A_250] {strides = array<i32>} : memref<80xf32, #tpu.memory_space<vmem>>, vector<16xf32>,
          tpu.vector_store %parallel_loop3A_249[%parallel_loop3A_250], %parallel_loop3A_246 {strides = array<i32>} : memref<80xf32, #tpu.memory_space<vmem>>, vector<16xf32>,
          %parallel_loop3A_252 = arith.constant 0 : i32
          %parallel_loop3A_253 = tpu.memref_slice %arg16[%parallel_loop3A_235, %parallel_loop3A_252] : memref<80x80xf32, #tpu.memory_space<vmem>> -> memref<1x80xf32, #tpu.memory_space<vmem>>
          %parallel_loop3A_254 = tpu.memref_squeeze %parallel_loop3A_253 : memref<1x80xf32, #tpu.memory_space<vmem>> -> memref<80xf32, #tpu.memory_space<vmem>>
          %parallel_loop3A_255 = arith.constant 16 : index
          %parallel_loop3A_256 = tpu.vector_load %parallel_loop3A_254[%parallel_loop3A_255] {strides = array<i32>} : memref<80xf32, #tpu.memory_space<vmem>>, vector<16xf32>,
          %parallel_loop3A_257 = vector.broadcast %parallel_loop3A_231 : f32 to vector<16xf32>
          %parallel_loop3A_258 = arith.mulf %parallel_loop3A_257, %get3A_84 : vector<16xf32>
          %parallel_loop3A_259 = arith.addf %parallel_loop3A_256, %parallel_loop3A_258 : vector<16xf32>
          %parallel_loop3A_260 = arith.constant 0.000000e+00 : f32
          %parallel_loop3A_261 = vector.broadcast %parallel_loop3A_260 : f32 to vector<16xf32>
          %parallel_loop3A_262 = arith.maximumf %parallel_loop3A_259, %parallel_loop3A_261 : vector<16xf32>
          %parallel_loop3A_263 = arith.constant 0 : i32
          %parallel_loop3A_264 = tpu.memref_slice %arg18[%parallel_loop3A_235, %parallel_loop3A_263] : memref<80x80xf32, #tpu.memory_space<vmem>> -> memref<1x80xf32, #tpu.memory_space<vmem>>
          %parallel_loop3A_265 = tpu.memref_squeeze %parallel_loop3A_264 : memref<1x80xf32, #tpu.memory_space<vmem>> -> memref<80xf32, #tpu.memory_space<vmem>>
          %parallel_loop3A_266 = arith.constant 16 : index
          %parallel_loop3A_267 = tpu.vector_load %parallel_loop3A_265[%parallel_loop3A_266] {strides = array<i32>} : memref<80xf32, #tpu.memory_space<vmem>>, vector<16xf32>,
          tpu.vector_store %parallel_loop3A_265[%parallel_loop3A_266], %parallel_loop3A_262 {strides = array<i32>} : memref<80xf32, #tpu.memory_space<vmem>>, vector<16xf32>,
          %parallel_loop3A_268 = arith.constant 0 : i32
          %parallel_loop3A_269 = tpu.memref_slice %arg16[%parallel_loop3A_235, %parallel_loop3A_268] : memref<80x80xf32, #tpu.memory_space<vmem>> -> memref<1x80xf32, #tpu.memory_space<vmem>>
          %parallel_loop3A_270 = tpu.memref_squeeze %parallel_loop3A_269 : memref<1x80xf32, #tpu.memory_space<vmem>> -> memref<80xf32, #tpu.memory_space<vmem>>
          %parallel_loop3A_271 = arith.constant 32 : index
          %parallel_loop3A_272 = tpu.vector_load %parallel_loop3A_270[%parallel_loop3A_271] {strides = array<i32>} : memref<80xf32, #tpu.memory_space<vmem>>, vector<16xf32>,
          %parallel_loop3A_273 = vector.broadcast %parallel_loop3A_231 : f32 to vector<16xf32>
          %parallel_loop3A_274 = arith.mulf %parallel_loop3A_273, %get3A_86 : vector<16xf32>
          %parallel_loop3A_275 = arith.addf %parallel_loop3A_272, %parallel_loop3A_274 : vector<16xf32>
          %parallel_loop3A_276 = arith.constant 0.000000e+00 : f32
          %parallel_loop3A_277 = vector.broadcast %parallel_loop3A_276 : f32 to vector<16xf32>
          %parallel_loop3A_278 = arith.maximumf %parallel_loop3A_275, %parallel_loop3A_277 : vector<16xf32>
          %parallel_loop3A_279 = arith.constant 0 : i32
          %parallel_loop3A_280 = tpu.memref_slice %arg18[%parallel_loop3A_235, %parallel_loop3A_279] : memref<80x80xf32, #tpu.memory_space<vmem>> -> memref<1x80xf32, #tpu.memory_space<vmem>>
          %parallel_loop3A_281 = tpu.memref_squeeze %parallel_loop3A_280 : memref<1x80xf32, #tpu.memory_space<vmem>> -> memref<80xf32, #tpu.memory_space<vmem>>
          %parallel_loop3A_282 = arith.constant 32 : index
          %parallel_loop3A_283 = tpu.vector_load %parallel_loop3A_281[%parallel_loop3A_282] {strides = array<i32>} : memref<80xf32, #tpu.memory_space<vmem>>, vector<16xf32>,
          tpu.vector_store %parallel_loop3A_281[%parallel_loop3A_282], %parallel_loop3A_278 {strides = array<i32>} : memref<80xf32, #tpu.memory_space<vmem>>, vector<16xf32>,
          %parallel_loop3A_284 = arith.constant 0 : i32
          %parallel_loop3A_285 = tpu.memref_slice %arg16[%parallel_loop3A_235, %parallel_loop3A_284] : memref<80x80xf32, #tpu.memory_space<vmem>> -> memref<1x80xf32, #tpu.memory_space<vmem>>
          %parallel_loop3A_286 = tpu.memref_squeeze %parallel_loop3A_285 : memref<1x80xf32, #tpu.memory_space<vmem>> -> memref<80xf32, #tpu.memory_space<vmem>>
          %parallel_loop3A_287 = arith.constant 48 : index
          %parallel_loop3A_288 = tpu.vector_load %parallel_loop3A_286[%parallel_loop3A_287] {strides = array<i32>} : memref<80xf32, #tpu.memory_space<vmem>>, vector<16xf32>,
          %parallel_loop3A_289 = vector.broadcast %parallel_loop3A_231 : f32 to vector<16xf32>
          %parallel_loop3A_290 = arith.mulf %parallel_loop3A_289, %get3A_88 : vector<16xf32>
          %parallel_loop3A_291 = arith.addf %parallel_loop3A_288, %parallel_loop3A_290 : vector<16xf32>
          %parallel_loop3A_292 = arith.constant 0.000000e+00 : f32
          %parallel_loop3A_293 = vector.broadcast %parallel_loop3A_292 : f32 to vector<16xf32>
          %parallel_loop3A_294 = arith.maximumf %parallel_loop3A_291, %parallel_loop3A_293 : vector<16xf32>
          %parallel_loop3A_295 = arith.constant 0 : i32
          %parallel_loop3A_296 = tpu.memref_slice %arg18[%parallel_loop3A_235, %parallel_loop3A_295] : memref<80x80xf32, #tpu.memory_space<vmem>> -> memref<1x80xf32, #tpu.memory_space<vmem>>
          %parallel_loop3A_297 = tpu.memref_squeeze %parallel_loop3A_296 : memref<1x80xf32, #tpu.memory_space<vmem>> -> memref<80xf32, #tpu.memory_space<vmem>>
          %parallel_loop3A_298 = arith.constant 48 : index
          %parallel_loop3A_299 = tpu.vector_load %parallel_loop3A_297[%parallel_loop3A_298] {strides = array<i32>} : memref<80xf32, #tpu.memory_space<vmem>>, vector<16xf32>,
          tpu.vector_store %parallel_loop3A_297[%parallel_loop3A_298], %parallel_loop3A_294 {strides = array<i32>} : memref<80xf32, #tpu.memory_space<vmem>>, vector<16xf32>,
          %parallel_loop3A_300 = arith.constant 0 : i32
          %parallel_loop3A_301 = tpu.memref_slice %arg16[%parallel_loop3A_235, %parallel_loop3A_300] : memref<80x80xf32, #tpu.memory_space<vmem>> -> memref<1x80xf32, #tpu.memory_space<vmem>>
          %parallel_loop3A_302 = tpu.memref_squeeze %parallel_loop3A_301 : memref<1x80xf32, #tpu.memory_space<vmem>> -> memref<80xf32, #tpu.memory_space<vmem>>
          %parallel_loop3A_303 = arith.constant 64 : index
          %parallel_loop3A_304 = tpu.vector_load %parallel_loop3A_302[%parallel_loop3A_303] {strides = array<i32>} : memref<80xf32, #tpu.memory_space<vmem>>, vector<16xf32>,
          %parallel_loop3A_305 = vector.broadcast %parallel_loop3A_231 : f32 to vector<16xf32>
          %parallel_loop3A_306 = arith.mulf %parallel_loop3A_305, %get3A_90 : vector<16xf32>
          %parallel_loop3A_307 = arith.addf %parallel_loop3A_304, %parallel_loop3A_306 : vector<16xf32>
          %parallel_loop3A_308 = arith.constant 0.000000e+00 : f32
          %parallel_loop3A_309 = vector.broadcast %parallel_loop3A_308 : f32 to vector<16xf32>
          %parallel_loop3A_310 = arith.maximumf %parallel_loop3A_307, %parallel_loop3A_309 : vector<16xf32>
          %parallel_loop3A_311 = arith.constant 0 : i32
          %parallel_loop3A_312 = tpu.memref_slice %arg18[%parallel_loop3A_235, %parallel_loop3A_311] : memref<80x80xf32, #tpu.memory_space<vmem>> -> memref<1x80xf32, #tpu.memory_space<vmem>>
          %parallel_loop3A_313 = tpu.memref_squeeze %parallel_loop3A_312 : memref<1x80xf32, #tpu.memory_space<vmem>> -> memref<80xf32, #tpu.memory_space<vmem>>
          %parallel_loop3A_314 = arith.constant 64 : index
          %parallel_loop3A_315 = tpu.vector_load %parallel_loop3A_313[%parallel_loop3A_314] {strides = array<i32>} : memref<80xf32, #tpu.memory_space<vmem>>, vector<16xf32>,
          tpu.vector_store %parallel_loop3A_313[%parallel_loop3A_314], %parallel_loop3A_310 {strides = array<i32>} : memref<80xf32, #tpu.memory_space<vmem>>, vector<16xf32>,
          %parallel_loop3A_316 = vector.extract_strided_slice %parallel_loop3A_229 {offsets = [1], sizes = [1], strides = [1]} : vector<16xf32> to vector<1xf32>
          %parallel_loop3A_317 = vector.extract %parallel_loop3A_316[0] : f32 from vector<1xf32>
          %parallel_loop3A_318 = arith.constant 16 : i32
          %parallel_loop3A_319 = arith.muli %parallel_loop3A_225, %parallel_loop3A_318 : i32
          %parallel_loop3A_320 = arith.constant 1 : i32
          %parallel_loop3A_321 = arith.addi %parallel_loop3A_319, %parallel_loop3A_320 : i32
          %parallel_loop3A_322 = arith.constant 0 : i32
          %parallel_loop3A_323 = tpu.memref_slice %arg16[%parallel_loop3A_321, %parallel_loop3A_322] : memref<80x80xf32, #tpu.memory_space<vmem>> -> memref<1x80xf32, #tpu.memory_space<vmem>>
          %parallel_loop3A_324 = tpu.memref_squeeze %parallel_loop3A_323 : memref<1x80xf32, #tpu.memory_space<vmem>> -> memref<80xf32, #tpu.memory_space<vmem>>
          %parallel_loop3A_325 = arith.constant 0 : index
          %parallel_loop3A_326 = tpu.vector_load %parallel_loop3A_324[%parallel_loop3A_325] {strides = array<i32>} : memref<80xf32, #tpu.memory_space<vmem>>, vector<16xf32>,
          %parallel_loop3A_327 = vector.broadcast %parallel_loop3A_317 : f32 to vector<16xf32>
          %parallel_loop3A_328 = arith.mulf %parallel_loop3A_327, %get3A_82 : vector<16xf32>
          %parallel_loop3A_329 = arith.addf %parallel_loop3A_326, %parallel_loop3A_328 : vector<16xf32>
          %parallel_loop3A_330 = arith.constant 0.000000e+00 : f32
          %parallel_loop3A_331 = vector.broadcast %parallel_loop3A_330 : f32 to vector<16xf32>
          %parallel_loop3A_332 = arith.maximumf %parallel_loop3A_329, %parallel_loop3A_331 : vector<16xf32>
          %parallel_loop3A_333 = arith.constant 0 : i32
          %parallel_loop3A_334 = tpu.memref_slice %arg18[%parallel_loop3A_321, %parallel_loop3A_333] : memref<80x80xf32, #tpu.memory_space<vmem>> -> memref<1x80xf32, #tpu.memory_space<vmem>>
          %parallel_loop3A_335 = tpu.memref_squeeze %parallel_loop3A_334 : memref<1x80xf32, #tpu.memory_space<vmem>> -> memref<80xf32, #tpu.memory_space<vmem>>
          %parallel_loop3A_336 = arith.constant 0 : index
          %parallel_loop3A_337 = tpu.vector_load %parallel_loop3A_335[%parallel_loop3A_336] {strides = array<i32>} : memref<80xf32, #tpu.memory_space<vmem>>, vector<16xf32>,
          tpu.vector_store %parallel_loop3A_335[%parallel_loop3A_336], %parallel_loop3A_332 {strides = array<i32>} : memref<80xf32, #tpu.memory_space<vmem>>, vector<16xf32>,
          %parallel_loop3A_338 = arith.constant 0 : i32
          %parallel_loop3A_339 = tpu.memref_slice %arg16[%parallel_loop3A_321, %parallel_loop3A_338] : memref<80x80xf32, #tpu.memory_space<vmem>> -> memref<1x80xf32, #tpu.memory_space<vmem>>
          %parallel_loop3A_340 = tpu.memref_squeeze %parallel_loop3A_339 : memref<1x80xf32, #tpu.memory_space<vmem>> -> memref<80xf32, #tpu.memory_space<vmem>>
          %parallel_loop3A_341 = arith.constant 16 : index
          %parallel_loop3A_342 = tpu.vector_load %parallel_loop3A_340[%parallel_loop3A_341] {strides = array<i32>} : memref<80xf32, #tpu.memory_space<vmem>>, vector<16xf32>,
          %parallel_loop3A_343 = vector.broadcast %parallel_loop3A_317 : f32 to vector<16xf32>
          %parallel_loop3A_344 = arith.mulf %parallel_loop3A_343, %get3A_84 : vector<16xf32>
          %parallel_loop3A_345 = arith.addf %parallel_loop3A_342, %parallel_loop3A_344 : vector<16xf32>
          %parallel_loop3A_346 = arith.constant 0.000000e+00 : f32
          %parallel_loop3A_347 = vector.broadcast %parallel_loop3A_346 : f32 to vector<16xf32>
          %parallel_loop3A_348 = arith.maximumf %parallel_loop3A_345, %parallel_loop3A_347 : vector<16xf32>
          %parallel_loop3A_349 = arith.constant 0 : i32
          %parallel_loop3A_350 = tpu.memref_slice %arg18[%parallel_loop3A_321, %parallel_loop3A_349] : memref<80x80xf32, #tpu.memory_space<vmem>> -> memref<1x80xf32, #tpu.memory_space<vmem>>
          %parallel_loop3A_351 = tpu.memref_squeeze %parallel_loop3A_350 : memref<1x80xf32, #tpu.memory_space<vmem>> -> memref<80xf32, #tpu.memory_space<vmem>>
          %parallel_loop3A_352 = arith.constant 16 : index
          %parallel_loop3A_353 = tpu.vector_load %parallel_loop3A_351[%parallel_loop3A_352] {strides = array<i32>} : memref<80xf32, #tpu.memory_space<vmem>>, vector<16xf32>,
          tpu.vector_store %parallel_loop3A_351[%parallel_loop3A_352], %parallel_loop3A_348 {strides = array<i32>} : memref<80xf32, #tpu.memory_space<vmem>>, vector<16xf32>,
          %parallel_loop3A_354 = arith.constant 0 : i32
          %parallel_loop3A_355 = tpu.memref_slice %arg16[%parallel_loop3A_321, %parallel_loop3A_354] : memref<80x80xf32, #tpu.memory_space<vmem>> -> memref<1x80xf32, #tpu.memory_space<vmem>>
          %parallel_loop3A_356 = tpu.memref_squeeze %parallel_loop3A_355 : memref<1x80xf32, #tpu.memory_space<vmem>> -> memref<80xf32, #tpu.memory_space<vmem>>
          %parallel_loop3A_357 = arith.constant 32 : index
          %parallel_loop3A_358 = tpu.vector_load %parallel_loop3A_356[%parallel_loop3A_357] {strides = array<i32>} : memref<80xf32, #tpu.memory_space<vmem>>, vector<16xf32>,
          %parallel_loop3A_359 = vector.broadcast %parallel_loop3A_317 : f32 to vector<16xf32>
          %parallel_loop3A_360 = arith.mulf %parallel_loop3A_359, %get3A_86 : vector<16xf32>
          %parallel_loop3A_361 = arith.addf %parallel_loop3A_358, %parallel_loop3A_360 : vector<16xf32>
          %parallel_loop3A_362 = arith.constant 0.000000e+00 : f32
          %parallel_loop3A_363 = vector.broadcast %parallel_loop3A_362 : f32 to vector<16xf32>
          %parallel_loop3A_364 = arith.maximumf %parallel_loop3A_361, %parallel_loop3A_363 : vector<16xf32>
          %parallel_loop3A_365 = arith.constant 0 : i32
          %parallel_loop3A_366 = tpu.memref_slice %arg18[%parallel_loop3A_321, %parallel_loop3A_365] : memref<80x80xf32, #tpu.memory_space<vmem>> -> memref<1x80xf32, #tpu.memory_space<vmem>>
          %parallel_loop3A_367 = tpu.memref_squeeze %parallel_loop3A_366 : memref<1x80xf32, #tpu.memory_space<vmem>> -> memref<80xf32, #tpu.memory_space<vmem>>
          %parallel_loop3A_368 = arith.constant 32 : index
          %parallel_loop3A_369 = tpu.vector_load %parallel_loop3A_367[%parallel_loop3A_368] {strides = array<i32>} : memref<80xf32, #tpu.memory_space<vmem>>, vector<16xf32>,
          tpu.vector_store %parallel_loop3A_367[%parallel_loop3A_368], %parallel_loop3A_364 {strides = array<i32>} : memref<80xf32, #tpu.memory_space<vmem>>, vector<16xf32>,
          %parallel_loop3A_370 = arith.constant 0 : i32
          %parallel_loop3A_371 = tpu.memref_slice %arg16[%parallel_loop3A_321, %parallel_loop3A_370] : memref<80x80xf32, #tpu.memory_space<vmem>> -> memref<1x80xf32, #tpu.memory_space<vmem>>
          %parallel_loop3A_372 = tpu.memref_squeeze %parallel_loop3A_371 : memref<1x80xf32, #tpu.memory_space<vmem>> -> memref<80xf32, #tpu.memory_space<vmem>>
          %parallel_loop3A_373 = arith.constant 48 : index
          %parallel_loop3A_374 = tpu.vector_load %parallel_loop3A_372[%parallel_loop3A_373] {strides = array<i32>} : memref<80xf32, #tpu.memory_space<vmem>>, vector<16xf32>,
          %parallel_loop3A_375 = vector.broadcast %parallel_loop3A_317 : f32 to vector<16xf32>
          %parallel_loop3A_376 = arith.mulf %parallel_loop3A_375, %get3A_88 : vector<16xf32>
          %parallel_loop3A_377 = arith.addf %parallel_loop3A_374, %parallel_loop3A_376 : vector<16xf32>
          %parallel_loop3A_378 = arith.constant 0.000000e+00 : f32
          %parallel_loop3A_379 = vector.broadcast %parallel_loop3A_378 : f32 to vector<16xf32>
          %parallel_loop3A_380 = arith.maximumf %parallel_loop3A_377, %parallel_loop3A_379 : vector<16xf32>
          %parallel_loop3A_381 = arith.constant 0 : i32
          %parallel_loop3A_382 = tpu.memref_slice %arg18[%parallel_loop3A_321, %parallel_loop3A_381] : memref<80x80xf32, #tpu.memory_space<vmem>> -> memref<1x80xf32, #tpu.memory_space<vmem>>
          %parallel_loop3A_383 = tpu.memref_squeeze %parallel_loop3A_382 : memref<1x80xf32, #tpu.memory_space<vmem>> -> memref<80xf32, #tpu.memory_space<vmem>>
          %parallel_loop3A_384 = arith.constant 48 : index
          %parallel_loop3A_385 = tpu.vector_load %parallel_loop3A_383[%parallel_loop3A_384] {strides = array<i32>} : memref<80xf32, #tpu.memory_space<vmem>>, vector<16xf32>,
          tpu.vector_store %parallel_loop3A_383[%parallel_loop3A_384], %parallel_loop3A_380 {strides = array<i32>} : memref<80xf32, #tpu.memory_space<vmem>>, vector<16xf32>,
          %parallel_loop3A_386 = arith.constant 0 : i32
          %parallel_loop3A_387 = tpu.memref_slice %arg16[%parallel_loop3A_321, %parallel_loop3A_386] : memref<80x80xf32, #tpu.memory_space<vmem>> -> memref<1x80xf32, #tpu.memory_space<vmem>>
          %parallel_loop3A_388 = tpu.memref_squeeze %parallel_loop3A_387 : memref<1x80xf32, #tpu.memory_space<vmem>> -> memref<80xf32, #tpu.memory_space<vmem>>
          %parallel_loop3A_389 = arith.constant 64 : index
          %parallel_loop3A_390 = tpu.vector_load %parallel_loop3A_388[%parallel_loop3A_389] {strides = array<i32>} : memref<80xf32, #tpu.memory_space<vmem>>, vector<16xf32>,
          %parallel_loop3A_391 = vector.broadcast %parallel_loop3A_317 : f32 to vector<16xf32>
          %parallel_loop3A_392 = arith.mulf %parallel_loop3A_391, %get3A_90 : vector<16xf32>
          %parallel_loop3A_393 = arith.addf %parallel_loop3A_390, %parallel_loop3A_392 : vector<16xf32>
          %parallel_loop3A_394 = arith.constant 0.000000e+00 : f32
          %parallel_loop3A_395 = vector.broadcast %parallel_loop3A_394 : f32 to vector<16xf32>
          %parallel_loop3A_396 = arith.maximumf %parallel_loop3A_393, %parallel_loop3A_395 : vector<16xf32>
          %parallel_loop3A_397 = arith.constant 0 : i32
          %parallel_loop3A_398 = tpu.memref_slice %arg18[%parallel_loop3A_321, %parallel_loop3A_397] : memref<80x80xf32, #tpu.memory_space<vmem>> -> memref<1x80xf32, #tpu.memory_space<vmem>>
          %parallel_loop3A_399 = tpu.memref_squeeze %parallel_loop3A_398 : memref<1x80xf32, #tpu.memory_space<vmem>> -> memref<80xf32, #tpu.memory_space<vmem>>
          %parallel_loop3A_400 = arith.constant 64 : index
          %parallel_loop3A_401 = tpu.vector_load %parallel_loop3A_399[%parallel_loop3A_400] {strides = array<i32>} : memref<80xf32, #tpu.memory_space<vmem>>, vector<16xf32>,
          tpu.vector_store %parallel_loop3A_399[%parallel_loop3A_400], %parallel_loop3A_396 {strides = array<i32>} : memref<80xf32, #tpu.memory_space<vmem>>, vector<16xf32>,
          %parallel_loop3A_402 = vector.extract_strided_slice %parallel_loop3A_229 {offsets = [2], sizes = [1], strides = [1]} : vector<16xf32> to vector<1xf32>
          %parallel_loop3A_403 = vector.extract %parallel_loop3A_402[0] : f32 from vector<1xf32>
          %parallel_loop3A_404 = arith.constant 16 : i32
          %parallel_loop3A_405 = arith.muli %parallel_loop3A_225, %parallel_loop3A_404 : i32
          %parallel_loop3A_406 = arith.constant 2 : i32
          %parallel_loop3A_407 = arith.addi %parallel_loop3A_405, %parallel_loop3A_406 : i32
          %parallel_loop3A_408 = arith.constant 0 : i32
          %parallel_loop3A_409 = tpu.memref_slice %arg16[%parallel_loop3A_407, %parallel_loop3A_408] : memref<80x80xf32, #tpu.memory_space<vmem>> -> memref<1x80xf32, #tpu.memory_space<vmem>>
          %parallel_loop3A_410 = tpu.memref_squeeze %parallel_loop3A_409 : memref<1x80xf32, #tpu.memory_space<vmem>> -> memref<80xf32, #tpu.memory_space<vmem>>
          %parallel_loop3A_411 = arith.constant 0 : index
          %parallel_loop3A_412 = tpu.vector_load %parallel_loop3A_410[%parallel_loop3A_411] {strides = array<i32>} : memref<80xf32, #tpu.memory_space<vmem>>, vector<16xf32>,
          %parallel_loop3A_413 = vector.broadcast %parallel_loop3A_403 : f32 to vector<16xf32>
          %parallel_loop3A_414 = arith.mulf %parallel_loop3A_413, %get3A_82 : vector<16xf32>
          %parallel_loop3A_415 = arith.addf %parallel_loop3A_412, %parallel_loop3A_414 : vector<16xf32>
          %parallel_loop3A_416 = arith.constant 0.000000e+00 : f32
          %parallel_loop3A_417 = vector.broadcast %parallel_loop3A_416 : f32 to vector<16xf32>
          %parallel_loop3A_418 = arith.maximumf %parallel_loop3A_415, %parallel_loop3A_417 : vector<16xf32>
          %parallel_loop3A_419 = arith.constant 0 : i32
          %parallel_loop3A_420 = tpu.memref_slice %arg18[%parallel_loop3A_407, %parallel_loop3A_419] : memref<80x80xf32, #tpu.memory_space<vmem>> -> memref<1x80xf32, #tpu.memory_space<vmem>>
          %parallel_loop3A_421 = tpu.memref_squeeze %parallel_loop3A_420 : memref<1x80xf32, #tpu.memory_space<vmem>> -> memref<80xf32, #tpu.memory_space<vmem>>
          %parallel_loop3A_422 = arith.constant 0 : index
          %parallel_loop3A_423 = tpu.vector_load %parallel_loop3A_421[%parallel_loop3A_422] {strides = array<i32>} : memref<80xf32, #tpu.memory_space<vmem>>, vector<16xf32>,
          tpu.vector_store %parallel_loop3A_421[%parallel_loop3A_422], %parallel_loop3A_418 {strides = array<i32>} : memref<80xf32, #tpu.memory_space<vmem>>, vector<16xf32>,
          %parallel_loop3A_424 = arith.constant 0 : i32
          %parallel_loop3A_425 = tpu.memref_slice %arg16[%parallel_loop3A_407, %parallel_loop3A_424] : memref<80x80xf32, #tpu.memory_space<vmem>> -> memref<1x80xf32, #tpu.memory_space<vmem>>
          %parallel_loop3A_426 = tpu.memref_squeeze %parallel_loop3A_425 : memref<1x80xf32, #tpu.memory_space<vmem>> -> memref<80xf32, #tpu.memory_space<vmem>>
          %parallel_loop3A_427 = arith.constant 16 : index
          %parallel_loop3A_428 = tpu.vector_load %parallel_loop3A_426[%parallel_loop3A_427] {strides = array<i32>} : memref<80xf32, #tpu.memory_space<vmem>>, vector<16xf32>,
          %parallel_loop3A_429 = vector.broadcast %parallel_loop3A_403 : f32 to vector<16xf32>
          %parallel_loop3A_430 = arith.mulf %parallel_loop3A_429, %get3A_84 : vector<16xf32>
          %parallel_loop3A_431 = arith.addf %parallel_loop3A_428, %parallel_loop3A_430 : vector<16xf32>
          %parallel_loop3A_432 = arith.constant 0.000000e+00 : f32
          %parallel_loop3A_433 = vector.broadcast %parallel_loop3A_432 : f32 to vector<16xf32>
          %parallel_loop3A_434 = arith.maximumf %parallel_loop3A_431, %parallel_loop3A_433 : vector<16xf32>
          %parallel_loop3A_435 = arith.constant 0 : i32
          %parallel_loop3A_436 = tpu.memref_slice %arg18[%parallel_loop3A_407, %parallel_loop3A_435] : memref<80x80xf32, #tpu.memory_space<vmem>> -> memref<1x80xf32, #tpu.memory_space<vmem>>
          %parallel_loop3A_437 = tpu.memref_squeeze %parallel_loop3A_436 : memref<1x80xf32, #tpu.memory_space<vmem>> -> memref<80xf32, #tpu.memory_space<vmem>>
          %parallel_loop3A_438 = arith.constant 16 : index
          %parallel_loop3A_439 = tpu.vector_load %parallel_loop3A_437[%parallel_loop3A_438] {strides = array<i32>} : memref<80xf32, #tpu.memory_space<vmem>>, vector<16xf32>,
          tpu.vector_store %parallel_loop3A_437[%parallel_loop3A_438], %parallel_loop3A_434 {strides = array<i32>} : memref<80xf32, #tpu.memory_space<vmem>>, vector<16xf32>,
          %parallel_loop3A_440 = arith.constant 0 : i32
          %parallel_loop3A_441 = tpu.memref_slice %arg16[%parallel_loop3A_407, %parallel_loop3A_440] : memref<80x80xf32, #tpu.memory_space<vmem>> -> memref<1x80xf32, #tpu.memory_space<vmem>>
          %parallel_loop3A_442 = tpu.memref_squeeze %parallel_loop3A_441 : memref<1x80xf32, #tpu.memory_space<vmem>> -> memref<80xf32, #tpu.memory_space<vmem>>
          %parallel_loop3A_443 = arith.constant 32 : index
          %parallel_loop3A_444 = tpu.vector_load %parallel_loop3A_442[%parallel_loop3A_443] {strides = array<i32>} : memref<80xf32, #tpu.memory_space<vmem>>, vector<16xf32>,
          %parallel_loop3A_445 = vector.broadcast %parallel_loop3A_403 : f32 to vector<16xf32>
          %parallel_loop3A_446 = arith.mulf %parallel_loop3A_445, %get3A_86 : vector<16xf32>
          %parallel_loop3A_447 = arith.addf %parallel_loop3A_444, %parallel_loop3A_446 : vector<16xf32>
          %parallel_loop3A_448 = arith.constant 0.000000e+00 : f32
          %parallel_loop3A_449 = vector.broadcast %parallel_loop3A_448 : f32 to vector<16xf32>
          %parallel_loop3A_450 = arith.maximumf %parallel_loop3A_447, %parallel_loop3A_449 : vector<16xf32>
          %parallel_loop3A_451 = arith.constant 0 : i32
          %parallel_loop3A_452 = tpu.memref_slice %arg18[%parallel_loop3A_407, %parallel_loop3A_451] : memref<80x80xf32, #tpu.memory_space<vmem>> -> memref<1x80xf32, #tpu.memory_space<vmem>>
          %parallel_loop3A_453 = tpu.memref_squeeze %parallel_loop3A_452 : memref<1x80xf32, #tpu.memory_space<vmem>> -> memref<80xf32, #tpu.memory_space<vmem>>
          %parallel_loop3A_454 = arith.constant 32 : index
          %parallel_loop3A_455 = tpu.vector_load %parallel_loop3A_453[%parallel_loop3A_454] {strides = array<i32>} : memref<80xf32, #tpu.memory_space<vmem>>, vector<16xf32>,
          tpu.vector_store %parallel_loop3A_453[%parallel_loop3A_454], %parallel_loop3A_450 {strides = array<i32>} : memref<80xf32, #tpu.memory_space<vmem>>, vector<16xf32>,
          %parallel_loop3A_456 = arith.constant 0 : i32
          %parallel_loop3A_457 = tpu.memref_slice %arg16[%parallel_loop3A_407, %parallel_loop3A_456] : memref<80x80xf32, #tpu.memory_space<vmem>> -> memref<1x80xf32, #tpu.memory_space<vmem>>
          %parallel_loop3A_458 = tpu.memref_squeeze %parallel_loop3A_457 : memref<1x80xf32, #tpu.memory_space<vmem>> -> memref<80xf32, #tpu.memory_space<vmem>>
          %parallel_loop3A_459 = arith.constant 48 : index
          %parallel_loop3A_460 = tpu.vector_load %parallel_loop3A_458[%parallel_loop3A_459] {strides = array<i32>} : memref<80xf32, #tpu.memory_space<vmem>>, vector<16xf32>,
          %parallel_loop3A_461 = vector.broadcast %parallel_loop3A_403 : f32 to vector<16xf32>
          %parallel_loop3A_462 = arith.mulf %parallel_loop3A_461, %get3A_88 : vector<16xf32>
          %parallel_loop3A_463 = arith.addf %parallel_loop3A_460, %parallel_loop3A_462 : vector<16xf32>
          %parallel_loop3A_464 = arith.constant 0.000000e+00 : f32
          %parallel_loop3A_465 = vector.broadcast %parallel_loop3A_464 : f32 to vector<16xf32>
          %parallel_loop3A_466 = arith.maximumf %parallel_loop3A_463, %parallel_loop3A_465 : vector<16xf32>
          %parallel_loop3A_467 = arith.constant 0 : i32
          %parallel_loop3A_468 = tpu.memref_slice %arg18[%parallel_loop3A_407, %parallel_loop3A_467] : memref<80x80xf32, #tpu.memory_space<vmem>> -> memref<1x80xf32, #tpu.memory_space<vmem>>
          %parallel_loop3A_469 = tpu.memref_squeeze %parallel_loop3A_468 : memref<1x80xf32, #tpu.memory_space<vmem>> -> memref<80xf32, #tpu.memory_space<vmem>>
          %parallel_loop3A_470 = arith.constant 48 : index
          %parallel_loop3A_471 = tpu.vector_load %parallel_loop3A_469[%parallel_loop3A_470] {strides = array<i32>} : memref<80xf32, #tpu.memory_space<vmem>>, vector<16xf32>,
          tpu.vector_store %parallel_loop3A_469[%parallel_loop3A_470], %parallel_loop3A_466 {strides = array<i32>} : memref<80xf32, #tpu.memory_space<vmem>>, vector<16xf32>,
          %parallel_loop3A_472 = arith.constant 0 : i32
          %parallel_loop3A_473 = tpu.memref_slice %arg16[%parallel_loop3A_407, %parallel_loop3A_472] : memref<80x80xf32, #tpu.memory_space<vmem>> -> memref<1x80xf32, #tpu.memory_space<vmem>>
          %parallel_loop3A_474 = tpu.memref_squeeze %parallel_loop3A_473 : memref<1x80xf32, #tpu.memory_space<vmem>> -> memref<80xf32, #tpu.memory_space<vmem>>
          %parallel_loop3A_475 = arith.constant 64 : index
          %parallel_loop3A_476 = tpu.vector_load %parallel_loop3A_474[%parallel_loop3A_475] {strides = array<i32>} : memref<80xf32, #tpu.memory_space<vmem>>, vector<16xf32>,
          %parallel_loop3A_477 = vector.broadcast %parallel_loop3A_403 : f32 to vector<16xf32>
          %parallel_loop3A_478 = arith.mulf %parallel_loop3A_477, %get3A_90 : vector<16xf32>
          %parallel_loop3A_479 = arith.addf %parallel_loop3A_476, %parallel_loop3A_478 : vector<16xf32>
          %parallel_loop3A_480 = arith.constant 0.000000e+00 : f32
          %parallel_loop3A_481 = vector.broadcast %parallel_loop3A_480 : f32 to vector<16xf32>
          %parallel_loop3A_482 = arith.maximumf %parallel_loop3A_479, %parallel_loop3A_481 : vector<16xf32>
          %parallel_loop3A_483 = arith.constant 0 : i32
          %parallel_loop3A_484 = tpu.memref_slice %arg18[%parallel_loop3A_407, %parallel_loop3A_483] : memref<80x80xf32, #tpu.memory_space<vmem>> -> memref<1x80xf32, #tpu.memory_space<vmem>>
          %parallel_loop3A_485 = tpu.memref_squeeze %parallel_loop3A_484 : memref<1x80xf32, #tpu.memory_space<vmem>> -> memref<80xf32, #tpu.memory_space<vmem>>
          %parallel_loop3A_486 = arith.constant 64 : index
          %parallel_loop3A_487 = tpu.vector_load %parallel_loop3A_485[%parallel_loop3A_486] {strides = array<i32>} : memref<80xf32, #tpu.memory_space<vmem>>, vector<16xf32>,
          tpu.vector_store %parallel_loop3A_485[%parallel_loop3A_486], %parallel_loop3A_482 {strides = array<i32>} : memref<80xf32, #tpu.memory_space<vmem>>, vector<16xf32>,
          %parallel_loop3A_488 = vector.extract_strided_slice %parallel_loop3A_229 {offsets = [3], sizes = [1], strides = [1]} : vector<16xf32> to vector<1xf32>
          %parallel_loop3A_489 = vector.extract %parallel_loop3A_488[0] : f32 from vector<1xf32>
          %parallel_loop3A_490 = arith.constant 16 : i32
          %parallel_loop3A_491 = arith.muli %parallel_loop3A_225, %parallel_loop3A_490 : i32
          %parallel_loop3A_492 = arith.constant 3 : i32
          %parallel_loop3A_493 = arith.addi %parallel_loop3A_491, %parallel_loop3A_492 : i32
          %parallel_loop3A_494 = arith.constant 0 : i32
          %parallel_loop3A_495 = tpu.memref_slice %arg16[%parallel_loop3A_493, %parallel_loop3A_494] : memref<80x80xf32, #tpu.memory_space<vmem>> -> memref<1x80xf32, #tpu.memory_space<vmem>>
          %parallel_loop3A_496 = tpu.memref_squeeze %parallel_loop3A_495 : memref<1x80xf32, #tpu.memory_space<vmem>> -> memref<80xf32, #tpu.memory_space<vmem>>
          %parallel_loop3A_497 = arith.constant 0 : index
          %parallel_loop3A_498 = tpu.vector_load %parallel_loop3A_496[%parallel_loop3A_497] {strides = array<i32>} : memref<80xf32, #tpu.memory_space<vmem>>, vector<16xf32>,
          %parallel_loop3A_499 = vector.broadcast %parallel_loop3A_489 : f32 to vector<16xf32>
          %parallel_loop3A_500 = arith.mulf %parallel_loop3A_499, %get3A_82 : vector<16xf32>
          %parallel_loop3A_501 = arith.addf %parallel_loop3A_498, %parallel_loop3A_500 : vector<16xf32>
          %parallel_loop3A_502 = arith.constant 0.000000e+00 : f32
          %parallel_loop3A_503 = vector.broadcast %parallel_loop3A_502 : f32 to vector<16xf32>
          %parallel_loop3A_504 = arith.maximumf %parallel_loop3A_501, %parallel_loop3A_503 : vector<16xf32>
          %parallel_loop3A_505 = arith.constant 0 : i32
          %parallel_loop3A_506 = tpu.memref_slice %arg18[%parallel_loop3A_493, %parallel_loop3A_505] : memref<80x80xf32, #tpu.memory_space<vmem>> -> memref<1x80xf32, #tpu.memory_space<vmem>>
          %parallel_loop3A_507 = tpu.memref_squeeze %parallel_loop3A_506 : memref<1x80xf32, #tpu.memory_space<vmem>> -> memref<80xf32, #tpu.memory_space<vmem>>
          %parallel_loop3A_508 = arith.constant 0 : index
          %parallel_loop3A_509 = tpu.vector_load %parallel_loop3A_507[%parallel_loop3A_508] {strides = array<i32>} : memref<80xf32, #tpu.memory_space<vmem>>, vector<16xf32>,
          tpu.vector_store %parallel_loop3A_507[%parallel_loop3A_508], %parallel_loop3A_504 {strides = array<i32>} : memref<80xf32, #tpu.memory_space<vmem>>, vector<16xf32>,
          %parallel_loop3A_510 = arith.constant 0 : i32
          %parallel_loop3A_511 = tpu.memref_slice %arg16[%parallel_loop3A_493, %parallel_loop3A_510] : memref<80x80xf32, #tpu.memory_space<vmem>> -> memref<1x80xf32, #tpu.memory_space<vmem>>
          %parallel_loop3A_512 = tpu.memref_squeeze %parallel_loop3A_511 : memref<1x80xf32, #tpu.memory_space<vmem>> -> memref<80xf32, #tpu.memory_space<vmem>>
          %parallel_loop3A_513 = arith.constant 16 : index
          %parallel_loop3A_514 = tpu.vector_load %parallel_loop3A_512[%parallel_loop3A_513] {strides = array<i32>} : memref<80xf32, #tpu.memory_space<vmem>>, vector<16xf32>,
          %parallel_loop3A_515 = vector.broadcast %parallel_loop3A_489 : f32 to vector<16xf32>
          %parallel_loop3A_516 = arith.mulf %parallel_loop3A_515, %get3A_84 : vector<16xf32>
          %parallel_loop3A_517 = arith.addf %parallel_loop3A_514, %parallel_loop3A_516 : vector<16xf32>
          %parallel_loop3A_518 = arith.constant 0.000000e+00 : f32
          %parallel_loop3A_519 = vector.broadcast %parallel_loop3A_518 : f32 to vector<16xf32>
          %parallel_loop3A_520 = arith.maximumf %parallel_loop3A_517, %parallel_loop3A_519 : vector<16xf32>
          %parallel_loop3A_521 = arith.constant 0 : i32
          %parallel_loop3A_522 = tpu.memref_slice %arg18[%parallel_loop3A_493, %parallel_loop3A_521] : memref<80x80xf32, #tpu.memory_space<vmem>> -> memref<1x80xf32, #tpu.memory_space<vmem>>
          %parallel_loop3A_523 = tpu.memref_squeeze %parallel_loop3A_522 : memref<1x80xf32, #tpu.memory_space<vmem>> -> memref<80xf32, #tpu.memory_space<vmem>>
          %parallel_loop3A_524 = arith.constant 16 : index
          %parallel_loop3A_525 = tpu.vector_load %parallel_loop3A_523[%parallel_loop3A_524] {strides = array<i32>} : memref<80xf32, #tpu.memory_space<vmem>>, vector<16xf32>,
          tpu.vector_store %parallel_loop3A_523[%parallel_loop3A_524], %parallel_loop3A_520 {strides = array<i32>} : memref<80xf32, #tpu.memory_space<vmem>>, vector<16xf32>,
          %parallel_loop3A_526 = arith.constant 0 : i32
          %parallel_loop3A_527 = tpu.memref_slice %arg16[%parallel_loop3A_493, %parallel_loop3A_526] : memref<80x80xf32, #tpu.memory_space<vmem>> -> memref<1x80xf32, #tpu.memory_space<vmem>>
          %parallel_loop3A_528 = tpu.memref_squeeze %parallel_loop3A_527 : memref<1x80xf32, #tpu.memory_space<vmem>> -> memref<80xf32, #tpu.memory_space<vmem>>
          %parallel_loop3A_529 = arith.constant 32 : index
          %parallel_loop3A_530 = tpu.vector_load %parallel_loop3A_528[%parallel_loop3A_529] {strides = array<i32>} : memref<80xf32, #tpu.memory_space<vmem>>, vector<16xf32>,
          %parallel_loop3A_531 = vector.broadcast %parallel_loop3A_489 : f32 to vector<16xf32>
          %parallel_loop3A_532 = arith.mulf %parallel_loop3A_531, %get3A_86 : vector<16xf32>
          %parallel_loop3A_533 = arith.addf %parallel_loop3A_530, %parallel_loop3A_532 : vector<16xf32>
          %parallel_loop3A_534 = arith.constant 0.000000e+00 : f32
          %parallel_loop3A_535 = vector.broadcast %parallel_loop3A_534 : f32 to vector<16xf32>
          %parallel_loop3A_536 = arith.maximumf %parallel_loop3A_533, %parallel_loop3A_535 : vector<16xf32>
          %parallel_loop3A_537 = arith.constant 0 : i32
          %parallel_loop3A_538 = tpu.memref_slice %arg18[%parallel_loop3A_493, %parallel_loop3A_537] : memref<80x80xf32, #tpu.memory_space<vmem>> -> memref<1x80xf32, #tpu.memory_space<vmem>>
          %parallel_loop3A_539 = tpu.memref_squeeze %parallel_loop3A_538 : memref<1x80xf32, #tpu.memory_space<vmem>> -> memref<80xf32, #tpu.memory_space<vmem>>
          %parallel_loop3A_540 = arith.constant 32 : index
          %parallel_loop3A_541 = tpu.vector_load %parallel_loop3A_539[%parallel_loop3A_540] {strides = array<i32>} : memref<80xf32, #tpu.memory_space<vmem>>, vector<16xf32>,
          tpu.vector_store %parallel_loop3A_539[%parallel_loop3A_540], %parallel_loop3A_536 {strides = array<i32>} : memref<80xf32, #tpu.memory_space<vmem>>, vector<16xf32>,
          %parallel_loop3A_542 = arith.constant 0 : i32
          %parallel_loop3A_543 = tpu.memref_slice %arg16[%parallel_loop3A_493, %parallel_loop3A_542] : memref<80x80xf32, #tpu.memory_space<vmem>> -> memref<1x80xf32, #tpu.memory_space<vmem>>
          %parallel_loop3A_544 = tpu.memref_squeeze %parallel_loop3A_543 : memref<1x80xf32, #tpu.memory_space<vmem>> -> memref<80xf32, #tpu.memory_space<vmem>>
          %parallel_loop3A_545 = arith.constant 48 : index
          %parallel_loop3A_546 = tpu.vector_load %parallel_loop3A_544[%parallel_loop3A_545] {strides = array<i32>} : memref<80xf32, #tpu.memory_space<vmem>>, vector<16xf32>,
          %parallel_loop3A_547 = vector.broadcast %parallel_loop3A_489 : f32 to vector<16xf32>
          %parallel_loop3A_548 = arith.mulf %parallel_loop3A_547, %get3A_88 : vector<16xf32>
          %parallel_loop3A_549 = arith.addf %parallel_loop3A_546, %parallel_loop3A_548 : vector<16xf32>
          %parallel_loop3A_550 = arith.constant 0.000000e+00 : f32
          %parallel_loop3A_551 = vector.broadcast %parallel_loop3A_550 : f32 to vector<16xf32>
          %parallel_loop3A_552 = arith.maximumf %parallel_loop3A_549, %parallel_loop3A_551 : vector<16xf32>
          %parallel_loop3A_553 = arith.constant 0 : i32
          %parallel_loop3A_554 = tpu.memref_slice %arg18[%parallel_loop3A_493, %parallel_loop3A_553] : memref<80x80xf32, #tpu.memory_space<vmem>> -> memref<1x80xf32, #tpu.memory_space<vmem>>
          %parallel_loop3A_555 = tpu.memref_squeeze %parallel_loop3A_554 : memref<1x80xf32, #tpu.memory_space<vmem>> -> memref<80xf32, #tpu.memory_space<vmem>>
          %parallel_loop3A_556 = arith.constant 48 : index
          %parallel_loop3A_557 = tpu.vector_load %parallel_loop3A_555[%parallel_loop3A_556] {strides = array<i32>} : memref<80xf32, #tpu.memory_space<vmem>>, vector<16xf32>,
          tpu.vector_store %parallel_loop3A_555[%parallel_loop3A_556], %parallel_loop3A_552 {strides = array<i32>} : memref<80xf32, #tpu.memory_space<vmem>>, vector<16xf32>,
          %parallel_loop3A_558 = arith.constant 0 : i32
          %parallel_loop3A_559 = tpu.memref_slice %arg16[%parallel_loop3A_493, %parallel_loop3A_558] : memref<80x80xf32, #tpu.memory_space<vmem>> -> memref<1x80xf32, #tpu.memory_space<vmem>>
          %parallel_loop3A_560 = tpu.memref_squeeze %parallel_loop3A_559 : memref<1x80xf32, #tpu.memory_space<vmem>> -> memref<80xf32, #tpu.memory_space<vmem>>
          %parallel_loop3A_561 = arith.constant 64 : index
          %parallel_loop3A_562 = tpu.vector_load %parallel_loop3A_560[%parallel_loop3A_561] {strides = array<i32>} : memref<80xf32, #tpu.memory_space<vmem>>, vector<16xf32>,
          %parallel_loop3A_563 = vector.broadcast %parallel_loop3A_489 : f32 to vector<16xf32>
          %parallel_loop3A_564 = arith.mulf %parallel_loop3A_563, %get3A_90 : vector<16xf32>
          %parallel_loop3A_565 = arith.addf %parallel_loop3A_562, %parallel_loop3A_564 : vector<16xf32>
          %parallel_loop3A_566 = arith.constant 0.000000e+00 : f32
          %parallel_loop3A_567 = vector.broadcast %parallel_loop3A_566 : f32 to vector<16xf32>
          %parallel_loop3A_568 = arith.maximumf %parallel_loop3A_565, %parallel_loop3A_567 : vector<16xf32>
          %parallel_loop3A_569 = arith.constant 0 : i32
          %parallel_loop3A_570 = tpu.memref_slice %arg18[%parallel_loop3A_493, %parallel_loop3A_569] : memref<80x80xf32, #tpu.memory_space<vmem>> -> memref<1x80xf32, #tpu.memory_space<vmem>>
          %parallel_loop3A_571 = tpu.memref_squeeze %parallel_loop3A_570 : memref<1x80xf32, #tpu.memory_space<vmem>> -> memref<80xf32, #tpu.memory_space<vmem>>
          %parallel_loop3A_572 = arith.constant 64 : index
          %parallel_loop3A_573 = tpu.vector_load %parallel_loop3A_571[%parallel_loop3A_572] {strides = array<i32>} : memref<80xf32, #tpu.memory_space<vmem>>, vector<16xf32>,
          tpu.vector_store %parallel_loop3A_571[%parallel_loop3A_572], %parallel_loop3A_568 {strides = array<i32>} : memref<80xf32, #tpu.memory_space<vmem>>, vector<16xf32>,
          %parallel_loop3A_574 = vector.extract_strided_slice %parallel_loop3A_229 {offsets = [4], sizes = [1], strides = [1]} : vector<16xf32> to vector<1xf32>
          %parallel_loop3A_575 = vector.extract %parallel_loop3A_574[0] : f32 from vector<1xf32>
          %parallel_loop3A_576 = arith.constant 16 : i32
          %parallel_loop3A_577 = arith.muli %parallel_loop3A_225, %parallel_loop3A_576 : i32
          %parallel_loop3A_578 = arith.constant 4 : i32
          %parallel_loop3A_579 = arith.addi %parallel_loop3A_577, %parallel_loop3A_578 : i32
          %parallel_loop3A_580 = arith.constant 0 : i32
          %parallel_loop3A_581 = tpu.memref_slice %arg16[%parallel_loop3A_579, %parallel_loop3A_580] : memref<80x80xf32, #tpu.memory_space<vmem>> -> memref<1x80xf32, #tpu.memory_space<vmem>>
          %parallel_loop3A_582 = tpu.memref_squeeze %parallel_loop3A_581 : memref<1x80xf32, #tpu.memory_space<vmem>> -> memref<80xf32, #tpu.memory_space<vmem>>
          %parallel_loop3A_583 = arith.constant 0 : index
          %parallel_loop3A_584 = tpu.vector_load %parallel_loop3A_582[%parallel_loop3A_583] {strides = array<i32>} : memref<80xf32, #tpu.memory_space<vmem>>, vector<16xf32>,
          %parallel_loop3A_585 = vector.broadcast %parallel_loop3A_575 : f32 to vector<16xf32>
          %parallel_loop3A_586 = arith.mulf %parallel_loop3A_585, %get3A_82 : vector<16xf32>
          %parallel_loop3A_587 = arith.addf %parallel_loop3A_584, %parallel_loop3A_586 : vector<16xf32>
          %parallel_loop3A_588 = arith.constant 0.000000e+00 : f32
          %parallel_loop3A_589 = vector.broadcast %parallel_loop3A_588 : f32 to vector<16xf32>
          %parallel_loop3A_590 = arith.maximumf %parallel_loop3A_587, %parallel_loop3A_589 : vector<16xf32>
          %parallel_loop3A_591 = arith.constant 0 : i32
          %parallel_loop3A_592 = tpu.memref_slice %arg18[%parallel_loop3A_579, %parallel_loop3A_591] : memref<80x80xf32, #tpu.memory_space<vmem>> -> memref<1x80xf32, #tpu.memory_space<vmem>>
          %parallel_loop3A_593 = tpu.memref_squeeze %parallel_loop3A_592 : memref<1x80xf32, #tpu.memory_space<vmem>> -> memref<80xf32, #tpu.memory_space<vmem>>
          %parallel_loop3A_594 = arith.constant 0 : index
          %parallel_loop3A_595 = tpu.vector_load %parallel_loop3A_593[%parallel_loop3A_594] {strides = array<i32>} : memref<80xf32, #tpu.memory_space<vmem>>, vector<16xf32>,
          tpu.vector_store %parallel_loop3A_593[%parallel_loop3A_594], %parallel_loop3A_590 {strides = array<i32>} : memref<80xf32, #tpu.memory_space<vmem>>, vector<16xf32>,
          %parallel_loop3A_596 = arith.constant 0 : i32
          %parallel_loop3A_597 = tpu.memref_slice %arg16[%parallel_loop3A_579, %parallel_loop3A_596] : memref<80x80xf32, #tpu.memory_space<vmem>> -> memref<1x80xf32, #tpu.memory_space<vmem>>
          %parallel_loop3A_598 = tpu.memref_squeeze %parallel_loop3A_597 : memref<1x80xf32, #tpu.memory_space<vmem>> -> memref<80xf32, #tpu.memory_space<vmem>>
          %parallel_loop3A_599 = arith.constant 16 : index
          %parallel_loop3A_600 = tpu.vector_load %parallel_loop3A_598[%parallel_loop3A_599] {strides = array<i32>} : memref<80xf32, #tpu.memory_space<vmem>>, vector<16xf32>,
          %parallel_loop3A_601 = vector.broadcast %parallel_loop3A_575 : f32 to vector<16xf32>
          %parallel_loop3A_602 = arith.mulf %parallel_loop3A_601, %get3A_84 : vector<16xf32>
          %parallel_loop3A_603 = arith.addf %parallel_loop3A_600, %parallel_loop3A_602 : vector<16xf32>
          %parallel_loop3A_604 = arith.constant 0.000000e+00 : f32
          %parallel_loop3A_605 = vector.broadcast %parallel_loop3A_604 : f32 to vector<16xf32>
          %parallel_loop3A_606 = arith.maximumf %parallel_loop3A_603, %parallel_loop3A_605 : vector<16xf32>
          %parallel_loop3A_607 = arith.constant 0 : i32
          %parallel_loop3A_608 = tpu.memref_slice %arg18[%parallel_loop3A_579, %parallel_loop3A_607] : memref<80x80xf32, #tpu.memory_space<vmem>> -> memref<1x80xf32, #tpu.memory_space<vmem>>
          %parallel_loop3A_609 = tpu.memref_squeeze %parallel_loop3A_608 : memref<1x80xf32, #tpu.memory_space<vmem>> -> memref<80xf32, #tpu.memory_space<vmem>>
          %parallel_loop3A_610 = arith.constant 16 : index
          %parallel_loop3A_611 = tpu.vector_load %parallel_loop3A_609[%parallel_loop3A_610] {strides = array<i32>} : memref<80xf32, #tpu.memory_space<vmem>>, vector<16xf32>,
          tpu.vector_store %parallel_loop3A_609[%parallel_loop3A_610], %parallel_loop3A_606 {strides = array<i32>} : memref<80xf32, #tpu.memory_space<vmem>>, vector<16xf32>,
          %parallel_loop3A_612 = arith.constant 0 : i32
          %parallel_loop3A_613 = tpu.memref_slice %arg16[%parallel_loop3A_579, %parallel_loop3A_612] : memref<80x80xf32, #tpu.memory_space<vmem>> -> memref<1x80xf32, #tpu.memory_space<vmem>>
          %parallel_loop3A_614 = tpu.memref_squeeze %parallel_loop3A_613 : memref<1x80xf32, #tpu.memory_space<vmem>> -> memref<80xf32, #tpu.memory_space<vmem>>
          %parallel_loop3A_615 = arith.constant 32 : index
          %parallel_loop3A_616 = tpu.vector_load %parallel_loop3A_614[%parallel_loop3A_615] {strides = array<i32>} : memref<80xf32, #tpu.memory_space<vmem>>, vector<16xf32>,
          %parallel_loop3A_617 = vector.broadcast %parallel_loop3A_575 : f32 to vector<16xf32>
          %parallel_loop3A_618 = arith.mulf %parallel_loop3A_617, %get3A_86 : vector<16xf32>
          %parallel_loop3A_619 = arith.addf %parallel_loop3A_616, %parallel_loop3A_618 : vector<16xf32>
          %parallel_loop3A_620 = arith.constant 0.000000e+00 : f32
          %parallel_loop3A_621 = vector.broadcast %parallel_loop3A_620 : f32 to vector<16xf32>
          %parallel_loop3A_622 = arith.maximumf %parallel_loop3A_619, %parallel_loop3A_621 : vector<16xf32>
          %parallel_loop3A_623 = arith.constant 0 : i32
          %parallel_loop3A_624 = tpu.memref_slice %arg18[%parallel_loop3A_579, %parallel_loop3A_623] : memref<80x80xf32, #tpu.memory_space<vmem>> -> memref<1x80xf32, #tpu.memory_space<vmem>>
          %parallel_loop3A_625 = tpu.memref_squeeze %parallel_loop3A_624 : memref<1x80xf32, #tpu.memory_space<vmem>> -> memref<80xf32, #tpu.memory_space<vmem>>
          %parallel_loop3A_626 = arith.constant 32 : index
          %parallel_loop3A_627 = tpu.vector_load %parallel_loop3A_625[%parallel_loop3A_626] {strides = array<i32>} : memref<80xf32, #tpu.memory_space<vmem>>, vector<16xf32>,
          tpu.vector_store %parallel_loop3A_625[%parallel_loop3A_626], %parallel_loop3A_622 {strides = array<i32>} : memref<80xf32, #tpu.memory_space<vmem>>, vector<16xf32>,
          %parallel_loop3A_628 = arith.constant 0 : i32
          %parallel_loop3A_629 = tpu.memref_slice %arg16[%parallel_loop3A_579, %parallel_loop3A_628] : memref<80x80xf32, #tpu.memory_space<vmem>> -> memref<1x80xf32, #tpu.memory_space<vmem>>
          %parallel_loop3A_630 = tpu.memref_squeeze %parallel_loop3A_629 : memref<1x80xf32, #tpu.memory_space<vmem>> -> memref<80xf32, #tpu.memory_space<vmem>>
          %parallel_loop3A_631 = arith.constant 48 : index
          %parallel_loop3A_632 = tpu.vector_load %parallel_loop3A_630[%parallel_loop3A_631] {strides = array<i32>} : memref<80xf32, #tpu.memory_space<vmem>>, vector<16xf32>,
          %parallel_loop3A_633 = vector.broadcast %parallel_loop3A_575 : f32 to vector<16xf32>
          %parallel_loop3A_634 = arith.mulf %parallel_loop3A_633, %get3A_88 : vector<16xf32>
          %parallel_loop3A_635 = arith.addf %parallel_loop3A_632, %parallel_loop3A_634 : vector<16xf32>
          %parallel_loop3A_636 = arith.constant 0.000000e+00 : f32
          %parallel_loop3A_637 = vector.broadcast %parallel_loop3A_636 : f32 to vector<16xf32>
          %parallel_loop3A_638 = arith.maximumf %parallel_loop3A_635, %parallel_loop3A_637 : vector<16xf32>
          %parallel_loop3A_639 = arith.constant 0 : i32
          %parallel_loop3A_640 = tpu.memref_slice %arg18[%parallel_loop3A_579, %parallel_loop3A_639] : memref<80x80xf32, #tpu.memory_space<vmem>> -> memref<1x80xf32, #tpu.memory_space<vmem>>
          %parallel_loop3A_641 = tpu.memref_squeeze %parallel_loop3A_640 : memref<1x80xf32, #tpu.memory_space<vmem>> -> memref<80xf32, #tpu.memory_space<vmem>>
          %parallel_loop3A_642 = arith.constant 48 : index
          %parallel_loop3A_643 = tpu.vector_load %parallel_loop3A_641[%parallel_loop3A_642] {strides = array<i32>} : memref<80xf32, #tpu.memory_space<vmem>>, vector<16xf32>,
          tpu.vector_store %parallel_loop3A_641[%parallel_loop3A_642], %parallel_loop3A_638 {strides = array<i32>} : memref<80xf32, #tpu.memory_space<vmem>>, vector<16xf32>,
          %parallel_loop3A_644 = arith.constant 0 : i32
          %parallel_loop3A_645 = tpu.memref_slice %arg16[%parallel_loop3A_579, %parallel_loop3A_644] : memref<80x80xf32, #tpu.memory_space<vmem>> -> memref<1x80xf32, #tpu.memory_space<vmem>>
          %parallel_loop3A_646 = tpu.memref_squeeze %parallel_loop3A_645 : memref<1x80xf32, #tpu.memory_space<vmem>> -> memref<80xf32, #tpu.memory_space<vmem>>
          %parallel_loop3A_647 = arith.constant 64 : index
          %parallel_loop3A_648 = tpu.vector_load %parallel_loop3A_646[%parallel_loop3A_647] {strides = array<i32>} : memref<80xf32, #tpu.memory_space<vmem>>, vector<16xf32>,
          %parallel_loop3A_649 = vector.broadcast %parallel_loop3A_575 : f32 to vector<16xf32>
          %parallel_loop3A_650 = arith.mulf %parallel_loop3A_649, %get3A_90 : vector<16xf32>
          %parallel_loop3A_651 = arith.addf %parallel_loop3A_648, %parallel_loop3A_650 : vector<16xf32>
          %parallel_loop3A_652 = arith.constant 0.000000e+00 : f32
          %parallel_loop3A_653 = vector.broadcast %parallel_loop3A_652 : f32 to vector<16xf32>
          %parallel_loop3A_654 = arith.maximumf %parallel_loop3A_651, %parallel_loop3A_653 : vector<16xf32>
          %parallel_loop3A_655 = arith.constant 0 : i32
          %parallel_loop3A_656 = tpu.memref_slice %arg18[%parallel_loop3A_579, %parallel_loop3A_655] : memref<80x80xf32, #tpu.memory_space<vmem>> -> memref<1x80xf32, #tpu.memory_space<vmem>>
          %parallel_loop3A_657 = tpu.memref_squeeze %parallel_loop3A_656 : memref<1x80xf32, #tpu.memory_space<vmem>> -> memref<80xf32, #tpu.memory_space<vmem>>
          %parallel_loop3A_658 = arith.constant 64 : index
          %parallel_loop3A_659 = tpu.vector_load %parallel_loop3A_657[%parallel_loop3A_658] {strides = array<i32>} : memref<80xf32, #tpu.memory_space<vmem>>, vector<16xf32>,
          tpu.vector_store %parallel_loop3A_657[%parallel_loop3A_658], %parallel_loop3A_654 {strides = array<i32>} : memref<80xf32, #tpu.memory_space<vmem>>, vector<16xf32>,
          %parallel_loop3A_660 = vector.extract_strided_slice %parallel_loop3A_229 {offsets = [5], sizes = [1], strides = [1]} : vector<16xf32> to vector<1xf32>
          %parallel_loop3A_661 = vector.extract %parallel_loop3A_660[0] : f32 from vector<1xf32>
          %parallel_loop3A_662 = arith.constant 16 : i32
          %parallel_loop3A_663 = arith.muli %parallel_loop3A_225, %parallel_loop3A_662 : i32
          %parallel_loop3A_664 = arith.constant 5 : i32
          %parallel_loop3A_665 = arith.addi %parallel_loop3A_663, %parallel_loop3A_664 : i32
          %parallel_loop3A_666 = arith.constant 0 : i32
          %parallel_loop3A_667 = tpu.memref_slice %arg16[%parallel_loop3A_665, %parallel_loop3A_666] : memref<80x80xf32, #tpu.memory_space<vmem>> -> memref<1x80xf32, #tpu.memory_space<vmem>>
          %parallel_loop3A_668 = tpu.memref_squeeze %parallel_loop3A_667 : memref<1x80xf32, #tpu.memory_space<vmem>> -> memref<80xf32, #tpu.memory_space<vmem>>
          %parallel_loop3A_669 = arith.constant 0 : index
          %parallel_loop3A_670 = tpu.vector_load %parallel_loop3A_668[%parallel_loop3A_669] {strides = array<i32>} : memref<80xf32, #tpu.memory_space<vmem>>, vector<16xf32>,
          %parallel_loop3A_671 = vector.broadcast %parallel_loop3A_661 : f32 to vector<16xf32>
          %parallel_loop3A_672 = arith.mulf %parallel_loop3A_671, %get3A_82 : vector<16xf32>
          %parallel_loop3A_673 = arith.addf %parallel_loop3A_670, %parallel_loop3A_672 : vector<16xf32>
          %parallel_loop3A_674 = arith.constant 0.000000e+00 : f32
          %parallel_loop3A_675 = vector.broadcast %parallel_loop3A_674 : f32 to vector<16xf32>
          %parallel_loop3A_676 = arith.maximumf %parallel_loop3A_673, %parallel_loop3A_675 : vector<16xf32>
          %parallel_loop3A_677 = arith.constant 0 : i32
          %parallel_loop3A_678 = tpu.memref_slice %arg18[%parallel_loop3A_665, %parallel_loop3A_677] : memref<80x80xf32, #tpu.memory_space<vmem>> -> memref<1x80xf32, #tpu.memory_space<vmem>>
          %parallel_loop3A_679 = tpu.memref_squeeze %parallel_loop3A_678 : memref<1x80xf32, #tpu.memory_space<vmem>> -> memref<80xf32, #tpu.memory_space<vmem>>
          %parallel_loop3A_680 = arith.constant 0 : index
          %parallel_loop3A_681 = tpu.vector_load %parallel_loop3A_679[%parallel_loop3A_680] {strides = array<i32>} : memref<80xf32, #tpu.memory_space<vmem>>, vector<16xf32>,
          tpu.vector_store %parallel_loop3A_679[%parallel_loop3A_680], %parallel_loop3A_676 {strides = array<i32>} : memref<80xf32, #tpu.memory_space<vmem>>, vector<16xf32>,
          %parallel_loop3A_682 = arith.constant 0 : i32
          %parallel_loop3A_683 = tpu.memref_slice %arg16[%parallel_loop3A_665, %parallel_loop3A_682] : memref<80x80xf32, #tpu.memory_space<vmem>> -> memref<1x80xf32, #tpu.memory_space<vmem>>
          %parallel_loop3A_684 = tpu.memref_squeeze %parallel_loop3A_683 : memref<1x80xf32, #tpu.memory_space<vmem>> -> memref<80xf32, #tpu.memory_space<vmem>>
          %parallel_loop3A_685 = arith.constant 16 : index
          %parallel_loop3A_686 = tpu.vector_load %parallel_loop3A_684[%parallel_loop3A_685] {strides = array<i32>} : memref<80xf32, #tpu.memory_space<vmem>>, vector<16xf32>,
          %parallel_loop3A_687 = vector.broadcast %parallel_loop3A_661 : f32 to vector<16xf32>
          %parallel_loop3A_688 = arith.mulf %parallel_loop3A_687, %get3A_84 : vector<16xf32>
          %parallel_loop3A_689 = arith.addf %parallel_loop3A_686, %parallel_loop3A_688 : vector<16xf32>
          %parallel_loop3A_690 = arith.constant 0.000000e+00 : f32
          %parallel_loop3A_691 = vector.broadcast %parallel_loop3A_690 : f32 to vector<16xf32>
          %parallel_loop3A_692 = arith.maximumf %parallel_loop3A_689, %parallel_loop3A_691 : vector<16xf32>
          %parallel_loop3A_693 = arith.constant 0 : i32
          %parallel_loop3A_694 = tpu.memref_slice %arg18[%parallel_loop3A_665, %parallel_loop3A_693] : memref<80x80xf32, #tpu.memory_space<vmem>> -> memref<1x80xf32, #tpu.memory_space<vmem>>
          %parallel_loop3A_695 = tpu.memref_squeeze %parallel_loop3A_694 : memref<1x80xf32, #tpu.memory_space<vmem>> -> memref<80xf32, #tpu.memory_space<vmem>>
          %parallel_loop3A_696 = arith.constant 16 : index
          %parallel_loop3A_697 = tpu.vector_load %parallel_loop3A_695[%parallel_loop3A_696] {strides = array<i32>} : memref<80xf32, #tpu.memory_space<vmem>>, vector<16xf32>,
          tpu.vector_store %parallel_loop3A_695[%parallel_loop3A_696], %parallel_loop3A_692 {strides = array<i32>} : memref<80xf32, #tpu.memory_space<vmem>>, vector<16xf32>,
          %parallel_loop3A_698 = arith.constant 0 : i32
          %parallel_loop3A_699 = tpu.memref_slice %arg16[%parallel_loop3A_665, %parallel_loop3A_698] : memref<80x80xf32, #tpu.memory_space<vmem>> -> memref<1x80xf32, #tpu.memory_space<vmem>>
          %parallel_loop3A_700 = tpu.memref_squeeze %parallel_loop3A_699 : memref<1x80xf32, #tpu.memory_space<vmem>> -> memref<80xf32, #tpu.memory_space<vmem>>
          %parallel_loop3A_701 = arith.constant 32 : index
          %parallel_loop3A_702 = tpu.vector_load %parallel_loop3A_700[%parallel_loop3A_701] {strides = array<i32>} : memref<80xf32, #tpu.memory_space<vmem>>, vector<16xf32>,
          %parallel_loop3A_703 = vector.broadcast %parallel_loop3A_661 : f32 to vector<16xf32>
          %parallel_loop3A_704 = arith.mulf %parallel_loop3A_703, %get3A_86 : vector<16xf32>
          %parallel_loop3A_705 = arith.addf %parallel_loop3A_702, %parallel_loop3A_704 : vector<16xf32>
          %parallel_loop3A_706 = arith.constant 0.000000e+00 : f32
          %parallel_loop3A_707 = vector.broadcast %parallel_loop3A_706 : f32 to vector<16xf32>
          %parallel_loop3A_708 = arith.maximumf %parallel_loop3A_705, %parallel_loop3A_707 : vector<16xf32>
          %parallel_loop3A_709 = arith.constant 0 : i32
          %parallel_loop3A_710 = tpu.memref_slice %arg18[%parallel_loop3A_665, %parallel_loop3A_709] : memref<80x80xf32, #tpu.memory_space<vmem>> -> memref<1x80xf32, #tpu.memory_space<vmem>>
          %parallel_loop3A_711 = tpu.memref_squeeze %parallel_loop3A_710 : memref<1x80xf32, #tpu.memory_space<vmem>> -> memref<80xf32, #tpu.memory_space<vmem>>
          %parallel_loop3A_712 = arith.constant 32 : index
          %parallel_loop3A_713 = tpu.vector_load %parallel_loop3A_711[%parallel_loop3A_712] {strides = array<i32>} : memref<80xf32, #tpu.memory_space<vmem>>, vector<16xf32>,
          tpu.vector_store %parallel_loop3A_711[%parallel_loop3A_712], %parallel_loop3A_708 {strides = array<i32>} : memref<80xf32, #tpu.memory_space<vmem>>, vector<16xf32>,
          %parallel_loop3A_714 = arith.constant 0 : i32
          %parallel_loop3A_715 = tpu.memref_slice %arg16[%parallel_loop3A_665, %parallel_loop3A_714] : memref<80x80xf32, #tpu.memory_space<vmem>> -> memref<1x80xf32, #tpu.memory_space<vmem>>
          %parallel_loop3A_716 = tpu.memref_squeeze %parallel_loop3A_715 : memref<1x80xf32, #tpu.memory_space<vmem>> -> memref<80xf32, #tpu.memory_space<vmem>>
          %parallel_loop3A_717 = arith.constant 48 : index
          %parallel_loop3A_718 = tpu.vector_load %parallel_loop3A_716[%parallel_loop3A_717] {strides = array<i32>} : memref<80xf32, #tpu.memory_space<vmem>>, vector<16xf32>,
          %parallel_loop3A_719 = vector.broadcast %parallel_loop3A_661 : f32 to vector<16xf32>
          %parallel_loop3A_720 = arith.mulf %parallel_loop3A_719, %get3A_88 : vector<16xf32>
          %parallel_loop3A_721 = arith.addf %parallel_loop3A_718, %parallel_loop3A_720 : vector<16xf32>
          %parallel_loop3A_722 = arith.constant 0.000000e+00 : f32
          %parallel_loop3A_723 = vector.broadcast %parallel_loop3A_722 : f32 to vector<16xf32>
          %parallel_loop3A_724 = arith.maximumf %parallel_loop3A_721, %parallel_loop3A_723 : vector<16xf32>
          %parallel_loop3A_725 = arith.constant 0 : i32
          %parallel_loop3A_726 = tpu.memref_slice %arg18[%parallel_loop3A_665, %parallel_loop3A_725] : memref<80x80xf32, #tpu.memory_space<vmem>> -> memref<1x80xf32, #tpu.memory_space<vmem>>
          %parallel_loop3A_727 = tpu.memref_squeeze %parallel_loop3A_726 : memref<1x80xf32, #tpu.memory_space<vmem>> -> memref<80xf32, #tpu.memory_space<vmem>>
          %parallel_loop3A_728 = arith.constant 48 : index
          %parallel_loop3A_729 = tpu.vector_load %parallel_loop3A_727[%parallel_loop3A_728] {strides = array<i32>} : memref<80xf32, #tpu.memory_space<vmem>>, vector<16xf32>,
          tpu.vector_store %parallel_loop3A_727[%parallel_loop3A_728], %parallel_loop3A_724 {strides = array<i32>} : memref<80xf32, #tpu.memory_space<vmem>>, vector<16xf32>,
          %parallel_loop3A_730 = arith.constant 0 : i32
          %parallel_loop3A_731 = tpu.memref_slice %arg16[%parallel_loop3A_665, %parallel_loop3A_730] : memref<80x80xf32, #tpu.memory_space<vmem>> -> memref<1x80xf32, #tpu.memory_space<vmem>>
          %parallel_loop3A_732 = tpu.memref_squeeze %parallel_loop3A_731 : memref<1x80xf32, #tpu.memory_space<vmem>> -> memref<80xf32, #tpu.memory_space<vmem>>
          %parallel_loop3A_733 = arith.constant 64 : index
          %parallel_loop3A_734 = tpu.vector_load %parallel_loop3A_732[%parallel_loop3A_733] {strides = array<i32>} : memref<80xf32, #tpu.memory_space<vmem>>, vector<16xf32>,
          %parallel_loop3A_735 = vector.broadcast %parallel_loop3A_661 : f32 to vector<16xf32>
          %parallel_loop3A_736 = arith.mulf %parallel_loop3A_735, %get3A_90 : vector<16xf32>
          %parallel_loop3A_737 = arith.addf %parallel_loop3A_734, %parallel_loop3A_736 : vector<16xf32>
          %parallel_loop3A_738 = arith.constant 0.000000e+00 : f32
          %parallel_loop3A_739 = vector.broadcast %parallel_loop3A_738 : f32 to vector<16xf32>
          %parallel_loop3A_740 = arith.maximumf %parallel_loop3A_737, %parallel_loop3A_739 : vector<16xf32>
          %parallel_loop3A_741 = arith.constant 0 : i32
          %parallel_loop3A_742 = tpu.memref_slice %arg18[%parallel_loop3A_665, %parallel_loop3A_741] : memref<80x80xf32, #tpu.memory_space<vmem>> -> memref<1x80xf32, #tpu.memory_space<vmem>>
          %parallel_loop3A_743 = tpu.memref_squeeze %parallel_loop3A_742 : memref<1x80xf32, #tpu.memory_space<vmem>> -> memref<80xf32, #tpu.memory_space<vmem>>
          %parallel_loop3A_744 = arith.constant 64 : index
          %parallel_loop3A_745 = tpu.vector_load %parallel_loop3A_743[%parallel_loop3A_744] {strides = array<i32>} : memref<80xf32, #tpu.memory_space<vmem>>, vector<16xf32>,
          tpu.vector_store %parallel_loop3A_743[%parallel_loop3A_744], %parallel_loop3A_740 {strides = array<i32>} : memref<80xf32, #tpu.memory_space<vmem>>, vector<16xf32>,
          %parallel_loop3A_746 = vector.extract_strided_slice %parallel_loop3A_229 {offsets = [6], sizes = [1], strides = [1]} : vector<16xf32> to vector<1xf32>
          %parallel_loop3A_747 = vector.extract %parallel_loop3A_746[0] : f32 from vector<1xf32>
          %parallel_loop3A_748 = arith.constant 16 : i32
          %parallel_loop3A_749 = arith.muli %parallel_loop3A_225, %parallel_loop3A_748 : i32
          %parallel_loop3A_750 = arith.constant 6 : i32
          %parallel_loop3A_751 = arith.addi %parallel_loop3A_749, %parallel_loop3A_750 : i32
          %parallel_loop3A_752 = arith.constant 0 : i32
          %parallel_loop3A_753 = tpu.memref_slice %arg16[%parallel_loop3A_751, %parallel_loop3A_752] : memref<80x80xf32, #tpu.memory_space<vmem>> -> memref<1x80xf32, #tpu.memory_space<vmem>>
          %parallel_loop3A_754 = tpu.memref_squeeze %parallel_loop3A_753 : memref<1x80xf32, #tpu.memory_space<vmem>> -> memref<80xf32, #tpu.memory_space<vmem>>
          %parallel_loop3A_755 = arith.constant 0 : index
          %parallel_loop3A_756 = tpu.vector_load %parallel_loop3A_754[%parallel_loop3A_755] {strides = array<i32>} : memref<80xf32, #tpu.memory_space<vmem>>, vector<16xf32>,
          %parallel_loop3A_757 = vector.broadcast %parallel_loop3A_747 : f32 to vector<16xf32>
          %parallel_loop3A_758 = arith.mulf %parallel_loop3A_757, %get3A_82 : vector<16xf32>
          %parallel_loop3A_759 = arith.addf %parallel_loop3A_756, %parallel_loop3A_758 : vector<16xf32>
          %parallel_loop3A_760 = arith.constant 0.000000e+00 : f32
          %parallel_loop3A_761 = vector.broadcast %parallel_loop3A_760 : f32 to vector<16xf32>
          %parallel_loop3A_762 = arith.maximumf %parallel_loop3A_759, %parallel_loop3A_761 : vector<16xf32>
          %parallel_loop3A_763 = arith.constant 0 : i32
          %parallel_loop3A_764 = tpu.memref_slice %arg18[%parallel_loop3A_751, %parallel_loop3A_763] : memref<80x80xf32, #tpu.memory_space<vmem>> -> memref<1x80xf32, #tpu.memory_space<vmem>>
          %parallel_loop3A_765 = tpu.memref_squeeze %parallel_loop3A_764 : memref<1x80xf32, #tpu.memory_space<vmem>> -> memref<80xf32, #tpu.memory_space<vmem>>
          %parallel_loop3A_766 = arith.constant 0 : index
          %parallel_loop3A_767 = tpu.vector_load %parallel_loop3A_765[%parallel_loop3A_766] {strides = array<i32>} : memref<80xf32, #tpu.memory_space<vmem>>, vector<16xf32>,
          tpu.vector_store %parallel_loop3A_765[%parallel_loop3A_766], %parallel_loop3A_762 {strides = array<i32>} : memref<80xf32, #tpu.memory_space<vmem>>, vector<16xf32>,
          %parallel_loop3A_768 = arith.constant 0 : i32
          %parallel_loop3A_769 = tpu.memref_slice %arg16[%parallel_loop3A_751, %parallel_loop3A_768] : memref<80x80xf32, #tpu.memory_space<vmem>> -> memref<1x80xf32, #tpu.memory_space<vmem>>
          %parallel_loop3A_770 = tpu.memref_squeeze %parallel_loop3A_769 : memref<1x80xf32, #tpu.memory_space<vmem>> -> memref<80xf32, #tpu.memory_space<vmem>>
          %parallel_loop3A_771 = arith.constant 16 : index
          %parallel_loop3A_772 = tpu.vector_load %parallel_loop3A_770[%parallel_loop3A_771] {strides = array<i32>} : memref<80xf32, #tpu.memory_space<vmem>>, vector<16xf32>,
          %parallel_loop3A_773 = vector.broadcast %parallel_loop3A_747 : f32 to vector<16xf32>
          %parallel_loop3A_774 = arith.mulf %parallel_loop3A_773, %get3A_84 : vector<16xf32>
          %parallel_loop3A_775 = arith.addf %parallel_loop3A_772, %parallel_loop3A_774 : vector<16xf32>
          %parallel_loop3A_776 = arith.constant 0.000000e+00 : f32
          %parallel_loop3A_777 = vector.broadcast %parallel_loop3A_776 : f32 to vector<16xf32>
          %parallel_loop3A_778 = arith.maximumf %parallel_loop3A_775, %parallel_loop3A_777 : vector<16xf32>
          %parallel_loop3A_779 = arith.constant 0 : i32
          %parallel_loop3A_780 = tpu.memref_slice %arg18[%parallel_loop3A_751, %parallel_loop3A_779] : memref<80x80xf32, #tpu.memory_space<vmem>> -> memref<1x80xf32, #tpu.memory_space<vmem>>
          %parallel_loop3A_781 = tpu.memref_squeeze %parallel_loop3A_780 : memref<1x80xf32, #tpu.memory_space<vmem>> -> memref<80xf32, #tpu.memory_space<vmem>>
          %parallel_loop3A_782 = arith.constant 16 : index
          %parallel_loop3A_783 = tpu.vector_load %parallel_loop3A_781[%parallel_loop3A_782] {strides = array<i32>} : memref<80xf32, #tpu.memory_space<vmem>>, vector<16xf32>,
          tpu.vector_store %parallel_loop3A_781[%parallel_loop3A_782], %parallel_loop3A_778 {strides = array<i32>} : memref<80xf32, #tpu.memory_space<vmem>>, vector<16xf32>,
          %parallel_loop3A_784 = arith.constant 0 : i32
          %parallel_loop3A_785 = tpu.memref_slice %arg16[%parallel_loop3A_751, %parallel_loop3A_784] : memref<80x80xf32, #tpu.memory_space<vmem>> -> memref<1x80xf32, #tpu.memory_space<vmem>>
          %parallel_loop3A_786 = tpu.memref_squeeze %parallel_loop3A_785 : memref<1x80xf32, #tpu.memory_space<vmem>> -> memref<80xf32, #tpu.memory_space<vmem>>
          %parallel_loop3A_787 = arith.constant 32 : index
          %parallel_loop3A_788 = tpu.vector_load %parallel_loop3A_786[%parallel_loop3A_787] {strides = array<i32>} : memref<80xf32, #tpu.memory_space<vmem>>, vector<16xf32>,
          %parallel_loop3A_789 = vector.broadcast %parallel_loop3A_747 : f32 to vector<16xf32>
          %parallel_loop3A_790 = arith.mulf %parallel_loop3A_789, %get3A_86 : vector<16xf32>
          %parallel_loop3A_791 = arith.addf %parallel_loop3A_788, %parallel_loop3A_790 : vector<16xf32>
          %parallel_loop3A_792 = arith.constant 0.000000e+00 : f32
          %parallel_loop3A_793 = vector.broadcast %parallel_loop3A_792 : f32 to vector<16xf32>
          %parallel_loop3A_794 = arith.maximumf %parallel_loop3A_791, %parallel_loop3A_793 : vector<16xf32>
          %parallel_loop3A_795 = arith.constant 0 : i32
          %parallel_loop3A_796 = tpu.memref_slice %arg18[%parallel_loop3A_751, %parallel_loop3A_795] : memref<80x80xf32, #tpu.memory_space<vmem>> -> memref<1x80xf32, #tpu.memory_space<vmem>>
          %parallel_loop3A_797 = tpu.memref_squeeze %parallel_loop3A_796 : memref<1x80xf32, #tpu.memory_space<vmem>> -> memref<80xf32, #tpu.memory_space<vmem>>
          %parallel_loop3A_798 = arith.constant 32 : index
          %parallel_loop3A_799 = tpu.vector_load %parallel_loop3A_797[%parallel_loop3A_798] {strides = array<i32>} : memref<80xf32, #tpu.memory_space<vmem>>, vector<16xf32>,
          tpu.vector_store %parallel_loop3A_797[%parallel_loop3A_798], %parallel_loop3A_794 {strides = array<i32>} : memref<80xf32, #tpu.memory_space<vmem>>, vector<16xf32>,
          %parallel_loop3A_800 = arith.constant 0 : i32
          %parallel_loop3A_801 = tpu.memref_slice %arg16[%parallel_loop3A_751, %parallel_loop3A_800] : memref<80x80xf32, #tpu.memory_space<vmem>> -> memref<1x80xf32, #tpu.memory_space<vmem>>
          %parallel_loop3A_802 = tpu.memref_squeeze %parallel_loop3A_801 : memref<1x80xf32, #tpu.memory_space<vmem>> -> memref<80xf32, #tpu.memory_space<vmem>>
          %parallel_loop3A_803 = arith.constant 48 : index
          %parallel_loop3A_804 = tpu.vector_load %parallel_loop3A_802[%parallel_loop3A_803] {strides = array<i32>} : memref<80xf32, #tpu.memory_space<vmem>>, vector<16xf32>,
          %parallel_loop3A_805 = vector.broadcast %parallel_loop3A_747 : f32 to vector<16xf32>
          %parallel_loop3A_806 = arith.mulf %parallel_loop3A_805, %get3A_88 : vector<16xf32>
          %parallel_loop3A_807 = arith.addf %parallel_loop3A_804, %parallel_loop3A_806 : vector<16xf32>
          %parallel_loop3A_808 = arith.constant 0.000000e+00 : f32
          %parallel_loop3A_809 = vector.broadcast %parallel_loop3A_808 : f32 to vector<16xf32>
          %parallel_loop3A_810 = arith.maximumf %parallel_loop3A_807, %parallel_loop3A_809 : vector<16xf32>
          %parallel_loop3A_811 = arith.constant 0 : i32
          %parallel_loop3A_812 = tpu.memref_slice %arg18[%parallel_loop3A_751, %parallel_loop3A_811] : memref<80x80xf32, #tpu.memory_space<vmem>> -> memref<1x80xf32, #tpu.memory_space<vmem>>
          %parallel_loop3A_813 = tpu.memref_squeeze %parallel_loop3A_812 : memref<1x80xf32, #tpu.memory_space<vmem>> -> memref<80xf32, #tpu.memory_space<vmem>>
          %parallel_loop3A_814 = arith.constant 48 : index
          %parallel_loop3A_815 = tpu.vector_load %parallel_loop3A_813[%parallel_loop3A_814] {strides = array<i32>} : memref<80xf32, #tpu.memory_space<vmem>>, vector<16xf32>,
          tpu.vector_store %parallel_loop3A_813[%parallel_loop3A_814], %parallel_loop3A_810 {strides = array<i32>} : memref<80xf32, #tpu.memory_space<vmem>>, vector<16xf32>,
          %parallel_loop3A_816 = arith.constant 0 : i32
          %parallel_loop3A_817 = tpu.memref_slice %arg16[%parallel_loop3A_751, %parallel_loop3A_816] : memref<80x80xf32, #tpu.memory_space<vmem>> -> memref<1x80xf32, #tpu.memory_space<vmem>>
          %parallel_loop3A_818 = tpu.memref_squeeze %parallel_loop3A_817 : memref<1x80xf32, #tpu.memory_space<vmem>> -> memref<80xf32, #tpu.memory_space<vmem>>
          %parallel_loop3A_819 = arith.constant 64 : index
          %parallel_loop3A_820 = tpu.vector_load %parallel_loop3A_818[%parallel_loop3A_819] {strides = array<i32>} : memref<80xf32, #tpu.memory_space<vmem>>, vector<16xf32>,
          %parallel_loop3A_821 = vector.broadcast %parallel_loop3A_747 : f32 to vector<16xf32>
          %parallel_loop3A_822 = arith.mulf %parallel_loop3A_821, %get3A_90 : vector<16xf32>
          %parallel_loop3A_823 = arith.addf %parallel_loop3A_820, %parallel_loop3A_822 : vector<16xf32>
          %parallel_loop3A_824 = arith.constant 0.000000e+00 : f32
          %parallel_loop3A_825 = vector.broadcast %parallel_loop3A_824 : f32 to vector<16xf32>
          %parallel_loop3A_826 = arith.maximumf %parallel_loop3A_823, %parallel_loop3A_825 : vector<16xf32>
          %parallel_loop3A_827 = arith.constant 0 : i32
          %parallel_loop3A_828 = tpu.memref_slice %arg18[%parallel_loop3A_751, %parallel_loop3A_827] : memref<80x80xf32, #tpu.memory_space<vmem>> -> memref<1x80xf32, #tpu.memory_space<vmem>>
          %parallel_loop3A_829 = tpu.memref_squeeze %parallel_loop3A_828 : memref<1x80xf32, #tpu.memory_space<vmem>> -> memref<80xf32, #tpu.memory_space<vmem>>
          %parallel_loop3A_830 = arith.constant 64 : index
          %parallel_loop3A_831 = tpu.vector_load %parallel_loop3A_829[%parallel_loop3A_830] {strides = array<i32>} : memref<80xf32, #tpu.memory_space<vmem>>, vector<16xf32>,
          tpu.vector_store %parallel_loop3A_829[%parallel_loop3A_830], %parallel_loop3A_826 {strides = array<i32>} : memref<80xf32, #tpu.memory_space<vmem>>, vector<16xf32>,
          %parallel_loop3A_832 = vector.extract_strided_slice %parallel_loop3A_229 {offsets = [7], sizes = [1], strides = [1]} : vector<16xf32> to vector<1xf32>
          %parallel_loop3A_833 = vector.extract %parallel_loop3A_832[0] : f32 from vector<1xf32>
          %parallel_loop3A_834 = arith.constant 16 : i32
          %parallel_loop3A_835 = arith.muli %parallel_loop3A_225, %parallel_loop3A_834 : i32
          %parallel_loop3A_836 = arith.constant 7 : i32
          %parallel_loop3A_837 = arith.addi %parallel_loop3A_835, %parallel_loop3A_836 : i32
          %parallel_loop3A_838 = arith.constant 0 : i32
          %parallel_loop3A_839 = tpu.memref_slice %arg16[%parallel_loop3A_837, %parallel_loop3A_838] : memref<80x80xf32, #tpu.memory_space<vmem>> -> memref<1x80xf32, #tpu.memory_space<vmem>>
          %parallel_loop3A_840 = tpu.memref_squeeze %parallel_loop3A_839 : memref<1x80xf32, #tpu.memory_space<vmem>> -> memref<80xf32, #tpu.memory_space<vmem>>
          %parallel_loop3A_841 = arith.constant 0 : index
          %parallel_loop3A_842 = tpu.vector_load %parallel_loop3A_840[%parallel_loop3A_841] {strides = array<i32>} : memref<80xf32, #tpu.memory_space<vmem>>, vector<16xf32>,
          %parallel_loop3A_843 = vector.broadcast %parallel_loop3A_833 : f32 to vector<16xf32>
          %parallel_loop3A_844 = arith.mulf %parallel_loop3A_843, %get3A_82 : vector<16xf32>
          %parallel_loop3A_845 = arith.addf %parallel_loop3A_842, %parallel_loop3A_844 : vector<16xf32>
          %parallel_loop3A_846 = arith.constant 0.000000e+00 : f32
          %parallel_loop3A_847 = vector.broadcast %parallel_loop3A_846 : f32 to vector<16xf32>
          %parallel_loop3A_848 = arith.maximumf %parallel_loop3A_845, %parallel_loop3A_847 : vector<16xf32>
          %parallel_loop3A_849 = arith.constant 0 : i32
          %parallel_loop3A_850 = tpu.memref_slice %arg18[%parallel_loop3A_837, %parallel_loop3A_849] : memref<80x80xf32, #tpu.memory_space<vmem>> -> memref<1x80xf32, #tpu.memory_space<vmem>>
          %parallel_loop3A_851 = tpu.memref_squeeze %parallel_loop3A_850 : memref<1x80xf32, #tpu.memory_space<vmem>> -> memref<80xf32, #tpu.memory_space<vmem>>
          %parallel_loop3A_852 = arith.constant 0 : index
          %parallel_loop3A_853 = tpu.vector_load %parallel_loop3A_851[%parallel_loop3A_852] {strides = array<i32>} : memref<80xf32, #tpu.memory_space<vmem>>, vector<16xf32>,
          tpu.vector_store %parallel_loop3A_851[%parallel_loop3A_852], %parallel_loop3A_848 {strides = array<i32>} : memref<80xf32, #tpu.memory_space<vmem>>, vector<16xf32>,
          %parallel_loop3A_854 = arith.constant 0 : i32
          %parallel_loop3A_855 = tpu.memref_slice %arg16[%parallel_loop3A_837, %parallel_loop3A_854] : memref<80x80xf32, #tpu.memory_space<vmem>> -> memref<1x80xf32, #tpu.memory_space<vmem>>
          %parallel_loop3A_856 = tpu.memref_squeeze %parallel_loop3A_855 : memref<1x80xf32, #tpu.memory_space<vmem>> -> memref<80xf32, #tpu.memory_space<vmem>>
          %parallel_loop3A_857 = arith.constant 16 : index
          %parallel_loop3A_858 = tpu.vector_load %parallel_loop3A_856[%parallel_loop3A_857] {strides = array<i32>} : memref<80xf32, #tpu.memory_space<vmem>>, vector<16xf32>,
          %parallel_loop3A_859 = vector.broadcast %parallel_loop3A_833 : f32 to vector<16xf32>
          %parallel_loop3A_860 = arith.mulf %parallel_loop3A_859, %get3A_84 : vector<16xf32>
          %parallel_loop3A_861 = arith.addf %parallel_loop3A_858, %parallel_loop3A_860 : vector<16xf32>
          %parallel_loop3A_862 = arith.constant 0.000000e+00 : f32
          %parallel_loop3A_863 = vector.broadcast %parallel_loop3A_862 : f32 to vector<16xf32>
          %parallel_loop3A_864 = arith.maximumf %parallel_loop3A_861, %parallel_loop3A_863 : vector<16xf32>
          %parallel_loop3A_865 = arith.constant 0 : i32
          %parallel_loop3A_866 = tpu.memref_slice %arg18[%parallel_loop3A_837, %parallel_loop3A_865] : memref<80x80xf32, #tpu.memory_space<vmem>> -> memref<1x80xf32, #tpu.memory_space<vmem>>
          %parallel_loop3A_867 = tpu.memref_squeeze %parallel_loop3A_866 : memref<1x80xf32, #tpu.memory_space<vmem>> -> memref<80xf32, #tpu.memory_space<vmem>>
          %parallel_loop3A_868 = arith.constant 16 : index
          %parallel_loop3A_869 = tpu.vector_load %parallel_loop3A_867[%parallel_loop3A_868] {strides = array<i32>} : memref<80xf32, #tpu.memory_space<vmem>>, vector<16xf32>,
          tpu.vector_store %parallel_loop3A_867[%parallel_loop3A_868], %parallel_loop3A_864 {strides = array<i32>} : memref<80xf32, #tpu.memory_space<vmem>>, vector<16xf32>,
          %parallel_loop3A_870 = arith.constant 0 : i32
          %parallel_loop3A_871 = tpu.memref_slice %arg16[%parallel_loop3A_837, %parallel_loop3A_870] : memref<80x80xf32, #tpu.memory_space<vmem>> -> memref<1x80xf32, #tpu.memory_space<vmem>>
          %parallel_loop3A_872 = tpu.memref_squeeze %parallel_loop3A_871 : memref<1x80xf32, #tpu.memory_space<vmem>> -> memref<80xf32, #tpu.memory_space<vmem>>
          %parallel_loop3A_873 = arith.constant 32 : index
          %parallel_loop3A_874 = tpu.vector_load %parallel_loop3A_872[%parallel_loop3A_873] {strides = array<i32>} : memref<80xf32, #tpu.memory_space<vmem>>, vector<16xf32>,
          %parallel_loop3A_875 = vector.broadcast %parallel_loop3A_833 : f32 to vector<16xf32>
          %parallel_loop3A_876 = arith.mulf %parallel_loop3A_875, %get3A_86 : vector<16xf32>
          %parallel_loop3A_877 = arith.addf %parallel_loop3A_874, %parallel_loop3A_876 : vector<16xf32>
          %parallel_loop3A_878 = arith.constant 0.000000e+00 : f32
          %parallel_loop3A_879 = vector.broadcast %parallel_loop3A_878 : f32 to vector<16xf32>
          %parallel_loop3A_880 = arith.maximumf %parallel_loop3A_877, %parallel_loop3A_879 : vector<16xf32>
          %parallel_loop3A_881 = arith.constant 0 : i32
          %parallel_loop3A_882 = tpu.memref_slice %arg18[%parallel_loop3A_837, %parallel_loop3A_881] : memref<80x80xf32, #tpu.memory_space<vmem>> -> memref<1x80xf32, #tpu.memory_space<vmem>>
          %parallel_loop3A_883 = tpu.memref_squeeze %parallel_loop3A_882 : memref<1x80xf32, #tpu.memory_space<vmem>> -> memref<80xf32, #tpu.memory_space<vmem>>
          %parallel_loop3A_884 = arith.constant 32 : index
          %parallel_loop3A_885 = tpu.vector_load %parallel_loop3A_883[%parallel_loop3A_884] {strides = array<i32>} : memref<80xf32, #tpu.memory_space<vmem>>, vector<16xf32>,
          tpu.vector_store %parallel_loop3A_883[%parallel_loop3A_884], %parallel_loop3A_880 {strides = array<i32>} : memref<80xf32, #tpu.memory_space<vmem>>, vector<16xf32>,
          %parallel_loop3A_886 = arith.constant 0 : i32
          %parallel_loop3A_887 = tpu.memref_slice %arg16[%parallel_loop3A_837, %parallel_loop3A_886] : memref<80x80xf32, #tpu.memory_space<vmem>> -> memref<1x80xf32, #tpu.memory_space<vmem>>
          %parallel_loop3A_888 = tpu.memref_squeeze %parallel_loop3A_887 : memref<1x80xf32, #tpu.memory_space<vmem>> -> memref<80xf32, #tpu.memory_space<vmem>>
          %parallel_loop3A_889 = arith.constant 48 : index
          %parallel_loop3A_890 = tpu.vector_load %parallel_loop3A_888[%parallel_loop3A_889] {strides = array<i32>} : memref<80xf32, #tpu.memory_space<vmem>>, vector<16xf32>,
          %parallel_loop3A_891 = vector.broadcast %parallel_loop3A_833 : f32 to vector<16xf32>
          %parallel_loop3A_892 = arith.mulf %parallel_loop3A_891, %get3A_88 : vector<16xf32>
          %parallel_loop3A_893 = arith.addf %parallel_loop3A_890, %parallel_loop3A_892 : vector<16xf32>
          %parallel_loop3A_894 = arith.constant 0.000000e+00 : f32
          %parallel_loop3A_895 = vector.broadcast %parallel_loop3A_894 : f32 to vector<16xf32>
          %parallel_loop3A_896 = arith.maximumf %parallel_loop3A_893, %parallel_loop3A_895 : vector<16xf32>
          %parallel_loop3A_897 = arith.constant 0 : i32
          %parallel_loop3A_898 = tpu.memref_slice %arg18[%parallel_loop3A_837, %parallel_loop3A_897] : memref<80x80xf32, #tpu.memory_space<vmem>> -> memref<1x80xf32, #tpu.memory_space<vmem>>
          %parallel_loop3A_899 = tpu.memref_squeeze %parallel_loop3A_898 : memref<1x80xf32, #tpu.memory_space<vmem>> -> memref<80xf32, #tpu.memory_space<vmem>>
          %parallel_loop3A_900 = arith.constant 48 : index
          %parallel_loop3A_901 = tpu.vector_load %parallel_loop3A_899[%parallel_loop3A_900] {strides = array<i32>} : memref<80xf32, #tpu.memory_space<vmem>>, vector<16xf32>,
          tpu.vector_store %parallel_loop3A_899[%parallel_loop3A_900], %parallel_loop3A_896 {strides = array<i32>} : memref<80xf32, #tpu.memory_space<vmem>>, vector<16xf32>,
          %parallel_loop3A_902 = arith.constant 0 : i32
          %parallel_loop3A_903 = tpu.memref_slice %arg16[%parallel_loop3A_837, %parallel_loop3A_902] : memref<80x80xf32, #tpu.memory_space<vmem>> -> memref<1x80xf32, #tpu.memory_space<vmem>>
          %parallel_loop3A_904 = tpu.memref_squeeze %parallel_loop3A_903 : memref<1x80xf32, #tpu.memory_space<vmem>> -> memref<80xf32, #tpu.memory_space<vmem>>
          %parallel_loop3A_905 = arith.constant 64 : index
          %parallel_loop3A_906 = tpu.vector_load %parallel_loop3A_904[%parallel_loop3A_905] {strides = array<i32>} : memref<80xf32, #tpu.memory_space<vmem>>, vector<16xf32>,
          %parallel_loop3A_907 = vector.broadcast %parallel_loop3A_833 : f32 to vector<16xf32>
          %parallel_loop3A_908 = arith.mulf %parallel_loop3A_907, %get3A_90 : vector<16xf32>
          %parallel_loop3A_909 = arith.addf %parallel_loop3A_906, %parallel_loop3A_908 : vector<16xf32>
          %parallel_loop3A_910 = arith.constant 0.000000e+00 : f32
          %parallel_loop3A_911 = vector.broadcast %parallel_loop3A_910 : f32 to vector<16xf32>
          %parallel_loop3A_912 = arith.maximumf %parallel_loop3A_909, %parallel_loop3A_911 : vector<16xf32>
          %parallel_loop3A_913 = arith.constant 0 : i32
          %parallel_loop3A_914 = tpu.memref_slice %arg18[%parallel_loop3A_837, %parallel_loop3A_913] : memref<80x80xf32, #tpu.memory_space<vmem>> -> memref<1x80xf32, #tpu.memory_space<vmem>>
          %parallel_loop3A_915 = tpu.memref_squeeze %parallel_loop3A_914 : memref<1x80xf32, #tpu.memory_space<vmem>> -> memref<80xf32, #tpu.memory_space<vmem>>
          %parallel_loop3A_916 = arith.constant 64 : index
          %parallel_loop3A_917 = tpu.vector_load %parallel_loop3A_915[%parallel_loop3A_916] {strides = array<i32>} : memref<80xf32, #tpu.memory_space<vmem>>, vector<16xf32>,
          tpu.vector_store %parallel_loop3A_915[%parallel_loop3A_916], %parallel_loop3A_912 {strides = array<i32>} : memref<80xf32, #tpu.memory_space<vmem>>, vector<16xf32>,
          %parallel_loop3A_918 = vector.extract_strided_slice %parallel_loop3A_229 {offsets = [8], sizes = [1], strides = [1]} : vector<16xf32> to vector<1xf32>
          %parallel_loop3A_919 = vector.extract %parallel_loop3A_918[0] : f32 from vector<1xf32>
          %parallel_loop3A_920 = arith.constant 16 : i32
          %parallel_loop3A_921 = arith.muli %parallel_loop3A_225, %parallel_loop3A_920 : i32
          %parallel_loop3A_922 = arith.constant 8 : i32
          %parallel_loop3A_923 = arith.addi %parallel_loop3A_921, %parallel_loop3A_922 : i32
          %parallel_loop3A_924 = arith.constant 0 : i32
          %parallel_loop3A_925 = tpu.memref_slice %arg16[%parallel_loop3A_923, %parallel_loop3A_924] : memref<80x80xf32, #tpu.memory_space<vmem>> -> memref<1x80xf32, #tpu.memory_space<vmem>>
          %parallel_loop3A_926 = tpu.memref_squeeze %parallel_loop3A_925 : memref<1x80xf32, #tpu.memory_space<vmem>> -> memref<80xf32, #tpu.memory_space<vmem>>
          %parallel_loop3A_927 = arith.constant 0 : index
          %parallel_loop3A_928 = tpu.vector_load %parallel_loop3A_926[%parallel_loop3A_927] {strides = array<i32>} : memref<80xf32, #tpu.memory_space<vmem>>, vector<16xf32>,
          %parallel_loop3A_929 = vector.broadcast %parallel_loop3A_919 : f32 to vector<16xf32>
          %parallel_loop3A_930 = arith.mulf %parallel_loop3A_929, %get3A_82 : vector<16xf32>
          %parallel_loop3A_931 = arith.addf %parallel_loop3A_928, %parallel_loop3A_930 : vector<16xf32>
          %parallel_loop3A_932 = arith.constant 0.000000e+00 : f32
          %parallel_loop3A_933 = vector.broadcast %parallel_loop3A_932 : f32 to vector<16xf32>
          %parallel_loop3A_934 = arith.maximumf %parallel_loop3A_931, %parallel_loop3A_933 : vector<16xf32>
          %parallel_loop3A_935 = arith.constant 0 : i32
          %parallel_loop3A_936 = tpu.memref_slice %arg18[%parallel_loop3A_923, %parallel_loop3A_935] : memref<80x80xf32, #tpu.memory_space<vmem>> -> memref<1x80xf32, #tpu.memory_space<vmem>>
          %parallel_loop3A_937 = tpu.memref_squeeze %parallel_loop3A_936 : memref<1x80xf32, #tpu.memory_space<vmem>> -> memref<80xf32, #tpu.memory_space<vmem>>
          %parallel_loop3A_938 = arith.constant 0 : index
          %parallel_loop3A_939 = tpu.vector_load %parallel_loop3A_937[%parallel_loop3A_938] {strides = array<i32>} : memref<80xf32, #tpu.memory_space<vmem>>, vector<16xf32>,
          tpu.vector_store %parallel_loop3A_937[%parallel_loop3A_938], %parallel_loop3A_934 {strides = array<i32>} : memref<80xf32, #tpu.memory_space<vmem>>, vector<16xf32>,
          %parallel_loop3A_940 = arith.constant 0 : i32
          %parallel_loop3A_941 = tpu.memref_slice %arg16[%parallel_loop3A_923, %parallel_loop3A_940] : memref<80x80xf32, #tpu.memory_space<vmem>> -> memref<1x80xf32, #tpu.memory_space<vmem>>
          %parallel_loop3A_942 = tpu.memref_squeeze %parallel_loop3A_941 : memref<1x80xf32, #tpu.memory_space<vmem>> -> memref<80xf32, #tpu.memory_space<vmem>>
          %parallel_loop3A_943 = arith.constant 16 : index
          %parallel_loop3A_944 = tpu.vector_load %parallel_loop3A_942[%parallel_loop3A_943] {strides = array<i32>} : memref<80xf32, #tpu.memory_space<vmem>>, vector<16xf32>,
          %parallel_loop3A_945 = vector.broadcast %parallel_loop3A_919 : f32 to vector<16xf32>
          %parallel_loop3A_946 = arith.mulf %parallel_loop3A_945, %get3A_84 : vector<16xf32>
          %parallel_loop3A_947 = arith.addf %parallel_loop3A_944, %parallel_loop3A_946 : vector<16xf32>
          %parallel_loop3A_948 = arith.constant 0.000000e+00 : f32
          %parallel_loop3A_949 = vector.broadcast %parallel_loop3A_948 : f32 to vector<16xf32>
          %parallel_loop3A_950 = arith.maximumf %parallel_loop3A_947, %parallel_loop3A_949 : vector<16xf32>
          %parallel_loop3A_951 = arith.constant 0 : i32
          %parallel_loop3A_952 = tpu.memref_slice %arg18[%parallel_loop3A_923, %parallel_loop3A_951] : memref<80x80xf32, #tpu.memory_space<vmem>> -> memref<1x80xf32, #tpu.memory_space<vmem>>
          %parallel_loop3A_953 = tpu.memref_squeeze %parallel_loop3A_952 : memref<1x80xf32, #tpu.memory_space<vmem>> -> memref<80xf32, #tpu.memory_space<vmem>>
          %parallel_loop3A_954 = arith.constant 16 : index
          %parallel_loop3A_955 = tpu.vector_load %parallel_loop3A_953[%parallel_loop3A_954] {strides = array<i32>} : memref<80xf32, #tpu.memory_space<vmem>>, vector<16xf32>,
          tpu.vector_store %parallel_loop3A_953[%parallel_loop3A_954], %parallel_loop3A_950 {strides = array<i32>} : memref<80xf32, #tpu.memory_space<vmem>>, vector<16xf32>,
          %parallel_loop3A_956 = arith.constant 0 : i32
          %parallel_loop3A_957 = tpu.memref_slice %arg16[%parallel_loop3A_923, %parallel_loop3A_956] : memref<80x80xf32, #tpu.memory_space<vmem>> -> memref<1x80xf32, #tpu.memory_space<vmem>>
          %parallel_loop3A_958 = tpu.memref_squeeze %parallel_loop3A_957 : memref<1x80xf32, #tpu.memory_space<vmem>> -> memref<80xf32, #tpu.memory_space<vmem>>
          %parallel_loop3A_959 = arith.constant 32 : index
          %parallel_loop3A_960 = tpu.vector_load %parallel_loop3A_958[%parallel_loop3A_959] {strides = array<i32>} : memref<80xf32, #tpu.memory_space<vmem>>, vector<16xf32>,
          %parallel_loop3A_961 = vector.broadcast %parallel_loop3A_919 : f32 to vector<16xf32>
          %parallel_loop3A_962 = arith.mulf %parallel_loop3A_961, %get3A_86 : vector<16xf32>
          %parallel_loop3A_963 = arith.addf %parallel_loop3A_960, %parallel_loop3A_962 : vector<16xf32>
          %parallel_loop3A_964 = arith.constant 0.000000e+00 : f32
          %parallel_loop3A_965 = vector.broadcast %parallel_loop3A_964 : f32 to vector<16xf32>
          %parallel_loop3A_966 = arith.maximumf %parallel_loop3A_963, %parallel_loop3A_965 : vector<16xf32>
          %parallel_loop3A_967 = arith.constant 0 : i32
          %parallel_loop3A_968 = tpu.memref_slice %arg18[%parallel_loop3A_923, %parallel_loop3A_967] : memref<80x80xf32, #tpu.memory_space<vmem>> -> memref<1x80xf32, #tpu.memory_space<vmem>>
          %parallel_loop3A_969 = tpu.memref_squeeze %parallel_loop3A_968 : memref<1x80xf32, #tpu.memory_space<vmem>> -> memref<80xf32, #tpu.memory_space<vmem>>
          %parallel_loop3A_970 = arith.constant 32 : index
          %parallel_loop3A_971 = tpu.vector_load %parallel_loop3A_969[%parallel_loop3A_970] {strides = array<i32>} : memref<80xf32, #tpu.memory_space<vmem>>, vector<16xf32>,
          tpu.vector_store %parallel_loop3A_969[%parallel_loop3A_970], %parallel_loop3A_966 {strides = array<i32>} : memref<80xf32, #tpu.memory_space<vmem>>, vector<16xf32>,
          %parallel_loop3A_972 = arith.constant 0 : i32
          %parallel_loop3A_973 = tpu.memref_slice %arg16[%parallel_loop3A_923, %parallel_loop3A_972] : memref<80x80xf32, #tpu.memory_space<vmem>> -> memref<1x80xf32, #tpu.memory_space<vmem>>
          %parallel_loop3A_974 = tpu.memref_squeeze %parallel_loop3A_973 : memref<1x80xf32, #tpu.memory_space<vmem>> -> memref<80xf32, #tpu.memory_space<vmem>>
          %parallel_loop3A_975 = arith.constant 48 : index
          %parallel_loop3A_976 = tpu.vector_load %parallel_loop3A_974[%parallel_loop3A_975] {strides = array<i32>} : memref<80xf32, #tpu.memory_space<vmem>>, vector<16xf32>,
          %parallel_loop3A_977 = vector.broadcast %parallel_loop3A_919 : f32 to vector<16xf32>
          %parallel_loop3A_978 = arith.mulf %parallel_loop3A_977, %get3A_88 : vector<16xf32>
          %parallel_loop3A_979 = arith.addf %parallel_loop3A_976, %parallel_loop3A_978 : vector<16xf32>
          %parallel_loop3A_980 = arith.constant 0.000000e+00 : f32
          %parallel_loop3A_981 = vector.broadcast %parallel_loop3A_980 : f32 to vector<16xf32>
          %parallel_loop3A_982 = arith.maximumf %parallel_loop3A_979, %parallel_loop3A_981 : vector<16xf32>
          %parallel_loop3A_983 = arith.constant 0 : i32
          %parallel_loop3A_984 = tpu.memref_slice %arg18[%parallel_loop3A_923, %parallel_loop3A_983] : memref<80x80xf32, #tpu.memory_space<vmem>> -> memref<1x80xf32, #tpu.memory_space<vmem>>
          %parallel_loop3A_985 = tpu.memref_squeeze %parallel_loop3A_984 : memref<1x80xf32, #tpu.memory_space<vmem>> -> memref<80xf32, #tpu.memory_space<vmem>>
          %parallel_loop3A_986 = arith.constant 48 : index
          %parallel_loop3A_987 = tpu.vector_load %parallel_loop3A_985[%parallel_loop3A_986] {strides = array<i32>} : memref<80xf32, #tpu.memory_space<vmem>>, vector<16xf32>,
          tpu.vector_store %parallel_loop3A_985[%parallel_loop3A_986], %parallel_loop3A_982 {strides = array<i32>} : memref<80xf32, #tpu.memory_space<vmem>>, vector<16xf32>,
          %parallel_loop3A_988 = arith.constant 0 : i32
          %parallel_loop3A_989 = tpu.memref_slice %arg16[%parallel_loop3A_923, %parallel_loop3A_988] : memref<80x80xf32, #tpu.memory_space<vmem>> -> memref<1x80xf32, #tpu.memory_space<vmem>>
          %parallel_loop3A_990 = tpu.memref_squeeze %parallel_loop3A_989 : memref<1x80xf32, #tpu.memory_space<vmem>> -> memref<80xf32, #tpu.memory_space<vmem>>
          %parallel_loop3A_991 = arith.constant 64 : index
          %parallel_loop3A_992 = tpu.vector_load %parallel_loop3A_990[%parallel_loop3A_991] {strides = array<i32>} : memref<80xf32, #tpu.memory_space<vmem>>, vector<16xf32>,
          %parallel_loop3A_993 = vector.broadcast %parallel_loop3A_919 : f32 to vector<16xf32>
          %parallel_loop3A_994 = arith.mulf %parallel_loop3A_993, %get3A_90 : vector<16xf32>
          %parallel_loop3A_995 = arith.addf %parallel_loop3A_992, %parallel_loop3A_994 : vector<16xf32>
          %parallel_loop3A_996 = arith.constant 0.000000e+00 : f32
          %parallel_loop3A_997 = vector.broadcast %parallel_loop3A_996 : f32 to vector<16xf32>
          %parallel_loop3A_998 = arith.maximumf %parallel_loop3A_995, %parallel_loop3A_997 : vector<16xf32>
          %parallel_loop3A_999 = arith.constant 0 : i32
          %parallel_loop3A_1000 = tpu.memref_slice %arg18[%parallel_loop3A_923, %parallel_loop3A_999] : memref<80x80xf32, #tpu.memory_space<vmem>> -> memref<1x80xf32, #tpu.memory_space<vmem>>
          %parallel_loop3A_1001 = tpu.memref_squeeze %parallel_loop3A_1000 : memref<1x80xf32, #tpu.memory_space<vmem>> -> memref<80xf32, #tpu.memory_space<vmem>>
          %parallel_loop3A_1002 = arith.constant 64 : index
          %parallel_loop3A_1003 = tpu.vector_load %parallel_loop3A_1001[%parallel_loop3A_1002] {strides = array<i32>} : memref<80xf32, #tpu.memory_space<vmem>>, vector<16xf32>,
          tpu.vector_store %parallel_loop3A_1001[%parallel_loop3A_1002], %parallel_loop3A_998 {strides = array<i32>} : memref<80xf32, #tpu.memory_space<vmem>>, vector<16xf32>,
          %parallel_loop3A_1004 = vector.extract_strided_slice %parallel_loop3A_229 {offsets = [9], sizes = [1], strides = [1]} : vector<16xf32> to vector<1xf32>
          %parallel_loop3A_1005 = vector.extract %parallel_loop3A_1004[0] : f32 from vector<1xf32>
          %parallel_loop3A_1006 = arith.constant 16 : i32
          %parallel_loop3A_1007 = arith.muli %parallel_loop3A_225, %parallel_loop3A_1006 : i32
          %parallel_loop3A_1008 = arith.constant 9 : i32
          %parallel_loop3A_1009 = arith.addi %parallel_loop3A_1007, %parallel_loop3A_1008 : i32
          %parallel_loop3A_1010 = arith.constant 0 : i32
          %parallel_loop3A_1011 = tpu.memref_slice %arg16[%parallel_loop3A_1009, %parallel_loop3A_1010] : memref<80x80xf32, #tpu.memory_space<vmem>> -> memref<1x80xf32, #tpu.memory_space<vmem>>
          %parallel_loop3A_1012 = tpu.memref_squeeze %parallel_loop3A_1011 : memref<1x80xf32, #tpu.memory_space<vmem>> -> memref<80xf32, #tpu.memory_space<vmem>>
          %parallel_loop3A_1013 = arith.constant 0 : index
          %parallel_loop3A_1014 = tpu.vector_load %parallel_loop3A_1012[%parallel_loop3A_1013] {strides = array<i32>} : memref<80xf32, #tpu.memory_space<vmem>>, vector<16xf32>,
          %parallel_loop3A_1015 = vector.broadcast %parallel_loop3A_1005 : f32 to vector<16xf32>
          %parallel_loop3A_1016 = arith.mulf %parallel_loop3A_1015, %get3A_82 : vector<16xf32>
          %parallel_loop3A_1017 = arith.addf %parallel_loop3A_1014, %parallel_loop3A_1016 : vector<16xf32>
          %parallel_loop3A_1018 = arith.constant 0.000000e+00 : f32
          %parallel_loop3A_1019 = vector.broadcast %parallel_loop3A_1018 : f32 to vector<16xf32>
          %parallel_loop3A_1020 = arith.maximumf %parallel_loop3A_1017, %parallel_loop3A_1019 : vector<16xf32>
          %parallel_loop3A_1021 = arith.constant 0 : i32
          %parallel_loop3A_1022 = tpu.memref_slice %arg18[%parallel_loop3A_1009, %parallel_loop3A_1021] : memref<80x80xf32, #tpu.memory_space<vmem>> -> memref<1x80xf32, #tpu.memory_space<vmem>>
          %parallel_loop3A_1023 = tpu.memref_squeeze %parallel_loop3A_1022 : memref<1x80xf32, #tpu.memory_space<vmem>> -> memref<80xf32, #tpu.memory_space<vmem>>
          %parallel_loop3A_1024 = arith.constant 0 : index
          %parallel_loop3A_1025 = tpu.vector_load %parallel_loop3A_1023[%parallel_loop3A_1024] {strides = array<i32>} : memref<80xf32, #tpu.memory_space<vmem>>, vector<16xf32>,
          tpu.vector_store %parallel_loop3A_1023[%parallel_loop3A_1024], %parallel_loop3A_1020 {strides = array<i32>} : memref<80xf32, #tpu.memory_space<vmem>>, vector<16xf32>,
          %parallel_loop3A_1026 = arith.constant 0 : i32
          %parallel_loop3A_1027 = tpu.memref_slice %arg16[%parallel_loop3A_1009, %parallel_loop3A_1026] : memref<80x80xf32, #tpu.memory_space<vmem>> -> memref<1x80xf32, #tpu.memory_space<vmem>>
          %parallel_loop3A_1028 = tpu.memref_squeeze %parallel_loop3A_1027 : memref<1x80xf32, #tpu.memory_space<vmem>> -> memref<80xf32, #tpu.memory_space<vmem>>
          %parallel_loop3A_1029 = arith.constant 16 : index
          %parallel_loop3A_1030 = tpu.vector_load %parallel_loop3A_1028[%parallel_loop3A_1029] {strides = array<i32>} : memref<80xf32, #tpu.memory_space<vmem>>, vector<16xf32>,
          %parallel_loop3A_1031 = vector.broadcast %parallel_loop3A_1005 : f32 to vector<16xf32>
          %parallel_loop3A_1032 = arith.mulf %parallel_loop3A_1031, %get3A_84 : vector<16xf32>
          %parallel_loop3A_1033 = arith.addf %parallel_loop3A_1030, %parallel_loop3A_1032 : vector<16xf32>
          %parallel_loop3A_1034 = arith.constant 0.000000e+00 : f32
          %parallel_loop3A_1035 = vector.broadcast %parallel_loop3A_1034 : f32 to vector<16xf32>
          %parallel_loop3A_1036 = arith.maximumf %parallel_loop3A_1033, %parallel_loop3A_1035 : vector<16xf32>
          %parallel_loop3A_1037 = arith.constant 0 : i32
          %parallel_loop3A_1038 = tpu.memref_slice %arg18[%parallel_loop3A_1009, %parallel_loop3A_1037] : memref<80x80xf32, #tpu.memory_space<vmem>> -> memref<1x80xf32, #tpu.memory_space<vmem>>
          %parallel_loop3A_1039 = tpu.memref_squeeze %parallel_loop3A_1038 : memref<1x80xf32, #tpu.memory_space<vmem>> -> memref<80xf32, #tpu.memory_space<vmem>>
          %parallel_loop3A_1040 = arith.constant 16 : index
          %parallel_loop3A_1041 = tpu.vector_load %parallel_loop3A_1039[%parallel_loop3A_1040] {strides = array<i32>} : memref<80xf32, #tpu.memory_space<vmem>>, vector<16xf32>,
          tpu.vector_store %parallel_loop3A_1039[%parallel_loop3A_1040], %parallel_loop3A_1036 {strides = array<i32>} : memref<80xf32, #tpu.memory_space<vmem>>, vector<16xf32>,
          %parallel_loop3A_1042 = arith.constant 0 : i32
          %parallel_loop3A_1043 = tpu.memref_slice %arg16[%parallel_loop3A_1009, %parallel_loop3A_1042] : memref<80x80xf32, #tpu.memory_space<vmem>> -> memref<1x80xf32, #tpu.memory_space<vmem>>
          %parallel_loop3A_1044 = tpu.memref_squeeze %parallel_loop3A_1043 : memref<1x80xf32, #tpu.memory_space<vmem>> -> memref<80xf32, #tpu.memory_space<vmem>>
          %parallel_loop3A_1045 = arith.constant 32 : index
          %parallel_loop3A_1046 = tpu.vector_load %parallel_loop3A_1044[%parallel_loop3A_1045] {strides = array<i32>} : memref<80xf32, #tpu.memory_space<vmem>>, vector<16xf32>,
          %parallel_loop3A_1047 = vector.broadcast %parallel_loop3A_1005 : f32 to vector<16xf32>
          %parallel_loop3A_1048 = arith.mulf %parallel_loop3A_1047, %get3A_86 : vector<16xf32>
          %parallel_loop3A_1049 = arith.addf %parallel_loop3A_1046, %parallel_loop3A_1048 : vector<16xf32>
          %parallel_loop3A_1050 = arith.constant 0.000000e+00 : f32
          %parallel_loop3A_1051 = vector.broadcast %parallel_loop3A_1050 : f32 to vector<16xf32>
          %parallel_loop3A_1052 = arith.maximumf %parallel_loop3A_1049, %parallel_loop3A_1051 : vector<16xf32>
          %parallel_loop3A_1053 = arith.constant 0 : i32
          %parallel_loop3A_1054 = tpu.memref_slice %arg18[%parallel_loop3A_1009, %parallel_loop3A_1053] : memref<80x80xf32, #tpu.memory_space<vmem>> -> memref<1x80xf32, #tpu.memory_space<vmem>>
          %parallel_loop3A_1055 = tpu.memref_squeeze %parallel_loop3A_1054 : memref<1x80xf32, #tpu.memory_space<vmem>> -> memref<80xf32, #tpu.memory_space<vmem>>
          %parallel_loop3A_1056 = arith.constant 32 : index
          %parallel_loop3A_1057 = tpu.vector_load %parallel_loop3A_1055[%parallel_loop3A_1056] {strides = array<i32>} : memref<80xf32, #tpu.memory_space<vmem>>, vector<16xf32>,
          tpu.vector_store %parallel_loop3A_1055[%parallel_loop3A_1056], %parallel_loop3A_1052 {strides = array<i32>} : memref<80xf32, #tpu.memory_space<vmem>>, vector<16xf32>,
          %parallel_loop3A_1058 = arith.constant 0 : i32
          %parallel_loop3A_1059 = tpu.memref_slice %arg16[%parallel_loop3A_1009, %parallel_loop3A_1058] : memref<80x80xf32, #tpu.memory_space<vmem>> -> memref<1x80xf32, #tpu.memory_space<vmem>>
          %parallel_loop3A_1060 = tpu.memref_squeeze %parallel_loop3A_1059 : memref<1x80xf32, #tpu.memory_space<vmem>> -> memref<80xf32, #tpu.memory_space<vmem>>
          %parallel_loop3A_1061 = arith.constant 48 : index
          %parallel_loop3A_1062 = tpu.vector_load %parallel_loop3A_1060[%parallel_loop3A_1061] {strides = array<i32>} : memref<80xf32, #tpu.memory_space<vmem>>, vector<16xf32>,
          %parallel_loop3A_1063 = vector.broadcast %parallel_loop3A_1005 : f32 to vector<16xf32>
          %parallel_loop3A_1064 = arith.mulf %parallel_loop3A_1063, %get3A_88 : vector<16xf32>
          %parallel_loop3A_1065 = arith.addf %parallel_loop3A_1062, %parallel_loop3A_1064 : vector<16xf32>
          %parallel_loop3A_1066 = arith.constant 0.000000e+00 : f32
          %parallel_loop3A_1067 = vector.broadcast %parallel_loop3A_1066 : f32 to vector<16xf32>
          %parallel_loop3A_1068 = arith.maximumf %parallel_loop3A_1065, %parallel_loop3A_1067 : vector<16xf32>
          %parallel_loop3A_1069 = arith.constant 0 : i32
          %parallel_loop3A_1070 = tpu.memref_slice %arg18[%parallel_loop3A_1009, %parallel_loop3A_1069] : memref<80x80xf32, #tpu.memory_space<vmem>> -> memref<1x80xf32, #tpu.memory_space<vmem>>
          %parallel_loop3A_1071 = tpu.memref_squeeze %parallel_loop3A_1070 : memref<1x80xf32, #tpu.memory_space<vmem>> -> memref<80xf32, #tpu.memory_space<vmem>>
          %parallel_loop3A_1072 = arith.constant 48 : index
          %parallel_loop3A_1073 = tpu.vector_load %parallel_loop3A_1071[%parallel_loop3A_1072] {strides = array<i32>} : memref<80xf32, #tpu.memory_space<vmem>>, vector<16xf32>,
          tpu.vector_store %parallel_loop3A_1071[%parallel_loop3A_1072], %parallel_loop3A_1068 {strides = array<i32>} : memref<80xf32, #tpu.memory_space<vmem>>, vector<16xf32>,
          %parallel_loop3A_1074 = arith.constant 0 : i32
          %parallel_loop3A_1075 = tpu.memref_slice %arg16[%parallel_loop3A_1009, %parallel_loop3A_1074] : memref<80x80xf32, #tpu.memory_space<vmem>> -> memref<1x80xf32, #tpu.memory_space<vmem>>
          %parallel_loop3A_1076 = tpu.memref_squeeze %parallel_loop3A_1075 : memref<1x80xf32, #tpu.memory_space<vmem>> -> memref<80xf32, #tpu.memory_space<vmem>>
          %parallel_loop3A_1077 = arith.constant 64 : index
          %parallel_loop3A_1078 = tpu.vector_load %parallel_loop3A_1076[%parallel_loop3A_1077] {strides = array<i32>} : memref<80xf32, #tpu.memory_space<vmem>>, vector<16xf32>,
          %parallel_loop3A_1079 = vector.broadcast %parallel_loop3A_1005 : f32 to vector<16xf32>
          %parallel_loop3A_1080 = arith.mulf %parallel_loop3A_1079, %get3A_90 : vector<16xf32>
          %parallel_loop3A_1081 = arith.addf %parallel_loop3A_1078, %parallel_loop3A_1080 : vector<16xf32>
          %parallel_loop3A_1082 = arith.constant 0.000000e+00 : f32
          %parallel_loop3A_1083 = vector.broadcast %parallel_loop3A_1082 : f32 to vector<16xf32>
          %parallel_loop3A_1084 = arith.maximumf %parallel_loop3A_1081, %parallel_loop3A_1083 : vector<16xf32>
          %parallel_loop3A_1085 = arith.constant 0 : i32
          %parallel_loop3A_1086 = tpu.memref_slice %arg18[%parallel_loop3A_1009, %parallel_loop3A_1085] : memref<80x80xf32, #tpu.memory_space<vmem>> -> memref<1x80xf32, #tpu.memory_space<vmem>>
          %parallel_loop3A_1087 = tpu.memref_squeeze %parallel_loop3A_1086 : memref<1x80xf32, #tpu.memory_space<vmem>> -> memref<80xf32, #tpu.memory_space<vmem>>
          %parallel_loop3A_1088 = arith.constant 64 : index
          %parallel_loop3A_1089 = tpu.vector_load %parallel_loop3A_1087[%parallel_loop3A_1088] {strides = array<i32>} : memref<80xf32, #tpu.memory_space<vmem>>, vector<16xf32>,
          tpu.vector_store %parallel_loop3A_1087[%parallel_loop3A_1088], %parallel_loop3A_1084 {strides = array<i32>} : memref<80xf32, #tpu.memory_space<vmem>>, vector<16xf32>,
          %parallel_loop3A_1090 = vector.extract_strided_slice %parallel_loop3A_229 {offsets = [10], sizes = [1], strides = [1]} : vector<16xf32> to vector<1xf32>
          %parallel_loop3A_1091 = vector.extract %parallel_loop3A_1090[0] : f32 from vector<1xf32>
          %parallel_loop3A_1092 = arith.constant 16 : i32
          %parallel_loop3A_1093 = arith.muli %parallel_loop3A_225, %parallel_loop3A_1092 : i32
          %parallel_loop3A_1094 = arith.constant 10 : i32
          %parallel_loop3A_1095 = arith.addi %parallel_loop3A_1093, %parallel_loop3A_1094 : i32
          %parallel_loop3A_1096 = arith.constant 0 : i32
          %parallel_loop3A_1097 = tpu.memref_slice %arg16[%parallel_loop3A_1095, %parallel_loop3A_1096] : memref<80x80xf32, #tpu.memory_space<vmem>> -> memref<1x80xf32, #tpu.memory_space<vmem>>
          %parallel_loop3A_1098 = tpu.memref_squeeze %parallel_loop3A_1097 : memref<1x80xf32, #tpu.memory_space<vmem>> -> memref<80xf32, #tpu.memory_space<vmem>>
          %parallel_loop3A_1099 = arith.constant 0 : index
          %parallel_loop3A_1100 = tpu.vector_load %parallel_loop3A_1098[%parallel_loop3A_1099] {strides = array<i32>} : memref<80xf32, #tpu.memory_space<vmem>>, vector<16xf32>,
          %parallel_loop3A_1101 = vector.broadcast %parallel_loop3A_1091 : f32 to vector<16xf32>
          %parallel_loop3A_1102 = arith.mulf %parallel_loop3A_1101, %get3A_82 : vector<16xf32>
          %parallel_loop3A_1103 = arith.addf %parallel_loop3A_1100, %parallel_loop3A_1102 : vector<16xf32>
          %parallel_loop3A_1104 = arith.constant 0.000000e+00 : f32
          %parallel_loop3A_1105 = vector.broadcast %parallel_loop3A_1104 : f32 to vector<16xf32>
          %parallel_loop3A_1106 = arith.maximumf %parallel_loop3A_1103, %parallel_loop3A_1105 : vector<16xf32>
          %parallel_loop3A_1107 = arith.constant 0 : i32
          %parallel_loop3A_1108 = tpu.memref_slice %arg18[%parallel_loop3A_1095, %parallel_loop3A_1107] : memref<80x80xf32, #tpu.memory_space<vmem>> -> memref<1x80xf32, #tpu.memory_space<vmem>>
          %parallel_loop3A_1109 = tpu.memref_squeeze %parallel_loop3A_1108 : memref<1x80xf32, #tpu.memory_space<vmem>> -> memref<80xf32, #tpu.memory_space<vmem>>
          %parallel_loop3A_1110 = arith.constant 0 : index
          %parallel_loop3A_1111 = tpu.vector_load %parallel_loop3A_1109[%parallel_loop3A_1110] {strides = array<i32>} : memref<80xf32, #tpu.memory_space<vmem>>, vector<16xf32>,
          tpu.vector_store %parallel_loop3A_1109[%parallel_loop3A_1110], %parallel_loop3A_1106 {strides = array<i32>} : memref<80xf32, #tpu.memory_space<vmem>>, vector<16xf32>,
          %parallel_loop3A_1112 = arith.constant 0 : i32
          %parallel_loop3A_1113 = tpu.memref_slice %arg16[%parallel_loop3A_1095, %parallel_loop3A_1112] : memref<80x80xf32, #tpu.memory_space<vmem>> -> memref<1x80xf32, #tpu.memory_space<vmem>>
          %parallel_loop3A_1114 = tpu.memref_squeeze %parallel_loop3A_1113 : memref<1x80xf32, #tpu.memory_space<vmem>> -> memref<80xf32, #tpu.memory_space<vmem>>
          %parallel_loop3A_1115 = arith.constant 16 : index
          %parallel_loop3A_1116 = tpu.vector_load %parallel_loop3A_1114[%parallel_loop3A_1115] {strides = array<i32>} : memref<80xf32, #tpu.memory_space<vmem>>, vector<16xf32>,
          %parallel_loop3A_1117 = vector.broadcast %parallel_loop3A_1091 : f32 to vector<16xf32>
          %parallel_loop3A_1118 = arith.mulf %parallel_loop3A_1117, %get3A_84 : vector<16xf32>
          %parallel_loop3A_1119 = arith.addf %parallel_loop3A_1116, %parallel_loop3A_1118 : vector<16xf32>
          %parallel_loop3A_1120 = arith.constant 0.000000e+00 : f32
          %parallel_loop3A_1121 = vector.broadcast %parallel_loop3A_1120 : f32 to vector<16xf32>
          %parallel_loop3A_1122 = arith.maximumf %parallel_loop3A_1119, %parallel_loop3A_1121 : vector<16xf32>
          %parallel_loop3A_1123 = arith.constant 0 : i32
          %parallel_loop3A_1124 = tpu.memref_slice %arg18[%parallel_loop3A_1095, %parallel_loop3A_1123] : memref<80x80xf32, #tpu.memory_space<vmem>> -> memref<1x80xf32, #tpu.memory_space<vmem>>
          %parallel_loop3A_1125 = tpu.memref_squeeze %parallel_loop3A_1124 : memref<1x80xf32, #tpu.memory_space<vmem>> -> memref<80xf32, #tpu.memory_space<vmem>>
          %parallel_loop3A_1126 = arith.constant 16 : index
          %parallel_loop3A_1127 = tpu.vector_load %parallel_loop3A_1125[%parallel_loop3A_1126] {strides = array<i32>} : memref<80xf32, #tpu.memory_space<vmem>>, vector<16xf32>,
          tpu.vector_store %parallel_loop3A_1125[%parallel_loop3A_1126], %parallel_loop3A_1122 {strides = array<i32>} : memref<80xf32, #tpu.memory_space<vmem>>, vector<16xf32>,
          %parallel_loop3A_1128 = arith.constant 0 : i32
          %parallel_loop3A_1129 = tpu.memref_slice %arg16[%parallel_loop3A_1095, %parallel_loop3A_1128] : memref<80x80xf32, #tpu.memory_space<vmem>> -> memref<1x80xf32, #tpu.memory_space<vmem>>
          %parallel_loop3A_1130 = tpu.memref_squeeze %parallel_loop3A_1129 : memref<1x80xf32, #tpu.memory_space<vmem>> -> memref<80xf32, #tpu.memory_space<vmem>>
          %parallel_loop3A_1131 = arith.constant 32 : index
          %parallel_loop3A_1132 = tpu.vector_load %parallel_loop3A_1130[%parallel_loop3A_1131] {strides = array<i32>} : memref<80xf32, #tpu.memory_space<vmem>>, vector<16xf32>,
          %parallel_loop3A_1133 = vector.broadcast %parallel_loop3A_1091 : f32 to vector<16xf32>
          %parallel_loop3A_1134 = arith.mulf %parallel_loop3A_1133, %get3A_86 : vector<16xf32>
          %parallel_loop3A_1135 = arith.addf %parallel_loop3A_1132, %parallel_loop3A_1134 : vector<16xf32>
          %parallel_loop3A_1136 = arith.constant 0.000000e+00 : f32
          %parallel_loop3A_1137 = vector.broadcast %parallel_loop3A_1136 : f32 to vector<16xf32>
          %parallel_loop3A_1138 = arith.maximumf %parallel_loop3A_1135, %parallel_loop3A_1137 : vector<16xf32>
          %parallel_loop3A_1139 = arith.constant 0 : i32
          %parallel_loop3A_1140 = tpu.memref_slice %arg18[%parallel_loop3A_1095, %parallel_loop3A_1139] : memref<80x80xf32, #tpu.memory_space<vmem>> -> memref<1x80xf32, #tpu.memory_space<vmem>>
          %parallel_loop3A_1141 = tpu.memref_squeeze %parallel_loop3A_1140 : memref<1x80xf32, #tpu.memory_space<vmem>> -> memref<80xf32, #tpu.memory_space<vmem>>
          %parallel_loop3A_1142 = arith.constant 32 : index
          %parallel_loop3A_1143 = tpu.vector_load %parallel_loop3A_1141[%parallel_loop3A_1142] {strides = array<i32>} : memref<80xf32, #tpu.memory_space<vmem>>, vector<16xf32>,
          tpu.vector_store %parallel_loop3A_1141[%parallel_loop3A_1142], %parallel_loop3A_1138 {strides = array<i32>} : memref<80xf32, #tpu.memory_space<vmem>>, vector<16xf32>,
          %parallel_loop3A_1144 = arith.constant 0 : i32
          %parallel_loop3A_1145 = tpu.memref_slice %arg16[%parallel_loop3A_1095, %parallel_loop3A_1144] : memref<80x80xf32, #tpu.memory_space<vmem>> -> memref<1x80xf32, #tpu.memory_space<vmem>>
          %parallel_loop3A_1146 = tpu.memref_squeeze %parallel_loop3A_1145 : memref<1x80xf32, #tpu.memory_space<vmem>> -> memref<80xf32, #tpu.memory_space<vmem>>
          %parallel_loop3A_1147 = arith.constant 48 : index
          %parallel_loop3A_1148 = tpu.vector_load %parallel_loop3A_1146[%parallel_loop3A_1147] {strides = array<i32>} : memref<80xf32, #tpu.memory_space<vmem>>, vector<16xf32>,
          %parallel_loop3A_1149 = vector.broadcast %parallel_loop3A_1091 : f32 to vector<16xf32>
          %parallel_loop3A_1150 = arith.mulf %parallel_loop3A_1149, %get3A_88 : vector<16xf32>
          %parallel_loop3A_1151 = arith.addf %parallel_loop3A_1148, %parallel_loop3A_1150 : vector<16xf32>
          %parallel_loop3A_1152 = arith.constant 0.000000e+00 : f32
          %parallel_loop3A_1153 = vector.broadcast %parallel_loop3A_1152 : f32 to vector<16xf32>
          %parallel_loop3A_1154 = arith.maximumf %parallel_loop3A_1151, %parallel_loop3A_1153 : vector<16xf32>
          %parallel_loop3A_1155 = arith.constant 0 : i32
          %parallel_loop3A_1156 = tpu.memref_slice %arg18[%parallel_loop3A_1095, %parallel_loop3A_1155] : memref<80x80xf32, #tpu.memory_space<vmem>> -> memref<1x80xf32, #tpu.memory_space<vmem>>
          %parallel_loop3A_1157 = tpu.memref_squeeze %parallel_loop3A_1156 : memref<1x80xf32, #tpu.memory_space<vmem>> -> memref<80xf32, #tpu.memory_space<vmem>>
          %parallel_loop3A_1158 = arith.constant 48 : index
          %parallel_loop3A_1159 = tpu.vector_load %parallel_loop3A_1157[%parallel_loop3A_1158] {strides = array<i32>} : memref<80xf32, #tpu.memory_space<vmem>>, vector<16xf32>,
          tpu.vector_store %parallel_loop3A_1157[%parallel_loop3A_1158], %parallel_loop3A_1154 {strides = array<i32>} : memref<80xf32, #tpu.memory_space<vmem>>, vector<16xf32>,
          %parallel_loop3A_1160 = arith.constant 0 : i32
          %parallel_loop3A_1161 = tpu.memref_slice %arg16[%parallel_loop3A_1095, %parallel_loop3A_1160] : memref<80x80xf32, #tpu.memory_space<vmem>> -> memref<1x80xf32, #tpu.memory_space<vmem>>
          %parallel_loop3A_1162 = tpu.memref_squeeze %parallel_loop3A_1161 : memref<1x80xf32, #tpu.memory_space<vmem>> -> memref<80xf32, #tpu.memory_space<vmem>>
          %parallel_loop3A_1163 = arith.constant 64 : index
          %parallel_loop3A_1164 = tpu.vector_load %parallel_loop3A_1162[%parallel_loop3A_1163] {strides = array<i32>} : memref<80xf32, #tpu.memory_space<vmem>>, vector<16xf32>,
          %parallel_loop3A_1165 = vector.broadcast %parallel_loop3A_1091 : f32 to vector<16xf32>
          %parallel_loop3A_1166 = arith.mulf %parallel_loop3A_1165, %get3A_90 : vector<16xf32>
          %parallel_loop3A_1167 = arith.addf %parallel_loop3A_1164, %parallel_loop3A_1166 : vector<16xf32>
          %parallel_loop3A_1168 = arith.constant 0.000000e+00 : f32
          %parallel_loop3A_1169 = vector.broadcast %parallel_loop3A_1168 : f32 to vector<16xf32>
          %parallel_loop3A_1170 = arith.maximumf %parallel_loop3A_1167, %parallel_loop3A_1169 : vector<16xf32>
          %parallel_loop3A_1171 = arith.constant 0 : i32
          %parallel_loop3A_1172 = tpu.memref_slice %arg18[%parallel_loop3A_1095, %parallel_loop3A_1171] : memref<80x80xf32, #tpu.memory_space<vmem>> -> memref<1x80xf32, #tpu.memory_space<vmem>>
          %parallel_loop3A_1173 = tpu.memref_squeeze %parallel_loop3A_1172 : memref<1x80xf32, #tpu.memory_space<vmem>> -> memref<80xf32, #tpu.memory_space<vmem>>
          %parallel_loop3A_1174 = arith.constant 64 : index
          %parallel_loop3A_1175 = tpu.vector_load %parallel_loop3A_1173[%parallel_loop3A_1174] {strides = array<i32>} : memref<80xf32, #tpu.memory_space<vmem>>, vector<16xf32>,
          tpu.vector_store %parallel_loop3A_1173[%parallel_loop3A_1174], %parallel_loop3A_1170 {strides = array<i32>} : memref<80xf32, #tpu.memory_space<vmem>>, vector<16xf32>,
          %parallel_loop3A_1176 = vector.extract_strided_slice %parallel_loop3A_229 {offsets = [11], sizes = [1], strides = [1]} : vector<16xf32> to vector<1xf32>
          %parallel_loop3A_1177 = vector.extract %parallel_loop3A_1176[0] : f32 from vector<1xf32>
          %parallel_loop3A_1178 = arith.constant 16 : i32
          %parallel_loop3A_1179 = arith.muli %parallel_loop3A_225, %parallel_loop3A_1178 : i32
          %parallel_loop3A_1180 = arith.constant 11 : i32
          %parallel_loop3A_1181 = arith.addi %parallel_loop3A_1179, %parallel_loop3A_1180 : i32
          %parallel_loop3A_1182 = arith.constant 0 : i32
          %parallel_loop3A_1183 = tpu.memref_slice %arg16[%parallel_loop3A_1181, %parallel_loop3A_1182] : memref<80x80xf32, #tpu.memory_space<vmem>> -> memref<1x80xf32, #tpu.memory_space<vmem>>
          %parallel_loop3A_1184 = tpu.memref_squeeze %parallel_loop3A_1183 : memref<1x80xf32, #tpu.memory_space<vmem>> -> memref<80xf32, #tpu.memory_space<vmem>>
          %parallel_loop3A_1185 = arith.constant 0 : index
          %parallel_loop3A_1186 = tpu.vector_load %parallel_loop3A_1184[%parallel_loop3A_1185] {strides = array<i32>} : memref<80xf32, #tpu.memory_space<vmem>>, vector<16xf32>,
          %parallel_loop3A_1187 = vector.broadcast %parallel_loop3A_1177 : f32 to vector<16xf32>
          %parallel_loop3A_1188 = arith.mulf %parallel_loop3A_1187, %get3A_82 : vector<16xf32>
          %parallel_loop3A_1189 = arith.addf %parallel_loop3A_1186, %parallel_loop3A_1188 : vector<16xf32>
          %parallel_loop3A_1190 = arith.constant 0.000000e+00 : f32
          %parallel_loop3A_1191 = vector.broadcast %parallel_loop3A_1190 : f32 to vector<16xf32>
          %parallel_loop3A_1192 = arith.maximumf %parallel_loop3A_1189, %parallel_loop3A_1191 : vector<16xf32>
          %parallel_loop3A_1193 = arith.constant 0 : i32
          %parallel_loop3A_1194 = tpu.memref_slice %arg18[%parallel_loop3A_1181, %parallel_loop3A_1193] : memref<80x80xf32, #tpu.memory_space<vmem>> -> memref<1x80xf32, #tpu.memory_space<vmem>>
          %parallel_loop3A_1195 = tpu.memref_squeeze %parallel_loop3A_1194 : memref<1x80xf32, #tpu.memory_space<vmem>> -> memref<80xf32, #tpu.memory_space<vmem>>
          %parallel_loop3A_1196 = arith.constant 0 : index
          %parallel_loop3A_1197 = tpu.vector_load %parallel_loop3A_1195[%parallel_loop3A_1196] {strides = array<i32>} : memref<80xf32, #tpu.memory_space<vmem>>, vector<16xf32>,
          tpu.vector_store %parallel_loop3A_1195[%parallel_loop3A_1196], %parallel_loop3A_1192 {strides = array<i32>} : memref<80xf32, #tpu.memory_space<vmem>>, vector<16xf32>,
          %parallel_loop3A_1198 = arith.constant 0 : i32
          %parallel_loop3A_1199 = tpu.memref_slice %arg16[%parallel_loop3A_1181, %parallel_loop3A_1198] : memref<80x80xf32, #tpu.memory_space<vmem>> -> memref<1x80xf32, #tpu.memory_space<vmem>>
          %parallel_loop3A_1200 = tpu.memref_squeeze %parallel_loop3A_1199 : memref<1x80xf32, #tpu.memory_space<vmem>> -> memref<80xf32, #tpu.memory_space<vmem>>
          %parallel_loop3A_1201 = arith.constant 16 : index
          %parallel_loop3A_1202 = tpu.vector_load %parallel_loop3A_1200[%parallel_loop3A_1201] {strides = array<i32>} : memref<80xf32, #tpu.memory_space<vmem>>, vector<16xf32>,
          %parallel_loop3A_1203 = vector.broadcast %parallel_loop3A_1177 : f32 to vector<16xf32>
          %parallel_loop3A_1204 = arith.mulf %parallel_loop3A_1203, %get3A_84 : vector<16xf32>
          %parallel_loop3A_1205 = arith.addf %parallel_loop3A_1202, %parallel_loop3A_1204 : vector<16xf32>
          %parallel_loop3A_1206 = arith.constant 0.000000e+00 : f32
          %parallel_loop3A_1207 = vector.broadcast %parallel_loop3A_1206 : f32 to vector<16xf32>
          %parallel_loop3A_1208 = arith.maximumf %parallel_loop3A_1205, %parallel_loop3A_1207 : vector<16xf32>
          %parallel_loop3A_1209 = arith.constant 0 : i32
          %parallel_loop3A_1210 = tpu.memref_slice %arg18[%parallel_loop3A_1181, %parallel_loop3A_1209] : memref<80x80xf32, #tpu.memory_space<vmem>> -> memref<1x80xf32, #tpu.memory_space<vmem>>
          %parallel_loop3A_1211 = tpu.memref_squeeze %parallel_loop3A_1210 : memref<1x80xf32, #tpu.memory_space<vmem>> -> memref<80xf32, #tpu.memory_space<vmem>>
          %parallel_loop3A_1212 = arith.constant 16 : index
          %parallel_loop3A_1213 = tpu.vector_load %parallel_loop3A_1211[%parallel_loop3A_1212] {strides = array<i32>} : memref<80xf32, #tpu.memory_space<vmem>>, vector<16xf32>,
          tpu.vector_store %parallel_loop3A_1211[%parallel_loop3A_1212], %parallel_loop3A_1208 {strides = array<i32>} : memref<80xf32, #tpu.memory_space<vmem>>, vector<16xf32>,
          %parallel_loop3A_1214 = arith.constant 0 : i32
          %parallel_loop3A_1215 = tpu.memref_slice %arg16[%parallel_loop3A_1181, %parallel_loop3A_1214] : memref<80x80xf32, #tpu.memory_space<vmem>> -> memref<1x80xf32, #tpu.memory_space<vmem>>
          %parallel_loop3A_1216 = tpu.memref_squeeze %parallel_loop3A_1215 : memref<1x80xf32, #tpu.memory_space<vmem>> -> memref<80xf32, #tpu.memory_space<vmem>>
          %parallel_loop3A_1217 = arith.constant 32 : index
          %parallel_loop3A_1218 = tpu.vector_load %parallel_loop3A_1216[%parallel_loop3A_1217] {strides = array<i32>} : memref<80xf32, #tpu.memory_space<vmem>>, vector<16xf32>,
          %parallel_loop3A_1219 = vector.broadcast %parallel_loop3A_1177 : f32 to vector<16xf32>
          %parallel_loop3A_1220 = arith.mulf %parallel_loop3A_1219, %get3A_86 : vector<16xf32>
          %parallel_loop3A_1221 = arith.addf %parallel_loop3A_1218, %parallel_loop3A_1220 : vector<16xf32>
          %parallel_loop3A_1222 = arith.constant 0.000000e+00 : f32
          %parallel_loop3A_1223 = vector.broadcast %parallel_loop3A_1222 : f32 to vector<16xf32>
          %parallel_loop3A_1224 = arith.maximumf %parallel_loop3A_1221, %parallel_loop3A_1223 : vector<16xf32>
          %parallel_loop3A_1225 = arith.constant 0 : i32
          %parallel_loop3A_1226 = tpu.memref_slice %arg18[%parallel_loop3A_1181, %parallel_loop3A_1225] : memref<80x80xf32, #tpu.memory_space<vmem>> -> memref<1x80xf32, #tpu.memory_space<vmem>>
          %parallel_loop3A_1227 = tpu.memref_squeeze %parallel_loop3A_1226 : memref<1x80xf32, #tpu.memory_space<vmem>> -> memref<80xf32, #tpu.memory_space<vmem>>
          %parallel_loop3A_1228 = arith.constant 32 : index
          %parallel_loop3A_1229 = tpu.vector_load %parallel_loop3A_1227[%parallel_loop3A_1228] {strides = array<i32>} : memref<80xf32, #tpu.memory_space<vmem>>, vector<16xf32>,
          tpu.vector_store %parallel_loop3A_1227[%parallel_loop3A_1228], %parallel_loop3A_1224 {strides = array<i32>} : memref<80xf32, #tpu.memory_space<vmem>>, vector<16xf32>,
          %parallel_loop3A_1230 = arith.constant 0 : i32
          %parallel_loop3A_1231 = tpu.memref_slice %arg16[%parallel_loop3A_1181, %parallel_loop3A_1230] : memref<80x80xf32, #tpu.memory_space<vmem>> -> memref<1x80xf32, #tpu.memory_space<vmem>>
          %parallel_loop3A_1232 = tpu.memref_squeeze %parallel_loop3A_1231 : memref<1x80xf32, #tpu.memory_space<vmem>> -> memref<80xf32, #tpu.memory_space<vmem>>
          %parallel_loop3A_1233 = arith.constant 48 : index
          %parallel_loop3A_1234 = tpu.vector_load %parallel_loop3A_1232[%parallel_loop3A_1233] {strides = array<i32>} : memref<80xf32, #tpu.memory_space<vmem>>, vector<16xf32>,
          %parallel_loop3A_1235 = vector.broadcast %parallel_loop3A_1177 : f32 to vector<16xf32>
          %parallel_loop3A_1236 = arith.mulf %parallel_loop3A_1235, %get3A_88 : vector<16xf32>
          %parallel_loop3A_1237 = arith.addf %parallel_loop3A_1234, %parallel_loop3A_1236 : vector<16xf32>
          %parallel_loop3A_1238 = arith.constant 0.000000e+00 : f32
          %parallel_loop3A_1239 = vector.broadcast %parallel_loop3A_1238 : f32 to vector<16xf32>
          %parallel_loop3A_1240 = arith.maximumf %parallel_loop3A_1237, %parallel_loop3A_1239 : vector<16xf32>
          %parallel_loop3A_1241 = arith.constant 0 : i32
          %parallel_loop3A_1242 = tpu.memref_slice %arg18[%parallel_loop3A_1181, %parallel_loop3A_1241] : memref<80x80xf32, #tpu.memory_space<vmem>> -> memref<1x80xf32, #tpu.memory_space<vmem>>
          %parallel_loop3A_1243 = tpu.memref_squeeze %parallel_loop3A_1242 : memref<1x80xf32, #tpu.memory_space<vmem>> -> memref<80xf32, #tpu.memory_space<vmem>>
          %parallel_loop3A_1244 = arith.constant 48 : index
          %parallel_loop3A_1245 = tpu.vector_load %parallel_loop3A_1243[%parallel_loop3A_1244] {strides = array<i32>} : memref<80xf32, #tpu.memory_space<vmem>>, vector<16xf32>,
          tpu.vector_store %parallel_loop3A_1243[%parallel_loop3A_1244], %parallel_loop3A_1240 {strides = array<i32>} : memref<80xf32, #tpu.memory_space<vmem>>, vector<16xf32>,
          %parallel_loop3A_1246 = arith.constant 0 : i32
          %parallel_loop3A_1247 = tpu.memref_slice %arg16[%parallel_loop3A_1181, %parallel_loop3A_1246] : memref<80x80xf32, #tpu.memory_space<vmem>> -> memref<1x80xf32, #tpu.memory_space<vmem>>
          %parallel_loop3A_1248 = tpu.memref_squeeze %parallel_loop3A_1247 : memref<1x80xf32, #tpu.memory_space<vmem>> -> memref<80xf32, #tpu.memory_space<vmem>>
          %parallel_loop3A_1249 = arith.constant 64 : index
          %parallel_loop3A_1250 = tpu.vector_load %parallel_loop3A_1248[%parallel_loop3A_1249] {strides = array<i32>} : memref<80xf32, #tpu.memory_space<vmem>>, vector<16xf32>,
          %parallel_loop3A_1251 = vector.broadcast %parallel_loop3A_1177 : f32 to vector<16xf32>
          %parallel_loop3A_1252 = arith.mulf %parallel_loop3A_1251, %get3A_90 : vector<16xf32>
          %parallel_loop3A_1253 = arith.addf %parallel_loop3A_1250, %parallel_loop3A_1252 : vector<16xf32>
          %parallel_loop3A_1254 = arith.constant 0.000000e+00 : f32
          %parallel_loop3A_1255 = vector.broadcast %parallel_loop3A_1254 : f32 to vector<16xf32>
          %parallel_loop3A_1256 = arith.maximumf %parallel_loop3A_1253, %parallel_loop3A_1255 : vector<16xf32>
          %parallel_loop3A_1257 = arith.constant 0 : i32
          %parallel_loop3A_1258 = tpu.memref_slice %arg18[%parallel_loop3A_1181, %parallel_loop3A_1257] : memref<80x80xf32, #tpu.memory_space<vmem>> -> memref<1x80xf32, #tpu.memory_space<vmem>>
          %parallel_loop3A_1259 = tpu.memref_squeeze %parallel_loop3A_1258 : memref<1x80xf32, #tpu.memory_space<vmem>> -> memref<80xf32, #tpu.memory_space<vmem>>
          %parallel_loop3A_1260 = arith.constant 64 : index
          %parallel_loop3A_1261 = tpu.vector_load %parallel_loop3A_1259[%parallel_loop3A_1260] {strides = array<i32>} : memref<80xf32, #tpu.memory_space<vmem>>, vector<16xf32>,
          tpu.vector_store %parallel_loop3A_1259[%parallel_loop3A_1260], %parallel_loop3A_1256 {strides = array<i32>} : memref<80xf32, #tpu.memory_space<vmem>>, vector<16xf32>,
          %parallel_loop3A_1262 = vector.extract_strided_slice %parallel_loop3A_229 {offsets = [12], sizes = [1], strides = [1]} : vector<16xf32> to vector<1xf32>
          %parallel_loop3A_1263 = vector.extract %parallel_loop3A_1262[0] : f32 from vector<1xf32>
          %parallel_loop3A_1264 = arith.constant 16 : i32
          %parallel_loop3A_1265 = arith.muli %parallel_loop3A_225, %parallel_loop3A_1264 : i32
          %parallel_loop3A_1266 = arith.constant 12 : i32
          %parallel_loop3A_1267 = arith.addi %parallel_loop3A_1265, %parallel_loop3A_1266 : i32
          %parallel_loop3A_1268 = arith.constant 0 : i32
          %parallel_loop3A_1269 = tpu.memref_slice %arg16[%parallel_loop3A_1267, %parallel_loop3A_1268] : memref<80x80xf32, #tpu.memory_space<vmem>> -> memref<1x80xf32, #tpu.memory_space<vmem>>
          %parallel_loop3A_1270 = tpu.memref_squeeze %parallel_loop3A_1269 : memref<1x80xf32, #tpu.memory_space<vmem>> -> memref<80xf32, #tpu.memory_space<vmem>>
          %parallel_loop3A_1271 = arith.constant 0 : index
          %parallel_loop3A_1272 = tpu.vector_load %parallel_loop3A_1270[%parallel_loop3A_1271] {strides = array<i32>} : memref<80xf32, #tpu.memory_space<vmem>>, vector<16xf32>,
          %parallel_loop3A_1273 = vector.broadcast %parallel_loop3A_1263 : f32 to vector<16xf32>
          %parallel_loop3A_1274 = arith.mulf %parallel_loop3A_1273, %get3A_82 : vector<16xf32>
          %parallel_loop3A_1275 = arith.addf %parallel_loop3A_1272, %parallel_loop3A_1274 : vector<16xf32>
          %parallel_loop3A_1276 = arith.constant 0.000000e+00 : f32
          %parallel_loop3A_1277 = vector.broadcast %parallel_loop3A_1276 : f32 to vector<16xf32>
          %parallel_loop3A_1278 = arith.maximumf %parallel_loop3A_1275, %parallel_loop3A_1277 : vector<16xf32>
          %parallel_loop3A_1279 = arith.constant 0 : i32
          %parallel_loop3A_1280 = tpu.memref_slice %arg18[%parallel_loop3A_1267, %parallel_loop3A_1279] : memref<80x80xf32, #tpu.memory_space<vmem>> -> memref<1x80xf32, #tpu.memory_space<vmem>>
          %parallel_loop3A_1281 = tpu.memref_squeeze %parallel_loop3A_1280 : memref<1x80xf32, #tpu.memory_space<vmem>> -> memref<80xf32, #tpu.memory_space<vmem>>
          %parallel_loop3A_1282 = arith.constant 0 : index
          %parallel_loop3A_1283 = tpu.vector_load %parallel_loop3A_1281[%parallel_loop3A_1282] {strides = array<i32>} : memref<80xf32, #tpu.memory_space<vmem>>, vector<16xf32>,
          tpu.vector_store %parallel_loop3A_1281[%parallel_loop3A_1282], %parallel_loop3A_1278 {strides = array<i32>} : memref<80xf32, #tpu.memory_space<vmem>>, vector<16xf32>,
          %parallel_loop3A_1284 = arith.constant 0 : i32
          %parallel_loop3A_1285 = tpu.memref_slice %arg16[%parallel_loop3A_1267, %parallel_loop3A_1284] : memref<80x80xf32, #tpu.memory_space<vmem>> -> memref<1x80xf32, #tpu.memory_space<vmem>>
          %parallel_loop3A_1286 = tpu.memref_squeeze %parallel_loop3A_1285 : memref<1x80xf32, #tpu.memory_space<vmem>> -> memref<80xf32, #tpu.memory_space<vmem>>
          %parallel_loop3A_1287 = arith.constant 16 : index
          %parallel_loop3A_1288 = tpu.vector_load %parallel_loop3A_1286[%parallel_loop3A_1287] {strides = array<i32>} : memref<80xf32, #tpu.memory_space<vmem>>, vector<16xf32>,
          %parallel_loop3A_1289 = vector.broadcast %parallel_loop3A_1263 : f32 to vector<16xf32>
          %parallel_loop3A_1290 = arith.mulf %parallel_loop3A_1289, %get3A_84 : vector<16xf32>
          %parallel_loop3A_1291 = arith.addf %parallel_loop3A_1288, %parallel_loop3A_1290 : vector<16xf32>
          %parallel_loop3A_1292 = arith.constant 0.000000e+00 : f32
          %parallel_loop3A_1293 = vector.broadcast %parallel_loop3A_1292 : f32 to vector<16xf32>
          %parallel_loop3A_1294 = arith.maximumf %parallel_loop3A_1291, %parallel_loop3A_1293 : vector<16xf32>
          %parallel_loop3A_1295 = arith.constant 0 : i32
          %parallel_loop3A_1296 = tpu.memref_slice %arg18[%parallel_loop3A_1267, %parallel_loop3A_1295] : memref<80x80xf32, #tpu.memory_space<vmem>> -> memref<1x80xf32, #tpu.memory_space<vmem>>
          %parallel_loop3A_1297 = tpu.memref_squeeze %parallel_loop3A_1296 : memref<1x80xf32, #tpu.memory_space<vmem>> -> memref<80xf32, #tpu.memory_space<vmem>>
          %parallel_loop3A_1298 = arith.constant 16 : index
          %parallel_loop3A_1299 = tpu.vector_load %parallel_loop3A_1297[%parallel_loop3A_1298] {strides = array<i32>} : memref<80xf32, #tpu.memory_space<vmem>>, vector<16xf32>,
          tpu.vector_store %parallel_loop3A_1297[%parallel_loop3A_1298], %parallel_loop3A_1294 {strides = array<i32>} : memref<80xf32, #tpu.memory_space<vmem>>, vector<16xf32>,
          %parallel_loop3A_1300 = arith.constant 0 : i32
          %parallel_loop3A_1301 = tpu.memref_slice %arg16[%parallel_loop3A_1267, %parallel_loop3A_1300] : memref<80x80xf32, #tpu.memory_space<vmem>> -> memref<1x80xf32, #tpu.memory_space<vmem>>
          %parallel_loop3A_1302 = tpu.memref_squeeze %parallel_loop3A_1301 : memref<1x80xf32, #tpu.memory_space<vmem>> -> memref<80xf32, #tpu.memory_space<vmem>>
          %parallel_loop3A_1303 = arith.constant 32 : index
          %parallel_loop3A_1304 = tpu.vector_load %parallel_loop3A_1302[%parallel_loop3A_1303] {strides = array<i32>} : memref<80xf32, #tpu.memory_space<vmem>>, vector<16xf32>,
          %parallel_loop3A_1305 = vector.broadcast %parallel_loop3A_1263 : f32 to vector<16xf32>
          %parallel_loop3A_1306 = arith.mulf %parallel_loop3A_1305, %get3A_86 : vector<16xf32>
          %parallel_loop3A_1307 = arith.addf %parallel_loop3A_1304, %parallel_loop3A_1306 : vector<16xf32>
          %parallel_loop3A_1308 = arith.constant 0.000000e+00 : f32
          %parallel_loop3A_1309 = vector.broadcast %parallel_loop3A_1308 : f32 to vector<16xf32>
          %parallel_loop3A_1310 = arith.maximumf %parallel_loop3A_1307, %parallel_loop3A_1309 : vector<16xf32>
          %parallel_loop3A_1311 = arith.constant 0 : i32
          %parallel_loop3A_1312 = tpu.memref_slice %arg18[%parallel_loop3A_1267, %parallel_loop3A_1311] : memref<80x80xf32, #tpu.memory_space<vmem>> -> memref<1x80xf32, #tpu.memory_space<vmem>>
          %parallel_loop3A_1313 = tpu.memref_squeeze %parallel_loop3A_1312 : memref<1x80xf32, #tpu.memory_space<vmem>> -> memref<80xf32, #tpu.memory_space<vmem>>
          %parallel_loop3A_1314 = arith.constant 32 : index
          %parallel_loop3A_1315 = tpu.vector_load %parallel_loop3A_1313[%parallel_loop3A_1314] {strides = array<i32>} : memref<80xf32, #tpu.memory_space<vmem>>, vector<16xf32>,
          tpu.vector_store %parallel_loop3A_1313[%parallel_loop3A_1314], %parallel_loop3A_1310 {strides = array<i32>} : memref<80xf32, #tpu.memory_space<vmem>>, vector<16xf32>,
          %parallel_loop3A_1316 = arith.constant 0 : i32
          %parallel_loop3A_1317 = tpu.memref_slice %arg16[%parallel_loop3A_1267, %parallel_loop3A_1316] : memref<80x80xf32, #tpu.memory_space<vmem>> -> memref<1x80xf32, #tpu.memory_space<vmem>>
          %parallel_loop3A_1318 = tpu.memref_squeeze %parallel_loop3A_1317 : memref<1x80xf32, #tpu.memory_space<vmem>> -> memref<80xf32, #tpu.memory_space<vmem>>
          %parallel_loop3A_1319 = arith.constant 48 : index
          %parallel_loop3A_1320 = tpu.vector_load %parallel_loop3A_1318[%parallel_loop3A_1319] {strides = array<i32>} : memref<80xf32, #tpu.memory_space<vmem>>, vector<16xf32>,
          %parallel_loop3A_1321 = vector.broadcast %parallel_loop3A_1263 : f32 to vector<16xf32>
          %parallel_loop3A_1322 = arith.mulf %parallel_loop3A_1321, %get3A_88 : vector<16xf32>
          %parallel_loop3A_1323 = arith.addf %parallel_loop3A_1320, %parallel_loop3A_1322 : vector<16xf32>
          %parallel_loop3A_1324 = arith.constant 0.000000e+00 : f32
          %parallel_loop3A_1325 = vector.broadcast %parallel_loop3A_1324 : f32 to vector<16xf32>
          %parallel_loop3A_1326 = arith.maximumf %parallel_loop3A_1323, %parallel_loop3A_1325 : vector<16xf32>
          %parallel_loop3A_1327 = arith.constant 0 : i32
          %parallel_loop3A_1328 = tpu.memref_slice %arg18[%parallel_loop3A_1267, %parallel_loop3A_1327] : memref<80x80xf32, #tpu.memory_space<vmem>> -> memref<1x80xf32, #tpu.memory_space<vmem>>
          %parallel_loop3A_1329 = tpu.memref_squeeze %parallel_loop3A_1328 : memref<1x80xf32, #tpu.memory_space<vmem>> -> memref<80xf32, #tpu.memory_space<vmem>>
          %parallel_loop3A_1330 = arith.constant 48 : index
          %parallel_loop3A_1331 = tpu.vector_load %parallel_loop3A_1329[%parallel_loop3A_1330] {strides = array<i32>} : memref<80xf32, #tpu.memory_space<vmem>>, vector<16xf32>,
          tpu.vector_store %parallel_loop3A_1329[%parallel_loop3A_1330], %parallel_loop3A_1326 {strides = array<i32>} : memref<80xf32, #tpu.memory_space<vmem>>, vector<16xf32>,
          %parallel_loop3A_1332 = arith.constant 0 : i32
          %parallel_loop3A_1333 = tpu.memref_slice %arg16[%parallel_loop3A_1267, %parallel_loop3A_1332] : memref<80x80xf32, #tpu.memory_space<vmem>> -> memref<1x80xf32, #tpu.memory_space<vmem>>
          %parallel_loop3A_1334 = tpu.memref_squeeze %parallel_loop3A_1333 : memref<1x80xf32, #tpu.memory_space<vmem>> -> memref<80xf32, #tpu.memory_space<vmem>>
          %parallel_loop3A_1335 = arith.constant 64 : index
          %parallel_loop3A_1336 = tpu.vector_load %parallel_loop3A_1334[%parallel_loop3A_1335] {strides = array<i32>} : memref<80xf32, #tpu.memory_space<vmem>>, vector<16xf32>,
          %parallel_loop3A_1337 = vector.broadcast %parallel_loop3A_1263 : f32 to vector<16xf32>
          %parallel_loop3A_1338 = arith.mulf %parallel_loop3A_1337, %get3A_90 : vector<16xf32>
          %parallel_loop3A_1339 = arith.addf %parallel_loop3A_1336, %parallel_loop3A_1338 : vector<16xf32>
          %parallel_loop3A_1340 = arith.constant 0.000000e+00 : f32
          %parallel_loop3A_1341 = vector.broadcast %parallel_loop3A_1340 : f32 to vector<16xf32>
          %parallel_loop3A_1342 = arith.maximumf %parallel_loop3A_1339, %parallel_loop3A_1341 : vector<16xf32>
          %parallel_loop3A_1343 = arith.constant 0 : i32
          %parallel_loop3A_1344 = tpu.memref_slice %arg18[%parallel_loop3A_1267, %parallel_loop3A_1343] : memref<80x80xf32, #tpu.memory_space<vmem>> -> memref<1x80xf32, #tpu.memory_space<vmem>>
          %parallel_loop3A_1345 = tpu.memref_squeeze %parallel_loop3A_1344 : memref<1x80xf32, #tpu.memory_space<vmem>> -> memref<80xf32, #tpu.memory_space<vmem>>
          %parallel_loop3A_1346 = arith.constant 64 : index
          %parallel_loop3A_1347 = tpu.vector_load %parallel_loop3A_1345[%parallel_loop3A_1346] {strides = array<i32>} : memref<80xf32, #tpu.memory_space<vmem>>, vector<16xf32>,
          tpu.vector_store %parallel_loop3A_1345[%parallel_loop3A_1346], %parallel_loop3A_1342 {strides = array<i32>} : memref<80xf32, #tpu.memory_space<vmem>>, vector<16xf32>,
          %parallel_loop3A_1348 = vector.extract_strided_slice %parallel_loop3A_229 {offsets = [13], sizes = [1], strides = [1]} : vector<16xf32> to vector<1xf32>
          %parallel_loop3A_1349 = vector.extract %parallel_loop3A_1348[0] : f32 from vector<1xf32>
          %parallel_loop3A_1350 = arith.constant 16 : i32
          %parallel_loop3A_1351 = arith.muli %parallel_loop3A_225, %parallel_loop3A_1350 : i32
          %parallel_loop3A_1352 = arith.constant 13 : i32
          %parallel_loop3A_1353 = arith.addi %parallel_loop3A_1351, %parallel_loop3A_1352 : i32
          %parallel_loop3A_1354 = arith.constant 0 : i32
          %parallel_loop3A_1355 = tpu.memref_slice %arg16[%parallel_loop3A_1353, %parallel_loop3A_1354] : memref<80x80xf32, #tpu.memory_space<vmem>> -> memref<1x80xf32, #tpu.memory_space<vmem>>
          %parallel_loop3A_1356 = tpu.memref_squeeze %parallel_loop3A_1355 : memref<1x80xf32, #tpu.memory_space<vmem>> -> memref<80xf32, #tpu.memory_space<vmem>>
          %parallel_loop3A_1357 = arith.constant 0 : index
          %parallel_loop3A_1358 = tpu.vector_load %parallel_loop3A_1356[%parallel_loop3A_1357] {strides = array<i32>} : memref<80xf32, #tpu.memory_space<vmem>>, vector<16xf32>,
          %parallel_loop3A_1359 = vector.broadcast %parallel_loop3A_1349 : f32 to vector<16xf32>
          %parallel_loop3A_1360 = arith.mulf %parallel_loop3A_1359, %get3A_82 : vector<16xf32>
          %parallel_loop3A_1361 = arith.addf %parallel_loop3A_1358, %parallel_loop3A_1360 : vector<16xf32>
          %parallel_loop3A_1362 = arith.constant 0.000000e+00 : f32
          %parallel_loop3A_1363 = vector.broadcast %parallel_loop3A_1362 : f32 to vector<16xf32>
          %parallel_loop3A_1364 = arith.maximumf %parallel_loop3A_1361, %parallel_loop3A_1363 : vector<16xf32>
          %parallel_loop3A_1365 = arith.constant 0 : i32
          %parallel_loop3A_1366 = tpu.memref_slice %arg18[%parallel_loop3A_1353, %parallel_loop3A_1365] : memref<80x80xf32, #tpu.memory_space<vmem>> -> memref<1x80xf32, #tpu.memory_space<vmem>>
          %parallel_loop3A_1367 = tpu.memref_squeeze %parallel_loop3A_1366 : memref<1x80xf32, #tpu.memory_space<vmem>> -> memref<80xf32, #tpu.memory_space<vmem>>
          %parallel_loop3A_1368 = arith.constant 0 : index
          %parallel_loop3A_1369 = tpu.vector_load %parallel_loop3A_1367[%parallel_loop3A_1368] {strides = array<i32>} : memref<80xf32, #tpu.memory_space<vmem>>, vector<16xf32>,
          tpu.vector_store %parallel_loop3A_1367[%parallel_loop3A_1368], %parallel_loop3A_1364 {strides = array<i32>} : memref<80xf32, #tpu.memory_space<vmem>>, vector<16xf32>,
          %parallel_loop3A_1370 = arith.constant 0 : i32
          %parallel_loop3A_1371 = tpu.memref_slice %arg16[%parallel_loop3A_1353, %parallel_loop3A_1370] : memref<80x80xf32, #tpu.memory_space<vmem>> -> memref<1x80xf32, #tpu.memory_space<vmem>>
          %parallel_loop3A_1372 = tpu.memref_squeeze %parallel_loop3A_1371 : memref<1x80xf32, #tpu.memory_space<vmem>> -> memref<80xf32, #tpu.memory_space<vmem>>
          %parallel_loop3A_1373 = arith.constant 16 : index
          %parallel_loop3A_1374 = tpu.vector_load %parallel_loop3A_1372[%parallel_loop3A_1373] {strides = array<i32>} : memref<80xf32, #tpu.memory_space<vmem>>, vector<16xf32>,
          %parallel_loop3A_1375 = vector.broadcast %parallel_loop3A_1349 : f32 to vector<16xf32>
          %parallel_loop3A_1376 = arith.mulf %parallel_loop3A_1375, %get3A_84 : vector<16xf32>
          %parallel_loop3A_1377 = arith.addf %parallel_loop3A_1374, %parallel_loop3A_1376 : vector<16xf32>
          %parallel_loop3A_1378 = arith.constant 0.000000e+00 : f32
          %parallel_loop3A_1379 = vector.broadcast %parallel_loop3A_1378 : f32 to vector<16xf32>
          %parallel_loop3A_1380 = arith.maximumf %parallel_loop3A_1377, %parallel_loop3A_1379 : vector<16xf32>
          %parallel_loop3A_1381 = arith.constant 0 : i32
          %parallel_loop3A_1382 = tpu.memref_slice %arg18[%parallel_loop3A_1353, %parallel_loop3A_1381] : memref<80x80xf32, #tpu.memory_space<vmem>> -> memref<1x80xf32, #tpu.memory_space<vmem>>
          %parallel_loop3A_1383 = tpu.memref_squeeze %parallel_loop3A_1382 : memref<1x80xf32, #tpu.memory_space<vmem>> -> memref<80xf32, #tpu.memory_space<vmem>>
          %parallel_loop3A_1384 = arith.constant 16 : index
          %parallel_loop3A_1385 = tpu.vector_load %parallel_loop3A_1383[%parallel_loop3A_1384] {strides = array<i32>} : memref<80xf32, #tpu.memory_space<vmem>>, vector<16xf32>,
          tpu.vector_store %parallel_loop3A_1383[%parallel_loop3A_1384], %parallel_loop3A_1380 {strides = array<i32>} : memref<80xf32, #tpu.memory_space<vmem>>, vector<16xf32>,
          %parallel_loop3A_1386 = arith.constant 0 : i32
          %parallel_loop3A_1387 = tpu.memref_slice %arg16[%parallel_loop3A_1353, %parallel_loop3A_1386] : memref<80x80xf32, #tpu.memory_space<vmem>> -> memref<1x80xf32, #tpu.memory_space<vmem>>
          %parallel_loop3A_1388 = tpu.memref_squeeze %parallel_loop3A_1387 : memref<1x80xf32, #tpu.memory_space<vmem>> -> memref<80xf32, #tpu.memory_space<vmem>>
          %parallel_loop3A_1389 = arith.constant 32 : index
          %parallel_loop3A_1390 = tpu.vector_load %parallel_loop3A_1388[%parallel_loop3A_1389] {strides = array<i32>} : memref<80xf32, #tpu.memory_space<vmem>>, vector<16xf32>,
          %parallel_loop3A_1391 = vector.broadcast %parallel_loop3A_1349 : f32 to vector<16xf32>
          %parallel_loop3A_1392 = arith.mulf %parallel_loop3A_1391, %get3A_86 : vector<16xf32>
          %parallel_loop3A_1393 = arith.addf %parallel_loop3A_1390, %parallel_loop3A_1392 : vector<16xf32>
          %parallel_loop3A_1394 = arith.constant 0.000000e+00 : f32
          %parallel_loop3A_1395 = vector.broadcast %parallel_loop3A_1394 : f32 to vector<16xf32>
          %parallel_loop3A_1396 = arith.maximumf %parallel_loop3A_1393, %parallel_loop3A_1395 : vector<16xf32>
          %parallel_loop3A_1397 = arith.constant 0 : i32
          %parallel_loop3A_1398 = tpu.memref_slice %arg18[%parallel_loop3A_1353, %parallel_loop3A_1397] : memref<80x80xf32, #tpu.memory_space<vmem>> -> memref<1x80xf32, #tpu.memory_space<vmem>>
          %parallel_loop3A_1399 = tpu.memref_squeeze %parallel_loop3A_1398 : memref<1x80xf32, #tpu.memory_space<vmem>> -> memref<80xf32, #tpu.memory_space<vmem>>
          %parallel_loop3A_1400 = arith.constant 32 : index
          %parallel_loop3A_1401 = tpu.vector_load %parallel_loop3A_1399[%parallel_loop3A_1400] {strides = array<i32>} : memref<80xf32, #tpu.memory_space<vmem>>, vector<16xf32>,
          tpu.vector_store %parallel_loop3A_1399[%parallel_loop3A_1400], %parallel_loop3A_1396 {strides = array<i32>} : memref<80xf32, #tpu.memory_space<vmem>>, vector<16xf32>,
          %parallel_loop3A_1402 = arith.constant 0 : i32
          %parallel_loop3A_1403 = tpu.memref_slice %arg16[%parallel_loop3A_1353, %parallel_loop3A_1402] : memref<80x80xf32, #tpu.memory_space<vmem>> -> memref<1x80xf32, #tpu.memory_space<vmem>>
          %parallel_loop3A_1404 = tpu.memref_squeeze %parallel_loop3A_1403 : memref<1x80xf32, #tpu.memory_space<vmem>> -> memref<80xf32, #tpu.memory_space<vmem>>
          %parallel_loop3A_1405 = arith.constant 48 : index
          %parallel_loop3A_1406 = tpu.vector_load %parallel_loop3A_1404[%parallel_loop3A_1405] {strides = array<i32>} : memref<80xf32, #tpu.memory_space<vmem>>, vector<16xf32>,
          %parallel_loop3A_1407 = vector.broadcast %parallel_loop3A_1349 : f32 to vector<16xf32>
          %parallel_loop3A_1408 = arith.mulf %parallel_loop3A_1407, %get3A_88 : vector<16xf32>
          %parallel_loop3A_1409 = arith.addf %parallel_loop3A_1406, %parallel_loop3A_1408 : vector<16xf32>
          %parallel_loop3A_1410 = arith.constant 0.000000e+00 : f32
          %parallel_loop3A_1411 = vector.broadcast %parallel_loop3A_1410 : f32 to vector<16xf32>
          %parallel_loop3A_1412 = arith.maximumf %parallel_loop3A_1409, %parallel_loop3A_1411 : vector<16xf32>
          %parallel_loop3A_1413 = arith.constant 0 : i32
          %parallel_loop3A_1414 = tpu.memref_slice %arg18[%parallel_loop3A_1353, %parallel_loop3A_1413] : memref<80x80xf32, #tpu.memory_space<vmem>> -> memref<1x80xf32, #tpu.memory_space<vmem>>
          %parallel_loop3A_1415 = tpu.memref_squeeze %parallel_loop3A_1414 : memref<1x80xf32, #tpu.memory_space<vmem>> -> memref<80xf32, #tpu.memory_space<vmem>>
          %parallel_loop3A_1416 = arith.constant 48 : index
          %parallel_loop3A_1417 = tpu.vector_load %parallel_loop3A_1415[%parallel_loop3A_1416] {strides = array<i32>} : memref<80xf32, #tpu.memory_space<vmem>>, vector<16xf32>,
          tpu.vector_store %parallel_loop3A_1415[%parallel_loop3A_1416], %parallel_loop3A_1412 {strides = array<i32>} : memref<80xf32, #tpu.memory_space<vmem>>, vector<16xf32>,
          %parallel_loop3A_1418 = arith.constant 0 : i32
          %parallel_loop3A_1419 = tpu.memref_slice %arg16[%parallel_loop3A_1353, %parallel_loop3A_1418] : memref<80x80xf32, #tpu.memory_space<vmem>> -> memref<1x80xf32, #tpu.memory_space<vmem>>
          %parallel_loop3A_1420 = tpu.memref_squeeze %parallel_loop3A_1419 : memref<1x80xf32, #tpu.memory_space<vmem>> -> memref<80xf32, #tpu.memory_space<vmem>>
          %parallel_loop3A_1421 = arith.constant 64 : index
          %parallel_loop3A_1422 = tpu.vector_load %parallel_loop3A_1420[%parallel_loop3A_1421] {strides = array<i32>} : memref<80xf32, #tpu.memory_space<vmem>>, vector<16xf32>,
          %parallel_loop3A_1423 = vector.broadcast %parallel_loop3A_1349 : f32 to vector<16xf32>
          %parallel_loop3A_1424 = arith.mulf %parallel_loop3A_1423, %get3A_90 : vector<16xf32>
          %parallel_loop3A_1425 = arith.addf %parallel_loop3A_1422, %parallel_loop3A_1424 : vector<16xf32>
          %parallel_loop3A_1426 = arith.constant 0.000000e+00 : f32
          %parallel_loop3A_1427 = vector.broadcast %parallel_loop3A_1426 : f32 to vector<16xf32>
          %parallel_loop3A_1428 = arith.maximumf %parallel_loop3A_1425, %parallel_loop3A_1427 : vector<16xf32>
          %parallel_loop3A_1429 = arith.constant 0 : i32
          %parallel_loop3A_1430 = tpu.memref_slice %arg18[%parallel_loop3A_1353, %parallel_loop3A_1429] : memref<80x80xf32, #tpu.memory_space<vmem>> -> memref<1x80xf32, #tpu.memory_space<vmem>>
          %parallel_loop3A_1431 = tpu.memref_squeeze %parallel_loop3A_1430 : memref<1x80xf32, #tpu.memory_space<vmem>> -> memref<80xf32, #tpu.memory_space<vmem>>
          %parallel_loop3A_1432 = arith.constant 64 : index
          %parallel_loop3A_1433 = tpu.vector_load %parallel_loop3A_1431[%parallel_loop3A_1432] {strides = array<i32>} : memref<80xf32, #tpu.memory_space<vmem>>, vector<16xf32>,
          tpu.vector_store %parallel_loop3A_1431[%parallel_loop3A_1432], %parallel_loop3A_1428 {strides = array<i32>} : memref<80xf32, #tpu.memory_space<vmem>>, vector<16xf32>,
          %parallel_loop3A_1434 = vector.extract_strided_slice %parallel_loop3A_229 {offsets = [14], sizes = [1], strides = [1]} : vector<16xf32> to vector<1xf32>
          %parallel_loop3A_1435 = vector.extract %parallel_loop3A_1434[0] : f32 from vector<1xf32>
          %parallel_loop3A_1436 = arith.constant 16 : i32
          %parallel_loop3A_1437 = arith.muli %parallel_loop3A_225, %parallel_loop3A_1436 : i32
          %parallel_loop3A_1438 = arith.constant 14 : i32
          %parallel_loop3A_1439 = arith.addi %parallel_loop3A_1437, %parallel_loop3A_1438 : i32
          %parallel_loop3A_1440 = arith.constant 0 : i32
          %parallel_loop3A_1441 = tpu.memref_slice %arg16[%parallel_loop3A_1439, %parallel_loop3A_1440] : memref<80x80xf32, #tpu.memory_space<vmem>> -> memref<1x80xf32, #tpu.memory_space<vmem>>
          %parallel_loop3A_1442 = tpu.memref_squeeze %parallel_loop3A_1441 : memref<1x80xf32, #tpu.memory_space<vmem>> -> memref<80xf32, #tpu.memory_space<vmem>>
          %parallel_loop3A_1443 = arith.constant 0 : index
          %parallel_loop3A_1444 = tpu.vector_load %parallel_loop3A_1442[%parallel_loop3A_1443] {strides = array<i32>} : memref<80xf32, #tpu.memory_space<vmem>>, vector<16xf32>,
          %parallel_loop3A_1445 = vector.broadcast %parallel_loop3A_1435 : f32 to vector<16xf32>
          %parallel_loop3A_1446 = arith.mulf %parallel_loop3A_1445, %get3A_82 : vector<16xf32>
          %parallel_loop3A_1447 = arith.addf %parallel_loop3A_1444, %parallel_loop3A_1446 : vector<16xf32>
          %parallel_loop3A_1448 = arith.constant 0.000000e+00 : f32
          %parallel_loop3A_1449 = vector.broadcast %parallel_loop3A_1448 : f32 to vector<16xf32>
          %parallel_loop3A_1450 = arith.maximumf %parallel_loop3A_1447, %parallel_loop3A_1449 : vector<16xf32>
          %parallel_loop3A_1451 = arith.constant 0 : i32
          %parallel_loop3A_1452 = tpu.memref_slice %arg18[%parallel_loop3A_1439, %parallel_loop3A_1451] : memref<80x80xf32, #tpu.memory_space<vmem>> -> memref<1x80xf32, #tpu.memory_space<vmem>>
          %parallel_loop3A_1453 = tpu.memref_squeeze %parallel_loop3A_1452 : memref<1x80xf32, #tpu.memory_space<vmem>> -> memref<80xf32, #tpu.memory_space<vmem>>
          %parallel_loop3A_1454 = arith.constant 0 : index
          %parallel_loop3A_1455 = tpu.vector_load %parallel_loop3A_1453[%parallel_loop3A_1454] {strides = array<i32>} : memref<80xf32, #tpu.memory_space<vmem>>, vector<16xf32>,
          tpu.vector_store %parallel_loop3A_1453[%parallel_loop3A_1454], %parallel_loop3A_1450 {strides = array<i32>} : memref<80xf32, #tpu.memory_space<vmem>>, vector<16xf32>,
          %parallel_loop3A_1456 = arith.constant 0 : i32
          %parallel_loop3A_1457 = tpu.memref_slice %arg16[%parallel_loop3A_1439, %parallel_loop3A_1456] : memref<80x80xf32, #tpu.memory_space<vmem>> -> memref<1x80xf32, #tpu.memory_space<vmem>>
          %parallel_loop3A_1458 = tpu.memref_squeeze %parallel_loop3A_1457 : memref<1x80xf32, #tpu.memory_space<vmem>> -> memref<80xf32, #tpu.memory_space<vmem>>
          %parallel_loop3A_1459 = arith.constant 16 : index
          %parallel_loop3A_1460 = tpu.vector_load %parallel_loop3A_1458[%parallel_loop3A_1459] {strides = array<i32>} : memref<80xf32, #tpu.memory_space<vmem>>, vector<16xf32>,
          %parallel_loop3A_1461 = vector.broadcast %parallel_loop3A_1435 : f32 to vector<16xf32>
          %parallel_loop3A_1462 = arith.mulf %parallel_loop3A_1461, %get3A_84 : vector<16xf32>
          %parallel_loop3A_1463 = arith.addf %parallel_loop3A_1460, %parallel_loop3A_1462 : vector<16xf32>
          %parallel_loop3A_1464 = arith.constant 0.000000e+00 : f32
          %parallel_loop3A_1465 = vector.broadcast %parallel_loop3A_1464 : f32 to vector<16xf32>
          %parallel_loop3A_1466 = arith.maximumf %parallel_loop3A_1463, %parallel_loop3A_1465 : vector<16xf32>
          %parallel_loop3A_1467 = arith.constant 0 : i32
          %parallel_loop3A_1468 = tpu.memref_slice %arg18[%parallel_loop3A_1439, %parallel_loop3A_1467] : memref<80x80xf32, #tpu.memory_space<vmem>> -> memref<1x80xf32, #tpu.memory_space<vmem>>
          %parallel_loop3A_1469 = tpu.memref_squeeze %parallel_loop3A_1468 : memref<1x80xf32, #tpu.memory_space<vmem>> -> memref<80xf32, #tpu.memory_space<vmem>>
          %parallel_loop3A_1470 = arith.constant 16 : index
          %parallel_loop3A_1471 = tpu.vector_load %parallel_loop3A_1469[%parallel_loop3A_1470] {strides = array<i32>} : memref<80xf32, #tpu.memory_space<vmem>>, vector<16xf32>,
          tpu.vector_store %parallel_loop3A_1469[%parallel_loop3A_1470], %parallel_loop3A_1466 {strides = array<i32>} : memref<80xf32, #tpu.memory_space<vmem>>, vector<16xf32>,
          %parallel_loop3A_1472 = arith.constant 0 : i32
          %parallel_loop3A_1473 = tpu.memref_slice %arg16[%parallel_loop3A_1439, %parallel_loop3A_1472] : memref<80x80xf32, #tpu.memory_space<vmem>> -> memref<1x80xf32, #tpu.memory_space<vmem>>
          %parallel_loop3A_1474 = tpu.memref_squeeze %parallel_loop3A_1473 : memref<1x80xf32, #tpu.memory_space<vmem>> -> memref<80xf32, #tpu.memory_space<vmem>>
          %parallel_loop3A_1475 = arith.constant 32 : index
          %parallel_loop3A_1476 = tpu.vector_load %parallel_loop3A_1474[%parallel_loop3A_1475] {strides = array<i32>} : memref<80xf32, #tpu.memory_space<vmem>>, vector<16xf32>,
          %parallel_loop3A_1477 = vector.broadcast %parallel_loop3A_1435 : f32 to vector<16xf32>
          %parallel_loop3A_1478 = arith.mulf %parallel_loop3A_1477, %get3A_86 : vector<16xf32>
          %parallel_loop3A_1479 = arith.addf %parallel_loop3A_1476, %parallel_loop3A_1478 : vector<16xf32>
          %parallel_loop3A_1480 = arith.constant 0.000000e+00 : f32
          %parallel_loop3A_1481 = vector.broadcast %parallel_loop3A_1480 : f32 to vector<16xf32>
          %parallel_loop3A_1482 = arith.maximumf %parallel_loop3A_1479, %parallel_loop3A_1481 : vector<16xf32>
          %parallel_loop3A_1483 = arith.constant 0 : i32
          %parallel_loop3A_1484 = tpu.memref_slice %arg18[%parallel_loop3A_1439, %parallel_loop3A_1483] : memref<80x80xf32, #tpu.memory_space<vmem>> -> memref<1x80xf32, #tpu.memory_space<vmem>>
          %parallel_loop3A_1485 = tpu.memref_squeeze %parallel_loop3A_1484 : memref<1x80xf32, #tpu.memory_space<vmem>> -> memref<80xf32, #tpu.memory_space<vmem>>
          %parallel_loop3A_1486 = arith.constant 32 : index
          %parallel_loop3A_1487 = tpu.vector_load %parallel_loop3A_1485[%parallel_loop3A_1486] {strides = array<i32>} : memref<80xf32, #tpu.memory_space<vmem>>, vector<16xf32>,
          tpu.vector_store %parallel_loop3A_1485[%parallel_loop3A_1486], %parallel_loop3A_1482 {strides = array<i32>} : memref<80xf32, #tpu.memory_space<vmem>>, vector<16xf32>,
          %parallel_loop3A_1488 = arith.constant 0 : i32
          %parallel_loop3A_1489 = tpu.memref_slice %arg16[%parallel_loop3A_1439, %parallel_loop3A_1488] : memref<80x80xf32, #tpu.memory_space<vmem>> -> memref<1x80xf32, #tpu.memory_space<vmem>>
          %parallel_loop3A_1490 = tpu.memref_squeeze %parallel_loop3A_1489 : memref<1x80xf32, #tpu.memory_space<vmem>> -> memref<80xf32, #tpu.memory_space<vmem>>
          %parallel_loop3A_1491 = arith.constant 48 : index
          %parallel_loop3A_1492 = tpu.vector_load %parallel_loop3A_1490[%parallel_loop3A_1491] {strides = array<i32>} : memref<80xf32, #tpu.memory_space<vmem>>, vector<16xf32>,
          %parallel_loop3A_1493 = vector.broadcast %parallel_loop3A_1435 : f32 to vector<16xf32>
          %parallel_loop3A_1494 = arith.mulf %parallel_loop3A_1493, %get3A_88 : vector<16xf32>
          %parallel_loop3A_1495 = arith.addf %parallel_loop3A_1492, %parallel_loop3A_1494 : vector<16xf32>
          %parallel_loop3A_1496 = arith.constant 0.000000e+00 : f32
          %parallel_loop3A_1497 = vector.broadcast %parallel_loop3A_1496 : f32 to vector<16xf32>
          %parallel_loop3A_1498 = arith.maximumf %parallel_loop3A_1495, %parallel_loop3A_1497 : vector<16xf32>
          %parallel_loop3A_1499 = arith.constant 0 : i32
          %parallel_loop3A_1500 = tpu.memref_slice %arg18[%parallel_loop3A_1439, %parallel_loop3A_1499] : memref<80x80xf32, #tpu.memory_space<vmem>> -> memref<1x80xf32, #tpu.memory_space<vmem>>
          %parallel_loop3A_1501 = tpu.memref_squeeze %parallel_loop3A_1500 : memref<1x80xf32, #tpu.memory_space<vmem>> -> memref<80xf32, #tpu.memory_space<vmem>>
          %parallel_loop3A_1502 = arith.constant 48 : index
          %parallel_loop3A_1503 = tpu.vector_load %parallel_loop3A_1501[%parallel_loop3A_1502] {strides = array<i32>} : memref<80xf32, #tpu.memory_space<vmem>>, vector<16xf32>,
          tpu.vector_store %parallel_loop3A_1501[%parallel_loop3A_1502], %parallel_loop3A_1498 {strides = array<i32>} : memref<80xf32, #tpu.memory_space<vmem>>, vector<16xf32>,
          %parallel_loop3A_1504 = arith.constant 0 : i32
          %parallel_loop3A_1505 = tpu.memref_slice %arg16[%parallel_loop3A_1439, %parallel_loop3A_1504] : memref<80x80xf32, #tpu.memory_space<vmem>> -> memref<1x80xf32, #tpu.memory_space<vmem>>
          %parallel_loop3A_1506 = tpu.memref_squeeze %parallel_loop3A_1505 : memref<1x80xf32, #tpu.memory_space<vmem>> -> memref<80xf32, #tpu.memory_space<vmem>>
          %parallel_loop3A_1507 = arith.constant 64 : index
          %parallel_loop3A_1508 = tpu.vector_load %parallel_loop3A_1506[%parallel_loop3A_1507] {strides = array<i32>} : memref<80xf32, #tpu.memory_space<vmem>>, vector<16xf32>,
          %parallel_loop3A_1509 = vector.broadcast %parallel_loop3A_1435 : f32 to vector<16xf32>
          %parallel_loop3A_1510 = arith.mulf %parallel_loop3A_1509, %get3A_90 : vector<16xf32>
          %parallel_loop3A_1511 = arith.addf %parallel_loop3A_1508, %parallel_loop3A_1510 : vector<16xf32>
          %parallel_loop3A_1512 = arith.constant 0.000000e+00 : f32
          %parallel_loop3A_1513 = vector.broadcast %parallel_loop3A_1512 : f32 to vector<16xf32>
          %parallel_loop3A_1514 = arith.maximumf %parallel_loop3A_1511, %parallel_loop3A_1513 : vector<16xf32>
          %parallel_loop3A_1515 = arith.constant 0 : i32
          %parallel_loop3A_1516 = tpu.memref_slice %arg18[%parallel_loop3A_1439, %parallel_loop3A_1515] : memref<80x80xf32, #tpu.memory_space<vmem>> -> memref<1x80xf32, #tpu.memory_space<vmem>>
          %parallel_loop3A_1517 = tpu.memref_squeeze %parallel_loop3A_1516 : memref<1x80xf32, #tpu.memory_space<vmem>> -> memref<80xf32, #tpu.memory_space<vmem>>
          %parallel_loop3A_1518 = arith.constant 64 : index
          %parallel_loop3A_1519 = tpu.vector_load %parallel_loop3A_1517[%parallel_loop3A_1518] {strides = array<i32>} : memref<80xf32, #tpu.memory_space<vmem>>, vector<16xf32>,
          tpu.vector_store %parallel_loop3A_1517[%parallel_loop3A_1518], %parallel_loop3A_1514 {strides = array<i32>} : memref<80xf32, #tpu.memory_space<vmem>>, vector<16xf32>,
          %parallel_loop3A_1520 = vector.extract_strided_slice %parallel_loop3A_229 {offsets = [15], sizes = [1], strides = [1]} : vector<16xf32> to vector<1xf32>
          %parallel_loop3A_1521 = vector.extract %parallel_loop3A_1520[0] : f32 from vector<1xf32>
          %parallel_loop3A_1522 = arith.constant 16 : i32
          %parallel_loop3A_1523 = arith.muli %parallel_loop3A_225, %parallel_loop3A_1522 : i32
          %parallel_loop3A_1524 = arith.constant 15 : i32
          %parallel_loop3A_1525 = arith.addi %parallel_loop3A_1523, %parallel_loop3A_1524 : i32
          %parallel_loop3A_1526 = arith.constant 0 : i32
          %parallel_loop3A_1527 = tpu.memref_slice %arg16[%parallel_loop3A_1525, %parallel_loop3A_1526] : memref<80x80xf32, #tpu.memory_space<vmem>> -> memref<1x80xf32, #tpu.memory_space<vmem>>
          %parallel_loop3A_1528 = tpu.memref_squeeze %parallel_loop3A_1527 : memref<1x80xf32, #tpu.memory_space<vmem>> -> memref<80xf32, #tpu.memory_space<vmem>>
          %parallel_loop3A_1529 = arith.constant 0 : index
          %parallel_loop3A_1530 = tpu.vector_load %parallel_loop3A_1528[%parallel_loop3A_1529] {strides = array<i32>} : memref<80xf32, #tpu.memory_space<vmem>>, vector<16xf32>,
          %parallel_loop3A_1531 = vector.broadcast %parallel_loop3A_1521 : f32 to vector<16xf32>
          %parallel_loop3A_1532 = arith.mulf %parallel_loop3A_1531, %get3A_82 : vector<16xf32>
          %parallel_loop3A_1533 = arith.addf %parallel_loop3A_1530, %parallel_loop3A_1532 : vector<16xf32>
          %parallel_loop3A_1534 = arith.constant 0.000000e+00 : f32
          %parallel_loop3A_1535 = vector.broadcast %parallel_loop3A_1534 : f32 to vector<16xf32>
          %parallel_loop3A_1536 = arith.maximumf %parallel_loop3A_1533, %parallel_loop3A_1535 : vector<16xf32>
          %parallel_loop3A_1537 = arith.constant 0 : i32
          %parallel_loop3A_1538 = tpu.memref_slice %arg18[%parallel_loop3A_1525, %parallel_loop3A_1537] : memref<80x80xf32, #tpu.memory_space<vmem>> -> memref<1x80xf32, #tpu.memory_space<vmem>>
          %parallel_loop3A_1539 = tpu.memref_squeeze %parallel_loop3A_1538 : memref<1x80xf32, #tpu.memory_space<vmem>> -> memref<80xf32, #tpu.memory_space<vmem>>
          %parallel_loop3A_1540 = arith.constant 0 : index
          %parallel_loop3A_1541 = tpu.vector_load %parallel_loop3A_1539[%parallel_loop3A_1540] {strides = array<i32>} : memref<80xf32, #tpu.memory_space<vmem>>, vector<16xf32>,
          tpu.vector_store %parallel_loop3A_1539[%parallel_loop3A_1540], %parallel_loop3A_1536 {strides = array<i32>} : memref<80xf32, #tpu.memory_space<vmem>>, vector<16xf32>,
          %parallel_loop3A_1542 = arith.constant 0 : i32
          %parallel_loop3A_1543 = tpu.memref_slice %arg16[%parallel_loop3A_1525, %parallel_loop3A_1542] : memref<80x80xf32, #tpu.memory_space<vmem>> -> memref<1x80xf32, #tpu.memory_space<vmem>>
          %parallel_loop3A_1544 = tpu.memref_squeeze %parallel_loop3A_1543 : memref<1x80xf32, #tpu.memory_space<vmem>> -> memref<80xf32, #tpu.memory_space<vmem>>
          %parallel_loop3A_1545 = arith.constant 16 : index
          %parallel_loop3A_1546 = tpu.vector_load %parallel_loop3A_1544[%parallel_loop3A_1545] {strides = array<i32>} : memref<80xf32, #tpu.memory_space<vmem>>, vector<16xf32>,
          %parallel_loop3A_1547 = vector.broadcast %parallel_loop3A_1521 : f32 to vector<16xf32>
          %parallel_loop3A_1548 = arith.mulf %parallel_loop3A_1547, %get3A_84 : vector<16xf32>
          %parallel_loop3A_1549 = arith.addf %parallel_loop3A_1546, %parallel_loop3A_1548 : vector<16xf32>
          %parallel_loop3A_1550 = arith.constant 0.000000e+00 : f32
          %parallel_loop3A_1551 = vector.broadcast %parallel_loop3A_1550 : f32 to vector<16xf32>
          %parallel_loop3A_1552 = arith.maximumf %parallel_loop3A_1549, %parallel_loop3A_1551 : vector<16xf32>
          %parallel_loop3A_1553 = arith.constant 0 : i32
          %parallel_loop3A_1554 = tpu.memref_slice %arg18[%parallel_loop3A_1525, %parallel_loop3A_1553] : memref<80x80xf32, #tpu.memory_space<vmem>> -> memref<1x80xf32, #tpu.memory_space<vmem>>
          %parallel_loop3A_1555 = tpu.memref_squeeze %parallel_loop3A_1554 : memref<1x80xf32, #tpu.memory_space<vmem>> -> memref<80xf32, #tpu.memory_space<vmem>>
          %parallel_loop3A_1556 = arith.constant 16 : index
          %parallel_loop3A_1557 = tpu.vector_load %parallel_loop3A_1555[%parallel_loop3A_1556] {strides = array<i32>} : memref<80xf32, #tpu.memory_space<vmem>>, vector<16xf32>,
          tpu.vector_store %parallel_loop3A_1555[%parallel_loop3A_1556], %parallel_loop3A_1552 {strides = array<i32>} : memref<80xf32, #tpu.memory_space<vmem>>, vector<16xf32>,
          %parallel_loop3A_1558 = arith.constant 0 : i32
          %parallel_loop3A_1559 = tpu.memref_slice %arg16[%parallel_loop3A_1525, %parallel_loop3A_1558] : memref<80x80xf32, #tpu.memory_space<vmem>> -> memref<1x80xf32, #tpu.memory_space<vmem>>
          %parallel_loop3A_1560 = tpu.memref_squeeze %parallel_loop3A_1559 : memref<1x80xf32, #tpu.memory_space<vmem>> -> memref<80xf32, #tpu.memory_space<vmem>>
          %parallel_loop3A_1561 = arith.constant 32 : index
          %parallel_loop3A_1562 = tpu.vector_load %parallel_loop3A_1560[%parallel_loop3A_1561] {strides = array<i32>} : memref<80xf32, #tpu.memory_space<vmem>>, vector<16xf32>,
          %parallel_loop3A_1563 = vector.broadcast %parallel_loop3A_1521 : f32 to vector<16xf32>
          %parallel_loop3A_1564 = arith.mulf %parallel_loop3A_1563, %get3A_86 : vector<16xf32>
          %parallel_loop3A_1565 = arith.addf %parallel_loop3A_1562, %parallel_loop3A_1564 : vector<16xf32>
          %parallel_loop3A_1566 = arith.constant 0.000000e+00 : f32
          %parallel_loop3A_1567 = vector.broadcast %parallel_loop3A_1566 : f32 to vector<16xf32>
          %parallel_loop3A_1568 = arith.maximumf %parallel_loop3A_1565, %parallel_loop3A_1567 : vector<16xf32>
          %parallel_loop3A_1569 = arith.constant 0 : i32
          %parallel_loop3A_1570 = tpu.memref_slice %arg18[%parallel_loop3A_1525, %parallel_loop3A_1569] : memref<80x80xf32, #tpu.memory_space<vmem>> -> memref<1x80xf32, #tpu.memory_space<vmem>>
          %parallel_loop3A_1571 = tpu.memref_squeeze %parallel_loop3A_1570 : memref<1x80xf32, #tpu.memory_space<vmem>> -> memref<80xf32, #tpu.memory_space<vmem>>
          %parallel_loop3A_1572 = arith.constant 32 : index
          %parallel_loop3A_1573 = tpu.vector_load %parallel_loop3A_1571[%parallel_loop3A_1572] {strides = array<i32>} : memref<80xf32, #tpu.memory_space<vmem>>, vector<16xf32>,
          tpu.vector_store %parallel_loop3A_1571[%parallel_loop3A_1572], %parallel_loop3A_1568 {strides = array<i32>} : memref<80xf32, #tpu.memory_space<vmem>>, vector<16xf32>,
          %parallel_loop3A_1574 = arith.constant 0 : i32
          %parallel_loop3A_1575 = tpu.memref_slice %arg16[%parallel_loop3A_1525, %parallel_loop3A_1574] : memref<80x80xf32, #tpu.memory_space<vmem>> -> memref<1x80xf32, #tpu.memory_space<vmem>>
          %parallel_loop3A_1576 = tpu.memref_squeeze %parallel_loop3A_1575 : memref<1x80xf32, #tpu.memory_space<vmem>> -> memref<80xf32, #tpu.memory_space<vmem>>
          %parallel_loop3A_1577 = arith.constant 48 : index
          %parallel_loop3A_1578 = tpu.vector_load %parallel_loop3A_1576[%parallel_loop3A_1577] {strides = array<i32>} : memref<80xf32, #tpu.memory_space<vmem>>, vector<16xf32>,
          %parallel_loop3A_1579 = vector.broadcast %parallel_loop3A_1521 : f32 to vector<16xf32>
          %parallel_loop3A_1580 = arith.mulf %parallel_loop3A_1579, %get3A_88 : vector<16xf32>
          %parallel_loop3A_1581 = arith.addf %parallel_loop3A_1578, %parallel_loop3A_1580 : vector<16xf32>
          %parallel_loop3A_1582 = arith.constant 0.000000e+00 : f32
          %parallel_loop3A_1583 = vector.broadcast %parallel_loop3A_1582 : f32 to vector<16xf32>
          %parallel_loop3A_1584 = arith.maximumf %parallel_loop3A_1581, %parallel_loop3A_1583 : vector<16xf32>
          %parallel_loop3A_1585 = arith.constant 0 : i32
          %parallel_loop3A_1586 = tpu.memref_slice %arg18[%parallel_loop3A_1525, %parallel_loop3A_1585] : memref<80x80xf32, #tpu.memory_space<vmem>> -> memref<1x80xf32, #tpu.memory_space<vmem>>
          %parallel_loop3A_1587 = tpu.memref_squeeze %parallel_loop3A_1586 : memref<1x80xf32, #tpu.memory_space<vmem>> -> memref<80xf32, #tpu.memory_space<vmem>>
          %parallel_loop3A_1588 = arith.constant 48 : index
          %parallel_loop3A_1589 = tpu.vector_load %parallel_loop3A_1587[%parallel_loop3A_1588] {strides = array<i32>} : memref<80xf32, #tpu.memory_space<vmem>>, vector<16xf32>,
          tpu.vector_store %parallel_loop3A_1587[%parallel_loop3A_1588], %parallel_loop3A_1584 {strides = array<i32>} : memref<80xf32, #tpu.memory_space<vmem>>, vector<16xf32>,
          %parallel_loop3A_1590 = arith.constant 0 : i32
          %parallel_loop3A_1591 = tpu.memref_slice %arg16[%parallel_loop3A_1525, %parallel_loop3A_1590] : memref<80x80xf32, #tpu.memory_space<vmem>> -> memref<1x80xf32, #tpu.memory_space<vmem>>
          %parallel_loop3A_1592 = tpu.memref_squeeze %parallel_loop3A_1591 : memref<1x80xf32, #tpu.memory_space<vmem>> -> memref<80xf32, #tpu.memory_space<vmem>>
          %parallel_loop3A_1593 = arith.constant 64 : index
          %parallel_loop3A_1594 = tpu.vector_load %parallel_loop3A_1592[%parallel_loop3A_1593] {strides = array<i32>} : memref<80xf32, #tpu.memory_space<vmem>>, vector<16xf32>,
          %parallel_loop3A_1595 = vector.broadcast %parallel_loop3A_1521 : f32 to vector<16xf32>
          %parallel_loop3A_1596 = arith.mulf %parallel_loop3A_1595, %get3A_90 : vector<16xf32>
          %parallel_loop3A_1597 = arith.addf %parallel_loop3A_1594, %parallel_loop3A_1596 : vector<16xf32>
          %parallel_loop3A_1598 = arith.constant 0.000000e+00 : f32
          %parallel_loop3A_1599 = vector.broadcast %parallel_loop3A_1598 : f32 to vector<16xf32>
          %parallel_loop3A_1600 = arith.maximumf %parallel_loop3A_1597, %parallel_loop3A_1599 : vector<16xf32>
          %parallel_loop3A_1601 = arith.constant 0 : i32
          %parallel_loop3A_1602 = tpu.memref_slice %arg18[%parallel_loop3A_1525, %parallel_loop3A_1601] : memref<80x80xf32, #tpu.memory_space<vmem>> -> memref<1x80xf32, #tpu.memory_space<vmem>>
          %parallel_loop3A_1603 = tpu.memref_squeeze %parallel_loop3A_1602 : memref<1x80xf32, #tpu.memory_space<vmem>> -> memref<80xf32, #tpu.memory_space<vmem>>
          %parallel_loop3A_1604 = arith.constant 64 : index
          %parallel_loop3A_1605 = tpu.vector_load %parallel_loop3A_1603[%parallel_loop3A_1604] {strides = array<i32>} : memref<80xf32, #tpu.memory_space<vmem>>, vector<16xf32>,
          tpu.vector_store %parallel_loop3A_1603[%parallel_loop3A_1604], %parallel_loop3A_1600 {strides = array<i32>} : memref<80xf32, #tpu.memory_space<vmem>>, vector<16xf32>,
        } {sc.loop_unroll_factor = 2 : i64, sc.parallel_access}
      } else {
      }
      %add3A_175 = arith.constant 2 : i32
      %add3A_176 = arith.addi %add3A_161, %add3A_175 : i32
      %lt3A_177 = arith.constant 250 : i32
      %lt3A_178 = arith.cmpi slt, %add3A_176, %lt3A_177 : i32
      %convert_element_type3A_179 = arith.extui %lt3A_178 : i1 to i32
      %cond3A_180 = arith.constant 0 : i32
      %cond3A_181 = arith.cmpi ne, %convert_element_type3A_179, %cond3A_180 : i32
      scf.if %cond3A_181 {
        %add3A_220 = arith.constant 2 : i32
        %add3A_221 = arith.addi %add3A_161, %add3A_220 : i32
        %mul3A_222 = arith.constant 80 : i32
        %mul3A_223 = arith.muli %add3A_221, %mul3A_222 : i32
        %add3A_224 = arith.addi %mul3A_92, %mul3A_223 : i32
        %dma_start3A_225 = arith.constant 0 : i32
        %dma_start3A_226 = tpu.memref_slice %arg3[%dma_start3A_225, %add3A_224] : memref<2x320000xi32, #tpu.memory_space<hbm>> -> memref<1x80xi32, #tpu.memory_space<hbm>>
        %dma_start3A_227 = tpu.memref_squeeze %dma_start3A_226 : memref<1x80xi32, #tpu.memory_space<hbm>> -> memref<80xi32, #tpu.memory_space<hbm>>
        %dma_start3A_228 = tpu.memref_slice %arg3[%dma_start3A_225, %add3A_224] : memref<2x320000xi32, #tpu.memory_space<hbm>> -> memref<1x80xi32, #tpu.memory_space<hbm>>
        %dma_start3A_229 = tpu.memref_squeeze %dma_start3A_228 : memref<1x80xi32, #tpu.memory_space<hbm>> -> memref<80xi32, #tpu.memory_space<hbm>>
        tpu.enqueue_dma source(%dma_start3A_229 : memref<80xi32, #tpu.memory_space<hbm>>) target(%arg10 : memref<80xi32, #tpu.memory_space<vmem>>) target_semaphore(%arg21 : memref<!tpu.dma_semaphore, #tpu.memory_space<semaphore_mem>>)
        %dma_start3A_230 = arith.constant 1 : i32
        %dma_start3A_231 = tpu.memref_slice %arg3[%dma_start3A_230, %add3A_224] : memref<2x320000xi32, #tpu.memory_space<hbm>> -> memref<1x80xi32, #tpu.memory_space<hbm>>
        %dma_start3A_232 = tpu.memref_squeeze %dma_start3A_231 : memref<1x80xi32, #tpu.memory_space<hbm>> -> memref<80xi32, #tpu.memory_space<hbm>>
        %dma_start3A_233 = tpu.memref_slice %arg3[%dma_start3A_230, %add3A_224] : memref<2x320000xi32, #tpu.memory_space<hbm>> -> memref<1x80xi32, #tpu.memory_space<hbm>>
        %dma_start3A_234 = tpu.memref_squeeze %dma_start3A_233 : memref<1x80xi32, #tpu.memory_space<hbm>> -> memref<80xi32, #tpu.memory_space<hbm>>
        tpu.enqueue_dma source(%dma_start3A_234 : memref<80xi32, #tpu.memory_space<hbm>>) target(%arg12 : memref<80xi32, #tpu.memory_space<vmem>>) target_semaphore(%arg21 : memref<!tpu.dma_semaphore, #tpu.memory_space<semaphore_mem>>)
        %dma_start3A_235 = tpu.memref_slice %arg4[%add3A_224] : memref<320000xf32, #tpu.memory_space<hbm>> -> memref<80xf32, #tpu.memory_space<hbm>>
        %dma_start3A_236 = tpu.memref_slice %arg4[%add3A_224] : memref<320000xf32, #tpu.memory_space<hbm>> -> memref<80xf32, #tpu.memory_space<hbm>>
        tpu.enqueue_dma source(%dma_start3A_236 : memref<80xf32, #tpu.memory_space<hbm>>) target(%arg14 : memref<80xf32, #tpu.memory_space<vmem>>) target_semaphore(%arg21 : memref<!tpu.dma_semaphore, #tpu.memory_space<semaphore_mem>>)
      } else {
      }
      %lt3A_182 = arith.constant 250 : i32
      %lt3A_183 = arith.cmpi slt, %add3A_161, %lt3A_182 : i32
      %convert_element_type3A_184 = arith.extui %lt3A_183 : i1 to i32
      %cond3A_185 = arith.constant 0 : i32
      %cond3A_186 = arith.cmpi ne, %convert_element_type3A_184, %cond3A_185 : i32
      scf.if %cond3A_186 {
        %dma_start3A_220 = arith.constant 0 : i32
        %dma_start3A_221 = arith.constant 0 : i32
        %dma_start3A_222 = tpu.memref_slice %arg8[%dma_start3A_220, %dma_start3A_221] : memref<10240x80xf32, #tpu.memory_space<vmem_shared>> -> memref<10240x80xf32, #tpu.memory_space<vmem_shared>>
        tpu.enqueue_indirect_dma source(%arg18 : memref<80x80xf32, #tpu.memory_space<vmem>>) target(%dma_start3A_222 : memref<10240x80xf32, #tpu.memory_space<vmem_shared>>) offsets(%arg12 : memref<80xi32, #tpu.memory_space<vmem>>) semaphore(%arg25 : memref<!tpu.dma_semaphore, #tpu.memory_space<semaphore_mem>>) {add = true}
      } else {
      }
      %mul3A_187 = arith.constant 2 : i32
      %mul3A_188 = arith.muli %add3A_157, %mul3A_187 : i32
      %add3A_189 = arith.constant 1 : i32
      %add3A_190 = arith.addi %mul3A_188, %add3A_189 : i32
      %add3A_191 = arith.constant 1 : i32
      %add3A_192 = arith.addi %add3A_190, %add3A_191 : i32
      %lt3A_193 = arith.constant 250 : i32
      %lt3A_194 = arith.cmpi slt, %add3A_192, %lt3A_193 : i32
      %convert_element_type3A_195 = arith.extui %lt3A_194 : i1 to i32
      %cond3A_196 = arith.constant 0 : i32
      %cond3A_197 = arith.cmpi ne, %convert_element_type3A_195, %cond3A_196 : i32
      scf.if %cond3A_197 {
        %dma_wait3A_220 = arith.constant 0 : i32
        %dma_wait3A_221 = arith.constant 0 : i32
        %dma_wait3A_222 = tpu.memref_slice %arg3[%dma_wait3A_220, %dma_wait3A_221] : memref<2x320000xi32, #tpu.memory_space<hbm>> -> memref<1x80xi32, #tpu.memory_space<hbm>>
        %dma_wait3A_223 = tpu.memref_squeeze %dma_wait3A_222 : memref<1x80xi32, #tpu.memory_space<hbm>> -> memref<80xi32, #tpu.memory_space<hbm>>
        %dma_wait3A_224 = arith.constant 0 : i32
        %dma_wait3A_225 = tpu.memref_slice %arg3[%dma_wait3A_220, %dma_wait3A_224] : memref<2x320000xi32, #tpu.memory_space<hbm>> -> memref<1x80xi32, #tpu.memory_space<hbm>>
        %dma_wait3A_226 = tpu.memref_squeeze %dma_wait3A_225 : memref<1x80xi32, #tpu.memory_space<hbm>> -> memref<80xi32, #tpu.memory_space<hbm>>
        tpu.wait_dma2 semaphore(%arg21 : memref<!tpu.dma_semaphore, #tpu.memory_space<semaphore_mem>>) src(%dma_wait3A_226 : memref<80xi32, #tpu.memory_space<hbm>>) dst(%arg10 : memref<80xi32, #tpu.memory_space<vmem>>)
        %dma_wait3A_227 = arith.constant 1 : i32
        %dma_wait3A_228 = arith.constant 0 : i32
        %dma_wait3A_229 = tpu.memref_slice %arg3[%dma_wait3A_227, %dma_wait3A_228] : memref<2x320000xi32, #tpu.memory_space<hbm>> -> memref<1x80xi32, #tpu.memory_space<hbm>>
        %dma_wait3A_230 = tpu.memref_squeeze %dma_wait3A_229 : memref<1x80xi32, #tpu.memory_space<hbm>> -> memref<80xi32, #tpu.memory_space<hbm>>
        %dma_wait3A_231 = arith.constant 0 : i32
        %dma_wait3A_232 = tpu.memref_slice %arg3[%dma_wait3A_227, %dma_wait3A_231] : memref<2x320000xi32, #tpu.memory_space<hbm>> -> memref<1x80xi32, #tpu.memory_space<hbm>>
        %dma_wait3A_233 = tpu.memref_squeeze %dma_wait3A_232 : memref<1x80xi32, #tpu.memory_space<hbm>> -> memref<80xi32, #tpu.memory_space<hbm>>
        tpu.wait_dma2 semaphore(%arg21 : memref<!tpu.dma_semaphore, #tpu.memory_space<semaphore_mem>>) src(%dma_wait3A_233 : memref<80xi32, #tpu.memory_space<hbm>>) dst(%arg12 : memref<80xi32, #tpu.memory_space<vmem>>)
        %dma_wait3A_234 = arith.constant 0 : i32
        %dma_wait3A_235 = tpu.memref_slice %arg4[%dma_wait3A_234] : memref<320000xf32, #tpu.memory_space<hbm>> -> memref<80xf32, #tpu.memory_space<hbm>>
        %dma_wait3A_236 = arith.constant 0 : i32
        %dma_wait3A_237 = tpu.memref_slice %arg4[%dma_wait3A_236] : memref<320000xf32, #tpu.memory_space<hbm>> -> memref<80xf32, #tpu.memory_space<hbm>>
        tpu.wait_dma2 semaphore(%arg21 : memref<!tpu.dma_semaphore, #tpu.memory_space<semaphore_mem>>) src(%dma_wait3A_237 : memref<80xf32, #tpu.memory_space<hbm>>) dst(%arg14 : memref<80xf32, #tpu.memory_space<vmem>>)
        %dma_start3A_238 = arith.constant 0 : i32
        %dma_start3A_239 = arith.constant 0 : i32
        %dma_start3A_240 = tpu.memref_slice %arg9[%dma_start3A_238, %dma_start3A_239] : memref<10000x80xf32, #tpu.memory_space<vmem_shared>> -> memref<10000x80xf32, #tpu.memory_space<vmem_shared>>
        tpu.enqueue_indirect_dma source(%dma_start3A_240 : memref<10000x80xf32, #tpu.memory_space<vmem_shared>>) target(%arg16 : memref<80x80xf32, #tpu.memory_space<vmem>>) offsets(%arg10 : memref<80xi32, #tpu.memory_space<vmem>>) semaphore(%arg23 : memref<!tpu.dma_semaphore, #tpu.memory_space<semaphore_mem>>)
      } else {
      }
      %ge3A_198 = arith.constant 2 : i32
      %ge3A_199 = arith.cmpi sge, %add3A_190, %ge3A_198 : i32
      %convert_element_type3A_200 = arith.extui %ge3A_199 : i1 to i32
      %cond3A_201 = arith.constant 0 : i32
      %cond3A_202 = arith.cmpi ne, %convert_element_type3A_200, %cond3A_201 : i32
      scf.if %cond3A_202 {
        %dma_wait3A_220 = arith.constant 0 : i32
        %dma_wait3A_221 = arith.constant 0 : i32
        %dma_wait3A_222 = tpu.memref_slice %arg8[%dma_wait3A_220, %dma_wait3A_221] : memref<10240x80xf32, #tpu.memory_space<vmem_shared>> -> memref<10240x80xf32, #tpu.memory_space<vmem_shared>>
        tpu.wait_indirect_dma semaphore(%arg26 : memref<!tpu.dma_semaphore, #tpu.memory_space<semaphore_mem>>) src(%arg19 : memref<80x80xf32, #tpu.memory_space<vmem>>) dst(%dma_wait3A_222 : memref<10240x80xf32, #tpu.memory_space<vmem_shared>>)
      } else {
      }
      %lt3A_203 = arith.constant 250 : i32
      %lt3A_204 = arith.cmpi slt, %add3A_190, %lt3A_203 : i32
      %convert_element_type3A_205 = arith.extui %lt3A_204 : i1 to i32
      %cond3A_206 = arith.constant 0 : i32
      %cond3A_207 = arith.cmpi ne, %convert_element_type3A_205, %cond3A_206 : i32
      scf.if %cond3A_207 {
        %dma_wait3A_220 = arith.constant 0 : i32
        %dma_wait3A_221 = arith.constant 0 : i32
        %dma_wait3A_222 = tpu.memref_slice %arg9[%dma_wait3A_220, %dma_wait3A_221] : memref<10000x80xf32, #tpu.memory_space<vmem_shared>> -> memref<10000x80xf32, #tpu.memory_space<vmem_shared>>
        tpu.wait_indirect_dma semaphore(%arg24 : memref<!tpu.dma_semaphore, #tpu.memory_space<semaphore_mem>>) src(%dma_wait3A_222 : memref<10000x80xf32, #tpu.memory_space<vmem_shared>>) dst(%arg17 : memref<80x80xf32, #tpu.memory_space<vmem>>)
        %parallel_loop3A = arith.constant 0 : i32
        %parallel_loop3A_223 = arith.constant 5 : i32
        %parallel_loop3A_224 = arith.constant 1 : i32
        scf.for %parallel_loop3A_225 = %parallel_loop3A to %parallel_loop3A_223 step %parallel_loop3A_224  : i32 {
          %parallel_loop3A_226 = arith.constant 16 : i32
          %parallel_loop3A_227 = arith.muli %parallel_loop3A_225, %parallel_loop3A_226 : i32
          %parallel_loop3A_228 = arith.index_cast %parallel_loop3A_227 : i32 to index
          %parallel_loop3A_229 = tpu.vector_load %arg15[%parallel_loop3A_228] {strides = array<i32>} : memref<80xf32, #tpu.memory_space<vmem>>, vector<16xf32>,
          %parallel_loop3A_230 = vector.extract_strided_slice %parallel_loop3A_229 {offsets = [0], sizes = [1], strides = [1]} : vector<16xf32> to vector<1xf32>
          %parallel_loop3A_231 = vector.extract %parallel_loop3A_230[0] : f32 from vector<1xf32>
          %parallel_loop3A_232 = arith.constant 16 : i32
          %parallel_loop3A_233 = arith.muli %parallel_loop3A_225, %parallel_loop3A_232 : i32
          %parallel_loop3A_234 = arith.constant 0 : i32
          %parallel_loop3A_235 = arith.addi %parallel_loop3A_233, %parallel_loop3A_234 : i32
          %parallel_loop3A_236 = arith.constant 0 : i32
          %parallel_loop3A_237 = tpu.memref_slice %arg17[%parallel_loop3A_235, %parallel_loop3A_236] : memref<80x80xf32, #tpu.memory_space<vmem>> -> memref<1x80xf32, #tpu.memory_space<vmem>>
          %parallel_loop3A_238 = tpu.memref_squeeze %parallel_loop3A_237 : memref<1x80xf32, #tpu.memory_space<vmem>> -> memref<80xf32, #tpu.memory_space<vmem>>
          %parallel_loop3A_239 = arith.constant 0 : index
          %parallel_loop3A_240 = tpu.vector_load %parallel_loop3A_238[%parallel_loop3A_239] {strides = array<i32>} : memref<80xf32, #tpu.memory_space<vmem>>, vector<16xf32>,
          %parallel_loop3A_241 = vector.broadcast %parallel_loop3A_231 : f32 to vector<16xf32>
          %parallel_loop3A_242 = arith.mulf %parallel_loop3A_241, %get3A_82 : vector<16xf32>
          %parallel_loop3A_243 = arith.addf %parallel_loop3A_240, %parallel_loop3A_242 : vector<16xf32>
          %parallel_loop3A_244 = arith.constant 0.000000e+00 : f32
          %parallel_loop3A_245 = vector.broadcast %parallel_loop3A_244 : f32 to vector<16xf32>
          %parallel_loop3A_246 = arith.maximumf %parallel_loop3A_243, %parallel_loop3A_245 : vector<16xf32>
          %parallel_loop3A_247 = arith.constant 0 : i32
          %parallel_loop3A_248 = tpu.memref_slice %arg19[%parallel_loop3A_235, %parallel_loop3A_247] : memref<80x80xf32, #tpu.memory_space<vmem>> -> memref<1x80xf32, #tpu.memory_space<vmem>>
          %parallel_loop3A_249 = tpu.memref_squeeze %parallel_loop3A_248 : memref<1x80xf32, #tpu.memory_space<vmem>> -> memref<80xf32, #tpu.memory_space<vmem>>
          %parallel_loop3A_250 = arith.constant 0 : index
          %parallel_loop3A_251 = tpu.vector_load %parallel_loop3A_249[%parallel_loop3A_250] {strides = array<i32>} : memref<80xf32, #tpu.memory_space<vmem>>, vector<16xf32>,
          tpu.vector_store %parallel_loop3A_249[%parallel_loop3A_250], %parallel_loop3A_246 {strides = array<i32>} : memref<80xf32, #tpu.memory_space<vmem>>, vector<16xf32>,
          %parallel_loop3A_252 = arith.constant 0 : i32
          %parallel_loop3A_253 = tpu.memref_slice %arg17[%parallel_loop3A_235, %parallel_loop3A_252] : memref<80x80xf32, #tpu.memory_space<vmem>> -> memref<1x80xf32, #tpu.memory_space<vmem>>
          %parallel_loop3A_254 = tpu.memref_squeeze %parallel_loop3A_253 : memref<1x80xf32, #tpu.memory_space<vmem>> -> memref<80xf32, #tpu.memory_space<vmem>>
          %parallel_loop3A_255 = arith.constant 16 : index
          %parallel_loop3A_256 = tpu.vector_load %parallel_loop3A_254[%parallel_loop3A_255] {strides = array<i32>} : memref<80xf32, #tpu.memory_space<vmem>>, vector<16xf32>,
          %parallel_loop3A_257 = vector.broadcast %parallel_loop3A_231 : f32 to vector<16xf32>
          %parallel_loop3A_258 = arith.mulf %parallel_loop3A_257, %get3A_84 : vector<16xf32>
          %parallel_loop3A_259 = arith.addf %parallel_loop3A_256, %parallel_loop3A_258 : vector<16xf32>
          %parallel_loop3A_260 = arith.constant 0.000000e+00 : f32
          %parallel_loop3A_261 = vector.broadcast %parallel_loop3A_260 : f32 to vector<16xf32>
          %parallel_loop3A_262 = arith.maximumf %parallel_loop3A_259, %parallel_loop3A_261 : vector<16xf32>
          %parallel_loop3A_263 = arith.constant 0 : i32
          %parallel_loop3A_264 = tpu.memref_slice %arg19[%parallel_loop3A_235, %parallel_loop3A_263] : memref<80x80xf32, #tpu.memory_space<vmem>> -> memref<1x80xf32, #tpu.memory_space<vmem>>
          %parallel_loop3A_265 = tpu.memref_squeeze %parallel_loop3A_264 : memref<1x80xf32, #tpu.memory_space<vmem>> -> memref<80xf32, #tpu.memory_space<vmem>>
          %parallel_loop3A_266 = arith.constant 16 : index
          %parallel_loop3A_267 = tpu.vector_load %parallel_loop3A_265[%parallel_loop3A_266] {strides = array<i32>} : memref<80xf32, #tpu.memory_space<vmem>>, vector<16xf32>,
          tpu.vector_store %parallel_loop3A_265[%parallel_loop3A_266], %parallel_loop3A_262 {strides = array<i32>} : memref<80xf32, #tpu.memory_space<vmem>>, vector<16xf32>,
          %parallel_loop3A_268 = arith.constant 0 : i32
          %parallel_loop3A_269 = tpu.memref_slice %arg17[%parallel_loop3A_235, %parallel_loop3A_268] : memref<80x80xf32, #tpu.memory_space<vmem>> -> memref<1x80xf32, #tpu.memory_space<vmem>>
          %parallel_loop3A_270 = tpu.memref_squeeze %parallel_loop3A_269 : memref<1x80xf32, #tpu.memory_space<vmem>> -> memref<80xf32, #tpu.memory_space<vmem>>
          %parallel_loop3A_271 = arith.constant 32 : index
          %parallel_loop3A_272 = tpu.vector_load %parallel_loop3A_270[%parallel_loop3A_271] {strides = array<i32>} : memref<80xf32, #tpu.memory_space<vmem>>, vector<16xf32>,
          %parallel_loop3A_273 = vector.broadcast %parallel_loop3A_231 : f32 to vector<16xf32>
          %parallel_loop3A_274 = arith.mulf %parallel_loop3A_273, %get3A_86 : vector<16xf32>
          %parallel_loop3A_275 = arith.addf %parallel_loop3A_272, %parallel_loop3A_274 : vector<16xf32>
          %parallel_loop3A_276 = arith.constant 0.000000e+00 : f32
          %parallel_loop3A_277 = vector.broadcast %parallel_loop3A_276 : f32 to vector<16xf32>
          %parallel_loop3A_278 = arith.maximumf %parallel_loop3A_275, %parallel_loop3A_277 : vector<16xf32>
          %parallel_loop3A_279 = arith.constant 0 : i32
          %parallel_loop3A_280 = tpu.memref_slice %arg19[%parallel_loop3A_235, %parallel_loop3A_279] : memref<80x80xf32, #tpu.memory_space<vmem>> -> memref<1x80xf32, #tpu.memory_space<vmem>>
          %parallel_loop3A_281 = tpu.memref_squeeze %parallel_loop3A_280 : memref<1x80xf32, #tpu.memory_space<vmem>> -> memref<80xf32, #tpu.memory_space<vmem>>
          %parallel_loop3A_282 = arith.constant 32 : index
          %parallel_loop3A_283 = tpu.vector_load %parallel_loop3A_281[%parallel_loop3A_282] {strides = array<i32>} : memref<80xf32, #tpu.memory_space<vmem>>, vector<16xf32>,
          tpu.vector_store %parallel_loop3A_281[%parallel_loop3A_282], %parallel_loop3A_278 {strides = array<i32>} : memref<80xf32, #tpu.memory_space<vmem>>, vector<16xf32>,
          %parallel_loop3A_284 = arith.constant 0 : i32
          %parallel_loop3A_285 = tpu.memref_slice %arg17[%parallel_loop3A_235, %parallel_loop3A_284] : memref<80x80xf32, #tpu.memory_space<vmem>> -> memref<1x80xf32, #tpu.memory_space<vmem>>
          %parallel_loop3A_286 = tpu.memref_squeeze %parallel_loop3A_285 : memref<1x80xf32, #tpu.memory_space<vmem>> -> memref<80xf32, #tpu.memory_space<vmem>>
          %parallel_loop3A_287 = arith.constant 48 : index
          %parallel_loop3A_288 = tpu.vector_load %parallel_loop3A_286[%parallel_loop3A_287] {strides = array<i32>} : memref<80xf32, #tpu.memory_space<vmem>>, vector<16xf32>,
          %parallel_loop3A_289 = vector.broadcast %parallel_loop3A_231 : f32 to vector<16xf32>
          %parallel_loop3A_290 = arith.mulf %parallel_loop3A_289, %get3A_88 : vector<16xf32>
          %parallel_loop3A_291 = arith.addf %parallel_loop3A_288, %parallel_loop3A_290 : vector<16xf32>
          %parallel_loop3A_292 = arith.constant 0.000000e+00 : f32
          %parallel_loop3A_293 = vector.broadcast %parallel_loop3A_292 : f32 to vector<16xf32>
          %parallel_loop3A_294 = arith.maximumf %parallel_loop3A_291, %parallel_loop3A_293 : vector<16xf32>
          %parallel_loop3A_295 = arith.constant 0 : i32
          %parallel_loop3A_296 = tpu.memref_slice %arg19[%parallel_loop3A_235, %parallel_loop3A_295] : memref<80x80xf32, #tpu.memory_space<vmem>> -> memref<1x80xf32, #tpu.memory_space<vmem>>
          %parallel_loop3A_297 = tpu.memref_squeeze %parallel_loop3A_296 : memref<1x80xf32, #tpu.memory_space<vmem>> -> memref<80xf32, #tpu.memory_space<vmem>>
          %parallel_loop3A_298 = arith.constant 48 : index
          %parallel_loop3A_299 = tpu.vector_load %parallel_loop3A_297[%parallel_loop3A_298] {strides = array<i32>} : memref<80xf32, #tpu.memory_space<vmem>>, vector<16xf32>,
          tpu.vector_store %parallel_loop3A_297[%parallel_loop3A_298], %parallel_loop3A_294 {strides = array<i32>} : memref<80xf32, #tpu.memory_space<vmem>>, vector<16xf32>,
          %parallel_loop3A_300 = arith.constant 0 : i32
          %parallel_loop3A_301 = tpu.memref_slice %arg17[%parallel_loop3A_235, %parallel_loop3A_300] : memref<80x80xf32, #tpu.memory_space<vmem>> -> memref<1x80xf32, #tpu.memory_space<vmem>>
          %parallel_loop3A_302 = tpu.memref_squeeze %parallel_loop3A_301 : memref<1x80xf32, #tpu.memory_space<vmem>> -> memref<80xf32, #tpu.memory_space<vmem>>
          %parallel_loop3A_303 = arith.constant 64 : index
          %parallel_loop3A_304 = tpu.vector_load %parallel_loop3A_302[%parallel_loop3A_303] {strides = array<i32>} : memref<80xf32, #tpu.memory_space<vmem>>, vector<16xf32>,
          %parallel_loop3A_305 = vector.broadcast %parallel_loop3A_231 : f32 to vector<16xf32>
          %parallel_loop3A_306 = arith.mulf %parallel_loop3A_305, %get3A_90 : vector<16xf32>
          %parallel_loop3A_307 = arith.addf %parallel_loop3A_304, %parallel_loop3A_306 : vector<16xf32>
          %parallel_loop3A_308 = arith.constant 0.000000e+00 : f32
          %parallel_loop3A_309 = vector.broadcast %parallel_loop3A_308 : f32 to vector<16xf32>
          %parallel_loop3A_310 = arith.maximumf %parallel_loop3A_307, %parallel_loop3A_309 : vector<16xf32>
          %parallel_loop3A_311 = arith.constant 0 : i32
          %parallel_loop3A_312 = tpu.memref_slice %arg19[%parallel_loop3A_235, %parallel_loop3A_311] : memref<80x80xf32, #tpu.memory_space<vmem>> -> memref<1x80xf32, #tpu.memory_space<vmem>>
          %parallel_loop3A_313 = tpu.memref_squeeze %parallel_loop3A_312 : memref<1x80xf32, #tpu.memory_space<vmem>> -> memref<80xf32, #tpu.memory_space<vmem>>
          %parallel_loop3A_314 = arith.constant 64 : index
          %parallel_loop3A_315 = tpu.vector_load %parallel_loop3A_313[%parallel_loop3A_314] {strides = array<i32>} : memref<80xf32, #tpu.memory_space<vmem>>, vector<16xf32>,
          tpu.vector_store %parallel_loop3A_313[%parallel_loop3A_314], %parallel_loop3A_310 {strides = array<i32>} : memref<80xf32, #tpu.memory_space<vmem>>, vector<16xf32>,
          %parallel_loop3A_316 = vector.extract_strided_slice %parallel_loop3A_229 {offsets = [1], sizes = [1], strides = [1]} : vector<16xf32> to vector<1xf32>
          %parallel_loop3A_317 = vector.extract %parallel_loop3A_316[0] : f32 from vector<1xf32>
          %parallel_loop3A_318 = arith.constant 16 : i32
          %parallel_loop3A_319 = arith.muli %parallel_loop3A_225, %parallel_loop3A_318 : i32
          %parallel_loop3A_320 = arith.constant 1 : i32
          %parallel_loop3A_321 = arith.addi %parallel_loop3A_319, %parallel_loop3A_320 : i32
          %parallel_loop3A_322 = arith.constant 0 : i32
          %parallel_loop3A_323 = tpu.memref_slice %arg17[%parallel_loop3A_321, %parallel_loop3A_322] : memref<80x80xf32, #tpu.memory_space<vmem>> -> memref<1x80xf32, #tpu.memory_space<vmem>>
          %parallel_loop3A_324 = tpu.memref_squeeze %parallel_loop3A_323 : memref<1x80xf32, #tpu.memory_space<vmem>> -> memref<80xf32, #tpu.memory_space<vmem>>
          %parallel_loop3A_325 = arith.constant 0 : index
          %parallel_loop3A_326 = tpu.vector_load %parallel_loop3A_324[%parallel_loop3A_325] {strides = array<i32>} : memref<80xf32, #tpu.memory_space<vmem>>, vector<16xf32>,
          %parallel_loop3A_327 = vector.broadcast %parallel_loop3A_317 : f32 to vector<16xf32>
          %parallel_loop3A_328 = arith.mulf %parallel_loop3A_327, %get3A_82 : vector<16xf32>
          %parallel_loop3A_329 = arith.addf %parallel_loop3A_326, %parallel_loop3A_328 : vector<16xf32>
          %parallel_loop3A_330 = arith.constant 0.000000e+00 : f32
          %parallel_loop3A_331 = vector.broadcast %parallel_loop3A_330 : f32 to vector<16xf32>
          %parallel_loop3A_332 = arith.maximumf %parallel_loop3A_329, %parallel_loop3A_331 : vector<16xf32>
          %parallel_loop3A_333 = arith.constant 0 : i32
          %parallel_loop3A_334 = tpu.memref_slice %arg19[%parallel_loop3A_321, %parallel_loop3A_333] : memref<80x80xf32, #tpu.memory_space<vmem>> -> memref<1x80xf32, #tpu.memory_space<vmem>>
          %parallel_loop3A_335 = tpu.memref_squeeze %parallel_loop3A_334 : memref<1x80xf32, #tpu.memory_space<vmem>> -> memref<80xf32, #tpu.memory_space<vmem>>
          %parallel_loop3A_336 = arith.constant 0 : index
          %parallel_loop3A_337 = tpu.vector_load %parallel_loop3A_335[%parallel_loop3A_336] {strides = array<i32>} : memref<80xf32, #tpu.memory_space<vmem>>, vector<16xf32>,
          tpu.vector_store %parallel_loop3A_335[%parallel_loop3A_336], %parallel_loop3A_332 {strides = array<i32>} : memref<80xf32, #tpu.memory_space<vmem>>, vector<16xf32>,
          %parallel_loop3A_338 = arith.constant 0 : i32
          %parallel_loop3A_339 = tpu.memref_slice %arg17[%parallel_loop3A_321, %parallel_loop3A_338] : memref<80x80xf32, #tpu.memory_space<vmem>> -> memref<1x80xf32, #tpu.memory_space<vmem>>
          %parallel_loop3A_340 = tpu.memref_squeeze %parallel_loop3A_339 : memref<1x80xf32, #tpu.memory_space<vmem>> -> memref<80xf32, #tpu.memory_space<vmem>>
          %parallel_loop3A_341 = arith.constant 16 : index
          %parallel_loop3A_342 = tpu.vector_load %parallel_loop3A_340[%parallel_loop3A_341] {strides = array<i32>} : memref<80xf32, #tpu.memory_space<vmem>>, vector<16xf32>,
          %parallel_loop3A_343 = vector.broadcast %parallel_loop3A_317 : f32 to vector<16xf32>
          %parallel_loop3A_344 = arith.mulf %parallel_loop3A_343, %get3A_84 : vector<16xf32>
          %parallel_loop3A_345 = arith.addf %parallel_loop3A_342, %parallel_loop3A_344 : vector<16xf32>
          %parallel_loop3A_346 = arith.constant 0.000000e+00 : f32
          %parallel_loop3A_347 = vector.broadcast %parallel_loop3A_346 : f32 to vector<16xf32>
          %parallel_loop3A_348 = arith.maximumf %parallel_loop3A_345, %parallel_loop3A_347 : vector<16xf32>
          %parallel_loop3A_349 = arith.constant 0 : i32
          %parallel_loop3A_350 = tpu.memref_slice %arg19[%parallel_loop3A_321, %parallel_loop3A_349] : memref<80x80xf32, #tpu.memory_space<vmem>> -> memref<1x80xf32, #tpu.memory_space<vmem>>
          %parallel_loop3A_351 = tpu.memref_squeeze %parallel_loop3A_350 : memref<1x80xf32, #tpu.memory_space<vmem>> -> memref<80xf32, #tpu.memory_space<vmem>>
          %parallel_loop3A_352 = arith.constant 16 : index
          %parallel_loop3A_353 = tpu.vector_load %parallel_loop3A_351[%parallel_loop3A_352] {strides = array<i32>} : memref<80xf32, #tpu.memory_space<vmem>>, vector<16xf32>,
          tpu.vector_store %parallel_loop3A_351[%parallel_loop3A_352], %parallel_loop3A_348 {strides = array<i32>} : memref<80xf32, #tpu.memory_space<vmem>>, vector<16xf32>,
          %parallel_loop3A_354 = arith.constant 0 : i32
          %parallel_loop3A_355 = tpu.memref_slice %arg17[%parallel_loop3A_321, %parallel_loop3A_354] : memref<80x80xf32, #tpu.memory_space<vmem>> -> memref<1x80xf32, #tpu.memory_space<vmem>>
          %parallel_loop3A_356 = tpu.memref_squeeze %parallel_loop3A_355 : memref<1x80xf32, #tpu.memory_space<vmem>> -> memref<80xf32, #tpu.memory_space<vmem>>
          %parallel_loop3A_357 = arith.constant 32 : index
          %parallel_loop3A_358 = tpu.vector_load %parallel_loop3A_356[%parallel_loop3A_357] {strides = array<i32>} : memref<80xf32, #tpu.memory_space<vmem>>, vector<16xf32>,
          %parallel_loop3A_359 = vector.broadcast %parallel_loop3A_317 : f32 to vector<16xf32>
          %parallel_loop3A_360 = arith.mulf %parallel_loop3A_359, %get3A_86 : vector<16xf32>
          %parallel_loop3A_361 = arith.addf %parallel_loop3A_358, %parallel_loop3A_360 : vector<16xf32>
          %parallel_loop3A_362 = arith.constant 0.000000e+00 : f32
          %parallel_loop3A_363 = vector.broadcast %parallel_loop3A_362 : f32 to vector<16xf32>
          %parallel_loop3A_364 = arith.maximumf %parallel_loop3A_361, %parallel_loop3A_363 : vector<16xf32>
          %parallel_loop3A_365 = arith.constant 0 : i32
          %parallel_loop3A_366 = tpu.memref_slice %arg19[%parallel_loop3A_321, %parallel_loop3A_365] : memref<80x80xf32, #tpu.memory_space<vmem>> -> memref<1x80xf32, #tpu.memory_space<vmem>>
          %parallel_loop3A_367 = tpu.memref_squeeze %parallel_loop3A_366 : memref<1x80xf32, #tpu.memory_space<vmem>> -> memref<80xf32, #tpu.memory_space<vmem>>
          %parallel_loop3A_368 = arith.constant 32 : index
          %parallel_loop3A_369 = tpu.vector_load %parallel_loop3A_367[%parallel_loop3A_368] {strides = array<i32>} : memref<80xf32, #tpu.memory_space<vmem>>, vector<16xf32>,
          tpu.vector_store %parallel_loop3A_367[%parallel_loop3A_368], %parallel_loop3A_364 {strides = array<i32>} : memref<80xf32, #tpu.memory_space<vmem>>, vector<16xf32>,
          %parallel_loop3A_370 = arith.constant 0 : i32
          %parallel_loop3A_371 = tpu.memref_slice %arg17[%parallel_loop3A_321, %parallel_loop3A_370] : memref<80x80xf32, #tpu.memory_space<vmem>> -> memref<1x80xf32, #tpu.memory_space<vmem>>
          %parallel_loop3A_372 = tpu.memref_squeeze %parallel_loop3A_371 : memref<1x80xf32, #tpu.memory_space<vmem>> -> memref<80xf32, #tpu.memory_space<vmem>>
          %parallel_loop3A_373 = arith.constant 48 : index
          %parallel_loop3A_374 = tpu.vector_load %parallel_loop3A_372[%parallel_loop3A_373] {strides = array<i32>} : memref<80xf32, #tpu.memory_space<vmem>>, vector<16xf32>,
          %parallel_loop3A_375 = vector.broadcast %parallel_loop3A_317 : f32 to vector<16xf32>
          %parallel_loop3A_376 = arith.mulf %parallel_loop3A_375, %get3A_88 : vector<16xf32>
          %parallel_loop3A_377 = arith.addf %parallel_loop3A_374, %parallel_loop3A_376 : vector<16xf32>
          %parallel_loop3A_378 = arith.constant 0.000000e+00 : f32
          %parallel_loop3A_379 = vector.broadcast %parallel_loop3A_378 : f32 to vector<16xf32>
          %parallel_loop3A_380 = arith.maximumf %parallel_loop3A_377, %parallel_loop3A_379 : vector<16xf32>
          %parallel_loop3A_381 = arith.constant 0 : i32
          %parallel_loop3A_382 = tpu.memref_slice %arg19[%parallel_loop3A_321, %parallel_loop3A_381] : memref<80x80xf32, #tpu.memory_space<vmem>> -> memref<1x80xf32, #tpu.memory_space<vmem>>
          %parallel_loop3A_383 = tpu.memref_squeeze %parallel_loop3A_382 : memref<1x80xf32, #tpu.memory_space<vmem>> -> memref<80xf32, #tpu.memory_space<vmem>>
          %parallel_loop3A_384 = arith.constant 48 : index
          %parallel_loop3A_385 = tpu.vector_load %parallel_loop3A_383[%parallel_loop3A_384] {strides = array<i32>} : memref<80xf32, #tpu.memory_space<vmem>>, vector<16xf32>,
          tpu.vector_store %parallel_loop3A_383[%parallel_loop3A_384], %parallel_loop3A_380 {strides = array<i32>} : memref<80xf32, #tpu.memory_space<vmem>>, vector<16xf32>,
          %parallel_loop3A_386 = arith.constant 0 : i32
          %parallel_loop3A_387 = tpu.memref_slice %arg17[%parallel_loop3A_321, %parallel_loop3A_386] : memref<80x80xf32, #tpu.memory_space<vmem>> -> memref<1x80xf32, #tpu.memory_space<vmem>>
          %parallel_loop3A_388 = tpu.memref_squeeze %parallel_loop3A_387 : memref<1x80xf32, #tpu.memory_space<vmem>> -> memref<80xf32, #tpu.memory_space<vmem>>
          %parallel_loop3A_389 = arith.constant 64 : index
          %parallel_loop3A_390 = tpu.vector_load %parallel_loop3A_388[%parallel_loop3A_389] {strides = array<i32>} : memref<80xf32, #tpu.memory_space<vmem>>, vector<16xf32>,
          %parallel_loop3A_391 = vector.broadcast %parallel_loop3A_317 : f32 to vector<16xf32>
          %parallel_loop3A_392 = arith.mulf %parallel_loop3A_391, %get3A_90 : vector<16xf32>
          %parallel_loop3A_393 = arith.addf %parallel_loop3A_390, %parallel_loop3A_392 : vector<16xf32>
          %parallel_loop3A_394 = arith.constant 0.000000e+00 : f32
          %parallel_loop3A_395 = vector.broadcast %parallel_loop3A_394 : f32 to vector<16xf32>
          %parallel_loop3A_396 = arith.maximumf %parallel_loop3A_393, %parallel_loop3A_395 : vector<16xf32>
          %parallel_loop3A_397 = arith.constant 0 : i32
          %parallel_loop3A_398 = tpu.memref_slice %arg19[%parallel_loop3A_321, %parallel_loop3A_397] : memref<80x80xf32, #tpu.memory_space<vmem>> -> memref<1x80xf32, #tpu.memory_space<vmem>>
          %parallel_loop3A_399 = tpu.memref_squeeze %parallel_loop3A_398 : memref<1x80xf32, #tpu.memory_space<vmem>> -> memref<80xf32, #tpu.memory_space<vmem>>
          %parallel_loop3A_400 = arith.constant 64 : index
          %parallel_loop3A_401 = tpu.vector_load %parallel_loop3A_399[%parallel_loop3A_400] {strides = array<i32>} : memref<80xf32, #tpu.memory_space<vmem>>, vector<16xf32>,
          tpu.vector_store %parallel_loop3A_399[%parallel_loop3A_400], %parallel_loop3A_396 {strides = array<i32>} : memref<80xf32, #tpu.memory_space<vmem>>, vector<16xf32>,
          %parallel_loop3A_402 = vector.extract_strided_slice %parallel_loop3A_229 {offsets = [2], sizes = [1], strides = [1]} : vector<16xf32> to vector<1xf32>
          %parallel_loop3A_403 = vector.extract %parallel_loop3A_402[0] : f32 from vector<1xf32>
          %parallel_loop3A_404 = arith.constant 16 : i32
          %parallel_loop3A_405 = arith.muli %parallel_loop3A_225, %parallel_loop3A_404 : i32
          %parallel_loop3A_406 = arith.constant 2 : i32
          %parallel_loop3A_407 = arith.addi %parallel_loop3A_405, %parallel_loop3A_406 : i32
          %parallel_loop3A_408 = arith.constant 0 : i32
          %parallel_loop3A_409 = tpu.memref_slice %arg17[%parallel_loop3A_407, %parallel_loop3A_408] : memref<80x80xf32, #tpu.memory_space<vmem>> -> memref<1x80xf32, #tpu.memory_space<vmem>>
          %parallel_loop3A_410 = tpu.memref_squeeze %parallel_loop3A_409 : memref<1x80xf32, #tpu.memory_space<vmem>> -> memref<80xf32, #tpu.memory_space<vmem>>
          %parallel_loop3A_411 = arith.constant 0 : index
          %parallel_loop3A_412 = tpu.vector_load %parallel_loop3A_410[%parallel_loop3A_411] {strides = array<i32>} : memref<80xf32, #tpu.memory_space<vmem>>, vector<16xf32>,
          %parallel_loop3A_413 = vector.broadcast %parallel_loop3A_403 : f32 to vector<16xf32>
          %parallel_loop3A_414 = arith.mulf %parallel_loop3A_413, %get3A_82 : vector<16xf32>
          %parallel_loop3A_415 = arith.addf %parallel_loop3A_412, %parallel_loop3A_414 : vector<16xf32>
          %parallel_loop3A_416 = arith.constant 0.000000e+00 : f32
          %parallel_loop3A_417 = vector.broadcast %parallel_loop3A_416 : f32 to vector<16xf32>
          %parallel_loop3A_418 = arith.maximumf %parallel_loop3A_415, %parallel_loop3A_417 : vector<16xf32>
          %parallel_loop3A_419 = arith.constant 0 : i32
          %parallel_loop3A_420 = tpu.memref_slice %arg19[%parallel_loop3A_407, %parallel_loop3A_419] : memref<80x80xf32, #tpu.memory_space<vmem>> -> memref<1x80xf32, #tpu.memory_space<vmem>>
          %parallel_loop3A_421 = tpu.memref_squeeze %parallel_loop3A_420 : memref<1x80xf32, #tpu.memory_space<vmem>> -> memref<80xf32, #tpu.memory_space<vmem>>
          %parallel_loop3A_422 = arith.constant 0 : index
          %parallel_loop3A_423 = tpu.vector_load %parallel_loop3A_421[%parallel_loop3A_422] {strides = array<i32>} : memref<80xf32, #tpu.memory_space<vmem>>, vector<16xf32>,
          tpu.vector_store %parallel_loop3A_421[%parallel_loop3A_422], %parallel_loop3A_418 {strides = array<i32>} : memref<80xf32, #tpu.memory_space<vmem>>, vector<16xf32>,
          %parallel_loop3A_424 = arith.constant 0 : i32
          %parallel_loop3A_425 = tpu.memref_slice %arg17[%parallel_loop3A_407, %parallel_loop3A_424] : memref<80x80xf32, #tpu.memory_space<vmem>> -> memref<1x80xf32, #tpu.memory_space<vmem>>
          %parallel_loop3A_426 = tpu.memref_squeeze %parallel_loop3A_425 : memref<1x80xf32, #tpu.memory_space<vmem>> -> memref<80xf32, #tpu.memory_space<vmem>>
          %parallel_loop3A_427 = arith.constant 16 : index
          %parallel_loop3A_428 = tpu.vector_load %parallel_loop3A_426[%parallel_loop3A_427] {strides = array<i32>} : memref<80xf32, #tpu.memory_space<vmem>>, vector<16xf32>,
          %parallel_loop3A_429 = vector.broadcast %parallel_loop3A_403 : f32 to vector<16xf32>
          %parallel_loop3A_430 = arith.mulf %parallel_loop3A_429, %get3A_84 : vector<16xf32>
          %parallel_loop3A_431 = arith.addf %parallel_loop3A_428, %parallel_loop3A_430 : vector<16xf32>
          %parallel_loop3A_432 = arith.constant 0.000000e+00 : f32
          %parallel_loop3A_433 = vector.broadcast %parallel_loop3A_432 : f32 to vector<16xf32>
          %parallel_loop3A_434 = arith.maximumf %parallel_loop3A_431, %parallel_loop3A_433 : vector<16xf32>
          %parallel_loop3A_435 = arith.constant 0 : i32
          %parallel_loop3A_436 = tpu.memref_slice %arg19[%parallel_loop3A_407, %parallel_loop3A_435] : memref<80x80xf32, #tpu.memory_space<vmem>> -> memref<1x80xf32, #tpu.memory_space<vmem>>
          %parallel_loop3A_437 = tpu.memref_squeeze %parallel_loop3A_436 : memref<1x80xf32, #tpu.memory_space<vmem>> -> memref<80xf32, #tpu.memory_space<vmem>>
          %parallel_loop3A_438 = arith.constant 16 : index
          %parallel_loop3A_439 = tpu.vector_load %parallel_loop3A_437[%parallel_loop3A_438] {strides = array<i32>} : memref<80xf32, #tpu.memory_space<vmem>>, vector<16xf32>,
          tpu.vector_store %parallel_loop3A_437[%parallel_loop3A_438], %parallel_loop3A_434 {strides = array<i32>} : memref<80xf32, #tpu.memory_space<vmem>>, vector<16xf32>,
          %parallel_loop3A_440 = arith.constant 0 : i32
          %parallel_loop3A_441 = tpu.memref_slice %arg17[%parallel_loop3A_407, %parallel_loop3A_440] : memref<80x80xf32, #tpu.memory_space<vmem>> -> memref<1x80xf32, #tpu.memory_space<vmem>>
          %parallel_loop3A_442 = tpu.memref_squeeze %parallel_loop3A_441 : memref<1x80xf32, #tpu.memory_space<vmem>> -> memref<80xf32, #tpu.memory_space<vmem>>
          %parallel_loop3A_443 = arith.constant 32 : index
          %parallel_loop3A_444 = tpu.vector_load %parallel_loop3A_442[%parallel_loop3A_443] {strides = array<i32>} : memref<80xf32, #tpu.memory_space<vmem>>, vector<16xf32>,
          %parallel_loop3A_445 = vector.broadcast %parallel_loop3A_403 : f32 to vector<16xf32>
          %parallel_loop3A_446 = arith.mulf %parallel_loop3A_445, %get3A_86 : vector<16xf32>
          %parallel_loop3A_447 = arith.addf %parallel_loop3A_444, %parallel_loop3A_446 : vector<16xf32>
          %parallel_loop3A_448 = arith.constant 0.000000e+00 : f32
          %parallel_loop3A_449 = vector.broadcast %parallel_loop3A_448 : f32 to vector<16xf32>
          %parallel_loop3A_450 = arith.maximumf %parallel_loop3A_447, %parallel_loop3A_449 : vector<16xf32>
          %parallel_loop3A_451 = arith.constant 0 : i32
          %parallel_loop3A_452 = tpu.memref_slice %arg19[%parallel_loop3A_407, %parallel_loop3A_451] : memref<80x80xf32, #tpu.memory_space<vmem>> -> memref<1x80xf32, #tpu.memory_space<vmem>>
          %parallel_loop3A_453 = tpu.memref_squeeze %parallel_loop3A_452 : memref<1x80xf32, #tpu.memory_space<vmem>> -> memref<80xf32, #tpu.memory_space<vmem>>
          %parallel_loop3A_454 = arith.constant 32 : index
          %parallel_loop3A_455 = tpu.vector_load %parallel_loop3A_453[%parallel_loop3A_454] {strides = array<i32>} : memref<80xf32, #tpu.memory_space<vmem>>, vector<16xf32>,
          tpu.vector_store %parallel_loop3A_453[%parallel_loop3A_454], %parallel_loop3A_450 {strides = array<i32>} : memref<80xf32, #tpu.memory_space<vmem>>, vector<16xf32>,
          %parallel_loop3A_456 = arith.constant 0 : i32
          %parallel_loop3A_457 = tpu.memref_slice %arg17[%parallel_loop3A_407, %parallel_loop3A_456] : memref<80x80xf32, #tpu.memory_space<vmem>> -> memref<1x80xf32, #tpu.memory_space<vmem>>
          %parallel_loop3A_458 = tpu.memref_squeeze %parallel_loop3A_457 : memref<1x80xf32, #tpu.memory_space<vmem>> -> memref<80xf32, #tpu.memory_space<vmem>>
          %parallel_loop3A_459 = arith.constant 48 : index
          %parallel_loop3A_460 = tpu.vector_load %parallel_loop3A_458[%parallel_loop3A_459] {strides = array<i32>} : memref<80xf32, #tpu.memory_space<vmem>>, vector<16xf32>,
          %parallel_loop3A_461 = vector.broadcast %parallel_loop3A_403 : f32 to vector<16xf32>
          %parallel_loop3A_462 = arith.mulf %parallel_loop3A_461, %get3A_88 : vector<16xf32>
          %parallel_loop3A_463 = arith.addf %parallel_loop3A_460, %parallel_loop3A_462 : vector<16xf32>
          %parallel_loop3A_464 = arith.constant 0.000000e+00 : f32
          %parallel_loop3A_465 = vector.broadcast %parallel_loop3A_464 : f32 to vector<16xf32>
          %parallel_loop3A_466 = arith.maximumf %parallel_loop3A_463, %parallel_loop3A_465 : vector<16xf32>
          %parallel_loop3A_467 = arith.constant 0 : i32
          %parallel_loop3A_468 = tpu.memref_slice %arg19[%parallel_loop3A_407, %parallel_loop3A_467] : memref<80x80xf32, #tpu.memory_space<vmem>> -> memref<1x80xf32, #tpu.memory_space<vmem>>
          %parallel_loop3A_469 = tpu.memref_squeeze %parallel_loop3A_468 : memref<1x80xf32, #tpu.memory_space<vmem>> -> memref<80xf32, #tpu.memory_space<vmem>>
          %parallel_loop3A_470 = arith.constant 48 : index
          %parallel_loop3A_471 = tpu.vector_load %parallel_loop3A_469[%parallel_loop3A_470] {strides = array<i32>} : memref<80xf32, #tpu.memory_space<vmem>>, vector<16xf32>,
          tpu.vector_store %parallel_loop3A_469[%parallel_loop3A_470], %parallel_loop3A_466 {strides = array<i32>} : memref<80xf32, #tpu.memory_space<vmem>>, vector<16xf32>,
          %parallel_loop3A_472 = arith.constant 0 : i32
          %parallel_loop3A_473 = tpu.memref_slice %arg17[%parallel_loop3A_407, %parallel_loop3A_472] : memref<80x80xf32, #tpu.memory_space<vmem>> -> memref<1x80xf32, #tpu.memory_space<vmem>>
          %parallel_loop3A_474 = tpu.memref_squeeze %parallel_loop3A_473 : memref<1x80xf32, #tpu.memory_space<vmem>> -> memref<80xf32, #tpu.memory_space<vmem>>
          %parallel_loop3A_475 = arith.constant 64 : index
          %parallel_loop3A_476 = tpu.vector_load %parallel_loop3A_474[%parallel_loop3A_475] {strides = array<i32>} : memref<80xf32, #tpu.memory_space<vmem>>, vector<16xf32>,
          %parallel_loop3A_477 = vector.broadcast %parallel_loop3A_403 : f32 to vector<16xf32>
          %parallel_loop3A_478 = arith.mulf %parallel_loop3A_477, %get3A_90 : vector<16xf32>
          %parallel_loop3A_479 = arith.addf %parallel_loop3A_476, %parallel_loop3A_478 : vector<16xf32>
          %parallel_loop3A_480 = arith.constant 0.000000e+00 : f32
          %parallel_loop3A_481 = vector.broadcast %parallel_loop3A_480 : f32 to vector<16xf32>
          %parallel_loop3A_482 = arith.maximumf %parallel_loop3A_479, %parallel_loop3A_481 : vector<16xf32>
          %parallel_loop3A_483 = arith.constant 0 : i32
          %parallel_loop3A_484 = tpu.memref_slice %arg19[%parallel_loop3A_407, %parallel_loop3A_483] : memref<80x80xf32, #tpu.memory_space<vmem>> -> memref<1x80xf32, #tpu.memory_space<vmem>>
          %parallel_loop3A_485 = tpu.memref_squeeze %parallel_loop3A_484 : memref<1x80xf32, #tpu.memory_space<vmem>> -> memref<80xf32, #tpu.memory_space<vmem>>
          %parallel_loop3A_486 = arith.constant 64 : index
          %parallel_loop3A_487 = tpu.vector_load %parallel_loop3A_485[%parallel_loop3A_486] {strides = array<i32>} : memref<80xf32, #tpu.memory_space<vmem>>, vector<16xf32>,
          tpu.vector_store %parallel_loop3A_485[%parallel_loop3A_486], %parallel_loop3A_482 {strides = array<i32>} : memref<80xf32, #tpu.memory_space<vmem>>, vector<16xf32>,
          %parallel_loop3A_488 = vector.extract_strided_slice %parallel_loop3A_229 {offsets = [3], sizes = [1], strides = [1]} : vector<16xf32> to vector<1xf32>
          %parallel_loop3A_489 = vector.extract %parallel_loop3A_488[0] : f32 from vector<1xf32>
          %parallel_loop3A_490 = arith.constant 16 : i32
          %parallel_loop3A_491 = arith.muli %parallel_loop3A_225, %parallel_loop3A_490 : i32
          %parallel_loop3A_492 = arith.constant 3 : i32
          %parallel_loop3A_493 = arith.addi %parallel_loop3A_491, %parallel_loop3A_492 : i32
          %parallel_loop3A_494 = arith.constant 0 : i32
          %parallel_loop3A_495 = tpu.memref_slice %arg17[%parallel_loop3A_493, %parallel_loop3A_494] : memref<80x80xf32, #tpu.memory_space<vmem>> -> memref<1x80xf32, #tpu.memory_space<vmem>>
          %parallel_loop3A_496 = tpu.memref_squeeze %parallel_loop3A_495 : memref<1x80xf32, #tpu.memory_space<vmem>> -> memref<80xf32, #tpu.memory_space<vmem>>
          %parallel_loop3A_497 = arith.constant 0 : index
          %parallel_loop3A_498 = tpu.vector_load %parallel_loop3A_496[%parallel_loop3A_497] {strides = array<i32>} : memref<80xf32, #tpu.memory_space<vmem>>, vector<16xf32>,
          %parallel_loop3A_499 = vector.broadcast %parallel_loop3A_489 : f32 to vector<16xf32>
          %parallel_loop3A_500 = arith.mulf %parallel_loop3A_499, %get3A_82 : vector<16xf32>
          %parallel_loop3A_501 = arith.addf %parallel_loop3A_498, %parallel_loop3A_500 : vector<16xf32>
          %parallel_loop3A_502 = arith.constant 0.000000e+00 : f32
          %parallel_loop3A_503 = vector.broadcast %parallel_loop3A_502 : f32 to vector<16xf32>
          %parallel_loop3A_504 = arith.maximumf %parallel_loop3A_501, %parallel_loop3A_503 : vector<16xf32>
          %parallel_loop3A_505 = arith.constant 0 : i32
          %parallel_loop3A_506 = tpu.memref_slice %arg19[%parallel_loop3A_493, %parallel_loop3A_505] : memref<80x80xf32, #tpu.memory_space<vmem>> -> memref<1x80xf32, #tpu.memory_space<vmem>>
          %parallel_loop3A_507 = tpu.memref_squeeze %parallel_loop3A_506 : memref<1x80xf32, #tpu.memory_space<vmem>> -> memref<80xf32, #tpu.memory_space<vmem>>
          %parallel_loop3A_508 = arith.constant 0 : index
          %parallel_loop3A_509 = tpu.vector_load %parallel_loop3A_507[%parallel_loop3A_508] {strides = array<i32>} : memref<80xf32, #tpu.memory_space<vmem>>, vector<16xf32>,
          tpu.vector_store %parallel_loop3A_507[%parallel_loop3A_508], %parallel_loop3A_504 {strides = array<i32>} : memref<80xf32, #tpu.memory_space<vmem>>, vector<16xf32>,
          %parallel_loop3A_510 = arith.constant 0 : i32
          %parallel_loop3A_511 = tpu.memref_slice %arg17[%parallel_loop3A_493, %parallel_loop3A_510] : memref<80x80xf32, #tpu.memory_space<vmem>> -> memref<1x80xf32, #tpu.memory_space<vmem>>
          %parallel_loop3A_512 = tpu.memref_squeeze %parallel_loop3A_511 : memref<1x80xf32, #tpu.memory_space<vmem>> -> memref<80xf32, #tpu.memory_space<vmem>>
          %parallel_loop3A_513 = arith.constant 16 : index
          %parallel_loop3A_514 = tpu.vector_load %parallel_loop3A_512[%parallel_loop3A_513] {strides = array<i32>} : memref<80xf32, #tpu.memory_space<vmem>>, vector<16xf32>,
          %parallel_loop3A_515 = vector.broadcast %parallel_loop3A_489 : f32 to vector<16xf32>
          %parallel_loop3A_516 = arith.mulf %parallel_loop3A_515, %get3A_84 : vector<16xf32>
          %parallel_loop3A_517 = arith.addf %parallel_loop3A_514, %parallel_loop3A_516 : vector<16xf32>
          %parallel_loop3A_518 = arith.constant 0.000000e+00 : f32
          %parallel_loop3A_519 = vector.broadcast %parallel_loop3A_518 : f32 to vector<16xf32>
          %parallel_loop3A_520 = arith.maximumf %parallel_loop3A_517, %parallel_loop3A_519 : vector<16xf32>
          %parallel_loop3A_521 = arith.constant 0 : i32
          %parallel_loop3A_522 = tpu.memref_slice %arg19[%parallel_loop3A_493, %parallel_loop3A_521] : memref<80x80xf32, #tpu.memory_space<vmem>> -> memref<1x80xf32, #tpu.memory_space<vmem>>
          %parallel_loop3A_523 = tpu.memref_squeeze %parallel_loop3A_522 : memref<1x80xf32, #tpu.memory_space<vmem>> -> memref<80xf32, #tpu.memory_space<vmem>>
          %parallel_loop3A_524 = arith.constant 16 : index
          %parallel_loop3A_525 = tpu.vector_load %parallel_loop3A_523[%parallel_loop3A_524] {strides = array<i32>} : memref<80xf32, #tpu.memory_space<vmem>>, vector<16xf32>,
          tpu.vector_store %parallel_loop3A_523[%parallel_loop3A_524], %parallel_loop3A_520 {strides = array<i32>} : memref<80xf32, #tpu.memory_space<vmem>>, vector<16xf32>,
          %parallel_loop3A_526 = arith.constant 0 : i32
          %parallel_loop3A_527 = tpu.memref_slice %arg17[%parallel_loop3A_493, %parallel_loop3A_526] : memref<80x80xf32, #tpu.memory_space<vmem>> -> memref<1x80xf32, #tpu.memory_space<vmem>>
          %parallel_loop3A_528 = tpu.memref_squeeze %parallel_loop3A_527 : memref<1x80xf32, #tpu.memory_space<vmem>> -> memref<80xf32, #tpu.memory_space<vmem>>
          %parallel_loop3A_529 = arith.constant 32 : index
          %parallel_loop3A_530 = tpu.vector_load %parallel_loop3A_528[%parallel_loop3A_529] {strides = array<i32>} : memref<80xf32, #tpu.memory_space<vmem>>, vector<16xf32>,
          %parallel_loop3A_531 = vector.broadcast %parallel_loop3A_489 : f32 to vector<16xf32>
          %parallel_loop3A_532 = arith.mulf %parallel_loop3A_531, %get3A_86 : vector<16xf32>
          %parallel_loop3A_533 = arith.addf %parallel_loop3A_530, %parallel_loop3A_532 : vector<16xf32>
          %parallel_loop3A_534 = arith.constant 0.000000e+00 : f32
          %parallel_loop3A_535 = vector.broadcast %parallel_loop3A_534 : f32 to vector<16xf32>
          %parallel_loop3A_536 = arith.maximumf %parallel_loop3A_533, %parallel_loop3A_535 : vector<16xf32>
          %parallel_loop3A_537 = arith.constant 0 : i32
          %parallel_loop3A_538 = tpu.memref_slice %arg19[%parallel_loop3A_493, %parallel_loop3A_537] : memref<80x80xf32, #tpu.memory_space<vmem>> -> memref<1x80xf32, #tpu.memory_space<vmem>>
          %parallel_loop3A_539 = tpu.memref_squeeze %parallel_loop3A_538 : memref<1x80xf32, #tpu.memory_space<vmem>> -> memref<80xf32, #tpu.memory_space<vmem>>
          %parallel_loop3A_540 = arith.constant 32 : index
          %parallel_loop3A_541 = tpu.vector_load %parallel_loop3A_539[%parallel_loop3A_540] {strides = array<i32>} : memref<80xf32, #tpu.memory_space<vmem>>, vector<16xf32>,
          tpu.vector_store %parallel_loop3A_539[%parallel_loop3A_540], %parallel_loop3A_536 {strides = array<i32>} : memref<80xf32, #tpu.memory_space<vmem>>, vector<16xf32>,
          %parallel_loop3A_542 = arith.constant 0 : i32
          %parallel_loop3A_543 = tpu.memref_slice %arg17[%parallel_loop3A_493, %parallel_loop3A_542] : memref<80x80xf32, #tpu.memory_space<vmem>> -> memref<1x80xf32, #tpu.memory_space<vmem>>
          %parallel_loop3A_544 = tpu.memref_squeeze %parallel_loop3A_543 : memref<1x80xf32, #tpu.memory_space<vmem>> -> memref<80xf32, #tpu.memory_space<vmem>>
          %parallel_loop3A_545 = arith.constant 48 : index
          %parallel_loop3A_546 = tpu.vector_load %parallel_loop3A_544[%parallel_loop3A_545] {strides = array<i32>} : memref<80xf32, #tpu.memory_space<vmem>>, vector<16xf32>,
          %parallel_loop3A_547 = vector.broadcast %parallel_loop3A_489 : f32 to vector<16xf32>
          %parallel_loop3A_548 = arith.mulf %parallel_loop3A_547, %get3A_88 : vector<16xf32>
          %parallel_loop3A_549 = arith.addf %parallel_loop3A_546, %parallel_loop3A_548 : vector<16xf32>
          %parallel_loop3A_550 = arith.constant 0.000000e+00 : f32
          %parallel_loop3A_551 = vector.broadcast %parallel_loop3A_550 : f32 to vector<16xf32>
          %parallel_loop3A_552 = arith.maximumf %parallel_loop3A_549, %parallel_loop3A_551 : vector<16xf32>
          %parallel_loop3A_553 = arith.constant 0 : i32
          %parallel_loop3A_554 = tpu.memref_slice %arg19[%parallel_loop3A_493, %parallel_loop3A_553] : memref<80x80xf32, #tpu.memory_space<vmem>> -> memref<1x80xf32, #tpu.memory_space<vmem>>
          %parallel_loop3A_555 = tpu.memref_squeeze %parallel_loop3A_554 : memref<1x80xf32, #tpu.memory_space<vmem>> -> memref<80xf32, #tpu.memory_space<vmem>>
          %parallel_loop3A_556 = arith.constant 48 : index
          %parallel_loop3A_557 = tpu.vector_load %parallel_loop3A_555[%parallel_loop3A_556] {strides = array<i32>} : memref<80xf32, #tpu.memory_space<vmem>>, vector<16xf32>,
          tpu.vector_store %parallel_loop3A_555[%parallel_loop3A_556], %parallel_loop3A_552 {strides = array<i32>} : memref<80xf32, #tpu.memory_space<vmem>>, vector<16xf32>,
          %parallel_loop3A_558 = arith.constant 0 : i32
          %parallel_loop3A_559 = tpu.memref_slice %arg17[%parallel_loop3A_493, %parallel_loop3A_558] : memref<80x80xf32, #tpu.memory_space<vmem>> -> memref<1x80xf32, #tpu.memory_space<vmem>>
          %parallel_loop3A_560 = tpu.memref_squeeze %parallel_loop3A_559 : memref<1x80xf32, #tpu.memory_space<vmem>> -> memref<80xf32, #tpu.memory_space<vmem>>
          %parallel_loop3A_561 = arith.constant 64 : index
          %parallel_loop3A_562 = tpu.vector_load %parallel_loop3A_560[%parallel_loop3A_561] {strides = array<i32>} : memref<80xf32, #tpu.memory_space<vmem>>, vector<16xf32>,
          %parallel_loop3A_563 = vector.broadcast %parallel_loop3A_489 : f32 to vector<16xf32>
          %parallel_loop3A_564 = arith.mulf %parallel_loop3A_563, %get3A_90 : vector<16xf32>
          %parallel_loop3A_565 = arith.addf %parallel_loop3A_562, %parallel_loop3A_564 : vector<16xf32>
          %parallel_loop3A_566 = arith.constant 0.000000e+00 : f32
          %parallel_loop3A_567 = vector.broadcast %parallel_loop3A_566 : f32 to vector<16xf32>
          %parallel_loop3A_568 = arith.maximumf %parallel_loop3A_565, %parallel_loop3A_567 : vector<16xf32>
          %parallel_loop3A_569 = arith.constant 0 : i32
          %parallel_loop3A_570 = tpu.memref_slice %arg19[%parallel_loop3A_493, %parallel_loop3A_569] : memref<80x80xf32, #tpu.memory_space<vmem>> -> memref<1x80xf32, #tpu.memory_space<vmem>>
          %parallel_loop3A_571 = tpu.memref_squeeze %parallel_loop3A_570 : memref<1x80xf32, #tpu.memory_space<vmem>> -> memref<80xf32, #tpu.memory_space<vmem>>
          %parallel_loop3A_572 = arith.constant 64 : index
          %parallel_loop3A_573 = tpu.vector_load %parallel_loop3A_571[%parallel_loop3A_572] {strides = array<i32>} : memref<80xf32, #tpu.memory_space<vmem>>, vector<16xf32>,
          tpu.vector_store %parallel_loop3A_571[%parallel_loop3A_572], %parallel_loop3A_568 {strides = array<i32>} : memref<80xf32, #tpu.memory_space<vmem>>, vector<16xf32>,
          %parallel_loop3A_574 = vector.extract_strided_slice %parallel_loop3A_229 {offsets = [4], sizes = [1], strides = [1]} : vector<16xf32> to vector<1xf32>
          %parallel_loop3A_575 = vector.extract %parallel_loop3A_574[0] : f32 from vector<1xf32>
          %parallel_loop3A_576 = arith.constant 16 : i32
          %parallel_loop3A_577 = arith.muli %parallel_loop3A_225, %parallel_loop3A_576 : i32
          %parallel_loop3A_578 = arith.constant 4 : i32
          %parallel_loop3A_579 = arith.addi %parallel_loop3A_577, %parallel_loop3A_578 : i32
          %parallel_loop3A_580 = arith.constant 0 : i32
          %parallel_loop3A_581 = tpu.memref_slice %arg17[%parallel_loop3A_579, %parallel_loop3A_580] : memref<80x80xf32, #tpu.memory_space<vmem>> -> memref<1x80xf32, #tpu.memory_space<vmem>>
          %parallel_loop3A_582 = tpu.memref_squeeze %parallel_loop3A_581 : memref<1x80xf32, #tpu.memory_space<vmem>> -> memref<80xf32, #tpu.memory_space<vmem>>
          %parallel_loop3A_583 = arith.constant 0 : index
          %parallel_loop3A_584 = tpu.vector_load %parallel_loop3A_582[%parallel_loop3A_583] {strides = array<i32>} : memref<80xf32, #tpu.memory_space<vmem>>, vector<16xf32>,
          %parallel_loop3A_585 = vector.broadcast %parallel_loop3A_575 : f32 to vector<16xf32>
          %parallel_loop3A_586 = arith.mulf %parallel_loop3A_585, %get3A_82 : vector<16xf32>
          %parallel_loop3A_587 = arith.addf %parallel_loop3A_584, %parallel_loop3A_586 : vector<16xf32>
          %parallel_loop3A_588 = arith.constant 0.000000e+00 : f32
          %parallel_loop3A_589 = vector.broadcast %parallel_loop3A_588 : f32 to vector<16xf32>
          %parallel_loop3A_590 = arith.maximumf %parallel_loop3A_587, %parallel_loop3A_589 : vector<16xf32>
          %parallel_loop3A_591 = arith.constant 0 : i32
          %parallel_loop3A_592 = tpu.memref_slice %arg19[%parallel_loop3A_579, %parallel_loop3A_591] : memref<80x80xf32, #tpu.memory_space<vmem>> -> memref<1x80xf32, #tpu.memory_space<vmem>>
          %parallel_loop3A_593 = tpu.memref_squeeze %parallel_loop3A_592 : memref<1x80xf32, #tpu.memory_space<vmem>> -> memref<80xf32, #tpu.memory_space<vmem>>
          %parallel_loop3A_594 = arith.constant 0 : index
          %parallel_loop3A_595 = tpu.vector_load %parallel_loop3A_593[%parallel_loop3A_594] {strides = array<i32>} : memref<80xf32, #tpu.memory_space<vmem>>, vector<16xf32>,
          tpu.vector_store %parallel_loop3A_593[%parallel_loop3A_594], %parallel_loop3A_590 {strides = array<i32>} : memref<80xf32, #tpu.memory_space<vmem>>, vector<16xf32>,
          %parallel_loop3A_596 = arith.constant 0 : i32
          %parallel_loop3A_597 = tpu.memref_slice %arg17[%parallel_loop3A_579, %parallel_loop3A_596] : memref<80x80xf32, #tpu.memory_space<vmem>> -> memref<1x80xf32, #tpu.memory_space<vmem>>
          %parallel_loop3A_598 = tpu.memref_squeeze %parallel_loop3A_597 : memref<1x80xf32, #tpu.memory_space<vmem>> -> memref<80xf32, #tpu.memory_space<vmem>>
          %parallel_loop3A_599 = arith.constant 16 : index
          %parallel_loop3A_600 = tpu.vector_load %parallel_loop3A_598[%parallel_loop3A_599] {strides = array<i32>} : memref<80xf32, #tpu.memory_space<vmem>>, vector<16xf32>,
          %parallel_loop3A_601 = vector.broadcast %parallel_loop3A_575 : f32 to vector<16xf32>
          %parallel_loop3A_602 = arith.mulf %parallel_loop3A_601, %get3A_84 : vector<16xf32>
          %parallel_loop3A_603 = arith.addf %parallel_loop3A_600, %parallel_loop3A_602 : vector<16xf32>
          %parallel_loop3A_604 = arith.constant 0.000000e+00 : f32
          %parallel_loop3A_605 = vector.broadcast %parallel_loop3A_604 : f32 to vector<16xf32>
          %parallel_loop3A_606 = arith.maximumf %parallel_loop3A_603, %parallel_loop3A_605 : vector<16xf32>
          %parallel_loop3A_607 = arith.constant 0 : i32
          %parallel_loop3A_608 = tpu.memref_slice %arg19[%parallel_loop3A_579, %parallel_loop3A_607] : memref<80x80xf32, #tpu.memory_space<vmem>> -> memref<1x80xf32, #tpu.memory_space<vmem>>
          %parallel_loop3A_609 = tpu.memref_squeeze %parallel_loop3A_608 : memref<1x80xf32, #tpu.memory_space<vmem>> -> memref<80xf32, #tpu.memory_space<vmem>>
          %parallel_loop3A_610 = arith.constant 16 : index
          %parallel_loop3A_611 = tpu.vector_load %parallel_loop3A_609[%parallel_loop3A_610] {strides = array<i32>} : memref<80xf32, #tpu.memory_space<vmem>>, vector<16xf32>,
          tpu.vector_store %parallel_loop3A_609[%parallel_loop3A_610], %parallel_loop3A_606 {strides = array<i32>} : memref<80xf32, #tpu.memory_space<vmem>>, vector<16xf32>,
          %parallel_loop3A_612 = arith.constant 0 : i32
          %parallel_loop3A_613 = tpu.memref_slice %arg17[%parallel_loop3A_579, %parallel_loop3A_612] : memref<80x80xf32, #tpu.memory_space<vmem>> -> memref<1x80xf32, #tpu.memory_space<vmem>>
          %parallel_loop3A_614 = tpu.memref_squeeze %parallel_loop3A_613 : memref<1x80xf32, #tpu.memory_space<vmem>> -> memref<80xf32, #tpu.memory_space<vmem>>
          %parallel_loop3A_615 = arith.constant 32 : index
          %parallel_loop3A_616 = tpu.vector_load %parallel_loop3A_614[%parallel_loop3A_615] {strides = array<i32>} : memref<80xf32, #tpu.memory_space<vmem>>, vector<16xf32>,
          %parallel_loop3A_617 = vector.broadcast %parallel_loop3A_575 : f32 to vector<16xf32>
          %parallel_loop3A_618 = arith.mulf %parallel_loop3A_617, %get3A_86 : vector<16xf32>
          %parallel_loop3A_619 = arith.addf %parallel_loop3A_616, %parallel_loop3A_618 : vector<16xf32>
          %parallel_loop3A_620 = arith.constant 0.000000e+00 : f32
          %parallel_loop3A_621 = vector.broadcast %parallel_loop3A_620 : f32 to vector<16xf32>
          %parallel_loop3A_622 = arith.maximumf %parallel_loop3A_619, %parallel_loop3A_621 : vector<16xf32>
          %parallel_loop3A_623 = arith.constant 0 : i32
          %parallel_loop3A_624 = tpu.memref_slice %arg19[%parallel_loop3A_579, %parallel_loop3A_623] : memref<80x80xf32, #tpu.memory_space<vmem>> -> memref<1x80xf32, #tpu.memory_space<vmem>>
          %parallel_loop3A_625 = tpu.memref_squeeze %parallel_loop3A_624 : memref<1x80xf32, #tpu.memory_space<vmem>> -> memref<80xf32, #tpu.memory_space<vmem>>
          %parallel_loop3A_626 = arith.constant 32 : index
          %parallel_loop3A_627 = tpu.vector_load %parallel_loop3A_625[%parallel_loop3A_626] {strides = array<i32>} : memref<80xf32, #tpu.memory_space<vmem>>, vector<16xf32>,
          tpu.vector_store %parallel_loop3A_625[%parallel_loop3A_626], %parallel_loop3A_622 {strides = array<i32>} : memref<80xf32, #tpu.memory_space<vmem>>, vector<16xf32>,
          %parallel_loop3A_628 = arith.constant 0 : i32
          %parallel_loop3A_629 = tpu.memref_slice %arg17[%parallel_loop3A_579, %parallel_loop3A_628] : memref<80x80xf32, #tpu.memory_space<vmem>> -> memref<1x80xf32, #tpu.memory_space<vmem>>
          %parallel_loop3A_630 = tpu.memref_squeeze %parallel_loop3A_629 : memref<1x80xf32, #tpu.memory_space<vmem>> -> memref<80xf32, #tpu.memory_space<vmem>>
          %parallel_loop3A_631 = arith.constant 48 : index
          %parallel_loop3A_632 = tpu.vector_load %parallel_loop3A_630[%parallel_loop3A_631] {strides = array<i32>} : memref<80xf32, #tpu.memory_space<vmem>>, vector<16xf32>,
          %parallel_loop3A_633 = vector.broadcast %parallel_loop3A_575 : f32 to vector<16xf32>
          %parallel_loop3A_634 = arith.mulf %parallel_loop3A_633, %get3A_88 : vector<16xf32>
          %parallel_loop3A_635 = arith.addf %parallel_loop3A_632, %parallel_loop3A_634 : vector<16xf32>
          %parallel_loop3A_636 = arith.constant 0.000000e+00 : f32
          %parallel_loop3A_637 = vector.broadcast %parallel_loop3A_636 : f32 to vector<16xf32>
          %parallel_loop3A_638 = arith.maximumf %parallel_loop3A_635, %parallel_loop3A_637 : vector<16xf32>
          %parallel_loop3A_639 = arith.constant 0 : i32
          %parallel_loop3A_640 = tpu.memref_slice %arg19[%parallel_loop3A_579, %parallel_loop3A_639] : memref<80x80xf32, #tpu.memory_space<vmem>> -> memref<1x80xf32, #tpu.memory_space<vmem>>
          %parallel_loop3A_641 = tpu.memref_squeeze %parallel_loop3A_640 : memref<1x80xf32, #tpu.memory_space<vmem>> -> memref<80xf32, #tpu.memory_space<vmem>>
          %parallel_loop3A_642 = arith.constant 48 : index
          %parallel_loop3A_643 = tpu.vector_load %parallel_loop3A_641[%parallel_loop3A_642] {strides = array<i32>} : memref<80xf32, #tpu.memory_space<vmem>>, vector<16xf32>,
          tpu.vector_store %parallel_loop3A_641[%parallel_loop3A_642], %parallel_loop3A_638 {strides = array<i32>} : memref<80xf32, #tpu.memory_space<vmem>>, vector<16xf32>,
          %parallel_loop3A_644 = arith.constant 0 : i32
          %parallel_loop3A_645 = tpu.memref_slice %arg17[%parallel_loop3A_579, %parallel_loop3A_644] : memref<80x80xf32, #tpu.memory_space<vmem>> -> memref<1x80xf32, #tpu.memory_space<vmem>>
          %parallel_loop3A_646 = tpu.memref_squeeze %parallel_loop3A_645 : memref<1x80xf32, #tpu.memory_space<vmem>> -> memref<80xf32, #tpu.memory_space<vmem>>
          %parallel_loop3A_647 = arith.constant 64 : index
          %parallel_loop3A_648 = tpu.vector_load %parallel_loop3A_646[%parallel_loop3A_647] {strides = array<i32>} : memref<80xf32, #tpu.memory_space<vmem>>, vector<16xf32>,
          %parallel_loop3A_649 = vector.broadcast %parallel_loop3A_575 : f32 to vector<16xf32>
          %parallel_loop3A_650 = arith.mulf %parallel_loop3A_649, %get3A_90 : vector<16xf32>
          %parallel_loop3A_651 = arith.addf %parallel_loop3A_648, %parallel_loop3A_650 : vector<16xf32>
          %parallel_loop3A_652 = arith.constant 0.000000e+00 : f32
          %parallel_loop3A_653 = vector.broadcast %parallel_loop3A_652 : f32 to vector<16xf32>
          %parallel_loop3A_654 = arith.maximumf %parallel_loop3A_651, %parallel_loop3A_653 : vector<16xf32>
          %parallel_loop3A_655 = arith.constant 0 : i32
          %parallel_loop3A_656 = tpu.memref_slice %arg19[%parallel_loop3A_579, %parallel_loop3A_655] : memref<80x80xf32, #tpu.memory_space<vmem>> -> memref<1x80xf32, #tpu.memory_space<vmem>>
          %parallel_loop3A_657 = tpu.memref_squeeze %parallel_loop3A_656 : memref<1x80xf32, #tpu.memory_space<vmem>> -> memref<80xf32, #tpu.memory_space<vmem>>
          %parallel_loop3A_658 = arith.constant 64 : index
          %parallel_loop3A_659 = tpu.vector_load %parallel_loop3A_657[%parallel_loop3A_658] {strides = array<i32>} : memref<80xf32, #tpu.memory_space<vmem>>, vector<16xf32>,
          tpu.vector_store %parallel_loop3A_657[%parallel_loop3A_658], %parallel_loop3A_654 {strides = array<i32>} : memref<80xf32, #tpu.memory_space<vmem>>, vector<16xf32>,
          %parallel_loop3A_660 = vector.extract_strided_slice %parallel_loop3A_229 {offsets = [5], sizes = [1], strides = [1]} : vector<16xf32> to vector<1xf32>
          %parallel_loop3A_661 = vector.extract %parallel_loop3A_660[0] : f32 from vector<1xf32>
          %parallel_loop3A_662 = arith.constant 16 : i32
          %parallel_loop3A_663 = arith.muli %parallel_loop3A_225, %parallel_loop3A_662 : i32
          %parallel_loop3A_664 = arith.constant 5 : i32
          %parallel_loop3A_665 = arith.addi %parallel_loop3A_663, %parallel_loop3A_664 : i32
          %parallel_loop3A_666 = arith.constant 0 : i32
          %parallel_loop3A_667 = tpu.memref_slice %arg17[%parallel_loop3A_665, %parallel_loop3A_666] : memref<80x80xf32, #tpu.memory_space<vmem>> -> memref<1x80xf32, #tpu.memory_space<vmem>>
          %parallel_loop3A_668 = tpu.memref_squeeze %parallel_loop3A_667 : memref<1x80xf32, #tpu.memory_space<vmem>> -> memref<80xf32, #tpu.memory_space<vmem>>
          %parallel_loop3A_669 = arith.constant 0 : index
          %parallel_loop3A_670 = tpu.vector_load %parallel_loop3A_668[%parallel_loop3A_669] {strides = array<i32>} : memref<80xf32, #tpu.memory_space<vmem>>, vector<16xf32>,
          %parallel_loop3A_671 = vector.broadcast %parallel_loop3A_661 : f32 to vector<16xf32>
          %parallel_loop3A_672 = arith.mulf %parallel_loop3A_671, %get3A_82 : vector<16xf32>
          %parallel_loop3A_673 = arith.addf %parallel_loop3A_670, %parallel_loop3A_672 : vector<16xf32>
          %parallel_loop3A_674 = arith.constant 0.000000e+00 : f32
          %parallel_loop3A_675 = vector.broadcast %parallel_loop3A_674 : f32 to vector<16xf32>
          %parallel_loop3A_676 = arith.maximumf %parallel_loop3A_673, %parallel_loop3A_675 : vector<16xf32>
          %parallel_loop3A_677 = arith.constant 0 : i32
          %parallel_loop3A_678 = tpu.memref_slice %arg19[%parallel_loop3A_665, %parallel_loop3A_677] : memref<80x80xf32, #tpu.memory_space<vmem>> -> memref<1x80xf32, #tpu.memory_space<vmem>>
          %parallel_loop3A_679 = tpu.memref_squeeze %parallel_loop3A_678 : memref<1x80xf32, #tpu.memory_space<vmem>> -> memref<80xf32, #tpu.memory_space<vmem>>
          %parallel_loop3A_680 = arith.constant 0 : index
          %parallel_loop3A_681 = tpu.vector_load %parallel_loop3A_679[%parallel_loop3A_680] {strides = array<i32>} : memref<80xf32, #tpu.memory_space<vmem>>, vector<16xf32>,
          tpu.vector_store %parallel_loop3A_679[%parallel_loop3A_680], %parallel_loop3A_676 {strides = array<i32>} : memref<80xf32, #tpu.memory_space<vmem>>, vector<16xf32>,
          %parallel_loop3A_682 = arith.constant 0 : i32
          %parallel_loop3A_683 = tpu.memref_slice %arg17[%parallel_loop3A_665, %parallel_loop3A_682] : memref<80x80xf32, #tpu.memory_space<vmem>> -> memref<1x80xf32, #tpu.memory_space<vmem>>
          %parallel_loop3A_684 = tpu.memref_squeeze %parallel_loop3A_683 : memref<1x80xf32, #tpu.memory_space<vmem>> -> memref<80xf32, #tpu.memory_space<vmem>>
          %parallel_loop3A_685 = arith.constant 16 : index
          %parallel_loop3A_686 = tpu.vector_load %parallel_loop3A_684[%parallel_loop3A_685] {strides = array<i32>} : memref<80xf32, #tpu.memory_space<vmem>>, vector<16xf32>,
          %parallel_loop3A_687 = vector.broadcast %parallel_loop3A_661 : f32 to vector<16xf32>
          %parallel_loop3A_688 = arith.mulf %parallel_loop3A_687, %get3A_84 : vector<16xf32>
          %parallel_loop3A_689 = arith.addf %parallel_loop3A_686, %parallel_loop3A_688 : vector<16xf32>
          %parallel_loop3A_690 = arith.constant 0.000000e+00 : f32
          %parallel_loop3A_691 = vector.broadcast %parallel_loop3A_690 : f32 to vector<16xf32>
          %parallel_loop3A_692 = arith.maximumf %parallel_loop3A_689, %parallel_loop3A_691 : vector<16xf32>
          %parallel_loop3A_693 = arith.constant 0 : i32
          %parallel_loop3A_694 = tpu.memref_slice %arg19[%parallel_loop3A_665, %parallel_loop3A_693] : memref<80x80xf32, #tpu.memory_space<vmem>> -> memref<1x80xf32, #tpu.memory_space<vmem>>
          %parallel_loop3A_695 = tpu.memref_squeeze %parallel_loop3A_694 : memref<1x80xf32, #tpu.memory_space<vmem>> -> memref<80xf32, #tpu.memory_space<vmem>>
          %parallel_loop3A_696 = arith.constant 16 : index
          %parallel_loop3A_697 = tpu.vector_load %parallel_loop3A_695[%parallel_loop3A_696] {strides = array<i32>} : memref<80xf32, #tpu.memory_space<vmem>>, vector<16xf32>,
          tpu.vector_store %parallel_loop3A_695[%parallel_loop3A_696], %parallel_loop3A_692 {strides = array<i32>} : memref<80xf32, #tpu.memory_space<vmem>>, vector<16xf32>,
          %parallel_loop3A_698 = arith.constant 0 : i32
          %parallel_loop3A_699 = tpu.memref_slice %arg17[%parallel_loop3A_665, %parallel_loop3A_698] : memref<80x80xf32, #tpu.memory_space<vmem>> -> memref<1x80xf32, #tpu.memory_space<vmem>>
          %parallel_loop3A_700 = tpu.memref_squeeze %parallel_loop3A_699 : memref<1x80xf32, #tpu.memory_space<vmem>> -> memref<80xf32, #tpu.memory_space<vmem>>
          %parallel_loop3A_701 = arith.constant 32 : index
          %parallel_loop3A_702 = tpu.vector_load %parallel_loop3A_700[%parallel_loop3A_701] {strides = array<i32>} : memref<80xf32, #tpu.memory_space<vmem>>, vector<16xf32>,
          %parallel_loop3A_703 = vector.broadcast %parallel_loop3A_661 : f32 to vector<16xf32>
          %parallel_loop3A_704 = arith.mulf %parallel_loop3A_703, %get3A_86 : vector<16xf32>
          %parallel_loop3A_705 = arith.addf %parallel_loop3A_702, %parallel_loop3A_704 : vector<16xf32>
          %parallel_loop3A_706 = arith.constant 0.000000e+00 : f32
          %parallel_loop3A_707 = vector.broadcast %parallel_loop3A_706 : f32 to vector<16xf32>
          %parallel_loop3A_708 = arith.maximumf %parallel_loop3A_705, %parallel_loop3A_707 : vector<16xf32>
          %parallel_loop3A_709 = arith.constant 0 : i32
          %parallel_loop3A_710 = tpu.memref_slice %arg19[%parallel_loop3A_665, %parallel_loop3A_709] : memref<80x80xf32, #tpu.memory_space<vmem>> -> memref<1x80xf32, #tpu.memory_space<vmem>>
          %parallel_loop3A_711 = tpu.memref_squeeze %parallel_loop3A_710 : memref<1x80xf32, #tpu.memory_space<vmem>> -> memref<80xf32, #tpu.memory_space<vmem>>
          %parallel_loop3A_712 = arith.constant 32 : index
          %parallel_loop3A_713 = tpu.vector_load %parallel_loop3A_711[%parallel_loop3A_712] {strides = array<i32>} : memref<80xf32, #tpu.memory_space<vmem>>, vector<16xf32>,
          tpu.vector_store %parallel_loop3A_711[%parallel_loop3A_712], %parallel_loop3A_708 {strides = array<i32>} : memref<80xf32, #tpu.memory_space<vmem>>, vector<16xf32>,
          %parallel_loop3A_714 = arith.constant 0 : i32
          %parallel_loop3A_715 = tpu.memref_slice %arg17[%parallel_loop3A_665, %parallel_loop3A_714] : memref<80x80xf32, #tpu.memory_space<vmem>> -> memref<1x80xf32, #tpu.memory_space<vmem>>
          %parallel_loop3A_716 = tpu.memref_squeeze %parallel_loop3A_715 : memref<1x80xf32, #tpu.memory_space<vmem>> -> memref<80xf32, #tpu.memory_space<vmem>>
          %parallel_loop3A_717 = arith.constant 48 : index
          %parallel_loop3A_718 = tpu.vector_load %parallel_loop3A_716[%parallel_loop3A_717] {strides = array<i32>} : memref<80xf32, #tpu.memory_space<vmem>>, vector<16xf32>,
          %parallel_loop3A_719 = vector.broadcast %parallel_loop3A_661 : f32 to vector<16xf32>
          %parallel_loop3A_720 = arith.mulf %parallel_loop3A_719, %get3A_88 : vector<16xf32>
          %parallel_loop3A_721 = arith.addf %parallel_loop3A_718, %parallel_loop3A_720 : vector<16xf32>
          %parallel_loop3A_722 = arith.constant 0.000000e+00 : f32
          %parallel_loop3A_723 = vector.broadcast %parallel_loop3A_722 : f32 to vector<16xf32>
          %parallel_loop3A_724 = arith.maximumf %parallel_loop3A_721, %parallel_loop3A_723 : vector<16xf32>
          %parallel_loop3A_725 = arith.constant 0 : i32
          %parallel_loop3A_726 = tpu.memref_slice %arg19[%parallel_loop3A_665, %parallel_loop3A_725] : memref<80x80xf32, #tpu.memory_space<vmem>> -> memref<1x80xf32, #tpu.memory_space<vmem>>
          %parallel_loop3A_727 = tpu.memref_squeeze %parallel_loop3A_726 : memref<1x80xf32, #tpu.memory_space<vmem>> -> memref<80xf32, #tpu.memory_space<vmem>>
          %parallel_loop3A_728 = arith.constant 48 : index
          %parallel_loop3A_729 = tpu.vector_load %parallel_loop3A_727[%parallel_loop3A_728] {strides = array<i32>} : memref<80xf32, #tpu.memory_space<vmem>>, vector<16xf32>,
          tpu.vector_store %parallel_loop3A_727[%parallel_loop3A_728], %parallel_loop3A_724 {strides = array<i32>} : memref<80xf32, #tpu.memory_space<vmem>>, vector<16xf32>,
          %parallel_loop3A_730 = arith.constant 0 : i32
          %parallel_loop3A_731 = tpu.memref_slice %arg17[%parallel_loop3A_665, %parallel_loop3A_730] : memref<80x80xf32, #tpu.memory_space<vmem>> -> memref<1x80xf32, #tpu.memory_space<vmem>>
          %parallel_loop3A_732 = tpu.memref_squeeze %parallel_loop3A_731 : memref<1x80xf32, #tpu.memory_space<vmem>> -> memref<80xf32, #tpu.memory_space<vmem>>
          %parallel_loop3A_733 = arith.constant 64 : index
          %parallel_loop3A_734 = tpu.vector_load %parallel_loop3A_732[%parallel_loop3A_733] {strides = array<i32>} : memref<80xf32, #tpu.memory_space<vmem>>, vector<16xf32>,
          %parallel_loop3A_735 = vector.broadcast %parallel_loop3A_661 : f32 to vector<16xf32>
          %parallel_loop3A_736 = arith.mulf %parallel_loop3A_735, %get3A_90 : vector<16xf32>
          %parallel_loop3A_737 = arith.addf %parallel_loop3A_734, %parallel_loop3A_736 : vector<16xf32>
          %parallel_loop3A_738 = arith.constant 0.000000e+00 : f32
          %parallel_loop3A_739 = vector.broadcast %parallel_loop3A_738 : f32 to vector<16xf32>
          %parallel_loop3A_740 = arith.maximumf %parallel_loop3A_737, %parallel_loop3A_739 : vector<16xf32>
          %parallel_loop3A_741 = arith.constant 0 : i32
          %parallel_loop3A_742 = tpu.memref_slice %arg19[%parallel_loop3A_665, %parallel_loop3A_741] : memref<80x80xf32, #tpu.memory_space<vmem>> -> memref<1x80xf32, #tpu.memory_space<vmem>>
          %parallel_loop3A_743 = tpu.memref_squeeze %parallel_loop3A_742 : memref<1x80xf32, #tpu.memory_space<vmem>> -> memref<80xf32, #tpu.memory_space<vmem>>
          %parallel_loop3A_744 = arith.constant 64 : index
          %parallel_loop3A_745 = tpu.vector_load %parallel_loop3A_743[%parallel_loop3A_744] {strides = array<i32>} : memref<80xf32, #tpu.memory_space<vmem>>, vector<16xf32>,
          tpu.vector_store %parallel_loop3A_743[%parallel_loop3A_744], %parallel_loop3A_740 {strides = array<i32>} : memref<80xf32, #tpu.memory_space<vmem>>, vector<16xf32>,
          %parallel_loop3A_746 = vector.extract_strided_slice %parallel_loop3A_229 {offsets = [6], sizes = [1], strides = [1]} : vector<16xf32> to vector<1xf32>
          %parallel_loop3A_747 = vector.extract %parallel_loop3A_746[0] : f32 from vector<1xf32>
          %parallel_loop3A_748 = arith.constant 16 : i32
          %parallel_loop3A_749 = arith.muli %parallel_loop3A_225, %parallel_loop3A_748 : i32
          %parallel_loop3A_750 = arith.constant 6 : i32
          %parallel_loop3A_751 = arith.addi %parallel_loop3A_749, %parallel_loop3A_750 : i32
          %parallel_loop3A_752 = arith.constant 0 : i32
          %parallel_loop3A_753 = tpu.memref_slice %arg17[%parallel_loop3A_751, %parallel_loop3A_752] : memref<80x80xf32, #tpu.memory_space<vmem>> -> memref<1x80xf32, #tpu.memory_space<vmem>>
          %parallel_loop3A_754 = tpu.memref_squeeze %parallel_loop3A_753 : memref<1x80xf32, #tpu.memory_space<vmem>> -> memref<80xf32, #tpu.memory_space<vmem>>
          %parallel_loop3A_755 = arith.constant 0 : index
          %parallel_loop3A_756 = tpu.vector_load %parallel_loop3A_754[%parallel_loop3A_755] {strides = array<i32>} : memref<80xf32, #tpu.memory_space<vmem>>, vector<16xf32>,
          %parallel_loop3A_757 = vector.broadcast %parallel_loop3A_747 : f32 to vector<16xf32>
          %parallel_loop3A_758 = arith.mulf %parallel_loop3A_757, %get3A_82 : vector<16xf32>
          %parallel_loop3A_759 = arith.addf %parallel_loop3A_756, %parallel_loop3A_758 : vector<16xf32>
          %parallel_loop3A_760 = arith.constant 0.000000e+00 : f32
          %parallel_loop3A_761 = vector.broadcast %parallel_loop3A_760 : f32 to vector<16xf32>
          %parallel_loop3A_762 = arith.maximumf %parallel_loop3A_759, %parallel_loop3A_761 : vector<16xf32>
          %parallel_loop3A_763 = arith.constant 0 : i32
          %parallel_loop3A_764 = tpu.memref_slice %arg19[%parallel_loop3A_751, %parallel_loop3A_763] : memref<80x80xf32, #tpu.memory_space<vmem>> -> memref<1x80xf32, #tpu.memory_space<vmem>>
          %parallel_loop3A_765 = tpu.memref_squeeze %parallel_loop3A_764 : memref<1x80xf32, #tpu.memory_space<vmem>> -> memref<80xf32, #tpu.memory_space<vmem>>
          %parallel_loop3A_766 = arith.constant 0 : index
          %parallel_loop3A_767 = tpu.vector_load %parallel_loop3A_765[%parallel_loop3A_766] {strides = array<i32>} : memref<80xf32, #tpu.memory_space<vmem>>, vector<16xf32>,
          tpu.vector_store %parallel_loop3A_765[%parallel_loop3A_766], %parallel_loop3A_762 {strides = array<i32>} : memref<80xf32, #tpu.memory_space<vmem>>, vector<16xf32>,
          %parallel_loop3A_768 = arith.constant 0 : i32
          %parallel_loop3A_769 = tpu.memref_slice %arg17[%parallel_loop3A_751, %parallel_loop3A_768] : memref<80x80xf32, #tpu.memory_space<vmem>> -> memref<1x80xf32, #tpu.memory_space<vmem>>
          %parallel_loop3A_770 = tpu.memref_squeeze %parallel_loop3A_769 : memref<1x80xf32, #tpu.memory_space<vmem>> -> memref<80xf32, #tpu.memory_space<vmem>>
          %parallel_loop3A_771 = arith.constant 16 : index
          %parallel_loop3A_772 = tpu.vector_load %parallel_loop3A_770[%parallel_loop3A_771] {strides = array<i32>} : memref<80xf32, #tpu.memory_space<vmem>>, vector<16xf32>,
          %parallel_loop3A_773 = vector.broadcast %parallel_loop3A_747 : f32 to vector<16xf32>
          %parallel_loop3A_774 = arith.mulf %parallel_loop3A_773, %get3A_84 : vector<16xf32>
          %parallel_loop3A_775 = arith.addf %parallel_loop3A_772, %parallel_loop3A_774 : vector<16xf32>
          %parallel_loop3A_776 = arith.constant 0.000000e+00 : f32
          %parallel_loop3A_777 = vector.broadcast %parallel_loop3A_776 : f32 to vector<16xf32>
          %parallel_loop3A_778 = arith.maximumf %parallel_loop3A_775, %parallel_loop3A_777 : vector<16xf32>
          %parallel_loop3A_779 = arith.constant 0 : i32
          %parallel_loop3A_780 = tpu.memref_slice %arg19[%parallel_loop3A_751, %parallel_loop3A_779] : memref<80x80xf32, #tpu.memory_space<vmem>> -> memref<1x80xf32, #tpu.memory_space<vmem>>
          %parallel_loop3A_781 = tpu.memref_squeeze %parallel_loop3A_780 : memref<1x80xf32, #tpu.memory_space<vmem>> -> memref<80xf32, #tpu.memory_space<vmem>>
          %parallel_loop3A_782 = arith.constant 16 : index
          %parallel_loop3A_783 = tpu.vector_load %parallel_loop3A_781[%parallel_loop3A_782] {strides = array<i32>} : memref<80xf32, #tpu.memory_space<vmem>>, vector<16xf32>,
          tpu.vector_store %parallel_loop3A_781[%parallel_loop3A_782], %parallel_loop3A_778 {strides = array<i32>} : memref<80xf32, #tpu.memory_space<vmem>>, vector<16xf32>,
          %parallel_loop3A_784 = arith.constant 0 : i32
          %parallel_loop3A_785 = tpu.memref_slice %arg17[%parallel_loop3A_751, %parallel_loop3A_784] : memref<80x80xf32, #tpu.memory_space<vmem>> -> memref<1x80xf32, #tpu.memory_space<vmem>>
          %parallel_loop3A_786 = tpu.memref_squeeze %parallel_loop3A_785 : memref<1x80xf32, #tpu.memory_space<vmem>> -> memref<80xf32, #tpu.memory_space<vmem>>
          %parallel_loop3A_787 = arith.constant 32 : index
          %parallel_loop3A_788 = tpu.vector_load %parallel_loop3A_786[%parallel_loop3A_787] {strides = array<i32>} : memref<80xf32, #tpu.memory_space<vmem>>, vector<16xf32>,
          %parallel_loop3A_789 = vector.broadcast %parallel_loop3A_747 : f32 to vector<16xf32>
          %parallel_loop3A_790 = arith.mulf %parallel_loop3A_789, %get3A_86 : vector<16xf32>
          %parallel_loop3A_791 = arith.addf %parallel_loop3A_788, %parallel_loop3A_790 : vector<16xf32>
          %parallel_loop3A_792 = arith.constant 0.000000e+00 : f32
          %parallel_loop3A_793 = vector.broadcast %parallel_loop3A_792 : f32 to vector<16xf32>
          %parallel_loop3A_794 = arith.maximumf %parallel_loop3A_791, %parallel_loop3A_793 : vector<16xf32>
          %parallel_loop3A_795 = arith.constant 0 : i32
          %parallel_loop3A_796 = tpu.memref_slice %arg19[%parallel_loop3A_751, %parallel_loop3A_795] : memref<80x80xf32, #tpu.memory_space<vmem>> -> memref<1x80xf32, #tpu.memory_space<vmem>>
          %parallel_loop3A_797 = tpu.memref_squeeze %parallel_loop3A_796 : memref<1x80xf32, #tpu.memory_space<vmem>> -> memref<80xf32, #tpu.memory_space<vmem>>
          %parallel_loop3A_798 = arith.constant 32 : index
          %parallel_loop3A_799 = tpu.vector_load %parallel_loop3A_797[%parallel_loop3A_798] {strides = array<i32>} : memref<80xf32, #tpu.memory_space<vmem>>, vector<16xf32>,
          tpu.vector_store %parallel_loop3A_797[%parallel_loop3A_798], %parallel_loop3A_794 {strides = array<i32>} : memref<80xf32, #tpu.memory_space<vmem>>, vector<16xf32>,
          %parallel_loop3A_800 = arith.constant 0 : i32
          %parallel_loop3A_801 = tpu.memref_slice %arg17[%parallel_loop3A_751, %parallel_loop3A_800] : memref<80x80xf32, #tpu.memory_space<vmem>> -> memref<1x80xf32, #tpu.memory_space<vmem>>
          %parallel_loop3A_802 = tpu.memref_squeeze %parallel_loop3A_801 : memref<1x80xf32, #tpu.memory_space<vmem>> -> memref<80xf32, #tpu.memory_space<vmem>>
          %parallel_loop3A_803 = arith.constant 48 : index
          %parallel_loop3A_804 = tpu.vector_load %parallel_loop3A_802[%parallel_loop3A_803] {strides = array<i32>} : memref<80xf32, #tpu.memory_space<vmem>>, vector<16xf32>,
          %parallel_loop3A_805 = vector.broadcast %parallel_loop3A_747 : f32 to vector<16xf32>
          %parallel_loop3A_806 = arith.mulf %parallel_loop3A_805, %get3A_88 : vector<16xf32>
          %parallel_loop3A_807 = arith.addf %parallel_loop3A_804, %parallel_loop3A_806 : vector<16xf32>
          %parallel_loop3A_808 = arith.constant 0.000000e+00 : f32
          %parallel_loop3A_809 = vector.broadcast %parallel_loop3A_808 : f32 to vector<16xf32>
          %parallel_loop3A_810 = arith.maximumf %parallel_loop3A_807, %parallel_loop3A_809 : vector<16xf32>
          %parallel_loop3A_811 = arith.constant 0 : i32
          %parallel_loop3A_812 = tpu.memref_slice %arg19[%parallel_loop3A_751, %parallel_loop3A_811] : memref<80x80xf32, #tpu.memory_space<vmem>> -> memref<1x80xf32, #tpu.memory_space<vmem>>
          %parallel_loop3A_813 = tpu.memref_squeeze %parallel_loop3A_812 : memref<1x80xf32, #tpu.memory_space<vmem>> -> memref<80xf32, #tpu.memory_space<vmem>>
          %parallel_loop3A_814 = arith.constant 48 : index
          %parallel_loop3A_815 = tpu.vector_load %parallel_loop3A_813[%parallel_loop3A_814] {strides = array<i32>} : memref<80xf32, #tpu.memory_space<vmem>>, vector<16xf32>,
          tpu.vector_store %parallel_loop3A_813[%parallel_loop3A_814], %parallel_loop3A_810 {strides = array<i32>} : memref<80xf32, #tpu.memory_space<vmem>>, vector<16xf32>,
          %parallel_loop3A_816 = arith.constant 0 : i32
          %parallel_loop3A_817 = tpu.memref_slice %arg17[%parallel_loop3A_751, %parallel_loop3A_816] : memref<80x80xf32, #tpu.memory_space<vmem>> -> memref<1x80xf32, #tpu.memory_space<vmem>>
          %parallel_loop3A_818 = tpu.memref_squeeze %parallel_loop3A_817 : memref<1x80xf32, #tpu.memory_space<vmem>> -> memref<80xf32, #tpu.memory_space<vmem>>
          %parallel_loop3A_819 = arith.constant 64 : index
          %parallel_loop3A_820 = tpu.vector_load %parallel_loop3A_818[%parallel_loop3A_819] {strides = array<i32>} : memref<80xf32, #tpu.memory_space<vmem>>, vector<16xf32>,
          %parallel_loop3A_821 = vector.broadcast %parallel_loop3A_747 : f32 to vector<16xf32>
          %parallel_loop3A_822 = arith.mulf %parallel_loop3A_821, %get3A_90 : vector<16xf32>
          %parallel_loop3A_823 = arith.addf %parallel_loop3A_820, %parallel_loop3A_822 : vector<16xf32>
          %parallel_loop3A_824 = arith.constant 0.000000e+00 : f32
          %parallel_loop3A_825 = vector.broadcast %parallel_loop3A_824 : f32 to vector<16xf32>
          %parallel_loop3A_826 = arith.maximumf %parallel_loop3A_823, %parallel_loop3A_825 : vector<16xf32>
          %parallel_loop3A_827 = arith.constant 0 : i32
          %parallel_loop3A_828 = tpu.memref_slice %arg19[%parallel_loop3A_751, %parallel_loop3A_827] : memref<80x80xf32, #tpu.memory_space<vmem>> -> memref<1x80xf32, #tpu.memory_space<vmem>>
          %parallel_loop3A_829 = tpu.memref_squeeze %parallel_loop3A_828 : memref<1x80xf32, #tpu.memory_space<vmem>> -> memref<80xf32, #tpu.memory_space<vmem>>
          %parallel_loop3A_830 = arith.constant 64 : index
          %parallel_loop3A_831 = tpu.vector_load %parallel_loop3A_829[%parallel_loop3A_830] {strides = array<i32>} : memref<80xf32, #tpu.memory_space<vmem>>, vector<16xf32>,
          tpu.vector_store %parallel_loop3A_829[%parallel_loop3A_830], %parallel_loop3A_826 {strides = array<i32>} : memref<80xf32, #tpu.memory_space<vmem>>, vector<16xf32>,
          %parallel_loop3A_832 = vector.extract_strided_slice %parallel_loop3A_229 {offsets = [7], sizes = [1], strides = [1]} : vector<16xf32> to vector<1xf32>
          %parallel_loop3A_833 = vector.extract %parallel_loop3A_832[0] : f32 from vector<1xf32>
          %parallel_loop3A_834 = arith.constant 16 : i32
          %parallel_loop3A_835 = arith.muli %parallel_loop3A_225, %parallel_loop3A_834 : i32
          %parallel_loop3A_836 = arith.constant 7 : i32
          %parallel_loop3A_837 = arith.addi %parallel_loop3A_835, %parallel_loop3A_836 : i32
          %parallel_loop3A_838 = arith.constant 0 : i32
          %parallel_loop3A_839 = tpu.memref_slice %arg17[%parallel_loop3A_837, %parallel_loop3A_838] : memref<80x80xf32, #tpu.memory_space<vmem>> -> memref<1x80xf32, #tpu.memory_space<vmem>>
          %parallel_loop3A_840 = tpu.memref_squeeze %parallel_loop3A_839 : memref<1x80xf32, #tpu.memory_space<vmem>> -> memref<80xf32, #tpu.memory_space<vmem>>
          %parallel_loop3A_841 = arith.constant 0 : index
          %parallel_loop3A_842 = tpu.vector_load %parallel_loop3A_840[%parallel_loop3A_841] {strides = array<i32>} : memref<80xf32, #tpu.memory_space<vmem>>, vector<16xf32>,
          %parallel_loop3A_843 = vector.broadcast %parallel_loop3A_833 : f32 to vector<16xf32>
          %parallel_loop3A_844 = arith.mulf %parallel_loop3A_843, %get3A_82 : vector<16xf32>
          %parallel_loop3A_845 = arith.addf %parallel_loop3A_842, %parallel_loop3A_844 : vector<16xf32>
          %parallel_loop3A_846 = arith.constant 0.000000e+00 : f32
          %parallel_loop3A_847 = vector.broadcast %parallel_loop3A_846 : f32 to vector<16xf32>
          %parallel_loop3A_848 = arith.maximumf %parallel_loop3A_845, %parallel_loop3A_847 : vector<16xf32>
          %parallel_loop3A_849 = arith.constant 0 : i32
          %parallel_loop3A_850 = tpu.memref_slice %arg19[%parallel_loop3A_837, %parallel_loop3A_849] : memref<80x80xf32, #tpu.memory_space<vmem>> -> memref<1x80xf32, #tpu.memory_space<vmem>>
          %parallel_loop3A_851 = tpu.memref_squeeze %parallel_loop3A_850 : memref<1x80xf32, #tpu.memory_space<vmem>> -> memref<80xf32, #tpu.memory_space<vmem>>
          %parallel_loop3A_852 = arith.constant 0 : index
          %parallel_loop3A_853 = tpu.vector_load %parallel_loop3A_851[%parallel_loop3A_852] {strides = array<i32>} : memref<80xf32, #tpu.memory_space<vmem>>, vector<16xf32>,
          tpu.vector_store %parallel_loop3A_851[%parallel_loop3A_852], %parallel_loop3A_848 {strides = array<i32>} : memref<80xf32, #tpu.memory_space<vmem>>, vector<16xf32>,
          %parallel_loop3A_854 = arith.constant 0 : i32
          %parallel_loop3A_855 = tpu.memref_slice %arg17[%parallel_loop3A_837, %parallel_loop3A_854] : memref<80x80xf32, #tpu.memory_space<vmem>> -> memref<1x80xf32, #tpu.memory_space<vmem>>
          %parallel_loop3A_856 = tpu.memref_squeeze %parallel_loop3A_855 : memref<1x80xf32, #tpu.memory_space<vmem>> -> memref<80xf32, #tpu.memory_space<vmem>>
          %parallel_loop3A_857 = arith.constant 16 : index
          %parallel_loop3A_858 = tpu.vector_load %parallel_loop3A_856[%parallel_loop3A_857] {strides = array<i32>} : memref<80xf32, #tpu.memory_space<vmem>>, vector<16xf32>,
          %parallel_loop3A_859 = vector.broadcast %parallel_loop3A_833 : f32 to vector<16xf32>
          %parallel_loop3A_860 = arith.mulf %parallel_loop3A_859, %get3A_84 : vector<16xf32>
          %parallel_loop3A_861 = arith.addf %parallel_loop3A_858, %parallel_loop3A_860 : vector<16xf32>
          %parallel_loop3A_862 = arith.constant 0.000000e+00 : f32
          %parallel_loop3A_863 = vector.broadcast %parallel_loop3A_862 : f32 to vector<16xf32>
          %parallel_loop3A_864 = arith.maximumf %parallel_loop3A_861, %parallel_loop3A_863 : vector<16xf32>
          %parallel_loop3A_865 = arith.constant 0 : i32
          %parallel_loop3A_866 = tpu.memref_slice %arg19[%parallel_loop3A_837, %parallel_loop3A_865] : memref<80x80xf32, #tpu.memory_space<vmem>> -> memref<1x80xf32, #tpu.memory_space<vmem>>
          %parallel_loop3A_867 = tpu.memref_squeeze %parallel_loop3A_866 : memref<1x80xf32, #tpu.memory_space<vmem>> -> memref<80xf32, #tpu.memory_space<vmem>>
          %parallel_loop3A_868 = arith.constant 16 : index
          %parallel_loop3A_869 = tpu.vector_load %parallel_loop3A_867[%parallel_loop3A_868] {strides = array<i32>} : memref<80xf32, #tpu.memory_space<vmem>>, vector<16xf32>,
          tpu.vector_store %parallel_loop3A_867[%parallel_loop3A_868], %parallel_loop3A_864 {strides = array<i32>} : memref<80xf32, #tpu.memory_space<vmem>>, vector<16xf32>,
          %parallel_loop3A_870 = arith.constant 0 : i32
          %parallel_loop3A_871 = tpu.memref_slice %arg17[%parallel_loop3A_837, %parallel_loop3A_870] : memref<80x80xf32, #tpu.memory_space<vmem>> -> memref<1x80xf32, #tpu.memory_space<vmem>>
          %parallel_loop3A_872 = tpu.memref_squeeze %parallel_loop3A_871 : memref<1x80xf32, #tpu.memory_space<vmem>> -> memref<80xf32, #tpu.memory_space<vmem>>
          %parallel_loop3A_873 = arith.constant 32 : index
          %parallel_loop3A_874 = tpu.vector_load %parallel_loop3A_872[%parallel_loop3A_873] {strides = array<i32>} : memref<80xf32, #tpu.memory_space<vmem>>, vector<16xf32>,
          %parallel_loop3A_875 = vector.broadcast %parallel_loop3A_833 : f32 to vector<16xf32>
          %parallel_loop3A_876 = arith.mulf %parallel_loop3A_875, %get3A_86 : vector<16xf32>
          %parallel_loop3A_877 = arith.addf %parallel_loop3A_874, %parallel_loop3A_876 : vector<16xf32>
          %parallel_loop3A_878 = arith.constant 0.000000e+00 : f32
          %parallel_loop3A_879 = vector.broadcast %parallel_loop3A_878 : f32 to vector<16xf32>
          %parallel_loop3A_880 = arith.maximumf %parallel_loop3A_877, %parallel_loop3A_879 : vector<16xf32>
          %parallel_loop3A_881 = arith.constant 0 : i32
          %parallel_loop3A_882 = tpu.memref_slice %arg19[%parallel_loop3A_837, %parallel_loop3A_881] : memref<80x80xf32, #tpu.memory_space<vmem>> -> memref<1x80xf32, #tpu.memory_space<vmem>>
          %parallel_loop3A_883 = tpu.memref_squeeze %parallel_loop3A_882 : memref<1x80xf32, #tpu.memory_space<vmem>> -> memref<80xf32, #tpu.memory_space<vmem>>
          %parallel_loop3A_884 = arith.constant 32 : index
          %parallel_loop3A_885 = tpu.vector_load %parallel_loop3A_883[%parallel_loop3A_884] {strides = array<i32>} : memref<80xf32, #tpu.memory_space<vmem>>, vector<16xf32>,
          tpu.vector_store %parallel_loop3A_883[%parallel_loop3A_884], %parallel_loop3A_880 {strides = array<i32>} : memref<80xf32, #tpu.memory_space<vmem>>, vector<16xf32>,
          %parallel_loop3A_886 = arith.constant 0 : i32
          %parallel_loop3A_887 = tpu.memref_slice %arg17[%parallel_loop3A_837, %parallel_loop3A_886] : memref<80x80xf32, #tpu.memory_space<vmem>> -> memref<1x80xf32, #tpu.memory_space<vmem>>
          %parallel_loop3A_888 = tpu.memref_squeeze %parallel_loop3A_887 : memref<1x80xf32, #tpu.memory_space<vmem>> -> memref<80xf32, #tpu.memory_space<vmem>>
          %parallel_loop3A_889 = arith.constant 48 : index
          %parallel_loop3A_890 = tpu.vector_load %parallel_loop3A_888[%parallel_loop3A_889] {strides = array<i32>} : memref<80xf32, #tpu.memory_space<vmem>>, vector<16xf32>,
          %parallel_loop3A_891 = vector.broadcast %parallel_loop3A_833 : f32 to vector<16xf32>
          %parallel_loop3A_892 = arith.mulf %parallel_loop3A_891, %get3A_88 : vector<16xf32>
          %parallel_loop3A_893 = arith.addf %parallel_loop3A_890, %parallel_loop3A_892 : vector<16xf32>
          %parallel_loop3A_894 = arith.constant 0.000000e+00 : f32
          %parallel_loop3A_895 = vector.broadcast %parallel_loop3A_894 : f32 to vector<16xf32>
          %parallel_loop3A_896 = arith.maximumf %parallel_loop3A_893, %parallel_loop3A_895 : vector<16xf32>
          %parallel_loop3A_897 = arith.constant 0 : i32
          %parallel_loop3A_898 = tpu.memref_slice %arg19[%parallel_loop3A_837, %parallel_loop3A_897] : memref<80x80xf32, #tpu.memory_space<vmem>> -> memref<1x80xf32, #tpu.memory_space<vmem>>
          %parallel_loop3A_899 = tpu.memref_squeeze %parallel_loop3A_898 : memref<1x80xf32, #tpu.memory_space<vmem>> -> memref<80xf32, #tpu.memory_space<vmem>>
          %parallel_loop3A_900 = arith.constant 48 : index
          %parallel_loop3A_901 = tpu.vector_load %parallel_loop3A_899[%parallel_loop3A_900] {strides = array<i32>} : memref<80xf32, #tpu.memory_space<vmem>>, vector<16xf32>,
          tpu.vector_store %parallel_loop3A_899[%parallel_loop3A_900], %parallel_loop3A_896 {strides = array<i32>} : memref<80xf32, #tpu.memory_space<vmem>>, vector<16xf32>,
          %parallel_loop3A_902 = arith.constant 0 : i32
          %parallel_loop3A_903 = tpu.memref_slice %arg17[%parallel_loop3A_837, %parallel_loop3A_902] : memref<80x80xf32, #tpu.memory_space<vmem>> -> memref<1x80xf32, #tpu.memory_space<vmem>>
          %parallel_loop3A_904 = tpu.memref_squeeze %parallel_loop3A_903 : memref<1x80xf32, #tpu.memory_space<vmem>> -> memref<80xf32, #tpu.memory_space<vmem>>
          %parallel_loop3A_905 = arith.constant 64 : index
          %parallel_loop3A_906 = tpu.vector_load %parallel_loop3A_904[%parallel_loop3A_905] {strides = array<i32>} : memref<80xf32, #tpu.memory_space<vmem>>, vector<16xf32>,
          %parallel_loop3A_907 = vector.broadcast %parallel_loop3A_833 : f32 to vector<16xf32>
          %parallel_loop3A_908 = arith.mulf %parallel_loop3A_907, %get3A_90 : vector<16xf32>
          %parallel_loop3A_909 = arith.addf %parallel_loop3A_906, %parallel_loop3A_908 : vector<16xf32>
          %parallel_loop3A_910 = arith.constant 0.000000e+00 : f32
          %parallel_loop3A_911 = vector.broadcast %parallel_loop3A_910 : f32 to vector<16xf32>
          %parallel_loop3A_912 = arith.maximumf %parallel_loop3A_909, %parallel_loop3A_911 : vector<16xf32>
          %parallel_loop3A_913 = arith.constant 0 : i32
          %parallel_loop3A_914 = tpu.memref_slice %arg19[%parallel_loop3A_837, %parallel_loop3A_913] : memref<80x80xf32, #tpu.memory_space<vmem>> -> memref<1x80xf32, #tpu.memory_space<vmem>>
          %parallel_loop3A_915 = tpu.memref_squeeze %parallel_loop3A_914 : memref<1x80xf32, #tpu.memory_space<vmem>> -> memref<80xf32, #tpu.memory_space<vmem>>
          %parallel_loop3A_916 = arith.constant 64 : index
          %parallel_loop3A_917 = tpu.vector_load %parallel_loop3A_915[%parallel_loop3A_916] {strides = array<i32>} : memref<80xf32, #tpu.memory_space<vmem>>, vector<16xf32>,
          tpu.vector_store %parallel_loop3A_915[%parallel_loop3A_916], %parallel_loop3A_912 {strides = array<i32>} : memref<80xf32, #tpu.memory_space<vmem>>, vector<16xf32>,
          %parallel_loop3A_918 = vector.extract_strided_slice %parallel_loop3A_229 {offsets = [8], sizes = [1], strides = [1]} : vector<16xf32> to vector<1xf32>
          %parallel_loop3A_919 = vector.extract %parallel_loop3A_918[0] : f32 from vector<1xf32>
          %parallel_loop3A_920 = arith.constant 16 : i32
          %parallel_loop3A_921 = arith.muli %parallel_loop3A_225, %parallel_loop3A_920 : i32
          %parallel_loop3A_922 = arith.constant 8 : i32
          %parallel_loop3A_923 = arith.addi %parallel_loop3A_921, %parallel_loop3A_922 : i32
          %parallel_loop3A_924 = arith.constant 0 : i32
          %parallel_loop3A_925 = tpu.memref_slice %arg17[%parallel_loop3A_923, %parallel_loop3A_924] : memref<80x80xf32, #tpu.memory_space<vmem>> -> memref<1x80xf32, #tpu.memory_space<vmem>>
          %parallel_loop3A_926 = tpu.memref_squeeze %parallel_loop3A_925 : memref<1x80xf32, #tpu.memory_space<vmem>> -> memref<80xf32, #tpu.memory_space<vmem>>
          %parallel_loop3A_927 = arith.constant 0 : index
          %parallel_loop3A_928 = tpu.vector_load %parallel_loop3A_926[%parallel_loop3A_927] {strides = array<i32>} : memref<80xf32, #tpu.memory_space<vmem>>, vector<16xf32>,
          %parallel_loop3A_929 = vector.broadcast %parallel_loop3A_919 : f32 to vector<16xf32>
          %parallel_loop3A_930 = arith.mulf %parallel_loop3A_929, %get3A_82 : vector<16xf32>
          %parallel_loop3A_931 = arith.addf %parallel_loop3A_928, %parallel_loop3A_930 : vector<16xf32>
          %parallel_loop3A_932 = arith.constant 0.000000e+00 : f32
          %parallel_loop3A_933 = vector.broadcast %parallel_loop3A_932 : f32 to vector<16xf32>
          %parallel_loop3A_934 = arith.maximumf %parallel_loop3A_931, %parallel_loop3A_933 : vector<16xf32>
          %parallel_loop3A_935 = arith.constant 0 : i32
          %parallel_loop3A_936 = tpu.memref_slice %arg19[%parallel_loop3A_923, %parallel_loop3A_935] : memref<80x80xf32, #tpu.memory_space<vmem>> -> memref<1x80xf32, #tpu.memory_space<vmem>>
          %parallel_loop3A_937 = tpu.memref_squeeze %parallel_loop3A_936 : memref<1x80xf32, #tpu.memory_space<vmem>> -> memref<80xf32, #tpu.memory_space<vmem>>
          %parallel_loop3A_938 = arith.constant 0 : index
          %parallel_loop3A_939 = tpu.vector_load %parallel_loop3A_937[%parallel_loop3A_938] {strides = array<i32>} : memref<80xf32, #tpu.memory_space<vmem>>, vector<16xf32>,
          tpu.vector_store %parallel_loop3A_937[%parallel_loop3A_938], %parallel_loop3A_934 {strides = array<i32>} : memref<80xf32, #tpu.memory_space<vmem>>, vector<16xf32>,
          %parallel_loop3A_940 = arith.constant 0 : i32
          %parallel_loop3A_941 = tpu.memref_slice %arg17[%parallel_loop3A_923, %parallel_loop3A_940] : memref<80x80xf32, #tpu.memory_space<vmem>> -> memref<1x80xf32, #tpu.memory_space<vmem>>
          %parallel_loop3A_942 = tpu.memref_squeeze %parallel_loop3A_941 : memref<1x80xf32, #tpu.memory_space<vmem>> -> memref<80xf32, #tpu.memory_space<vmem>>
          %parallel_loop3A_943 = arith.constant 16 : index
          %parallel_loop3A_944 = tpu.vector_load %parallel_loop3A_942[%parallel_loop3A_943] {strides = array<i32>} : memref<80xf32, #tpu.memory_space<vmem>>, vector<16xf32>,
          %parallel_loop3A_945 = vector.broadcast %parallel_loop3A_919 : f32 to vector<16xf32>
          %parallel_loop3A_946 = arith.mulf %parallel_loop3A_945, %get3A_84 : vector<16xf32>
          %parallel_loop3A_947 = arith.addf %parallel_loop3A_944, %parallel_loop3A_946 : vector<16xf32>
          %parallel_loop3A_948 = arith.constant 0.000000e+00 : f32
          %parallel_loop3A_949 = vector.broadcast %parallel_loop3A_948 : f32 to vector<16xf32>
          %parallel_loop3A_950 = arith.maximumf %parallel_loop3A_947, %parallel_loop3A_949 : vector<16xf32>
          %parallel_loop3A_951 = arith.constant 0 : i32
          %parallel_loop3A_952 = tpu.memref_slice %arg19[%parallel_loop3A_923, %parallel_loop3A_951] : memref<80x80xf32, #tpu.memory_space<vmem>> -> memref<1x80xf32, #tpu.memory_space<vmem>>
          %parallel_loop3A_953 = tpu.memref_squeeze %parallel_loop3A_952 : memref<1x80xf32, #tpu.memory_space<vmem>> -> memref<80xf32, #tpu.memory_space<vmem>>
          %parallel_loop3A_954 = arith.constant 16 : index
          %parallel_loop3A_955 = tpu.vector_load %parallel_loop3A_953[%parallel_loop3A_954] {strides = array<i32>} : memref<80xf32, #tpu.memory_space<vmem>>, vector<16xf32>,
          tpu.vector_store %parallel_loop3A_953[%parallel_loop3A_954], %parallel_loop3A_950 {strides = array<i32>} : memref<80xf32, #tpu.memory_space<vmem>>, vector<16xf32>,
          %parallel_loop3A_956 = arith.constant 0 : i32
          %parallel_loop3A_957 = tpu.memref_slice %arg17[%parallel_loop3A_923, %parallel_loop3A_956] : memref<80x80xf32, #tpu.memory_space<vmem>> -> memref<1x80xf32, #tpu.memory_space<vmem>>
          %parallel_loop3A_958 = tpu.memref_squeeze %parallel_loop3A_957 : memref<1x80xf32, #tpu.memory_space<vmem>> -> memref<80xf32, #tpu.memory_space<vmem>>
          %parallel_loop3A_959 = arith.constant 32 : index
          %parallel_loop3A_960 = tpu.vector_load %parallel_loop3A_958[%parallel_loop3A_959] {strides = array<i32>} : memref<80xf32, #tpu.memory_space<vmem>>, vector<16xf32>,
          %parallel_loop3A_961 = vector.broadcast %parallel_loop3A_919 : f32 to vector<16xf32>
          %parallel_loop3A_962 = arith.mulf %parallel_loop3A_961, %get3A_86 : vector<16xf32>
          %parallel_loop3A_963 = arith.addf %parallel_loop3A_960, %parallel_loop3A_962 : vector<16xf32>
          %parallel_loop3A_964 = arith.constant 0.000000e+00 : f32
          %parallel_loop3A_965 = vector.broadcast %parallel_loop3A_964 : f32 to vector<16xf32>
          %parallel_loop3A_966 = arith.maximumf %parallel_loop3A_963, %parallel_loop3A_965 : vector<16xf32>
          %parallel_loop3A_967 = arith.constant 0 : i32
          %parallel_loop3A_968 = tpu.memref_slice %arg19[%parallel_loop3A_923, %parallel_loop3A_967] : memref<80x80xf32, #tpu.memory_space<vmem>> -> memref<1x80xf32, #tpu.memory_space<vmem>>
          %parallel_loop3A_969 = tpu.memref_squeeze %parallel_loop3A_968 : memref<1x80xf32, #tpu.memory_space<vmem>> -> memref<80xf32, #tpu.memory_space<vmem>>
          %parallel_loop3A_970 = arith.constant 32 : index
          %parallel_loop3A_971 = tpu.vector_load %parallel_loop3A_969[%parallel_loop3A_970] {strides = array<i32>} : memref<80xf32, #tpu.memory_space<vmem>>, vector<16xf32>,
          tpu.vector_store %parallel_loop3A_969[%parallel_loop3A_970], %parallel_loop3A_966 {strides = array<i32>} : memref<80xf32, #tpu.memory_space<vmem>>, vector<16xf32>,
          %parallel_loop3A_972 = arith.constant 0 : i32
          %parallel_loop3A_973 = tpu.memref_slice %arg17[%parallel_loop3A_923, %parallel_loop3A_972] : memref<80x80xf32, #tpu.memory_space<vmem>> -> memref<1x80xf32, #tpu.memory_space<vmem>>
          %parallel_loop3A_974 = tpu.memref_squeeze %parallel_loop3A_973 : memref<1x80xf32, #tpu.memory_space<vmem>> -> memref<80xf32, #tpu.memory_space<vmem>>
          %parallel_loop3A_975 = arith.constant 48 : index
          %parallel_loop3A_976 = tpu.vector_load %parallel_loop3A_974[%parallel_loop3A_975] {strides = array<i32>} : memref<80xf32, #tpu.memory_space<vmem>>, vector<16xf32>,
          %parallel_loop3A_977 = vector.broadcast %parallel_loop3A_919 : f32 to vector<16xf32>
          %parallel_loop3A_978 = arith.mulf %parallel_loop3A_977, %get3A_88 : vector<16xf32>
          %parallel_loop3A_979 = arith.addf %parallel_loop3A_976, %parallel_loop3A_978 : vector<16xf32>
          %parallel_loop3A_980 = arith.constant 0.000000e+00 : f32
          %parallel_loop3A_981 = vector.broadcast %parallel_loop3A_980 : f32 to vector<16xf32>
          %parallel_loop3A_982 = arith.maximumf %parallel_loop3A_979, %parallel_loop3A_981 : vector<16xf32>
          %parallel_loop3A_983 = arith.constant 0 : i32
          %parallel_loop3A_984 = tpu.memref_slice %arg19[%parallel_loop3A_923, %parallel_loop3A_983] : memref<80x80xf32, #tpu.memory_space<vmem>> -> memref<1x80xf32, #tpu.memory_space<vmem>>
          %parallel_loop3A_985 = tpu.memref_squeeze %parallel_loop3A_984 : memref<1x80xf32, #tpu.memory_space<vmem>> -> memref<80xf32, #tpu.memory_space<vmem>>
          %parallel_loop3A_986 = arith.constant 48 : index
          %parallel_loop3A_987 = tpu.vector_load %parallel_loop3A_985[%parallel_loop3A_986] {strides = array<i32>} : memref<80xf32, #tpu.memory_space<vmem>>, vector<16xf32>,
          tpu.vector_store %parallel_loop3A_985[%parallel_loop3A_986], %parallel_loop3A_982 {strides = array<i32>} : memref<80xf32, #tpu.memory_space<vmem>>, vector<16xf32>,
          %parallel_loop3A_988 = arith.constant 0 : i32
          %parallel_loop3A_989 = tpu.memref_slice %arg17[%parallel_loop3A_923, %parallel_loop3A_988] : memref<80x80xf32, #tpu.memory_space<vmem>> -> memref<1x80xf32, #tpu.memory_space<vmem>>
          %parallel_loop3A_990 = tpu.memref_squeeze %parallel_loop3A_989 : memref<1x80xf32, #tpu.memory_space<vmem>> -> memref<80xf32, #tpu.memory_space<vmem>>
          %parallel_loop3A_991 = arith.constant 64 : index
          %parallel_loop3A_992 = tpu.vector_load %parallel_loop3A_990[%parallel_loop3A_991] {strides = array<i32>} : memref<80xf32, #tpu.memory_space<vmem>>, vector<16xf32>,
          %parallel_loop3A_993 = vector.broadcast %parallel_loop3A_919 : f32 to vector<16xf32>
          %parallel_loop3A_994 = arith.mulf %parallel_loop3A_993, %get3A_90 : vector<16xf32>
          %parallel_loop3A_995 = arith.addf %parallel_loop3A_992, %parallel_loop3A_994 : vector<16xf32>
          %parallel_loop3A_996 = arith.constant 0.000000e+00 : f32
          %parallel_loop3A_997 = vector.broadcast %parallel_loop3A_996 : f32 to vector<16xf32>
          %parallel_loop3A_998 = arith.maximumf %parallel_loop3A_995, %parallel_loop3A_997 : vector<16xf32>
          %parallel_loop3A_999 = arith.constant 0 : i32
          %parallel_loop3A_1000 = tpu.memref_slice %arg19[%parallel_loop3A_923, %parallel_loop3A_999] : memref<80x80xf32, #tpu.memory_space<vmem>> -> memref<1x80xf32, #tpu.memory_space<vmem>>
          %parallel_loop3A_1001 = tpu.memref_squeeze %parallel_loop3A_1000 : memref<1x80xf32, #tpu.memory_space<vmem>> -> memref<80xf32, #tpu.memory_space<vmem>>
          %parallel_loop3A_1002 = arith.constant 64 : index
          %parallel_loop3A_1003 = tpu.vector_load %parallel_loop3A_1001[%parallel_loop3A_1002] {strides = array<i32>} : memref<80xf32, #tpu.memory_space<vmem>>, vector<16xf32>,
          tpu.vector_store %parallel_loop3A_1001[%parallel_loop3A_1002], %parallel_loop3A_998 {strides = array<i32>} : memref<80xf32, #tpu.memory_space<vmem>>, vector<16xf32>,
          %parallel_loop3A_1004 = vector.extract_strided_slice %parallel_loop3A_229 {offsets = [9], sizes = [1], strides = [1]} : vector<16xf32> to vector<1xf32>
          %parallel_loop3A_1005 = vector.extract %parallel_loop3A_1004[0] : f32 from vector<1xf32>
          %parallel_loop3A_1006 = arith.constant 16 : i32
          %parallel_loop3A_1007 = arith.muli %parallel_loop3A_225, %parallel_loop3A_1006 : i32
          %parallel_loop3A_1008 = arith.constant 9 : i32
          %parallel_loop3A_1009 = arith.addi %parallel_loop3A_1007, %parallel_loop3A_1008 : i32
          %parallel_loop3A_1010 = arith.constant 0 : i32
          %parallel_loop3A_1011 = tpu.memref_slice %arg17[%parallel_loop3A_1009, %parallel_loop3A_1010] : memref<80x80xf32, #tpu.memory_space<vmem>> -> memref<1x80xf32, #tpu.memory_space<vmem>>
          %parallel_loop3A_1012 = tpu.memref_squeeze %parallel_loop3A_1011 : memref<1x80xf32, #tpu.memory_space<vmem>> -> memref<80xf32, #tpu.memory_space<vmem>>
          %parallel_loop3A_1013 = arith.constant 0 : index
          %parallel_loop3A_1014 = tpu.vector_load %parallel_loop3A_1012[%parallel_loop3A_1013] {strides = array<i32>} : memref<80xf32, #tpu.memory_space<vmem>>, vector<16xf32>,
          %parallel_loop3A_1015 = vector.broadcast %parallel_loop3A_1005 : f32 to vector<16xf32>
          %parallel_loop3A_1016 = arith.mulf %parallel_loop3A_1015, %get3A_82 : vector<16xf32>
          %parallel_loop3A_1017 = arith.addf %parallel_loop3A_1014, %parallel_loop3A_1016 : vector<16xf32>
          %parallel_loop3A_1018 = arith.constant 0.000000e+00 : f32
          %parallel_loop3A_1019 = vector.broadcast %parallel_loop3A_1018 : f32 to vector<16xf32>
          %parallel_loop3A_1020 = arith.maximumf %parallel_loop3A_1017, %parallel_loop3A_1019 : vector<16xf32>
          %parallel_loop3A_1021 = arith.constant 0 : i32
          %parallel_loop3A_1022 = tpu.memref_slice %arg19[%parallel_loop3A_1009, %parallel_loop3A_1021] : memref<80x80xf32, #tpu.memory_space<vmem>> -> memref<1x80xf32, #tpu.memory_space<vmem>>
          %parallel_loop3A_1023 = tpu.memref_squeeze %parallel_loop3A_1022 : memref<1x80xf32, #tpu.memory_space<vmem>> -> memref<80xf32, #tpu.memory_space<vmem>>
          %parallel_loop3A_1024 = arith.constant 0 : index
          %parallel_loop3A_1025 = tpu.vector_load %parallel_loop3A_1023[%parallel_loop3A_1024] {strides = array<i32>} : memref<80xf32, #tpu.memory_space<vmem>>, vector<16xf32>,
          tpu.vector_store %parallel_loop3A_1023[%parallel_loop3A_1024], %parallel_loop3A_1020 {strides = array<i32>} : memref<80xf32, #tpu.memory_space<vmem>>, vector<16xf32>,
          %parallel_loop3A_1026 = arith.constant 0 : i32
          %parallel_loop3A_1027 = tpu.memref_slice %arg17[%parallel_loop3A_1009, %parallel_loop3A_1026] : memref<80x80xf32, #tpu.memory_space<vmem>> -> memref<1x80xf32, #tpu.memory_space<vmem>>
          %parallel_loop3A_1028 = tpu.memref_squeeze %parallel_loop3A_1027 : memref<1x80xf32, #tpu.memory_space<vmem>> -> memref<80xf32, #tpu.memory_space<vmem>>
          %parallel_loop3A_1029 = arith.constant 16 : index
          %parallel_loop3A_1030 = tpu.vector_load %parallel_loop3A_1028[%parallel_loop3A_1029] {strides = array<i32>} : memref<80xf32, #tpu.memory_space<vmem>>, vector<16xf32>,
          %parallel_loop3A_1031 = vector.broadcast %parallel_loop3A_1005 : f32 to vector<16xf32>
          %parallel_loop3A_1032 = arith.mulf %parallel_loop3A_1031, %get3A_84 : vector<16xf32>
          %parallel_loop3A_1033 = arith.addf %parallel_loop3A_1030, %parallel_loop3A_1032 : vector<16xf32>
          %parallel_loop3A_1034 = arith.constant 0.000000e+00 : f32
          %parallel_loop3A_1035 = vector.broadcast %parallel_loop3A_1034 : f32 to vector<16xf32>
          %parallel_loop3A_1036 = arith.maximumf %parallel_loop3A_1033, %parallel_loop3A_1035 : vector<16xf32>
          %parallel_loop3A_1037 = arith.constant 0 : i32
          %parallel_loop3A_1038 = tpu.memref_slice %arg19[%parallel_loop3A_1009, %parallel_loop3A_1037] : memref<80x80xf32, #tpu.memory_space<vmem>> -> memref<1x80xf32, #tpu.memory_space<vmem>>
          %parallel_loop3A_1039 = tpu.memref_squeeze %parallel_loop3A_1038 : memref<1x80xf32, #tpu.memory_space<vmem>> -> memref<80xf32, #tpu.memory_space<vmem>>
          %parallel_loop3A_1040 = arith.constant 16 : index
          %parallel_loop3A_1041 = tpu.vector_load %parallel_loop3A_1039[%parallel_loop3A_1040] {strides = array<i32>} : memref<80xf32, #tpu.memory_space<vmem>>, vector<16xf32>,
          tpu.vector_store %parallel_loop3A_1039[%parallel_loop3A_1040], %parallel_loop3A_1036 {strides = array<i32>} : memref<80xf32, #tpu.memory_space<vmem>>, vector<16xf32>,
          %parallel_loop3A_1042 = arith.constant 0 : i32
          %parallel_loop3A_1043 = tpu.memref_slice %arg17[%parallel_loop3A_1009, %parallel_loop3A_1042] : memref<80x80xf32, #tpu.memory_space<vmem>> -> memref<1x80xf32, #tpu.memory_space<vmem>>
          %parallel_loop3A_1044 = tpu.memref_squeeze %parallel_loop3A_1043 : memref<1x80xf32, #tpu.memory_space<vmem>> -> memref<80xf32, #tpu.memory_space<vmem>>
          %parallel_loop3A_1045 = arith.constant 32 : index
          %parallel_loop3A_1046 = tpu.vector_load %parallel_loop3A_1044[%parallel_loop3A_1045] {strides = array<i32>} : memref<80xf32, #tpu.memory_space<vmem>>, vector<16xf32>,
          %parallel_loop3A_1047 = vector.broadcast %parallel_loop3A_1005 : f32 to vector<16xf32>
          %parallel_loop3A_1048 = arith.mulf %parallel_loop3A_1047, %get3A_86 : vector<16xf32>
          %parallel_loop3A_1049 = arith.addf %parallel_loop3A_1046, %parallel_loop3A_1048 : vector<16xf32>
          %parallel_loop3A_1050 = arith.constant 0.000000e+00 : f32
          %parallel_loop3A_1051 = vector.broadcast %parallel_loop3A_1050 : f32 to vector<16xf32>
          %parallel_loop3A_1052 = arith.maximumf %parallel_loop3A_1049, %parallel_loop3A_1051 : vector<16xf32>
          %parallel_loop3A_1053 = arith.constant 0 : i32
          %parallel_loop3A_1054 = tpu.memref_slice %arg19[%parallel_loop3A_1009, %parallel_loop3A_1053] : memref<80x80xf32, #tpu.memory_space<vmem>> -> memref<1x80xf32, #tpu.memory_space<vmem>>
          %parallel_loop3A_1055 = tpu.memref_squeeze %parallel_loop3A_1054 : memref<1x80xf32, #tpu.memory_space<vmem>> -> memref<80xf32, #tpu.memory_space<vmem>>
          %parallel_loop3A_1056 = arith.constant 32 : index
          %parallel_loop3A_1057 = tpu.vector_load %parallel_loop3A_1055[%parallel_loop3A_1056] {strides = array<i32>} : memref<80xf32, #tpu.memory_space<vmem>>, vector<16xf32>,
          tpu.vector_store %parallel_loop3A_1055[%parallel_loop3A_1056], %parallel_loop3A_1052 {strides = array<i32>} : memref<80xf32, #tpu.memory_space<vmem>>, vector<16xf32>,
          %parallel_loop3A_1058 = arith.constant 0 : i32
          %parallel_loop3A_1059 = tpu.memref_slice %arg17[%parallel_loop3A_1009, %parallel_loop3A_1058] : memref<80x80xf32, #tpu.memory_space<vmem>> -> memref<1x80xf32, #tpu.memory_space<vmem>>
          %parallel_loop3A_1060 = tpu.memref_squeeze %parallel_loop3A_1059 : memref<1x80xf32, #tpu.memory_space<vmem>> -> memref<80xf32, #tpu.memory_space<vmem>>
          %parallel_loop3A_1061 = arith.constant 48 : index
          %parallel_loop3A_1062 = tpu.vector_load %parallel_loop3A_1060[%parallel_loop3A_1061] {strides = array<i32>} : memref<80xf32, #tpu.memory_space<vmem>>, vector<16xf32>,
          %parallel_loop3A_1063 = vector.broadcast %parallel_loop3A_1005 : f32 to vector<16xf32>
          %parallel_loop3A_1064 = arith.mulf %parallel_loop3A_1063, %get3A_88 : vector<16xf32>
          %parallel_loop3A_1065 = arith.addf %parallel_loop3A_1062, %parallel_loop3A_1064 : vector<16xf32>
          %parallel_loop3A_1066 = arith.constant 0.000000e+00 : f32
          %parallel_loop3A_1067 = vector.broadcast %parallel_loop3A_1066 : f32 to vector<16xf32>
          %parallel_loop3A_1068 = arith.maximumf %parallel_loop3A_1065, %parallel_loop3A_1067 : vector<16xf32>
          %parallel_loop3A_1069 = arith.constant 0 : i32
          %parallel_loop3A_1070 = tpu.memref_slice %arg19[%parallel_loop3A_1009, %parallel_loop3A_1069] : memref<80x80xf32, #tpu.memory_space<vmem>> -> memref<1x80xf32, #tpu.memory_space<vmem>>
          %parallel_loop3A_1071 = tpu.memref_squeeze %parallel_loop3A_1070 : memref<1x80xf32, #tpu.memory_space<vmem>> -> memref<80xf32, #tpu.memory_space<vmem>>
          %parallel_loop3A_1072 = arith.constant 48 : index
          %parallel_loop3A_1073 = tpu.vector_load %parallel_loop3A_1071[%parallel_loop3A_1072] {strides = array<i32>} : memref<80xf32, #tpu.memory_space<vmem>>, vector<16xf32>,
          tpu.vector_store %parallel_loop3A_1071[%parallel_loop3A_1072], %parallel_loop3A_1068 {strides = array<i32>} : memref<80xf32, #tpu.memory_space<vmem>>, vector<16xf32>,
          %parallel_loop3A_1074 = arith.constant 0 : i32
          %parallel_loop3A_1075 = tpu.memref_slice %arg17[%parallel_loop3A_1009, %parallel_loop3A_1074] : memref<80x80xf32, #tpu.memory_space<vmem>> -> memref<1x80xf32, #tpu.memory_space<vmem>>
          %parallel_loop3A_1076 = tpu.memref_squeeze %parallel_loop3A_1075 : memref<1x80xf32, #tpu.memory_space<vmem>> -> memref<80xf32, #tpu.memory_space<vmem>>
          %parallel_loop3A_1077 = arith.constant 64 : index
          %parallel_loop3A_1078 = tpu.vector_load %parallel_loop3A_1076[%parallel_loop3A_1077] {strides = array<i32>} : memref<80xf32, #tpu.memory_space<vmem>>, vector<16xf32>,
          %parallel_loop3A_1079 = vector.broadcast %parallel_loop3A_1005 : f32 to vector<16xf32>
          %parallel_loop3A_1080 = arith.mulf %parallel_loop3A_1079, %get3A_90 : vector<16xf32>
          %parallel_loop3A_1081 = arith.addf %parallel_loop3A_1078, %parallel_loop3A_1080 : vector<16xf32>
          %parallel_loop3A_1082 = arith.constant 0.000000e+00 : f32
          %parallel_loop3A_1083 = vector.broadcast %parallel_loop3A_1082 : f32 to vector<16xf32>
          %parallel_loop3A_1084 = arith.maximumf %parallel_loop3A_1081, %parallel_loop3A_1083 : vector<16xf32>
          %parallel_loop3A_1085 = arith.constant 0 : i32
          %parallel_loop3A_1086 = tpu.memref_slice %arg19[%parallel_loop3A_1009, %parallel_loop3A_1085] : memref<80x80xf32, #tpu.memory_space<vmem>> -> memref<1x80xf32, #tpu.memory_space<vmem>>
          %parallel_loop3A_1087 = tpu.memref_squeeze %parallel_loop3A_1086 : memref<1x80xf32, #tpu.memory_space<vmem>> -> memref<80xf32, #tpu.memory_space<vmem>>
          %parallel_loop3A_1088 = arith.constant 64 : index
          %parallel_loop3A_1089 = tpu.vector_load %parallel_loop3A_1087[%parallel_loop3A_1088] {strides = array<i32>} : memref<80xf32, #tpu.memory_space<vmem>>, vector<16xf32>,
          tpu.vector_store %parallel_loop3A_1087[%parallel_loop3A_1088], %parallel_loop3A_1084 {strides = array<i32>} : memref<80xf32, #tpu.memory_space<vmem>>, vector<16xf32>,
          %parallel_loop3A_1090 = vector.extract_strided_slice %parallel_loop3A_229 {offsets = [10], sizes = [1], strides = [1]} : vector<16xf32> to vector<1xf32>
          %parallel_loop3A_1091 = vector.extract %parallel_loop3A_1090[0] : f32 from vector<1xf32>
          %parallel_loop3A_1092 = arith.constant 16 : i32
          %parallel_loop3A_1093 = arith.muli %parallel_loop3A_225, %parallel_loop3A_1092 : i32
          %parallel_loop3A_1094 = arith.constant 10 : i32
          %parallel_loop3A_1095 = arith.addi %parallel_loop3A_1093, %parallel_loop3A_1094 : i32
          %parallel_loop3A_1096 = arith.constant 0 : i32
          %parallel_loop3A_1097 = tpu.memref_slice %arg17[%parallel_loop3A_1095, %parallel_loop3A_1096] : memref<80x80xf32, #tpu.memory_space<vmem>> -> memref<1x80xf32, #tpu.memory_space<vmem>>
          %parallel_loop3A_1098 = tpu.memref_squeeze %parallel_loop3A_1097 : memref<1x80xf32, #tpu.memory_space<vmem>> -> memref<80xf32, #tpu.memory_space<vmem>>
          %parallel_loop3A_1099 = arith.constant 0 : index
          %parallel_loop3A_1100 = tpu.vector_load %parallel_loop3A_1098[%parallel_loop3A_1099] {strides = array<i32>} : memref<80xf32, #tpu.memory_space<vmem>>, vector<16xf32>,
          %parallel_loop3A_1101 = vector.broadcast %parallel_loop3A_1091 : f32 to vector<16xf32>
          %parallel_loop3A_1102 = arith.mulf %parallel_loop3A_1101, %get3A_82 : vector<16xf32>
          %parallel_loop3A_1103 = arith.addf %parallel_loop3A_1100, %parallel_loop3A_1102 : vector<16xf32>
          %parallel_loop3A_1104 = arith.constant 0.000000e+00 : f32
          %parallel_loop3A_1105 = vector.broadcast %parallel_loop3A_1104 : f32 to vector<16xf32>
          %parallel_loop3A_1106 = arith.maximumf %parallel_loop3A_1103, %parallel_loop3A_1105 : vector<16xf32>
          %parallel_loop3A_1107 = arith.constant 0 : i32
          %parallel_loop3A_1108 = tpu.memref_slice %arg19[%parallel_loop3A_1095, %parallel_loop3A_1107] : memref<80x80xf32, #tpu.memory_space<vmem>> -> memref<1x80xf32, #tpu.memory_space<vmem>>
          %parallel_loop3A_1109 = tpu.memref_squeeze %parallel_loop3A_1108 : memref<1x80xf32, #tpu.memory_space<vmem>> -> memref<80xf32, #tpu.memory_space<vmem>>
          %parallel_loop3A_1110 = arith.constant 0 : index
          %parallel_loop3A_1111 = tpu.vector_load %parallel_loop3A_1109[%parallel_loop3A_1110] {strides = array<i32>} : memref<80xf32, #tpu.memory_space<vmem>>, vector<16xf32>,
          tpu.vector_store %parallel_loop3A_1109[%parallel_loop3A_1110], %parallel_loop3A_1106 {strides = array<i32>} : memref<80xf32, #tpu.memory_space<vmem>>, vector<16xf32>,
          %parallel_loop3A_1112 = arith.constant 0 : i32
          %parallel_loop3A_1113 = tpu.memref_slice %arg17[%parallel_loop3A_1095, %parallel_loop3A_1112] : memref<80x80xf32, #tpu.memory_space<vmem>> -> memref<1x80xf32, #tpu.memory_space<vmem>>
          %parallel_loop3A_1114 = tpu.memref_squeeze %parallel_loop3A_1113 : memref<1x80xf32, #tpu.memory_space<vmem>> -> memref<80xf32, #tpu.memory_space<vmem>>
          %parallel_loop3A_1115 = arith.constant 16 : index
          %parallel_loop3A_1116 = tpu.vector_load %parallel_loop3A_1114[%parallel_loop3A_1115] {strides = array<i32>} : memref<80xf32, #tpu.memory_space<vmem>>, vector<16xf32>,
          %parallel_loop3A_1117 = vector.broadcast %parallel_loop3A_1091 : f32 to vector<16xf32>
          %parallel_loop3A_1118 = arith.mulf %parallel_loop3A_1117, %get3A_84 : vector<16xf32>
          %parallel_loop3A_1119 = arith.addf %parallel_loop3A_1116, %parallel_loop3A_1118 : vector<16xf32>
          %parallel_loop3A_1120 = arith.constant 0.000000e+00 : f32
          %parallel_loop3A_1121 = vector.broadcast %parallel_loop3A_1120 : f32 to vector<16xf32>
          %parallel_loop3A_1122 = arith.maximumf %parallel_loop3A_1119, %parallel_loop3A_1121 : vector<16xf32>
          %parallel_loop3A_1123 = arith.constant 0 : i32
          %parallel_loop3A_1124 = tpu.memref_slice %arg19[%parallel_loop3A_1095, %parallel_loop3A_1123] : memref<80x80xf32, #tpu.memory_space<vmem>> -> memref<1x80xf32, #tpu.memory_space<vmem>>
          %parallel_loop3A_1125 = tpu.memref_squeeze %parallel_loop3A_1124 : memref<1x80xf32, #tpu.memory_space<vmem>> -> memref<80xf32, #tpu.memory_space<vmem>>
          %parallel_loop3A_1126 = arith.constant 16 : index
          %parallel_loop3A_1127 = tpu.vector_load %parallel_loop3A_1125[%parallel_loop3A_1126] {strides = array<i32>} : memref<80xf32, #tpu.memory_space<vmem>>, vector<16xf32>,
          tpu.vector_store %parallel_loop3A_1125[%parallel_loop3A_1126], %parallel_loop3A_1122 {strides = array<i32>} : memref<80xf32, #tpu.memory_space<vmem>>, vector<16xf32>,
          %parallel_loop3A_1128 = arith.constant 0 : i32
          %parallel_loop3A_1129 = tpu.memref_slice %arg17[%parallel_loop3A_1095, %parallel_loop3A_1128] : memref<80x80xf32, #tpu.memory_space<vmem>> -> memref<1x80xf32, #tpu.memory_space<vmem>>
          %parallel_loop3A_1130 = tpu.memref_squeeze %parallel_loop3A_1129 : memref<1x80xf32, #tpu.memory_space<vmem>> -> memref<80xf32, #tpu.memory_space<vmem>>
          %parallel_loop3A_1131 = arith.constant 32 : index
          %parallel_loop3A_1132 = tpu.vector_load %parallel_loop3A_1130[%parallel_loop3A_1131] {strides = array<i32>} : memref<80xf32, #tpu.memory_space<vmem>>, vector<16xf32>,
          %parallel_loop3A_1133 = vector.broadcast %parallel_loop3A_1091 : f32 to vector<16xf32>
          %parallel_loop3A_1134 = arith.mulf %parallel_loop3A_1133, %get3A_86 : vector<16xf32>
          %parallel_loop3A_1135 = arith.addf %parallel_loop3A_1132, %parallel_loop3A_1134 : vector<16xf32>
          %parallel_loop3A_1136 = arith.constant 0.000000e+00 : f32
          %parallel_loop3A_1137 = vector.broadcast %parallel_loop3A_1136 : f32 to vector<16xf32>
          %parallel_loop3A_1138 = arith.maximumf %parallel_loop3A_1135, %parallel_loop3A_1137 : vector<16xf32>
          %parallel_loop3A_1139 = arith.constant 0 : i32
          %parallel_loop3A_1140 = tpu.memref_slice %arg19[%parallel_loop3A_1095, %parallel_loop3A_1139] : memref<80x80xf32, #tpu.memory_space<vmem>> -> memref<1x80xf32, #tpu.memory_space<vmem>>
          %parallel_loop3A_1141 = tpu.memref_squeeze %parallel_loop3A_1140 : memref<1x80xf32, #tpu.memory_space<vmem>> -> memref<80xf32, #tpu.memory_space<vmem>>
          %parallel_loop3A_1142 = arith.constant 32 : index
          %parallel_loop3A_1143 = tpu.vector_load %parallel_loop3A_1141[%parallel_loop3A_1142] {strides = array<i32>} : memref<80xf32, #tpu.memory_space<vmem>>, vector<16xf32>,
          tpu.vector_store %parallel_loop3A_1141[%parallel_loop3A_1142], %parallel_loop3A_1138 {strides = array<i32>} : memref<80xf32, #tpu.memory_space<vmem>>, vector<16xf32>,
          %parallel_loop3A_1144 = arith.constant 0 : i32
          %parallel_loop3A_1145 = tpu.memref_slice %arg17[%parallel_loop3A_1095, %parallel_loop3A_1144] : memref<80x80xf32, #tpu.memory_space<vmem>> -> memref<1x80xf32, #tpu.memory_space<vmem>>
          %parallel_loop3A_1146 = tpu.memref_squeeze %parallel_loop3A_1145 : memref<1x80xf32, #tpu.memory_space<vmem>> -> memref<80xf32, #tpu.memory_space<vmem>>
          %parallel_loop3A_1147 = arith.constant 48 : index
          %parallel_loop3A_1148 = tpu.vector_load %parallel_loop3A_1146[%parallel_loop3A_1147] {strides = array<i32>} : memref<80xf32, #tpu.memory_space<vmem>>, vector<16xf32>,
          %parallel_loop3A_1149 = vector.broadcast %parallel_loop3A_1091 : f32 to vector<16xf32>
          %parallel_loop3A_1150 = arith.mulf %parallel_loop3A_1149, %get3A_88 : vector<16xf32>
          %parallel_loop3A_1151 = arith.addf %parallel_loop3A_1148, %parallel_loop3A_1150 : vector<16xf32>
          %parallel_loop3A_1152 = arith.constant 0.000000e+00 : f32
          %parallel_loop3A_1153 = vector.broadcast %parallel_loop3A_1152 : f32 to vector<16xf32>
          %parallel_loop3A_1154 = arith.maximumf %parallel_loop3A_1151, %parallel_loop3A_1153 : vector<16xf32>
          %parallel_loop3A_1155 = arith.constant 0 : i32
          %parallel_loop3A_1156 = tpu.memref_slice %arg19[%parallel_loop3A_1095, %parallel_loop3A_1155] : memref<80x80xf32, #tpu.memory_space<vmem>> -> memref<1x80xf32, #tpu.memory_space<vmem>>
          %parallel_loop3A_1157 = tpu.memref_squeeze %parallel_loop3A_1156 : memref<1x80xf32, #tpu.memory_space<vmem>> -> memref<80xf32, #tpu.memory_space<vmem>>
          %parallel_loop3A_1158 = arith.constant 48 : index
          %parallel_loop3A_1159 = tpu.vector_load %parallel_loop3A_1157[%parallel_loop3A_1158] {strides = array<i32>} : memref<80xf32, #tpu.memory_space<vmem>>, vector<16xf32>,
          tpu.vector_store %parallel_loop3A_1157[%parallel_loop3A_1158], %parallel_loop3A_1154 {strides = array<i32>} : memref<80xf32, #tpu.memory_space<vmem>>, vector<16xf32>,
          %parallel_loop3A_1160 = arith.constant 0 : i32
          %parallel_loop3A_1161 = tpu.memref_slice %arg17[%parallel_loop3A_1095, %parallel_loop3A_1160] : memref<80x80xf32, #tpu.memory_space<vmem>> -> memref<1x80xf32, #tpu.memory_space<vmem>>
          %parallel_loop3A_1162 = tpu.memref_squeeze %parallel_loop3A_1161 : memref<1x80xf32, #tpu.memory_space<vmem>> -> memref<80xf32, #tpu.memory_space<vmem>>
          %parallel_loop3A_1163 = arith.constant 64 : index
          %parallel_loop3A_1164 = tpu.vector_load %parallel_loop3A_1162[%parallel_loop3A_1163] {strides = array<i32>} : memref<80xf32, #tpu.memory_space<vmem>>, vector<16xf32>,
          %parallel_loop3A_1165 = vector.broadcast %parallel_loop3A_1091 : f32 to vector<16xf32>
          %parallel_loop3A_1166 = arith.mulf %parallel_loop3A_1165, %get3A_90 : vector<16xf32>
          %parallel_loop3A_1167 = arith.addf %parallel_loop3A_1164, %parallel_loop3A_1166 : vector<16xf32>
          %parallel_loop3A_1168 = arith.constant 0.000000e+00 : f32
          %parallel_loop3A_1169 = vector.broadcast %parallel_loop3A_1168 : f32 to vector<16xf32>
          %parallel_loop3A_1170 = arith.maximumf %parallel_loop3A_1167, %parallel_loop3A_1169 : vector<16xf32>
          %parallel_loop3A_1171 = arith.constant 0 : i32
          %parallel_loop3A_1172 = tpu.memref_slice %arg19[%parallel_loop3A_1095, %parallel_loop3A_1171] : memref<80x80xf32, #tpu.memory_space<vmem>> -> memref<1x80xf32, #tpu.memory_space<vmem>>
          %parallel_loop3A_1173 = tpu.memref_squeeze %parallel_loop3A_1172 : memref<1x80xf32, #tpu.memory_space<vmem>> -> memref<80xf32, #tpu.memory_space<vmem>>
          %parallel_loop3A_1174 = arith.constant 64 : index
          %parallel_loop3A_1175 = tpu.vector_load %parallel_loop3A_1173[%parallel_loop3A_1174] {strides = array<i32>} : memref<80xf32, #tpu.memory_space<vmem>>, vector<16xf32>,
          tpu.vector_store %parallel_loop3A_1173[%parallel_loop3A_1174], %parallel_loop3A_1170 {strides = array<i32>} : memref<80xf32, #tpu.memory_space<vmem>>, vector<16xf32>,
          %parallel_loop3A_1176 = vector.extract_strided_slice %parallel_loop3A_229 {offsets = [11], sizes = [1], strides = [1]} : vector<16xf32> to vector<1xf32>
          %parallel_loop3A_1177 = vector.extract %parallel_loop3A_1176[0] : f32 from vector<1xf32>
          %parallel_loop3A_1178 = arith.constant 16 : i32
          %parallel_loop3A_1179 = arith.muli %parallel_loop3A_225, %parallel_loop3A_1178 : i32
          %parallel_loop3A_1180 = arith.constant 11 : i32
          %parallel_loop3A_1181 = arith.addi %parallel_loop3A_1179, %parallel_loop3A_1180 : i32
          %parallel_loop3A_1182 = arith.constant 0 : i32
          %parallel_loop3A_1183 = tpu.memref_slice %arg17[%parallel_loop3A_1181, %parallel_loop3A_1182] : memref<80x80xf32, #tpu.memory_space<vmem>> -> memref<1x80xf32, #tpu.memory_space<vmem>>
          %parallel_loop3A_1184 = tpu.memref_squeeze %parallel_loop3A_1183 : memref<1x80xf32, #tpu.memory_space<vmem>> -> memref<80xf32, #tpu.memory_space<vmem>>
          %parallel_loop3A_1185 = arith.constant 0 : index
          %parallel_loop3A_1186 = tpu.vector_load %parallel_loop3A_1184[%parallel_loop3A_1185] {strides = array<i32>} : memref<80xf32, #tpu.memory_space<vmem>>, vector<16xf32>,
          %parallel_loop3A_1187 = vector.broadcast %parallel_loop3A_1177 : f32 to vector<16xf32>
          %parallel_loop3A_1188 = arith.mulf %parallel_loop3A_1187, %get3A_82 : vector<16xf32>
          %parallel_loop3A_1189 = arith.addf %parallel_loop3A_1186, %parallel_loop3A_1188 : vector<16xf32>
          %parallel_loop3A_1190 = arith.constant 0.000000e+00 : f32
          %parallel_loop3A_1191 = vector.broadcast %parallel_loop3A_1190 : f32 to vector<16xf32>
          %parallel_loop3A_1192 = arith.maximumf %parallel_loop3A_1189, %parallel_loop3A_1191 : vector<16xf32>
          %parallel_loop3A_1193 = arith.constant 0 : i32
          %parallel_loop3A_1194 = tpu.memref_slice %arg19[%parallel_loop3A_1181, %parallel_loop3A_1193] : memref<80x80xf32, #tpu.memory_space<vmem>> -> memref<1x80xf32, #tpu.memory_space<vmem>>
          %parallel_loop3A_1195 = tpu.memref_squeeze %parallel_loop3A_1194 : memref<1x80xf32, #tpu.memory_space<vmem>> -> memref<80xf32, #tpu.memory_space<vmem>>
          %parallel_loop3A_1196 = arith.constant 0 : index
          %parallel_loop3A_1197 = tpu.vector_load %parallel_loop3A_1195[%parallel_loop3A_1196] {strides = array<i32>} : memref<80xf32, #tpu.memory_space<vmem>>, vector<16xf32>,
          tpu.vector_store %parallel_loop3A_1195[%parallel_loop3A_1196], %parallel_loop3A_1192 {strides = array<i32>} : memref<80xf32, #tpu.memory_space<vmem>>, vector<16xf32>,
          %parallel_loop3A_1198 = arith.constant 0 : i32
          %parallel_loop3A_1199 = tpu.memref_slice %arg17[%parallel_loop3A_1181, %parallel_loop3A_1198] : memref<80x80xf32, #tpu.memory_space<vmem>> -> memref<1x80xf32, #tpu.memory_space<vmem>>
          %parallel_loop3A_1200 = tpu.memref_squeeze %parallel_loop3A_1199 : memref<1x80xf32, #tpu.memory_space<vmem>> -> memref<80xf32, #tpu.memory_space<vmem>>
          %parallel_loop3A_1201 = arith.constant 16 : index
          %parallel_loop3A_1202 = tpu.vector_load %parallel_loop3A_1200[%parallel_loop3A_1201] {strides = array<i32>} : memref<80xf32, #tpu.memory_space<vmem>>, vector<16xf32>,
          %parallel_loop3A_1203 = vector.broadcast %parallel_loop3A_1177 : f32 to vector<16xf32>
          %parallel_loop3A_1204 = arith.mulf %parallel_loop3A_1203, %get3A_84 : vector<16xf32>
          %parallel_loop3A_1205 = arith.addf %parallel_loop3A_1202, %parallel_loop3A_1204 : vector<16xf32>
          %parallel_loop3A_1206 = arith.constant 0.000000e+00 : f32
          %parallel_loop3A_1207 = vector.broadcast %parallel_loop3A_1206 : f32 to vector<16xf32>
          %parallel_loop3A_1208 = arith.maximumf %parallel_loop3A_1205, %parallel_loop3A_1207 : vector<16xf32>
          %parallel_loop3A_1209 = arith.constant 0 : i32
          %parallel_loop3A_1210 = tpu.memref_slice %arg19[%parallel_loop3A_1181, %parallel_loop3A_1209] : memref<80x80xf32, #tpu.memory_space<vmem>> -> memref<1x80xf32, #tpu.memory_space<vmem>>
          %parallel_loop3A_1211 = tpu.memref_squeeze %parallel_loop3A_1210 : memref<1x80xf32, #tpu.memory_space<vmem>> -> memref<80xf32, #tpu.memory_space<vmem>>
          %parallel_loop3A_1212 = arith.constant 16 : index
          %parallel_loop3A_1213 = tpu.vector_load %parallel_loop3A_1211[%parallel_loop3A_1212] {strides = array<i32>} : memref<80xf32, #tpu.memory_space<vmem>>, vector<16xf32>,
          tpu.vector_store %parallel_loop3A_1211[%parallel_loop3A_1212], %parallel_loop3A_1208 {strides = array<i32>} : memref<80xf32, #tpu.memory_space<vmem>>, vector<16xf32>,
          %parallel_loop3A_1214 = arith.constant 0 : i32
          %parallel_loop3A_1215 = tpu.memref_slice %arg17[%parallel_loop3A_1181, %parallel_loop3A_1214] : memref<80x80xf32, #tpu.memory_space<vmem>> -> memref<1x80xf32, #tpu.memory_space<vmem>>
          %parallel_loop3A_1216 = tpu.memref_squeeze %parallel_loop3A_1215 : memref<1x80xf32, #tpu.memory_space<vmem>> -> memref<80xf32, #tpu.memory_space<vmem>>
          %parallel_loop3A_1217 = arith.constant 32 : index
          %parallel_loop3A_1218 = tpu.vector_load %parallel_loop3A_1216[%parallel_loop3A_1217] {strides = array<i32>} : memref<80xf32, #tpu.memory_space<vmem>>, vector<16xf32>,
          %parallel_loop3A_1219 = vector.broadcast %parallel_loop3A_1177 : f32 to vector<16xf32>
          %parallel_loop3A_1220 = arith.mulf %parallel_loop3A_1219, %get3A_86 : vector<16xf32>
          %parallel_loop3A_1221 = arith.addf %parallel_loop3A_1218, %parallel_loop3A_1220 : vector<16xf32>
          %parallel_loop3A_1222 = arith.constant 0.000000e+00 : f32
          %parallel_loop3A_1223 = vector.broadcast %parallel_loop3A_1222 : f32 to vector<16xf32>
          %parallel_loop3A_1224 = arith.maximumf %parallel_loop3A_1221, %parallel_loop3A_1223 : vector<16xf32>
          %parallel_loop3A_1225 = arith.constant 0 : i32
          %parallel_loop3A_1226 = tpu.memref_slice %arg19[%parallel_loop3A_1181, %parallel_loop3A_1225] : memref<80x80xf32, #tpu.memory_space<vmem>> -> memref<1x80xf32, #tpu.memory_space<vmem>>
          %parallel_loop3A_1227 = tpu.memref_squeeze %parallel_loop3A_1226 : memref<1x80xf32, #tpu.memory_space<vmem>> -> memref<80xf32, #tpu.memory_space<vmem>>
          %parallel_loop3A_1228 = arith.constant 32 : index
          %parallel_loop3A_1229 = tpu.vector_load %parallel_loop3A_1227[%parallel_loop3A_1228] {strides = array<i32>} : memref<80xf32, #tpu.memory_space<vmem>>, vector<16xf32>,
          tpu.vector_store %parallel_loop3A_1227[%parallel_loop3A_1228], %parallel_loop3A_1224 {strides = array<i32>} : memref<80xf32, #tpu.memory_space<vmem>>, vector<16xf32>,
          %parallel_loop3A_1230 = arith.constant 0 : i32
          %parallel_loop3A_1231 = tpu.memref_slice %arg17[%parallel_loop3A_1181, %parallel_loop3A_1230] : memref<80x80xf32, #tpu.memory_space<vmem>> -> memref<1x80xf32, #tpu.memory_space<vmem>>
          %parallel_loop3A_1232 = tpu.memref_squeeze %parallel_loop3A_1231 : memref<1x80xf32, #tpu.memory_space<vmem>> -> memref<80xf32, #tpu.memory_space<vmem>>
          %parallel_loop3A_1233 = arith.constant 48 : index
          %parallel_loop3A_1234 = tpu.vector_load %parallel_loop3A_1232[%parallel_loop3A_1233] {strides = array<i32>} : memref<80xf32, #tpu.memory_space<vmem>>, vector<16xf32>,
          %parallel_loop3A_1235 = vector.broadcast %parallel_loop3A_1177 : f32 to vector<16xf32>
          %parallel_loop3A_1236 = arith.mulf %parallel_loop3A_1235, %get3A_88 : vector<16xf32>
          %parallel_loop3A_1237 = arith.addf %parallel_loop3A_1234, %parallel_loop3A_1236 : vector<16xf32>
          %parallel_loop3A_1238 = arith.constant 0.000000e+00 : f32
          %parallel_loop3A_1239 = vector.broadcast %parallel_loop3A_1238 : f32 to vector<16xf32>
          %parallel_loop3A_1240 = arith.maximumf %parallel_loop3A_1237, %parallel_loop3A_1239 : vector<16xf32>
          %parallel_loop3A_1241 = arith.constant 0 : i32
          %parallel_loop3A_1242 = tpu.memref_slice %arg19[%parallel_loop3A_1181, %parallel_loop3A_1241] : memref<80x80xf32, #tpu.memory_space<vmem>> -> memref<1x80xf32, #tpu.memory_space<vmem>>
          %parallel_loop3A_1243 = tpu.memref_squeeze %parallel_loop3A_1242 : memref<1x80xf32, #tpu.memory_space<vmem>> -> memref<80xf32, #tpu.memory_space<vmem>>
          %parallel_loop3A_1244 = arith.constant 48 : index
          %parallel_loop3A_1245 = tpu.vector_load %parallel_loop3A_1243[%parallel_loop3A_1244] {strides = array<i32>} : memref<80xf32, #tpu.memory_space<vmem>>, vector<16xf32>,
          tpu.vector_store %parallel_loop3A_1243[%parallel_loop3A_1244], %parallel_loop3A_1240 {strides = array<i32>} : memref<80xf32, #tpu.memory_space<vmem>>, vector<16xf32>,
          %parallel_loop3A_1246 = arith.constant 0 : i32
          %parallel_loop3A_1247 = tpu.memref_slice %arg17[%parallel_loop3A_1181, %parallel_loop3A_1246] : memref<80x80xf32, #tpu.memory_space<vmem>> -> memref<1x80xf32, #tpu.memory_space<vmem>>
          %parallel_loop3A_1248 = tpu.memref_squeeze %parallel_loop3A_1247 : memref<1x80xf32, #tpu.memory_space<vmem>> -> memref<80xf32, #tpu.memory_space<vmem>>
          %parallel_loop3A_1249 = arith.constant 64 : index
          %parallel_loop3A_1250 = tpu.vector_load %parallel_loop3A_1248[%parallel_loop3A_1249] {strides = array<i32>} : memref<80xf32, #tpu.memory_space<vmem>>, vector<16xf32>,
          %parallel_loop3A_1251 = vector.broadcast %parallel_loop3A_1177 : f32 to vector<16xf32>
          %parallel_loop3A_1252 = arith.mulf %parallel_loop3A_1251, %get3A_90 : vector<16xf32>
          %parallel_loop3A_1253 = arith.addf %parallel_loop3A_1250, %parallel_loop3A_1252 : vector<16xf32>
          %parallel_loop3A_1254 = arith.constant 0.000000e+00 : f32
          %parallel_loop3A_1255 = vector.broadcast %parallel_loop3A_1254 : f32 to vector<16xf32>
          %parallel_loop3A_1256 = arith.maximumf %parallel_loop3A_1253, %parallel_loop3A_1255 : vector<16xf32>
          %parallel_loop3A_1257 = arith.constant 0 : i32
          %parallel_loop3A_1258 = tpu.memref_slice %arg19[%parallel_loop3A_1181, %parallel_loop3A_1257] : memref<80x80xf32, #tpu.memory_space<vmem>> -> memref<1x80xf32, #tpu.memory_space<vmem>>
          %parallel_loop3A_1259 = tpu.memref_squeeze %parallel_loop3A_1258 : memref<1x80xf32, #tpu.memory_space<vmem>> -> memref<80xf32, #tpu.memory_space<vmem>>
          %parallel_loop3A_1260 = arith.constant 64 : index
          %parallel_loop3A_1261 = tpu.vector_load %parallel_loop3A_1259[%parallel_loop3A_1260] {strides = array<i32>} : memref<80xf32, #tpu.memory_space<vmem>>, vector<16xf32>,
          tpu.vector_store %parallel_loop3A_1259[%parallel_loop3A_1260], %parallel_loop3A_1256 {strides = array<i32>} : memref<80xf32, #tpu.memory_space<vmem>>, vector<16xf32>,
          %parallel_loop3A_1262 = vector.extract_strided_slice %parallel_loop3A_229 {offsets = [12], sizes = [1], strides = [1]} : vector<16xf32> to vector<1xf32>
          %parallel_loop3A_1263 = vector.extract %parallel_loop3A_1262[0] : f32 from vector<1xf32>
          %parallel_loop3A_1264 = arith.constant 16 : i32
          %parallel_loop3A_1265 = arith.muli %parallel_loop3A_225, %parallel_loop3A_1264 : i32
          %parallel_loop3A_1266 = arith.constant 12 : i32
          %parallel_loop3A_1267 = arith.addi %parallel_loop3A_1265, %parallel_loop3A_1266 : i32
          %parallel_loop3A_1268 = arith.constant 0 : i32
          %parallel_loop3A_1269 = tpu.memref_slice %arg17[%parallel_loop3A_1267, %parallel_loop3A_1268] : memref<80x80xf32, #tpu.memory_space<vmem>> -> memref<1x80xf32, #tpu.memory_space<vmem>>
          %parallel_loop3A_1270 = tpu.memref_squeeze %parallel_loop3A_1269 : memref<1x80xf32, #tpu.memory_space<vmem>> -> memref<80xf32, #tpu.memory_space<vmem>>
          %parallel_loop3A_1271 = arith.constant 0 : index
          %parallel_loop3A_1272 = tpu.vector_load %parallel_loop3A_1270[%parallel_loop3A_1271] {strides = array<i32>} : memref<80xf32, #tpu.memory_space<vmem>>, vector<16xf32>,
          %parallel_loop3A_1273 = vector.broadcast %parallel_loop3A_1263 : f32 to vector<16xf32>
          %parallel_loop3A_1274 = arith.mulf %parallel_loop3A_1273, %get3A_82 : vector<16xf32>
          %parallel_loop3A_1275 = arith.addf %parallel_loop3A_1272, %parallel_loop3A_1274 : vector<16xf32>
          %parallel_loop3A_1276 = arith.constant 0.000000e+00 : f32
          %parallel_loop3A_1277 = vector.broadcast %parallel_loop3A_1276 : f32 to vector<16xf32>
          %parallel_loop3A_1278 = arith.maximumf %parallel_loop3A_1275, %parallel_loop3A_1277 : vector<16xf32>
          %parallel_loop3A_1279 = arith.constant 0 : i32
          %parallel_loop3A_1280 = tpu.memref_slice %arg19[%parallel_loop3A_1267, %parallel_loop3A_1279] : memref<80x80xf32, #tpu.memory_space<vmem>> -> memref<1x80xf32, #tpu.memory_space<vmem>>
          %parallel_loop3A_1281 = tpu.memref_squeeze %parallel_loop3A_1280 : memref<1x80xf32, #tpu.memory_space<vmem>> -> memref<80xf32, #tpu.memory_space<vmem>>
          %parallel_loop3A_1282 = arith.constant 0 : index
          %parallel_loop3A_1283 = tpu.vector_load %parallel_loop3A_1281[%parallel_loop3A_1282] {strides = array<i32>} : memref<80xf32, #tpu.memory_space<vmem>>, vector<16xf32>,
          tpu.vector_store %parallel_loop3A_1281[%parallel_loop3A_1282], %parallel_loop3A_1278 {strides = array<i32>} : memref<80xf32, #tpu.memory_space<vmem>>, vector<16xf32>,
          %parallel_loop3A_1284 = arith.constant 0 : i32
          %parallel_loop3A_1285 = tpu.memref_slice %arg17[%parallel_loop3A_1267, %parallel_loop3A_1284] : memref<80x80xf32, #tpu.memory_space<vmem>> -> memref<1x80xf32, #tpu.memory_space<vmem>>
          %parallel_loop3A_1286 = tpu.memref_squeeze %parallel_loop3A_1285 : memref<1x80xf32, #tpu.memory_space<vmem>> -> memref<80xf32, #tpu.memory_space<vmem>>
          %parallel_loop3A_1287 = arith.constant 16 : index
          %parallel_loop3A_1288 = tpu.vector_load %parallel_loop3A_1286[%parallel_loop3A_1287] {strides = array<i32>} : memref<80xf32, #tpu.memory_space<vmem>>, vector<16xf32>,
          %parallel_loop3A_1289 = vector.broadcast %parallel_loop3A_1263 : f32 to vector<16xf32>
          %parallel_loop3A_1290 = arith.mulf %parallel_loop3A_1289, %get3A_84 : vector<16xf32>
          %parallel_loop3A_1291 = arith.addf %parallel_loop3A_1288, %parallel_loop3A_1290 : vector<16xf32>
          %parallel_loop3A_1292 = arith.constant 0.000000e+00 : f32
          %parallel_loop3A_1293 = vector.broadcast %parallel_loop3A_1292 : f32 to vector<16xf32>
          %parallel_loop3A_1294 = arith.maximumf %parallel_loop3A_1291, %parallel_loop3A_1293 : vector<16xf32>
          %parallel_loop3A_1295 = arith.constant 0 : i32
          %parallel_loop3A_1296 = tpu.memref_slice %arg19[%parallel_loop3A_1267, %parallel_loop3A_1295] : memref<80x80xf32, #tpu.memory_space<vmem>> -> memref<1x80xf32, #tpu.memory_space<vmem>>
          %parallel_loop3A_1297 = tpu.memref_squeeze %parallel_loop3A_1296 : memref<1x80xf32, #tpu.memory_space<vmem>> -> memref<80xf32, #tpu.memory_space<vmem>>
          %parallel_loop3A_1298 = arith.constant 16 : index
          %parallel_loop3A_1299 = tpu.vector_load %parallel_loop3A_1297[%parallel_loop3A_1298] {strides = array<i32>} : memref<80xf32, #tpu.memory_space<vmem>>, vector<16xf32>,
          tpu.vector_store %parallel_loop3A_1297[%parallel_loop3A_1298], %parallel_loop3A_1294 {strides = array<i32>} : memref<80xf32, #tpu.memory_space<vmem>>, vector<16xf32>,
          %parallel_loop3A_1300 = arith.constant 0 : i32
          %parallel_loop3A_1301 = tpu.memref_slice %arg17[%parallel_loop3A_1267, %parallel_loop3A_1300] : memref<80x80xf32, #tpu.memory_space<vmem>> -> memref<1x80xf32, #tpu.memory_space<vmem>>
          %parallel_loop3A_1302 = tpu.memref_squeeze %parallel_loop3A_1301 : memref<1x80xf32, #tpu.memory_space<vmem>> -> memref<80xf32, #tpu.memory_space<vmem>>
          %parallel_loop3A_1303 = arith.constant 32 : index
          %parallel_loop3A_1304 = tpu.vector_load %parallel_loop3A_1302[%parallel_loop3A_1303] {strides = array<i32>} : memref<80xf32, #tpu.memory_space<vmem>>, vector<16xf32>,
          %parallel_loop3A_1305 = vector.broadcast %parallel_loop3A_1263 : f32 to vector<16xf32>
          %parallel_loop3A_1306 = arith.mulf %parallel_loop3A_1305, %get3A_86 : vector<16xf32>
          %parallel_loop3A_1307 = arith.addf %parallel_loop3A_1304, %parallel_loop3A_1306 : vector<16xf32>
          %parallel_loop3A_1308 = arith.constant 0.000000e+00 : f32
          %parallel_loop3A_1309 = vector.broadcast %parallel_loop3A_1308 : f32 to vector<16xf32>
          %parallel_loop3A_1310 = arith.maximumf %parallel_loop3A_1307, %parallel_loop3A_1309 : vector<16xf32>
          %parallel_loop3A_1311 = arith.constant 0 : i32
          %parallel_loop3A_1312 = tpu.memref_slice %arg19[%parallel_loop3A_1267, %parallel_loop3A_1311] : memref<80x80xf32, #tpu.memory_space<vmem>> -> memref<1x80xf32, #tpu.memory_space<vmem>>
          %parallel_loop3A_1313 = tpu.memref_squeeze %parallel_loop3A_1312 : memref<1x80xf32, #tpu.memory_space<vmem>> -> memref<80xf32, #tpu.memory_space<vmem>>
          %parallel_loop3A_1314 = arith.constant 32 : index
          %parallel_loop3A_1315 = tpu.vector_load %parallel_loop3A_1313[%parallel_loop3A_1314] {strides = array<i32>} : memref<80xf32, #tpu.memory_space<vmem>>, vector<16xf32>,
          tpu.vector_store %parallel_loop3A_1313[%parallel_loop3A_1314], %parallel_loop3A_1310 {strides = array<i32>} : memref<80xf32, #tpu.memory_space<vmem>>, vector<16xf32>,
          %parallel_loop3A_1316 = arith.constant 0 : i32
          %parallel_loop3A_1317 = tpu.memref_slice %arg17[%parallel_loop3A_1267, %parallel_loop3A_1316] : memref<80x80xf32, #tpu.memory_space<vmem>> -> memref<1x80xf32, #tpu.memory_space<vmem>>
          %parallel_loop3A_1318 = tpu.memref_squeeze %parallel_loop3A_1317 : memref<1x80xf32, #tpu.memory_space<vmem>> -> memref<80xf32, #tpu.memory_space<vmem>>
          %parallel_loop3A_1319 = arith.constant 48 : index
          %parallel_loop3A_1320 = tpu.vector_load %parallel_loop3A_1318[%parallel_loop3A_1319] {strides = array<i32>} : memref<80xf32, #tpu.memory_space<vmem>>, vector<16xf32>,
          %parallel_loop3A_1321 = vector.broadcast %parallel_loop3A_1263 : f32 to vector<16xf32>
          %parallel_loop3A_1322 = arith.mulf %parallel_loop3A_1321, %get3A_88 : vector<16xf32>
          %parallel_loop3A_1323 = arith.addf %parallel_loop3A_1320, %parallel_loop3A_1322 : vector<16xf32>
          %parallel_loop3A_1324 = arith.constant 0.000000e+00 : f32
          %parallel_loop3A_1325 = vector.broadcast %parallel_loop3A_1324 : f32 to vector<16xf32>
          %parallel_loop3A_1326 = arith.maximumf %parallel_loop3A_1323, %parallel_loop3A_1325 : vector<16xf32>
          %parallel_loop3A_1327 = arith.constant 0 : i32
          %parallel_loop3A_1328 = tpu.memref_slice %arg19[%parallel_loop3A_1267, %parallel_loop3A_1327] : memref<80x80xf32, #tpu.memory_space<vmem>> -> memref<1x80xf32, #tpu.memory_space<vmem>>
          %parallel_loop3A_1329 = tpu.memref_squeeze %parallel_loop3A_1328 : memref<1x80xf32, #tpu.memory_space<vmem>> -> memref<80xf32, #tpu.memory_space<vmem>>
          %parallel_loop3A_1330 = arith.constant 48 : index
          %parallel_loop3A_1331 = tpu.vector_load %parallel_loop3A_1329[%parallel_loop3A_1330] {strides = array<i32>} : memref<80xf32, #tpu.memory_space<vmem>>, vector<16xf32>,
          tpu.vector_store %parallel_loop3A_1329[%parallel_loop3A_1330], %parallel_loop3A_1326 {strides = array<i32>} : memref<80xf32, #tpu.memory_space<vmem>>, vector<16xf32>,
          %parallel_loop3A_1332 = arith.constant 0 : i32
          %parallel_loop3A_1333 = tpu.memref_slice %arg17[%parallel_loop3A_1267, %parallel_loop3A_1332] : memref<80x80xf32, #tpu.memory_space<vmem>> -> memref<1x80xf32, #tpu.memory_space<vmem>>
          %parallel_loop3A_1334 = tpu.memref_squeeze %parallel_loop3A_1333 : memref<1x80xf32, #tpu.memory_space<vmem>> -> memref<80xf32, #tpu.memory_space<vmem>>
          %parallel_loop3A_1335 = arith.constant 64 : index
          %parallel_loop3A_1336 = tpu.vector_load %parallel_loop3A_1334[%parallel_loop3A_1335] {strides = array<i32>} : memref<80xf32, #tpu.memory_space<vmem>>, vector<16xf32>,
          %parallel_loop3A_1337 = vector.broadcast %parallel_loop3A_1263 : f32 to vector<16xf32>
          %parallel_loop3A_1338 = arith.mulf %parallel_loop3A_1337, %get3A_90 : vector<16xf32>
          %parallel_loop3A_1339 = arith.addf %parallel_loop3A_1336, %parallel_loop3A_1338 : vector<16xf32>
          %parallel_loop3A_1340 = arith.constant 0.000000e+00 : f32
          %parallel_loop3A_1341 = vector.broadcast %parallel_loop3A_1340 : f32 to vector<16xf32>
          %parallel_loop3A_1342 = arith.maximumf %parallel_loop3A_1339, %parallel_loop3A_1341 : vector<16xf32>
          %parallel_loop3A_1343 = arith.constant 0 : i32
          %parallel_loop3A_1344 = tpu.memref_slice %arg19[%parallel_loop3A_1267, %parallel_loop3A_1343] : memref<80x80xf32, #tpu.memory_space<vmem>> -> memref<1x80xf32, #tpu.memory_space<vmem>>
          %parallel_loop3A_1345 = tpu.memref_squeeze %parallel_loop3A_1344 : memref<1x80xf32, #tpu.memory_space<vmem>> -> memref<80xf32, #tpu.memory_space<vmem>>
          %parallel_loop3A_1346 = arith.constant 64 : index
          %parallel_loop3A_1347 = tpu.vector_load %parallel_loop3A_1345[%parallel_loop3A_1346] {strides = array<i32>} : memref<80xf32, #tpu.memory_space<vmem>>, vector<16xf32>,
          tpu.vector_store %parallel_loop3A_1345[%parallel_loop3A_1346], %parallel_loop3A_1342 {strides = array<i32>} : memref<80xf32, #tpu.memory_space<vmem>>, vector<16xf32>,
          %parallel_loop3A_1348 = vector.extract_strided_slice %parallel_loop3A_229 {offsets = [13], sizes = [1], strides = [1]} : vector<16xf32> to vector<1xf32>
          %parallel_loop3A_1349 = vector.extract %parallel_loop3A_1348[0] : f32 from vector<1xf32>
          %parallel_loop3A_1350 = arith.constant 16 : i32
          %parallel_loop3A_1351 = arith.muli %parallel_loop3A_225, %parallel_loop3A_1350 : i32
          %parallel_loop3A_1352 = arith.constant 13 : i32
          %parallel_loop3A_1353 = arith.addi %parallel_loop3A_1351, %parallel_loop3A_1352 : i32
          %parallel_loop3A_1354 = arith.constant 0 : i32
          %parallel_loop3A_1355 = tpu.memref_slice %arg17[%parallel_loop3A_1353, %parallel_loop3A_1354] : memref<80x80xf32, #tpu.memory_space<vmem>> -> memref<1x80xf32, #tpu.memory_space<vmem>>
          %parallel_loop3A_1356 = tpu.memref_squeeze %parallel_loop3A_1355 : memref<1x80xf32, #tpu.memory_space<vmem>> -> memref<80xf32, #tpu.memory_space<vmem>>
          %parallel_loop3A_1357 = arith.constant 0 : index
          %parallel_loop3A_1358 = tpu.vector_load %parallel_loop3A_1356[%parallel_loop3A_1357] {strides = array<i32>} : memref<80xf32, #tpu.memory_space<vmem>>, vector<16xf32>,
          %parallel_loop3A_1359 = vector.broadcast %parallel_loop3A_1349 : f32 to vector<16xf32>
          %parallel_loop3A_1360 = arith.mulf %parallel_loop3A_1359, %get3A_82 : vector<16xf32>
          %parallel_loop3A_1361 = arith.addf %parallel_loop3A_1358, %parallel_loop3A_1360 : vector<16xf32>
          %parallel_loop3A_1362 = arith.constant 0.000000e+00 : f32
          %parallel_loop3A_1363 = vector.broadcast %parallel_loop3A_1362 : f32 to vector<16xf32>
          %parallel_loop3A_1364 = arith.maximumf %parallel_loop3A_1361, %parallel_loop3A_1363 : vector<16xf32>
          %parallel_loop3A_1365 = arith.constant 0 : i32
          %parallel_loop3A_1366 = tpu.memref_slice %arg19[%parallel_loop3A_1353, %parallel_loop3A_1365] : memref<80x80xf32, #tpu.memory_space<vmem>> -> memref<1x80xf32, #tpu.memory_space<vmem>>
          %parallel_loop3A_1367 = tpu.memref_squeeze %parallel_loop3A_1366 : memref<1x80xf32, #tpu.memory_space<vmem>> -> memref<80xf32, #tpu.memory_space<vmem>>
          %parallel_loop3A_1368 = arith.constant 0 : index
          %parallel_loop3A_1369 = tpu.vector_load %parallel_loop3A_1367[%parallel_loop3A_1368] {strides = array<i32>} : memref<80xf32, #tpu.memory_space<vmem>>, vector<16xf32>,
          tpu.vector_store %parallel_loop3A_1367[%parallel_loop3A_1368], %parallel_loop3A_1364 {strides = array<i32>} : memref<80xf32, #tpu.memory_space<vmem>>, vector<16xf32>,
          %parallel_loop3A_1370 = arith.constant 0 : i32
          %parallel_loop3A_1371 = tpu.memref_slice %arg17[%parallel_loop3A_1353, %parallel_loop3A_1370] : memref<80x80xf32, #tpu.memory_space<vmem>> -> memref<1x80xf32, #tpu.memory_space<vmem>>
          %parallel_loop3A_1372 = tpu.memref_squeeze %parallel_loop3A_1371 : memref<1x80xf32, #tpu.memory_space<vmem>> -> memref<80xf32, #tpu.memory_space<vmem>>
          %parallel_loop3A_1373 = arith.constant 16 : index
          %parallel_loop3A_1374 = tpu.vector_load %parallel_loop3A_1372[%parallel_loop3A_1373] {strides = array<i32>} : memref<80xf32, #tpu.memory_space<vmem>>, vector<16xf32>,
          %parallel_loop3A_1375 = vector.broadcast %parallel_loop3A_1349 : f32 to vector<16xf32>
          %parallel_loop3A_1376 = arith.mulf %parallel_loop3A_1375, %get3A_84 : vector<16xf32>
          %parallel_loop3A_1377 = arith.addf %parallel_loop3A_1374, %parallel_loop3A_1376 : vector<16xf32>
          %parallel_loop3A_1378 = arith.constant 0.000000e+00 : f32
          %parallel_loop3A_1379 = vector.broadcast %parallel_loop3A_1378 : f32 to vector<16xf32>
          %parallel_loop3A_1380 = arith.maximumf %parallel_loop3A_1377, %parallel_loop3A_1379 : vector<16xf32>
          %parallel_loop3A_1381 = arith.constant 0 : i32
          %parallel_loop3A_1382 = tpu.memref_slice %arg19[%parallel_loop3A_1353, %parallel_loop3A_1381] : memref<80x80xf32, #tpu.memory_space<vmem>> -> memref<1x80xf32, #tpu.memory_space<vmem>>
          %parallel_loop3A_1383 = tpu.memref_squeeze %parallel_loop3A_1382 : memref<1x80xf32, #tpu.memory_space<vmem>> -> memref<80xf32, #tpu.memory_space<vmem>>
          %parallel_loop3A_1384 = arith.constant 16 : index
          %parallel_loop3A_1385 = tpu.vector_load %parallel_loop3A_1383[%parallel_loop3A_1384] {strides = array<i32>} : memref<80xf32, #tpu.memory_space<vmem>>, vector<16xf32>,
          tpu.vector_store %parallel_loop3A_1383[%parallel_loop3A_1384], %parallel_loop3A_1380 {strides = array<i32>} : memref<80xf32, #tpu.memory_space<vmem>>, vector<16xf32>,
          %parallel_loop3A_1386 = arith.constant 0 : i32
          %parallel_loop3A_1387 = tpu.memref_slice %arg17[%parallel_loop3A_1353, %parallel_loop3A_1386] : memref<80x80xf32, #tpu.memory_space<vmem>> -> memref<1x80xf32, #tpu.memory_space<vmem>>
          %parallel_loop3A_1388 = tpu.memref_squeeze %parallel_loop3A_1387 : memref<1x80xf32, #tpu.memory_space<vmem>> -> memref<80xf32, #tpu.memory_space<vmem>>
          %parallel_loop3A_1389 = arith.constant 32 : index
          %parallel_loop3A_1390 = tpu.vector_load %parallel_loop3A_1388[%parallel_loop3A_1389] {strides = array<i32>} : memref<80xf32, #tpu.memory_space<vmem>>, vector<16xf32>,
          %parallel_loop3A_1391 = vector.broadcast %parallel_loop3A_1349 : f32 to vector<16xf32>
          %parallel_loop3A_1392 = arith.mulf %parallel_loop3A_1391, %get3A_86 : vector<16xf32>
          %parallel_loop3A_1393 = arith.addf %parallel_loop3A_1390, %parallel_loop3A_1392 : vector<16xf32>
          %parallel_loop3A_1394 = arith.constant 0.000000e+00 : f32
          %parallel_loop3A_1395 = vector.broadcast %parallel_loop3A_1394 : f32 to vector<16xf32>
          %parallel_loop3A_1396 = arith.maximumf %parallel_loop3A_1393, %parallel_loop3A_1395 : vector<16xf32>
          %parallel_loop3A_1397 = arith.constant 0 : i32
          %parallel_loop3A_1398 = tpu.memref_slice %arg19[%parallel_loop3A_1353, %parallel_loop3A_1397] : memref<80x80xf32, #tpu.memory_space<vmem>> -> memref<1x80xf32, #tpu.memory_space<vmem>>
          %parallel_loop3A_1399 = tpu.memref_squeeze %parallel_loop3A_1398 : memref<1x80xf32, #tpu.memory_space<vmem>> -> memref<80xf32, #tpu.memory_space<vmem>>
          %parallel_loop3A_1400 = arith.constant 32 : index
          %parallel_loop3A_1401 = tpu.vector_load %parallel_loop3A_1399[%parallel_loop3A_1400] {strides = array<i32>} : memref<80xf32, #tpu.memory_space<vmem>>, vector<16xf32>,
          tpu.vector_store %parallel_loop3A_1399[%parallel_loop3A_1400], %parallel_loop3A_1396 {strides = array<i32>} : memref<80xf32, #tpu.memory_space<vmem>>, vector<16xf32>,
          %parallel_loop3A_1402 = arith.constant 0 : i32
          %parallel_loop3A_1403 = tpu.memref_slice %arg17[%parallel_loop3A_1353, %parallel_loop3A_1402] : memref<80x80xf32, #tpu.memory_space<vmem>> -> memref<1x80xf32, #tpu.memory_space<vmem>>
          %parallel_loop3A_1404 = tpu.memref_squeeze %parallel_loop3A_1403 : memref<1x80xf32, #tpu.memory_space<vmem>> -> memref<80xf32, #tpu.memory_space<vmem>>
          %parallel_loop3A_1405 = arith.constant 48 : index
          %parallel_loop3A_1406 = tpu.vector_load %parallel_loop3A_1404[%parallel_loop3A_1405] {strides = array<i32>} : memref<80xf32, #tpu.memory_space<vmem>>, vector<16xf32>,
          %parallel_loop3A_1407 = vector.broadcast %parallel_loop3A_1349 : f32 to vector<16xf32>
          %parallel_loop3A_1408 = arith.mulf %parallel_loop3A_1407, %get3A_88 : vector<16xf32>
          %parallel_loop3A_1409 = arith.addf %parallel_loop3A_1406, %parallel_loop3A_1408 : vector<16xf32>
          %parallel_loop3A_1410 = arith.constant 0.000000e+00 : f32
          %parallel_loop3A_1411 = vector.broadcast %parallel_loop3A_1410 : f32 to vector<16xf32>
          %parallel_loop3A_1412 = arith.maximumf %parallel_loop3A_1409, %parallel_loop3A_1411 : vector<16xf32>
          %parallel_loop3A_1413 = arith.constant 0 : i32
          %parallel_loop3A_1414 = tpu.memref_slice %arg19[%parallel_loop3A_1353, %parallel_loop3A_1413] : memref<80x80xf32, #tpu.memory_space<vmem>> -> memref<1x80xf32, #tpu.memory_space<vmem>>
          %parallel_loop3A_1415 = tpu.memref_squeeze %parallel_loop3A_1414 : memref<1x80xf32, #tpu.memory_space<vmem>> -> memref<80xf32, #tpu.memory_space<vmem>>
          %parallel_loop3A_1416 = arith.constant 48 : index
          %parallel_loop3A_1417 = tpu.vector_load %parallel_loop3A_1415[%parallel_loop3A_1416] {strides = array<i32>} : memref<80xf32, #tpu.memory_space<vmem>>, vector<16xf32>,
          tpu.vector_store %parallel_loop3A_1415[%parallel_loop3A_1416], %parallel_loop3A_1412 {strides = array<i32>} : memref<80xf32, #tpu.memory_space<vmem>>, vector<16xf32>,
          %parallel_loop3A_1418 = arith.constant 0 : i32
          %parallel_loop3A_1419 = tpu.memref_slice %arg17[%parallel_loop3A_1353, %parallel_loop3A_1418] : memref<80x80xf32, #tpu.memory_space<vmem>> -> memref<1x80xf32, #tpu.memory_space<vmem>>
          %parallel_loop3A_1420 = tpu.memref_squeeze %parallel_loop3A_1419 : memref<1x80xf32, #tpu.memory_space<vmem>> -> memref<80xf32, #tpu.memory_space<vmem>>
          %parallel_loop3A_1421 = arith.constant 64 : index
          %parallel_loop3A_1422 = tpu.vector_load %parallel_loop3A_1420[%parallel_loop3A_1421] {strides = array<i32>} : memref<80xf32, #tpu.memory_space<vmem>>, vector<16xf32>,
          %parallel_loop3A_1423 = vector.broadcast %parallel_loop3A_1349 : f32 to vector<16xf32>
          %parallel_loop3A_1424 = arith.mulf %parallel_loop3A_1423, %get3A_90 : vector<16xf32>
          %parallel_loop3A_1425 = arith.addf %parallel_loop3A_1422, %parallel_loop3A_1424 : vector<16xf32>
          %parallel_loop3A_1426 = arith.constant 0.000000e+00 : f32
          %parallel_loop3A_1427 = vector.broadcast %parallel_loop3A_1426 : f32 to vector<16xf32>
          %parallel_loop3A_1428 = arith.maximumf %parallel_loop3A_1425, %parallel_loop3A_1427 : vector<16xf32>
          %parallel_loop3A_1429 = arith.constant 0 : i32
          %parallel_loop3A_1430 = tpu.memref_slice %arg19[%parallel_loop3A_1353, %parallel_loop3A_1429] : memref<80x80xf32, #tpu.memory_space<vmem>> -> memref<1x80xf32, #tpu.memory_space<vmem>>
          %parallel_loop3A_1431 = tpu.memref_squeeze %parallel_loop3A_1430 : memref<1x80xf32, #tpu.memory_space<vmem>> -> memref<80xf32, #tpu.memory_space<vmem>>
          %parallel_loop3A_1432 = arith.constant 64 : index
          %parallel_loop3A_1433 = tpu.vector_load %parallel_loop3A_1431[%parallel_loop3A_1432] {strides = array<i32>} : memref<80xf32, #tpu.memory_space<vmem>>, vector<16xf32>,
          tpu.vector_store %parallel_loop3A_1431[%parallel_loop3A_1432], %parallel_loop3A_1428 {strides = array<i32>} : memref<80xf32, #tpu.memory_space<vmem>>, vector<16xf32>,
          %parallel_loop3A_1434 = vector.extract_strided_slice %parallel_loop3A_229 {offsets = [14], sizes = [1], strides = [1]} : vector<16xf32> to vector<1xf32>
          %parallel_loop3A_1435 = vector.extract %parallel_loop3A_1434[0] : f32 from vector<1xf32>
          %parallel_loop3A_1436 = arith.constant 16 : i32
          %parallel_loop3A_1437 = arith.muli %parallel_loop3A_225, %parallel_loop3A_1436 : i32
          %parallel_loop3A_1438 = arith.constant 14 : i32
          %parallel_loop3A_1439 = arith.addi %parallel_loop3A_1437, %parallel_loop3A_1438 : i32
          %parallel_loop3A_1440 = arith.constant 0 : i32
          %parallel_loop3A_1441 = tpu.memref_slice %arg17[%parallel_loop3A_1439, %parallel_loop3A_1440] : memref<80x80xf32, #tpu.memory_space<vmem>> -> memref<1x80xf32, #tpu.memory_space<vmem>>
          %parallel_loop3A_1442 = tpu.memref_squeeze %parallel_loop3A_1441 : memref<1x80xf32, #tpu.memory_space<vmem>> -> memref<80xf32, #tpu.memory_space<vmem>>
          %parallel_loop3A_1443 = arith.constant 0 : index
          %parallel_loop3A_1444 = tpu.vector_load %parallel_loop3A_1442[%parallel_loop3A_1443] {strides = array<i32>} : memref<80xf32, #tpu.memory_space<vmem>>, vector<16xf32>,
          %parallel_loop3A_1445 = vector.broadcast %parallel_loop3A_1435 : f32 to vector<16xf32>
          %parallel_loop3A_1446 = arith.mulf %parallel_loop3A_1445, %get3A_82 : vector<16xf32>
          %parallel_loop3A_1447 = arith.addf %parallel_loop3A_1444, %parallel_loop3A_1446 : vector<16xf32>
          %parallel_loop3A_1448 = arith.constant 0.000000e+00 : f32
          %parallel_loop3A_1449 = vector.broadcast %parallel_loop3A_1448 : f32 to vector<16xf32>
          %parallel_loop3A_1450 = arith.maximumf %parallel_loop3A_1447, %parallel_loop3A_1449 : vector<16xf32>
          %parallel_loop3A_1451 = arith.constant 0 : i32
          %parallel_loop3A_1452 = tpu.memref_slice %arg19[%parallel_loop3A_1439, %parallel_loop3A_1451] : memref<80x80xf32, #tpu.memory_space<vmem>> -> memref<1x80xf32, #tpu.memory_space<vmem>>
          %parallel_loop3A_1453 = tpu.memref_squeeze %parallel_loop3A_1452 : memref<1x80xf32, #tpu.memory_space<vmem>> -> memref<80xf32, #tpu.memory_space<vmem>>
          %parallel_loop3A_1454 = arith.constant 0 : index
          %parallel_loop3A_1455 = tpu.vector_load %parallel_loop3A_1453[%parallel_loop3A_1454] {strides = array<i32>} : memref<80xf32, #tpu.memory_space<vmem>>, vector<16xf32>,
          tpu.vector_store %parallel_loop3A_1453[%parallel_loop3A_1454], %parallel_loop3A_1450 {strides = array<i32>} : memref<80xf32, #tpu.memory_space<vmem>>, vector<16xf32>,
          %parallel_loop3A_1456 = arith.constant 0 : i32
          %parallel_loop3A_1457 = tpu.memref_slice %arg17[%parallel_loop3A_1439, %parallel_loop3A_1456] : memref<80x80xf32, #tpu.memory_space<vmem>> -> memref<1x80xf32, #tpu.memory_space<vmem>>
          %parallel_loop3A_1458 = tpu.memref_squeeze %parallel_loop3A_1457 : memref<1x80xf32, #tpu.memory_space<vmem>> -> memref<80xf32, #tpu.memory_space<vmem>>
          %parallel_loop3A_1459 = arith.constant 16 : index
          %parallel_loop3A_1460 = tpu.vector_load %parallel_loop3A_1458[%parallel_loop3A_1459] {strides = array<i32>} : memref<80xf32, #tpu.memory_space<vmem>>, vector<16xf32>,
          %parallel_loop3A_1461 = vector.broadcast %parallel_loop3A_1435 : f32 to vector<16xf32>
          %parallel_loop3A_1462 = arith.mulf %parallel_loop3A_1461, %get3A_84 : vector<16xf32>
          %parallel_loop3A_1463 = arith.addf %parallel_loop3A_1460, %parallel_loop3A_1462 : vector<16xf32>
          %parallel_loop3A_1464 = arith.constant 0.000000e+00 : f32
          %parallel_loop3A_1465 = vector.broadcast %parallel_loop3A_1464 : f32 to vector<16xf32>
          %parallel_loop3A_1466 = arith.maximumf %parallel_loop3A_1463, %parallel_loop3A_1465 : vector<16xf32>
          %parallel_loop3A_1467 = arith.constant 0 : i32
          %parallel_loop3A_1468 = tpu.memref_slice %arg19[%parallel_loop3A_1439, %parallel_loop3A_1467] : memref<80x80xf32, #tpu.memory_space<vmem>> -> memref<1x80xf32, #tpu.memory_space<vmem>>
          %parallel_loop3A_1469 = tpu.memref_squeeze %parallel_loop3A_1468 : memref<1x80xf32, #tpu.memory_space<vmem>> -> memref<80xf32, #tpu.memory_space<vmem>>
          %parallel_loop3A_1470 = arith.constant 16 : index
          %parallel_loop3A_1471 = tpu.vector_load %parallel_loop3A_1469[%parallel_loop3A_1470] {strides = array<i32>} : memref<80xf32, #tpu.memory_space<vmem>>, vector<16xf32>,
          tpu.vector_store %parallel_loop3A_1469[%parallel_loop3A_1470], %parallel_loop3A_1466 {strides = array<i32>} : memref<80xf32, #tpu.memory_space<vmem>>, vector<16xf32>,
          %parallel_loop3A_1472 = arith.constant 0 : i32
          %parallel_loop3A_1473 = tpu.memref_slice %arg17[%parallel_loop3A_1439, %parallel_loop3A_1472] : memref<80x80xf32, #tpu.memory_space<vmem>> -> memref<1x80xf32, #tpu.memory_space<vmem>>
          %parallel_loop3A_1474 = tpu.memref_squeeze %parallel_loop3A_1473 : memref<1x80xf32, #tpu.memory_space<vmem>> -> memref<80xf32, #tpu.memory_space<vmem>>
          %parallel_loop3A_1475 = arith.constant 32 : index
          %parallel_loop3A_1476 = tpu.vector_load %parallel_loop3A_1474[%parallel_loop3A_1475] {strides = array<i32>} : memref<80xf32, #tpu.memory_space<vmem>>, vector<16xf32>,
          %parallel_loop3A_1477 = vector.broadcast %parallel_loop3A_1435 : f32 to vector<16xf32>
          %parallel_loop3A_1478 = arith.mulf %parallel_loop3A_1477, %get3A_86 : vector<16xf32>
          %parallel_loop3A_1479 = arith.addf %parallel_loop3A_1476, %parallel_loop3A_1478 : vector<16xf32>
          %parallel_loop3A_1480 = arith.constant 0.000000e+00 : f32
          %parallel_loop3A_1481 = vector.broadcast %parallel_loop3A_1480 : f32 to vector<16xf32>
          %parallel_loop3A_1482 = arith.maximumf %parallel_loop3A_1479, %parallel_loop3A_1481 : vector<16xf32>
          %parallel_loop3A_1483 = arith.constant 0 : i32
          %parallel_loop3A_1484 = tpu.memref_slice %arg19[%parallel_loop3A_1439, %parallel_loop3A_1483] : memref<80x80xf32, #tpu.memory_space<vmem>> -> memref<1x80xf32, #tpu.memory_space<vmem>>
          %parallel_loop3A_1485 = tpu.memref_squeeze %parallel_loop3A_1484 : memref<1x80xf32, #tpu.memory_space<vmem>> -> memref<80xf32, #tpu.memory_space<vmem>>
          %parallel_loop3A_1486 = arith.constant 32 : index
          %parallel_loop3A_1487 = tpu.vector_load %parallel_loop3A_1485[%parallel_loop3A_1486] {strides = array<i32>} : memref<80xf32, #tpu.memory_space<vmem>>, vector<16xf32>,
          tpu.vector_store %parallel_loop3A_1485[%parallel_loop3A_1486], %parallel_loop3A_1482 {strides = array<i32>} : memref<80xf32, #tpu.memory_space<vmem>>, vector<16xf32>,
          %parallel_loop3A_1488 = arith.constant 0 : i32
          %parallel_loop3A_1489 = tpu.memref_slice %arg17[%parallel_loop3A_1439, %parallel_loop3A_1488] : memref<80x80xf32, #tpu.memory_space<vmem>> -> memref<1x80xf32, #tpu.memory_space<vmem>>
          %parallel_loop3A_1490 = tpu.memref_squeeze %parallel_loop3A_1489 : memref<1x80xf32, #tpu.memory_space<vmem>> -> memref<80xf32, #tpu.memory_space<vmem>>
          %parallel_loop3A_1491 = arith.constant 48 : index
          %parallel_loop3A_1492 = tpu.vector_load %parallel_loop3A_1490[%parallel_loop3A_1491] {strides = array<i32>} : memref<80xf32, #tpu.memory_space<vmem>>, vector<16xf32>,
          %parallel_loop3A_1493 = vector.broadcast %parallel_loop3A_1435 : f32 to vector<16xf32>
          %parallel_loop3A_1494 = arith.mulf %parallel_loop3A_1493, %get3A_88 : vector<16xf32>
          %parallel_loop3A_1495 = arith.addf %parallel_loop3A_1492, %parallel_loop3A_1494 : vector<16xf32>
          %parallel_loop3A_1496 = arith.constant 0.000000e+00 : f32
          %parallel_loop3A_1497 = vector.broadcast %parallel_loop3A_1496 : f32 to vector<16xf32>
          %parallel_loop3A_1498 = arith.maximumf %parallel_loop3A_1495, %parallel_loop3A_1497 : vector<16xf32>
          %parallel_loop3A_1499 = arith.constant 0 : i32
          %parallel_loop3A_1500 = tpu.memref_slice %arg19[%parallel_loop3A_1439, %parallel_loop3A_1499] : memref<80x80xf32, #tpu.memory_space<vmem>> -> memref<1x80xf32, #tpu.memory_space<vmem>>
          %parallel_loop3A_1501 = tpu.memref_squeeze %parallel_loop3A_1500 : memref<1x80xf32, #tpu.memory_space<vmem>> -> memref<80xf32, #tpu.memory_space<vmem>>
          %parallel_loop3A_1502 = arith.constant 48 : index
          %parallel_loop3A_1503 = tpu.vector_load %parallel_loop3A_1501[%parallel_loop3A_1502] {strides = array<i32>} : memref<80xf32, #tpu.memory_space<vmem>>, vector<16xf32>,
          tpu.vector_store %parallel_loop3A_1501[%parallel_loop3A_1502], %parallel_loop3A_1498 {strides = array<i32>} : memref<80xf32, #tpu.memory_space<vmem>>, vector<16xf32>,
          %parallel_loop3A_1504 = arith.constant 0 : i32
          %parallel_loop3A_1505 = tpu.memref_slice %arg17[%parallel_loop3A_1439, %parallel_loop3A_1504] : memref<80x80xf32, #tpu.memory_space<vmem>> -> memref<1x80xf32, #tpu.memory_space<vmem>>
          %parallel_loop3A_1506 = tpu.memref_squeeze %parallel_loop3A_1505 : memref<1x80xf32, #tpu.memory_space<vmem>> -> memref<80xf32, #tpu.memory_space<vmem>>
          %parallel_loop3A_1507 = arith.constant 64 : index
          %parallel_loop3A_1508 = tpu.vector_load %parallel_loop3A_1506[%parallel_loop3A_1507] {strides = array<i32>} : memref<80xf32, #tpu.memory_space<vmem>>, vector<16xf32>,
          %parallel_loop3A_1509 = vector.broadcast %parallel_loop3A_1435 : f32 to vector<16xf32>
          %parallel_loop3A_1510 = arith.mulf %parallel_loop3A_1509, %get3A_90 : vector<16xf32>
          %parallel_loop3A_1511 = arith.addf %parallel_loop3A_1508, %parallel_loop3A_1510 : vector<16xf32>
          %parallel_loop3A_1512 = arith.constant 0.000000e+00 : f32
          %parallel_loop3A_1513 = vector.broadcast %parallel_loop3A_1512 : f32 to vector<16xf32>
          %parallel_loop3A_1514 = arith.maximumf %parallel_loop3A_1511, %parallel_loop3A_1513 : vector<16xf32>
          %parallel_loop3A_1515 = arith.constant 0 : i32
          %parallel_loop3A_1516 = tpu.memref_slice %arg19[%parallel_loop3A_1439, %parallel_loop3A_1515] : memref<80x80xf32, #tpu.memory_space<vmem>> -> memref<1x80xf32, #tpu.memory_space<vmem>>
          %parallel_loop3A_1517 = tpu.memref_squeeze %parallel_loop3A_1516 : memref<1x80xf32, #tpu.memory_space<vmem>> -> memref<80xf32, #tpu.memory_space<vmem>>
          %parallel_loop3A_1518 = arith.constant 64 : index
          %parallel_loop3A_1519 = tpu.vector_load %parallel_loop3A_1517[%parallel_loop3A_1518] {strides = array<i32>} : memref<80xf32, #tpu.memory_space<vmem>>, vector<16xf32>,
          tpu.vector_store %parallel_loop3A_1517[%parallel_loop3A_1518], %parallel_loop3A_1514 {strides = array<i32>} : memref<80xf32, #tpu.memory_space<vmem>>, vector<16xf32>,
          %parallel_loop3A_1520 = vector.extract_strided_slice %parallel_loop3A_229 {offsets = [15], sizes = [1], strides = [1]} : vector<16xf32> to vector<1xf32>
          %parallel_loop3A_1521 = vector.extract %parallel_loop3A_1520[0] : f32 from vector<1xf32>
          %parallel_loop3A_1522 = arith.constant 16 : i32
          %parallel_loop3A_1523 = arith.muli %parallel_loop3A_225, %parallel_loop3A_1522 : i32
          %parallel_loop3A_1524 = arith.constant 15 : i32
          %parallel_loop3A_1525 = arith.addi %parallel_loop3A_1523, %parallel_loop3A_1524 : i32
          %parallel_loop3A_1526 = arith.constant 0 : i32
          %parallel_loop3A_1527 = tpu.memref_slice %arg17[%parallel_loop3A_1525, %parallel_loop3A_1526] : memref<80x80xf32, #tpu.memory_space<vmem>> -> memref<1x80xf32, #tpu.memory_space<vmem>>
          %parallel_loop3A_1528 = tpu.memref_squeeze %parallel_loop3A_1527 : memref<1x80xf32, #tpu.memory_space<vmem>> -> memref<80xf32, #tpu.memory_space<vmem>>
          %parallel_loop3A_1529 = arith.constant 0 : index
          %parallel_loop3A_1530 = tpu.vector_load %parallel_loop3A_1528[%parallel_loop3A_1529] {strides = array<i32>} : memref<80xf32, #tpu.memory_space<vmem>>, vector<16xf32>,
          %parallel_loop3A_1531 = vector.broadcast %parallel_loop3A_1521 : f32 to vector<16xf32>
          %parallel_loop3A_1532 = arith.mulf %parallel_loop3A_1531, %get3A_82 : vector<16xf32>
          %parallel_loop3A_1533 = arith.addf %parallel_loop3A_1530, %parallel_loop3A_1532 : vector<16xf32>
          %parallel_loop3A_1534 = arith.constant 0.000000e+00 : f32
          %parallel_loop3A_1535 = vector.broadcast %parallel_loop3A_1534 : f32 to vector<16xf32>
          %parallel_loop3A_1536 = arith.maximumf %parallel_loop3A_1533, %parallel_loop3A_1535 : vector<16xf32>
          %parallel_loop3A_1537 = arith.constant 0 : i32
          %parallel_loop3A_1538 = tpu.memref_slice %arg19[%parallel_loop3A_1525, %parallel_loop3A_1537] : memref<80x80xf32, #tpu.memory_space<vmem>> -> memref<1x80xf32, #tpu.memory_space<vmem>>
          %parallel_loop3A_1539 = tpu.memref_squeeze %parallel_loop3A_1538 : memref<1x80xf32, #tpu.memory_space<vmem>> -> memref<80xf32, #tpu.memory_space<vmem>>
          %parallel_loop3A_1540 = arith.constant 0 : index
          %parallel_loop3A_1541 = tpu.vector_load %parallel_loop3A_1539[%parallel_loop3A_1540] {strides = array<i32>} : memref<80xf32, #tpu.memory_space<vmem>>, vector<16xf32>,
          tpu.vector_store %parallel_loop3A_1539[%parallel_loop3A_1540], %parallel_loop3A_1536 {strides = array<i32>} : memref<80xf32, #tpu.memory_space<vmem>>, vector<16xf32>,
          %parallel_loop3A_1542 = arith.constant 0 : i32
          %parallel_loop3A_1543 = tpu.memref_slice %arg17[%parallel_loop3A_1525, %parallel_loop3A_1542] : memref<80x80xf32, #tpu.memory_space<vmem>> -> memref<1x80xf32, #tpu.memory_space<vmem>>
          %parallel_loop3A_1544 = tpu.memref_squeeze %parallel_loop3A_1543 : memref<1x80xf32, #tpu.memory_space<vmem>> -> memref<80xf32, #tpu.memory_space<vmem>>
          %parallel_loop3A_1545 = arith.constant 16 : index
          %parallel_loop3A_1546 = tpu.vector_load %parallel_loop3A_1544[%parallel_loop3A_1545] {strides = array<i32>} : memref<80xf32, #tpu.memory_space<vmem>>, vector<16xf32>,
          %parallel_loop3A_1547 = vector.broadcast %parallel_loop3A_1521 : f32 to vector<16xf32>
          %parallel_loop3A_1548 = arith.mulf %parallel_loop3A_1547, %get3A_84 : vector<16xf32>
          %parallel_loop3A_1549 = arith.addf %parallel_loop3A_1546, %parallel_loop3A_1548 : vector<16xf32>
          %parallel_loop3A_1550 = arith.constant 0.000000e+00 : f32
          %parallel_loop3A_1551 = vector.broadcast %parallel_loop3A_1550 : f32 to vector<16xf32>
          %parallel_loop3A_1552 = arith.maximumf %parallel_loop3A_1549, %parallel_loop3A_1551 : vector<16xf32>
          %parallel_loop3A_1553 = arith.constant 0 : i32
          %parallel_loop3A_1554 = tpu.memref_slice %arg19[%parallel_loop3A_1525, %parallel_loop3A_1553] : memref<80x80xf32, #tpu.memory_space<vmem>> -> memref<1x80xf32, #tpu.memory_space<vmem>>
          %parallel_loop3A_1555 = tpu.memref_squeeze %parallel_loop3A_1554 : memref<1x80xf32, #tpu.memory_space<vmem>> -> memref<80xf32, #tpu.memory_space<vmem>>
          %parallel_loop3A_1556 = arith.constant 16 : index
          %parallel_loop3A_1557 = tpu.vector_load %parallel_loop3A_1555[%parallel_loop3A_1556] {strides = array<i32>} : memref<80xf32, #tpu.memory_space<vmem>>, vector<16xf32>,
          tpu.vector_store %parallel_loop3A_1555[%parallel_loop3A_1556], %parallel_loop3A_1552 {strides = array<i32>} : memref<80xf32, #tpu.memory_space<vmem>>, vector<16xf32>,
          %parallel_loop3A_1558 = arith.constant 0 : i32
          %parallel_loop3A_1559 = tpu.memref_slice %arg17[%parallel_loop3A_1525, %parallel_loop3A_1558] : memref<80x80xf32, #tpu.memory_space<vmem>> -> memref<1x80xf32, #tpu.memory_space<vmem>>
          %parallel_loop3A_1560 = tpu.memref_squeeze %parallel_loop3A_1559 : memref<1x80xf32, #tpu.memory_space<vmem>> -> memref<80xf32, #tpu.memory_space<vmem>>
          %parallel_loop3A_1561 = arith.constant 32 : index
          %parallel_loop3A_1562 = tpu.vector_load %parallel_loop3A_1560[%parallel_loop3A_1561] {strides = array<i32>} : memref<80xf32, #tpu.memory_space<vmem>>, vector<16xf32>,
          %parallel_loop3A_1563 = vector.broadcast %parallel_loop3A_1521 : f32 to vector<16xf32>
          %parallel_loop3A_1564 = arith.mulf %parallel_loop3A_1563, %get3A_86 : vector<16xf32>
          %parallel_loop3A_1565 = arith.addf %parallel_loop3A_1562, %parallel_loop3A_1564 : vector<16xf32>
          %parallel_loop3A_1566 = arith.constant 0.000000e+00 : f32
          %parallel_loop3A_1567 = vector.broadcast %parallel_loop3A_1566 : f32 to vector<16xf32>
          %parallel_loop3A_1568 = arith.maximumf %parallel_loop3A_1565, %parallel_loop3A_1567 : vector<16xf32>
          %parallel_loop3A_1569 = arith.constant 0 : i32
          %parallel_loop3A_1570 = tpu.memref_slice %arg19[%parallel_loop3A_1525, %parallel_loop3A_1569] : memref<80x80xf32, #tpu.memory_space<vmem>> -> memref<1x80xf32, #tpu.memory_space<vmem>>
          %parallel_loop3A_1571 = tpu.memref_squeeze %parallel_loop3A_1570 : memref<1x80xf32, #tpu.memory_space<vmem>> -> memref<80xf32, #tpu.memory_space<vmem>>
          %parallel_loop3A_1572 = arith.constant 32 : index
          %parallel_loop3A_1573 = tpu.vector_load %parallel_loop3A_1571[%parallel_loop3A_1572] {strides = array<i32>} : memref<80xf32, #tpu.memory_space<vmem>>, vector<16xf32>,
          tpu.vector_store %parallel_loop3A_1571[%parallel_loop3A_1572], %parallel_loop3A_1568 {strides = array<i32>} : memref<80xf32, #tpu.memory_space<vmem>>, vector<16xf32>,
          %parallel_loop3A_1574 = arith.constant 0 : i32
          %parallel_loop3A_1575 = tpu.memref_slice %arg17[%parallel_loop3A_1525, %parallel_loop3A_1574] : memref<80x80xf32, #tpu.memory_space<vmem>> -> memref<1x80xf32, #tpu.memory_space<vmem>>
          %parallel_loop3A_1576 = tpu.memref_squeeze %parallel_loop3A_1575 : memref<1x80xf32, #tpu.memory_space<vmem>> -> memref<80xf32, #tpu.memory_space<vmem>>
          %parallel_loop3A_1577 = arith.constant 48 : index
          %parallel_loop3A_1578 = tpu.vector_load %parallel_loop3A_1576[%parallel_loop3A_1577] {strides = array<i32>} : memref<80xf32, #tpu.memory_space<vmem>>, vector<16xf32>,
          %parallel_loop3A_1579 = vector.broadcast %parallel_loop3A_1521 : f32 to vector<16xf32>
          %parallel_loop3A_1580 = arith.mulf %parallel_loop3A_1579, %get3A_88 : vector<16xf32>
          %parallel_loop3A_1581 = arith.addf %parallel_loop3A_1578, %parallel_loop3A_1580 : vector<16xf32>
          %parallel_loop3A_1582 = arith.constant 0.000000e+00 : f32
          %parallel_loop3A_1583 = vector.broadcast %parallel_loop3A_1582 : f32 to vector<16xf32>
          %parallel_loop3A_1584 = arith.maximumf %parallel_loop3A_1581, %parallel_loop3A_1583 : vector<16xf32>
          %parallel_loop3A_1585 = arith.constant 0 : i32
          %parallel_loop3A_1586 = tpu.memref_slice %arg19[%parallel_loop3A_1525, %parallel_loop3A_1585] : memref<80x80xf32, #tpu.memory_space<vmem>> -> memref<1x80xf32, #tpu.memory_space<vmem>>
          %parallel_loop3A_1587 = tpu.memref_squeeze %parallel_loop3A_1586 : memref<1x80xf32, #tpu.memory_space<vmem>> -> memref<80xf32, #tpu.memory_space<vmem>>
          %parallel_loop3A_1588 = arith.constant 48 : index
          %parallel_loop3A_1589 = tpu.vector_load %parallel_loop3A_1587[%parallel_loop3A_1588] {strides = array<i32>} : memref<80xf32, #tpu.memory_space<vmem>>, vector<16xf32>,
          tpu.vector_store %parallel_loop3A_1587[%parallel_loop3A_1588], %parallel_loop3A_1584 {strides = array<i32>} : memref<80xf32, #tpu.memory_space<vmem>>, vector<16xf32>,
          %parallel_loop3A_1590 = arith.constant 0 : i32
          %parallel_loop3A_1591 = tpu.memref_slice %arg17[%parallel_loop3A_1525, %parallel_loop3A_1590] : memref<80x80xf32, #tpu.memory_space<vmem>> -> memref<1x80xf32, #tpu.memory_space<vmem>>
          %parallel_loop3A_1592 = tpu.memref_squeeze %parallel_loop3A_1591 : memref<1x80xf32, #tpu.memory_space<vmem>> -> memref<80xf32, #tpu.memory_space<vmem>>
          %parallel_loop3A_1593 = arith.constant 64 : index
          %parallel_loop3A_1594 = tpu.vector_load %parallel_loop3A_1592[%parallel_loop3A_1593] {strides = array<i32>} : memref<80xf32, #tpu.memory_space<vmem>>, vector<16xf32>,
          %parallel_loop3A_1595 = vector.broadcast %parallel_loop3A_1521 : f32 to vector<16xf32>
          %parallel_loop3A_1596 = arith.mulf %parallel_loop3A_1595, %get3A_90 : vector<16xf32>
          %parallel_loop3A_1597 = arith.addf %parallel_loop3A_1594, %parallel_loop3A_1596 : vector<16xf32>
          %parallel_loop3A_1598 = arith.constant 0.000000e+00 : f32
          %parallel_loop3A_1599 = vector.broadcast %parallel_loop3A_1598 : f32 to vector<16xf32>
          %parallel_loop3A_1600 = arith.maximumf %parallel_loop3A_1597, %parallel_loop3A_1599 : vector<16xf32>
          %parallel_loop3A_1601 = arith.constant 0 : i32
          %parallel_loop3A_1602 = tpu.memref_slice %arg19[%parallel_loop3A_1525, %parallel_loop3A_1601] : memref<80x80xf32, #tpu.memory_space<vmem>> -> memref<1x80xf32, #tpu.memory_space<vmem>>
          %parallel_loop3A_1603 = tpu.memref_squeeze %parallel_loop3A_1602 : memref<1x80xf32, #tpu.memory_space<vmem>> -> memref<80xf32, #tpu.memory_space<vmem>>
          %parallel_loop3A_1604 = arith.constant 64 : index
          %parallel_loop3A_1605 = tpu.vector_load %parallel_loop3A_1603[%parallel_loop3A_1604] {strides = array<i32>} : memref<80xf32, #tpu.memory_space<vmem>>, vector<16xf32>,
          tpu.vector_store %parallel_loop3A_1603[%parallel_loop3A_1604], %parallel_loop3A_1600 {strides = array<i32>} : memref<80xf32, #tpu.memory_space<vmem>>, vector<16xf32>,
        } {sc.loop_unroll_factor = 2 : i64, sc.parallel_access}
      } else {
      }
      %add3A_208 = arith.constant 2 : i32
      %add3A_209 = arith.addi %add3A_190, %add3A_208 : i32
      %lt3A_210 = arith.constant 250 : i32
      %lt3A_211 = arith.cmpi slt, %add3A_209, %lt3A_210 : i32
      %convert_element_type3A_212 = arith.extui %lt3A_211 : i1 to i32
      %cond3A_213 = arith.constant 0 : i32
      %cond3A_214 = arith.cmpi ne, %convert_element_type3A_212, %cond3A_213 : i32
      scf.if %cond3A_214 {
        %add3A_220 = arith.constant 2 : i32
        %add3A_221 = arith.addi %add3A_190, %add3A_220 : i32
        %mul3A_222 = arith.constant 80 : i32
        %mul3A_223 = arith.muli %add3A_221, %mul3A_222 : i32
        %add3A_224 = arith.addi %mul3A_92, %mul3A_223 : i32
        %dma_start3A_225 = arith.constant 0 : i32
        %dma_start3A_226 = tpu.memref_slice %arg3[%dma_start3A_225, %add3A_224] : memref<2x320000xi32, #tpu.memory_space<hbm>> -> memref<1x80xi32, #tpu.memory_space<hbm>>
        %dma_start3A_227 = tpu.memref_squeeze %dma_start3A_226 : memref<1x80xi32, #tpu.memory_space<hbm>> -> memref<80xi32, #tpu.memory_space<hbm>>
        %dma_start3A_228 = tpu.memref_slice %arg3[%dma_start3A_225, %add3A_224] : memref<2x320000xi32, #tpu.memory_space<hbm>> -> memref<1x80xi32, #tpu.memory_space<hbm>>
        %dma_start3A_229 = tpu.memref_squeeze %dma_start3A_228 : memref<1x80xi32, #tpu.memory_space<hbm>> -> memref<80xi32, #tpu.memory_space<hbm>>
        tpu.enqueue_dma source(%dma_start3A_229 : memref<80xi32, #tpu.memory_space<hbm>>) target(%arg11 : memref<80xi32, #tpu.memory_space<vmem>>) target_semaphore(%arg22 : memref<!tpu.dma_semaphore, #tpu.memory_space<semaphore_mem>>)
        %dma_start3A_230 = arith.constant 1 : i32
        %dma_start3A_231 = tpu.memref_slice %arg3[%dma_start3A_230, %add3A_224] : memref<2x320000xi32, #tpu.memory_space<hbm>> -> memref<1x80xi32, #tpu.memory_space<hbm>>
        %dma_start3A_232 = tpu.memref_squeeze %dma_start3A_231 : memref<1x80xi32, #tpu.memory_space<hbm>> -> memref<80xi32, #tpu.memory_space<hbm>>
        %dma_start3A_233 = tpu.memref_slice %arg3[%dma_start3A_230, %add3A_224] : memref<2x320000xi32, #tpu.memory_space<hbm>> -> memref<1x80xi32, #tpu.memory_space<hbm>>
        %dma_start3A_234 = tpu.memref_squeeze %dma_start3A_233 : memref<1x80xi32, #tpu.memory_space<hbm>> -> memref<80xi32, #tpu.memory_space<hbm>>
        tpu.enqueue_dma source(%dma_start3A_234 : memref<80xi32, #tpu.memory_space<hbm>>) target(%arg13 : memref<80xi32, #tpu.memory_space<vmem>>) target_semaphore(%arg22 : memref<!tpu.dma_semaphore, #tpu.memory_space<semaphore_mem>>)
        %dma_start3A_235 = tpu.memref_slice %arg4[%add3A_224] : memref<320000xf32, #tpu.memory_space<hbm>> -> memref<80xf32, #tpu.memory_space<hbm>>
        %dma_start3A_236 = tpu.memref_slice %arg4[%add3A_224] : memref<320000xf32, #tpu.memory_space<hbm>> -> memref<80xf32, #tpu.memory_space<hbm>>
        tpu.enqueue_dma source(%dma_start3A_236 : memref<80xf32, #tpu.memory_space<hbm>>) target(%arg15 : memref<80xf32, #tpu.memory_space<vmem>>) target_semaphore(%arg22 : memref<!tpu.dma_semaphore, #tpu.memory_space<semaphore_mem>>)
      } else {
      }
      %lt3A_215 = arith.constant 250 : i32
      %lt3A_216 = arith.cmpi slt, %add3A_190, %lt3A_215 : i32
      %convert_element_type3A_217 = arith.extui %lt3A_216 : i1 to i32
      %cond3A_218 = arith.constant 0 : i32
      %cond3A_219 = arith.cmpi ne, %convert_element_type3A_217, %cond3A_218 : i32
      scf.if %cond3A_219 {
        %dma_start3A_220 = arith.constant 0 : i32
        %dma_start3A_221 = arith.constant 0 : i32
        %dma_start3A_222 = tpu.memref_slice %arg8[%dma_start3A_220, %dma_start3A_221] : memref<10240x80xf32, #tpu.memory_space<vmem_shared>> -> memref<10240x80xf32, #tpu.memory_space<vmem_shared>>
        tpu.enqueue_indirect_dma source(%arg19 : memref<80x80xf32, #tpu.memory_space<vmem>>) target(%dma_start3A_222 : memref<10240x80xf32, #tpu.memory_space<vmem_shared>>) offsets(%arg13 : memref<80xi32, #tpu.memory_space<vmem>>) semaphore(%arg26 : memref<!tpu.dma_semaphore, #tpu.memory_space<semaphore_mem>>) {add = true}
      } else {
      }
    }
    %scan3A_145 = arith.constant 125 : i32
    %dma_wait3A_146 = arith.constant 0 : i32
    %dma_wait3A_147 = arith.constant 0 : i32
    %dma_wait3A_148 = tpu.memref_slice %arg8[%dma_wait3A_146, %dma_wait3A_147] : memref<10240x80xf32, #tpu.memory_space<vmem_shared>> -> memref<10240x80xf32, #tpu.memory_space<vmem_shared>>
    tpu.wait_indirect_dma semaphore(%arg25 : memref<!tpu.dma_semaphore, #tpu.memory_space<semaphore_mem>>) src(%arg18 : memref<80x80xf32, #tpu.memory_space<vmem>>) dst(%dma_wait3A_148 : memref<10240x80xf32, #tpu.memory_space<vmem_shared>>)
    %dma_wait3A_149 = arith.constant 0 : i32
    %dma_wait3A_150 = arith.constant 0 : i32
    %dma_wait3A_151 = tpu.memref_slice %arg8[%dma_wait3A_149, %dma_wait3A_150] : memref<10240x80xf32, #tpu.memory_space<vmem_shared>> -> memref<10240x80xf32, #tpu.memory_space<vmem_shared>>
    tpu.wait_indirect_dma semaphore(%arg26 : memref<!tpu.dma_semaphore, #tpu.memory_space<semaphore_mem>>) src(%arg19 : memref<80x80xf32, #tpu.memory_space<vmem>>) dst(%dma_wait3A_151 : memref<10240x80xf32, #tpu.memory_space<vmem_shared>>)
    %barrier3A_152 = arith.constant 0 : index
    tpu.barrier barrier_id(%barrier3A_152)
    "tpu.region"() ({
      %run_scoped3A = tpu.sem_alloc : memref<!tpu.dma_semaphore, #tpu.memory_space<semaphore_mem>>
      %dma_start3A_153 = arith.constant 0 : i32
      %dma_start3A_154 = tpu.memref_slice %arg7[%arg0, %mul3A_4, %dma_start3A_153] : memref<2x10240x80xf32, #tpu.memory_space<hbm>> -> memref<1x640x80xf32, #tpu.memory_space<hbm>>
      %dma_start3A_155 = tpu.memref_squeeze %dma_start3A_154 : memref<1x640x80xf32, #tpu.memory_space<hbm>> -> memref<640x80xf32, #tpu.memory_space<hbm>>
      %dma_start3A_156 = arith.constant 0 : i32
      %dma_start3A_157 = tpu.memref_slice %arg8[%mul3A_4, %dma_start3A_156] : memref<10240x80xf32, #tpu.memory_space<vmem_shared>> -> memref<640x80xf32, #tpu.memory_space<vmem_shared>>
      tpu.enqueue_dma source(%dma_start3A_157 : memref<640x80xf32, #tpu.memory_space<vmem_shared>>) target(%dma_start3A_155 : memref<640x80xf32, #tpu.memory_space<hbm>>) target_semaphore(%run_scoped3A : memref<!tpu.dma_semaphore, #tpu.memory_space<semaphore_mem>>)
      %dma_wait3A_158 = arith.constant 0 : i32
      %dma_wait3A_159 = tpu.memref_slice %arg7[%arg0, %mul3A_4, %dma_wait3A_158] : memref<2x10240x80xf32, #tpu.memory_space<hbm>> -> memref<1x640x80xf32, #tpu.memory_space<hbm>>
      %dma_wait3A_160 = tpu.memref_squeeze %dma_wait3A_159 : memref<1x640x80xf32, #tpu.memory_space<hbm>> -> memref<640x80xf32, #tpu.memory_space<hbm>>
      %dma_wait3A_161 = arith.constant 0 : i32
      %dma_wait3A_162 = tpu.memref_slice %arg8[%mul3A_4, %dma_wait3A_161] : memref<10240x80xf32, #tpu.memory_space<vmem_shared>> -> memref<640x80xf32, #tpu.memory_space<vmem_shared>>
      tpu.wait_dma2 semaphore(%run_scoped3A : memref<!tpu.dma_semaphore, #tpu.memory_space<semaphore_mem>>) src(%dma_wait3A_162 : memref<640x80xf32, #tpu.memory_space<vmem_shared>>) dst(%dma_wait3A_160 : memref<640x80xf32, #tpu.memory_space<hbm>>)
      tpu.yield
    }) : () -> ()
    return
  }
}

module attributes {stable_mosaic.version = 14 : i64} {
  func.func @_mlp_body(%arg0: i32, %arg1: memref<1000x160xf32, #tpu.memory_space<vmem>>, %arg2: memref<1x1000x80xf32, #tpu.memory_space<vmem>>, %arg3: memref<1x1000x80xf32, #tpu.memory_space<vmem>>, %arg4: memref<1x160xf32, #tpu.memory_space<vmem>>, %arg5: memref<160x1024xf32, #tpu.memory_space<vmem>>, %arg6: memref<80x1024xf32, #tpu.memory_space<vmem>>, %arg7: memref<80x1024xf32, #tpu.memory_space<vmem>>, %arg8: memref<1x1024xf32, #tpu.memory_space<vmem>>, %arg9: memref<1024x64xf32, #tpu.memory_space<vmem>>, %arg10: memref<1x64xf32, #tpu.memory_space<vmem>>, %arg11: memref<1000x64xf32, #tpu.memory_space<vmem>>) attributes {dimension_semantics = [#tpu.dimension_semantics<parallel>], iteration_bounds = array<i64: 10>, scalar_prefetch = 0 : i64, scratch_operands = 0 : i64, tpu.core_type = #tpu.core_type<tc>, window_params = [{transform_indices = @transform_0, window_bounds = array<i64: 1000, 160>}, {transform_indices = @transform_1, window_bounds = array<i64: 1, 1000, 80>}, {transform_indices = @transform_2, window_bounds = array<i64: 1, 1000, 80>}, {pipeline_mode = #tpu.pipeline_mode<synchronous>, transform_indices = @transform_3, window_bounds = array<i64: 1, 160>}, {pipeline_mode = #tpu.pipeline_mode<synchronous>, transform_indices = @transform_4, window_bounds = array<i64: 160, 1024>}, {pipeline_mode = #tpu.pipeline_mode<synchronous>, transform_indices = @transform_5, window_bounds = array<i64: 80, 1024>}, {pipeline_mode = #tpu.pipeline_mode<synchronous>, transform_indices = @transform_6, window_bounds = array<i64: 80, 1024>}, {pipeline_mode = #tpu.pipeline_mode<synchronous>, transform_indices = @transform_7, window_bounds = array<i64: 1, 1024>}, {pipeline_mode = #tpu.pipeline_mode<synchronous>, transform_indices = @transform_8, window_bounds = array<i64: 1024, 64>}, {pipeline_mode = #tpu.pipeline_mode<synchronous>, transform_indices = @transform_9, window_bounds = array<i64: 1, 64>}, {transform_indices = @transform_10, window_bounds = array<i64: 1000, 64>}]} {
    %get3A = arith.constant 0 : index
    %get3A_0 = arith.constant 0 : index
    %get3A_1 = vector.load %arg1[%get3A, %get3A_0] : memref<1000x160xf32, #tpu.memory_space<vmem>>, vector<1000x160xf32>
    %get3A_2 = arith.constant 0 : index
    %get3A_3 = arith.constant 0 : index
    %get3A_4 = vector.load %arg5[%get3A_2, %get3A_3] : memref<160x1024xf32, #tpu.memory_space<vmem>>, vector<160x1024xf32>
    %convert_element_type3A = arith.truncf %get3A_1 : vector<1000x160xf32> to vector<1000x160xbf16>
    %convert_element_type3A_5 = arith.truncf %get3A_4 : vector<160x1024xf32> to vector<160x1024xbf16>
    %dot_general3A = arith.constant dense<0.000000e+00> : vector<1000x1024xf32>
    %dot_general3A_6 = tpu.matmul %convert_element_type3A, %convert_element_type3A_5, %dot_general3A {dimension_numbers = #tpu.dot_dimension_numbers<[1], [0], [0], [1], [0, 0, 1, 1], [], []>, transpose_lhs_hint = false} : vector<1000x160xbf16>, vector<160x1024xbf16>, vector<1000x1024xf32> -> vector<1000x1024xf32>
    %get3A_7 = arith.constant 0 : index
    %get3A_8 = arith.constant 0 : index
    %get3A_9 = arith.constant 0 : index
    %get3A_10 = vector.load %arg2[%get3A_7, %get3A_8, %get3A_9] : memref<1x1000x80xf32, #tpu.memory_space<vmem>>, vector<1x1000x80xf32>
    %get3A_11 = vector.shape_cast %get3A_10 : vector<1x1000x80xf32> to vector<1000x80xf32>
    %get3A_12 = arith.constant 0 : index
    %get3A_13 = arith.constant 0 : index
    %get3A_14 = vector.load %arg6[%get3A_12, %get3A_13] : memref<80x1024xf32, #tpu.memory_space<vmem>>, vector<80x1024xf32>
    %convert_element_type3A_15 = arith.truncf %get3A_11 : vector<1000x80xf32> to vector<1000x80xbf16>
    %convert_element_type3A_16 = arith.truncf %get3A_14 : vector<80x1024xf32> to vector<80x1024xbf16>
    %dot_general3A_17 = arith.constant dense<0.000000e+00> : vector<1000x1024xf32>
    %dot_general3A_18 = tpu.matmul %convert_element_type3A_15, %convert_element_type3A_16, %dot_general3A_17 {dimension_numbers = #tpu.dot_dimension_numbers<[1], [0], [0], [1], [0, 0, 1, 1], [], []>, transpose_lhs_hint = false} : vector<1000x80xbf16>, vector<80x1024xbf16>, vector<1000x1024xf32> -> vector<1000x1024xf32>
    %add3A = arith.addf %dot_general3A_6, %dot_general3A_18 : vector<1000x1024xf32>
    %get3A_19 = arith.constant 0 : index
    %get3A_20 = arith.constant 0 : index
    %get3A_21 = arith.constant 0 : index
    %get3A_22 = vector.load %arg3[%get3A_19, %get3A_20, %get3A_21] : memref<1x1000x80xf32, #tpu.memory_space<vmem>>, vector<1x1000x80xf32>
    %get3A_23 = vector.shape_cast %get3A_22 : vector<1x1000x80xf32> to vector<1000x80xf32>
    %get3A_24 = arith.constant 0 : index
    %get3A_25 = arith.constant 0 : index
    %get3A_26 = vector.load %arg7[%get3A_24, %get3A_25] : memref<80x1024xf32, #tpu.memory_space<vmem>>, vector<80x1024xf32>
    %convert_element_type3A_27 = arith.truncf %get3A_23 : vector<1000x80xf32> to vector<1000x80xbf16>
    %convert_element_type3A_28 = arith.truncf %get3A_26 : vector<80x1024xf32> to vector<80x1024xbf16>
    %dot_general3A_29 = arith.constant dense<0.000000e+00> : vector<1000x1024xf32>
    %dot_general3A_30 = tpu.matmul %convert_element_type3A_27, %convert_element_type3A_28, %dot_general3A_29 {dimension_numbers = #tpu.dot_dimension_numbers<[1], [0], [0], [1], [0, 0, 1, 1], [], []>, transpose_lhs_hint = false} : vector<1000x80xbf16>, vector<80x1024xbf16>, vector<1000x1024xf32> -> vector<1000x1024xf32>
    %add3A_31 = arith.addf %add3A, %dot_general3A_30 : vector<1000x1024xf32>
    %get3A_32 = arith.constant 0 : index
    %get3A_33 = arith.constant 0 : index
    %get3A_34 = vector.load %arg8[%get3A_32, %get3A_33] : memref<1x1024xf32, #tpu.memory_space<vmem>>, vector<1x1024xf32>
    %get3A_35 = arith.constant 0 : index
    %get3A_36 = arith.constant 0 : index
    %get3A_37 = vector.load %arg4[%get3A_35, %get3A_36] : memref<1x160xf32, #tpu.memory_space<vmem>>, vector<1x160xf32>
    %get3A_38 = arith.constant 0 : index
    %get3A_39 = arith.constant 0 : index
    %get3A_40 = vector.load %arg5[%get3A_38, %get3A_39] : memref<160x1024xf32, #tpu.memory_space<vmem>>, vector<160x1024xf32>
    %convert_element_type3A_41 = arith.truncf %get3A_37 : vector<1x160xf32> to vector<1x160xbf16>
    %convert_element_type3A_42 = arith.truncf %get3A_40 : vector<160x1024xf32> to vector<160x1024xbf16>
    %dot_general3A_43 = arith.constant dense<0.000000e+00> : vector<1x1024xf32>
    %dot_general3A_44 = tpu.matmul %convert_element_type3A_41, %convert_element_type3A_42, %dot_general3A_43 {dimension_numbers = #tpu.dot_dimension_numbers<[1], [0], [0], [1], [0, 0, 1, 1], [], []>, transpose_lhs_hint = false} : vector<1x160xbf16>, vector<160x1024xbf16>, vector<1x1024xf32> -> vector<1x1024xf32>
    %sub3A = arith.subf %get3A_34, %dot_general3A_44 : vector<1x1024xf32>
    %add3A_45 = vector.broadcast %sub3A : vector<1x1024xf32> to vector<1000x1024xf32>
    %add3A_46 = arith.addf %add3A_31, %add3A_45 : vector<1000x1024xf32>
    %max3A = arith.constant 0.000000e+00 : f32
    %max3A_47 = vector.broadcast %max3A : f32 to vector<1000x1024xf32>
    %max3A_48 = arith.maximumf %add3A_46, %max3A_47 : vector<1000x1024xf32>
    %get3A_49 = arith.constant 0 : index
    %get3A_50 = arith.constant 0 : index
    %get3A_51 = vector.load %arg9[%get3A_49, %get3A_50] : memref<1024x64xf32, #tpu.memory_space<vmem>>, vector<1024x64xf32>
    %convert_element_type3A_52 = arith.truncf %max3A_48 : vector<1000x1024xf32> to vector<1000x1024xbf16>
    %convert_element_type3A_53 = arith.truncf %get3A_51 : vector<1024x64xf32> to vector<1024x64xbf16>
    %dot_general3A_54 = arith.constant dense<0.000000e+00> : vector<1000x64xf32>
    %dot_general3A_55 = tpu.matmul %convert_element_type3A_52, %convert_element_type3A_53, %dot_general3A_54 {dimension_numbers = #tpu.dot_dimension_numbers<[1], [0], [0], [1], [0, 0, 1, 1], [], []>, transpose_lhs_hint = false} : vector<1000x1024xbf16>, vector<1024x64xbf16>, vector<1000x64xf32> -> vector<1000x64xf32>
    %get3A_56 = arith.constant 0 : index
    %get3A_57 = arith.constant 0 : index
    %get3A_58 = vector.load %arg10[%get3A_56, %get3A_57] : memref<1x64xf32, #tpu.memory_space<vmem>>, vector<1x64xf32>
    %add3A_59 = vector.broadcast %get3A_58 : vector<1x64xf32> to vector<1000x64xf32>
    %add3A_60 = arith.addf %dot_general3A_55, %add3A_59 : vector<1000x64xf32>
    %swap3A = arith.constant 0 : index
    %swap3A_61 = arith.constant 0 : index
    %swap3A_62 = vector.load %arg11[%swap3A, %swap3A_61] : memref<1000x64xf32, #tpu.memory_space<vmem>>, vector<1000x64xf32>
    tpu.vector_store %arg11[%swap3A, %swap3A_61], %add3A_60 {strides = array<i32>} : memref<1000x64xf32, #tpu.memory_space<vmem>>, vector<1000x64xf32>,
    return
  }
  func.func @transform_0(%arg0: i32) -> (i32, i32) {
    %c0_i32 = arith.constant 0 : i32
    %c0_i32_0 = arith.constant 0 : i32
    return %arg0, %c0_i32 : i32, i32
  }
  func.func @transform_1(%arg0: i32) -> (i32, i32, i32) {
    %c0_i32 = arith.constant 0 : i32
    %c0_i32_0 = arith.constant 0 : i32
    %c0_i32_1 = arith.constant 0 : i32
    return %c0_i32, %arg0, %c0_i32_0 : i32, i32, i32
  }
  func.func @transform_2(%arg0: i32) -> (i32, i32, i32) {
    %c1_i32 = arith.constant 1 : i32
    %c0_i32 = arith.constant 0 : i32
    %c0_i32_0 = arith.constant 0 : i32
    return %c1_i32, %arg0, %c0_i32 : i32, i32, i32
  }
  func.func @transform_3(%arg0: i32) -> (i32, i32) {
    %c0_i32 = arith.constant 0 : i32
    %c0_i32_0 = arith.constant 0 : i32
    %c0_i32_1 = arith.constant 0 : i32
    return %c0_i32, %c0_i32_0 : i32, i32
  }
  func.func @transform_4(%arg0: i32) -> (i32, i32) {
    %c0_i32 = arith.constant 0 : i32
    %c0_i32_0 = arith.constant 0 : i32
    %c0_i32_1 = arith.constant 0 : i32
    return %c0_i32, %c0_i32_0 : i32, i32
  }
  func.func @transform_5(%arg0: i32) -> (i32, i32) {
    %c0_i32 = arith.constant 0 : i32
    %c0_i32_0 = arith.constant 0 : i32
    %c0_i32_1 = arith.constant 0 : i32
    return %c0_i32, %c0_i32_0 : i32, i32
  }
  func.func @transform_6(%arg0: i32) -> (i32, i32) {
    %c0_i32 = arith.constant 0 : i32
    %c0_i32_0 = arith.constant 0 : i32
    %c0_i32_1 = arith.constant 0 : i32
    return %c0_i32, %c0_i32_0 : i32, i32
  }
  func.func @transform_7(%arg0: i32) -> (i32, i32) {
    %c0_i32 = arith.constant 0 : i32
    %c0_i32_0 = arith.constant 0 : i32
    %c0_i32_1 = arith.constant 0 : i32
    return %c0_i32, %c0_i32_0 : i32, i32
  }
  func.func @transform_8(%arg0: i32) -> (i32, i32) {
    %c0_i32 = arith.constant 0 : i32
    %c0_i32_0 = arith.constant 0 : i32
    %c0_i32_1 = arith.constant 0 : i32
    return %c0_i32, %c0_i32_0 : i32, i32
  }
  func.func @transform_9(%arg0: i32) -> (i32, i32) {
    %c0_i32 = arith.constant 0 : i32
    %c0_i32_0 = arith.constant 0 : i32
    %c0_i32_1 = arith.constant 0 : i32
    return %c0_i32, %c0_i32_0 : i32, i32
  }
  func.func @transform_10(%arg0: i32) -> (i32, i32) {
    %c0_i32 = arith.constant 0 : i32
    %c0_i32_0 = arith.constant 0 : i32
    return %arg0, %c0_i32 : i32, i32
  }
}

</mosaic_0001>

<sc_bundles>
// kernel: kernel.4.cloned.1.call-start
scs
__scs_entry_jumppad:
0x0: {  	(pc) =	sbr.rel $0x88, $3  }
0x1: {  	(tag) =	ssettag $0x0;
	lr =	simm.s32 $0x1  }
0x2: {  	[smem:$0x3F97] =	sst lr;
	_ =	strace $0xD0000000  }
0x3: {  	_ = 	snop  }
0x4: {  	_ = 	snop  }
0x5: {  	_ = 	snop  }
0x6: {  	_ = 	snop  }
0x7: {  	_ = 	snop  }
__scs_overlays_trampoline_lowered:
0x8: {  	[smem:$0x3FA6] =	sst s0  }
0x9: {  	[smem:$0x3FA7] =	sst s1  }
0xa: {  	[smem:$0x3FA8] =	sst s2  }
0xb: {  	[smem:$0x3FA9] =	sst s3  }
0xc: {  	[smem:$0x3FAA] =	sst s4  }
0xd: {  	[smem:$0x3FAB] =	sst s5  }
0xe: {  	[smem:$0x3FAC] =	sst s6  }
0xf: {  	[smem:$0x3FAD] =	sst s7  }
0x10: {  	[smem:$0x3FAE] =	sst s8  }
0x11: {  	[smem:$0x3FAF] =	sst s9;
	s0 =	simm.s32 @!p0 $0x0  }
0x12: {  	s1 =	sld [smem:$0x3F95];
	s0 =	simm.s32 @p0 $0x1  }
0x13: {  	[smem:$0x3FB0] =	sst s0;
	s0 =	simm.s32 @!p1 $0x0  }
0x14: {  	s2 =	sld [smem:$0x3F94];
	s0 =	simm.s32 @p1 $0x1  }
0x15: {  	[smem:$0x3FB1] =	sst s0;
	s0 =	simm.s32 @!p2 $0x0  }
0x16: {  	s3 =	sld [smem:$0x3FDB];
	s0 =	simm.s32 @p2 $0x1  }
0x17: {  	s4 =	simm.s32 $0x1BF5;
	[smem:$0x3FB3] =	sst s0  }
0x18: {  	s0 =	sld [smem:$0x3F96];
	_ =	swait.ge [sflag:s4], $0x0  }
0x19: {  	s7 =	sld [smem:$0x3F97]  }
0x1a: {  	s8 =	sadd.s32 $0xFFFFE003, lr  }
0x1b: {  	s9 =	sadd.s32 $0xFFFFFEF7, lr;
	s5 =	simm.s32 $0xFFFFFFFF;
	p2 =	slt.u32 s8, $0xFFFFF086  }
0x1c: {  	p1 =	slt.u32 s9, $0xF7A;
	s5 =	simm.s32 @!p2 $0x0  }
0x1d: {  	s5 =	simm.s32 @p1 $0x1;
	p0 =	seq.s32 s7, s2  }
0x1e: {  	s7 =	smul.u32 @!p0 $0xF7A, s2;
	p2 =	seq.s32 @!p0 s5, $0x0  }
0x1f: {  	s9 =	smul.u32 $0xF7A, s1;
	s8 =	simm.s32 @!p0 $0x1BF5;
	p2 =	por !p2, p0  }
0x20: {  	[sflag:s8] =	ssyncset.s32 @!p0 $0xFFFFF086;
	s6 =	sadd.s32 @!p0 s3, s7;
	s7 =	simm.s32 @!p0 $0x108  }
0x21: {  	s3 =	sadd.s32 s3, s9;
	s6 =	sadd.s32 @!p0 $0x88, s6;
	s7 =	simm.s32 @p2 $0x1082  }
0x22: {  	[simem:s7], [sflag:s8] =	dma.local @!p0 [hbm:s6], $0xF7A  }
0x23: {  	s9 =	sor.u32 $0xD0000000, s2;
	s6 =	simm.s32 $0x108;
	_ =	swait.ge @!p0 [sflag:s8], $0x0  }
0x24: {  	s3 =	sadd.s32 $0x88, s3;
	s6 =	simm.s32 @!p1 $0x1082;
	[sflag:s4] =	ssyncset.s32 $0xFFFFF086  }
0x25: {  	[simem:s6], [sflag:s4] =	dma.local [hbm:s3], $0xF7A  }
0x26: {  	[smem:$0x3F97] =	sst s1;
	(tag) =	ssettag s2;
	_ =	strace s9  }
0x27: {  	s1 =	sld [smem:$0x3FA7]  }
0x28: {  	s2 =	sld [smem:$0x3FA8]  }
0x29: {  	s4 =	sld [smem:$0x3FAA]  }
0x2a: {  	p0 =	seq.s32 s5, $0x0;
	s5 =	sld [smem:$0x3FAB]  }
0x2b: {  	s6 =	sld [smem:$0x3FAC]  }
0x2c: {  	s7 =	sld [smem:$0x3FAD]  }
0x2d: {  	s3 =	simm.s32 $0x108;
	s8 =	sld [smem:$0x3FAE]  }
0x2e: {  	s3 =	simm.s32 @!p0 $0x1082;
	s9 =	sld [smem:$0x3FAF]  }
0x2f: {  	lr =	sadd.s32 s0, s3;
	s0 =	sld [smem:$0x3FA6]  }
0x30: {  	s3 =	sld [smem:$0x3FA9]  }
0x31: {  	[smem:$0x3FB2] =	sst s10  }
0x32: {  	s10 =	sld [smem:$0x3FB0];
	_ =	sdelay $0x3  }
0x33: {  	p0 =	seq.s32 s10, $0x1;
	s10 =	sld [smem:$0x3FB2];
	_ =	sdelay $0x3  }
0x34: {  	[smem:$0x3FB2] =	sst s10  }
0x35: {  	s10 =	sld [smem:$0x3FB1];
	_ =	sdelay $0x3  }
0x36: {  	p1 =	seq.s32 s10, $0x1;
	s10 =	sld [smem:$0x3FB2];
	_ =	sdelay $0x3  }
0x37: {  	[smem:$0x3FB2] =	sst s10  }
0x38: {  	s10 =	sld [smem:$0x3FB3]  }
0x39: {  	_ = 	snop;
	(pc) =	sbr.ind lr, $3  }
0x3a: {  	_ = 	snop  }
0x3b: {  	_ = 	snop  }
0x3c: {  	p2 =	seq.s32 s10, $0x1;
	s10 =	sld [smem:$0x3FB2]  }
0x3d: {  	_ =	shalt  }
0x3e: {  	_ =	shalt  }
0x3f: {  	_ =	shalt  }
0x40: {  	_ =	shalt  }
0x41: {  	_ =	shalt  }
0x42: {  	_ =	shalt  }
0x43: {  	_ =	shalt  }
0x44: {  	_ =	shalt  }
0x45: {  	_ =	shalt  }
0x46: {  	_ =	shalt  }
0x47: {  	_ =	shalt  }
0x48: {  	_ =	shalt  }
0x49: {  	_ =	shalt  }
0x4a: {  	_ =	shalt  }
0x4b: {  	_ =	shalt  }
0x4c: {  	_ =	shalt  }
0x4d: {  	_ =	shalt  }
0x4e: {  	_ =	shalt  }
0x4f: {  	_ =	shalt  }
0x50: {  	_ =	shalt  }
0x51: {  	_ =	shalt  }
0x52: {  	_ =	shalt  }
0x53: {  	_ =	shalt  }
0x54: {  	_ =	shalt  }
0x55: {  	_ =	shalt  }
0x56: {  	_ =	shalt  }
0x57: {  	_ =	shalt  }
0x58: {  	_ =	shalt  }
0x59: {  	_ =	shalt  }
0x5a: {  	_ =	shalt  }
0x5b: {  	_ =	shalt  }
0x5c: {  	_ =	shalt  }
0x5d: {  	_ =	shalt  }
0x5e: {  	_ =	shalt  }
0x5f: {  	_ =	shalt  }
0x60: {  	_ =	shalt  }
0x61: {  	_ =	shalt  }
0x62: {  	_ =	shalt  }
0x63: {  	_ =	shalt  }
0x64: {  	_ =	shalt  }
0x65: {  	_ =	shalt  }
0x66: {  	_ =	shalt  }
0x67: {  	_ =	shalt  }
0x68: {  	_ =	shalt  }
0x69: {  	_ =	shalt  }
0x6a: {  	_ =	shalt  }
0x6b: {  	_ =	shalt  }
0x6c: {  	_ =	shalt  }
0x6d: {  	_ =	shalt  }
0x6e: {  	_ =	shalt  }
0x6f: {  	_ =	shalt  }
0x70: {  	_ =	shalt  }
0x71: {  	_ =	shalt  }
0x72: {  	_ =	shalt  }
0x73: {  	_ =	shalt  }
0x74: {  	_ =	shalt  }
0x75: {  	_ =	shalt  }
0x76: {  	_ =	shalt  }
0x77: {  	_ =	shalt  }
0x78: {  	_ =	shalt  }
0x79: {  	_ =	shalt  }
0x7a: {  	_ =	shalt  }
0x7b: {  	_ =	shalt  }
0x7c: {  	_ =	shalt  }
0x7d: {  	_ =	shalt  }
0x7e: {  	_ =	shalt  }
0x7f: {  	_ =	shalt  }
0x80: {  	_ =	shalt  }
0x81: {  	_ =	shalt  }
0x82: {  	_ =	shalt  }
0x83: {  	_ =	shalt  }
0x84: {  	_ =	shalt  }
0x85: {  	_ =	shalt  }
0x86: {  	_ =	shalt  }
0x87: {  	_ =	shalt  }
.Lfunc_end0:
.L_simem_size_0:
called_computation_lowered:
.L_overlay_start_0:
0x88: {  	s2 =	sld [smem:$0x3FD9]  }
0x89: {  	s3 =	sld [smem:$0x3FFE];
	_ =	sdelay $0x1  }
0x8a: {  	s1 =	srdreg.scid  }
0x8b: {  	s0 =	sand.u32 $0x1, s1  }
0x8c: {  	s17 =	sshll.u32 s0, $0xA;
	s2 =	sadd.s32 s3, s2  }
0x8d: {  	s2 =	sadd.s32 s2, s17  }
0x8e: {  	[smem:$0x3FBE] =	sst s2  }
0x8f: {  	_ = 	snop  }
0x90: {  	s2 =	sld [smem:$0x3FD0];
	(tm) =	ssettm $0x1  }
0x91: {  	s18 =	sld [smem:$0x3FFB];
	_ =	sdelay $0x3  }
0x92: {  	_ =	strace s18  }
0x93: {  	s3 =	sld [smem:$0x3FFC];
	_ =	sdelay $0x3  }
0x94: {  	_ =	strace s3  }
0x95: {  	s3 =	sld [smem:$0x3FFD];
	_ =	sdelay $0x3  }
0x96: {  	_ =	strace s3  }
0x97: {  	_ =	strace $0x8FFFFFFF  }
0x98: {  	s19 =	sld [smem:$0x3FDB];
	_ =	sdelay $0x1  }
0x99: {  	s4 =	simm.s32 $_scs_section_size  }
0x9a: {  	s5 =	simm.s32 $_size__tile_overlayer_lowered;
	s6 =	simm.s32 $_tile_overlayer_lowered  }
0x9b: {  	s22 =	simm.s32 $0x1BFF;
	s21 =	sshll.u32 s6, $0x1;
	s3 =	sadd.s32 s4, s19  }
0x9c: {  	s7 =	simm.s32 $0x0;
	s20 =	sshll.u32 s5, $0x1;
	s5 =	sadd.s32 s21, s3  }
0x9d: {  	[timem:s7], [sflag:s22] =	dma.local [hbm:s5], s20  }
0x9e: {  	_ =	swait.ge [sflag:s22], s20  }
0x9f: {  	s4 =	ssub.s32 $0x0, s20;
	[sflag:s22] =	ssyncset.done $0x0  }
0xa0: {  	[sflag:s22] =	ssyncadd.s32 s4;
	_ =	sdelay $0x1  }
0xa1: {  	s23 =	simm.s32 $0x1B8B  }
0xa2: {  	_ =	swait.ge [sflag:s23], $0x1  }
0xa3: {  	[sflag:s23] =	ssyncset.done $0x0  }
0xa4: {  	s25 =	simm.s32 $0x1B8E;
	s24 =	sld [smem:$0x3FFE];
	[sflag:s23] =	ssyncadd.s32 $0xFFFFFFFF  }
0xa5: {  	s26 =	simm.s32 $execute0_lowered;
	[smem:$0x3FD2] =	sst s25  }
0xa6: {  	s5 =	sshll.u32 s26, $0x1;
	_ =	strace $0x80000046;
	[dreg:$0x1] =	wrdreg $0xFFFFFFFF  }
0xa7: {  	s28 =	simm.s32 $_size_execute0_lowered;
	s3 =	sadd.s32 s3, s5;
	[dreg:$0x0] =	wrdreg $0x0  }
0xa8: {  	s5 =	sshll.u32 s28, $0x1;
	[dreg:$0x2] =	wrdreg s3  }
0xa9: {  	[dreg:$0x3] =	wrdreg s5  }
0xaa: {  	[dreg:$0x4] =	wrdreg $0xC0  }
0xab: {  	_ =	task [dreg:s7], $0x5FFFF  }
0xac: {  	[dreg:$0x1] =	wrdreg $0xFFFFFFFF  }
0xad: {  	[dreg:$0x0] =	wrdreg $0x60  }
0xae: {  	[dreg:$0x2] =	wrdreg s24  }
0xaf: {  	[dreg:$0x3] =	wrdreg s2  }
0xb0: {  	[dreg:$0x4] =	wrdreg $0xC8000  }
0xb1: {  	[dreg:$0x5] =	wrdreg $0x0  }
0xb2: {  	[dreg:$0x6] =	wrdreg $0x9  }
0xb3: {  	_ =	task.clear_ibuf [dreg:s7], $0x7FFFF;
	_ =	strace $0x90000046  }
0xb4: {  	s29 =	simm.s32 $0x9;
	_ =	strace $0x80000048  }
0xb5: {  	_ =	swait.ge [sflag:s29], $0x1  }
0xb6: {  	[sflag:s29] =	ssyncadd.s32 $0xFFFFFFFF  }
0xb7: {  	_ =	strace $0x90000048  }
0xb8: {  	_ =	sfence  }
0xb9: {  	s30 =	sld [smem:$0x0];
	_ =	sdelay $0x2  }
0xba: {  	s31 =	sshll.u32 s1, $0xD;
	s1 =	sshrl.u32 s1, $0x2  }
0xbb: {  	s3 =	sand.u32 $0x4000, s31;
	s1 =	sadd.s32 s1, s30  }
0xbc: {  	s0 =	sor.u32 s3, s0;
	s1 =	sshll.u32 s1, $0x11  }
0xbd: {  	s0 =	sor.u32 s1, s0  }
0xbe: {  	s0 =	sadd.s32 $0x8F2B, s0  }
0xbf: {  	[sflag:s0] =	ssyncadd.remote.s32 $0x1  }
0xc0: {  	_ =	sfence.sel $0xFFFF  }
0xc1: {  	[dreg:$0x0] =	wrdreg $0xFFFFFFFF;
	(pc) =	sbr.abs _section_cstart, $3  }
0xc2: {  	[dreg:$0x1] =	wrdreg $0xFFFFFFFF  }
0xc3: {  	_ =	task.clear_ibuf [dreg:s7], $0x2FFFF;
	_ =	strace $0x9FFFFFFF  }
0xc4: {  	(tm) =	ssettm $0x7FFFFFFF  }
0xc5: {  	_ =	shalt  }
tec
execute0_lowered:
.L_overlay_start_1:
0x0: {  	(tag) =	ssettag $0x1  }
0x1: {  	s0 =	rddreg [dreg:$0x0]  }
0x2: {  	s1 =	rddreg [dreg:$0x1];
	s14 =	stileid.u32  }
0x3: {  	s2 =	srdreg.scid;
	s7 =	smul.u32 $0x186A0, s14  }
0x4: {  	s3 =	rddreg [dreg:$0x2];
	s8 =	smul.u32 $0xC800, s14  }
0x5: {  	s4 =	rddreg [dreg:$0x3];
	s5 =	simm.s32 $0x0;
	s22 =	smul.u32 $0x30D40, s14  }
0x6: {  	s31 =	simm.s32 $0x1;
	s28 =	simm.s32 $0x0;
	s13 =	smul.u32 $0x32000, s14  }
0x7: {  	s2 =	sand.u32 $0x1, s2;
	[smem:$0x7FF] =	sst s5;
	s30 =	smul.u32 $0x4E20, s14  }
0x8: {  	s20 =	sadd.s32 $0x3C200, s0;
	s24 =	sshll.u32 s14, $0x6;
	s6 =	smul.u32 $0x50, s2  }
0x9: {  	_ =	strace $0x80000047;
	s10 =	smul.u32 $0xC8000, s2;
	s2 =	ssub.s32 $0x2, s2  }
0xa: {  	[dreg:$0x5] =	wrdreg s20;
	s12 =	sshrl.u32 s2, $0x1;
	s23 =	sshrl.u32 s22, $0x2  }
0xb: {  	s25 =	sshrl.u32 s13, $0x2;
	s19 =	sshrl.u32 s30, $0x3;
	s7 =	sadd.s32 s6, s7  }
0xc: {  	s9 =	sshrl.u32 s6, $0x3;
	s6 =	sadd.s32 $0x32400, s0;
	s21 =	sadd.s32 s8, s10  }
0xd: {  	s2 =	ssub.s32 s2, s12;
	s12 =	sadd.s32 s23, s3;
	s26 =	sadd.s32 s25, s4  }
0xe: {  	s10 =	sadd.s32 s8, s4;
	s22 =	sadd.s32 s1, s19;
	s23 =	sadd.s32 $0xA0, s30  }
0xf: {  	s8 =	simm.s32 $0x18B50;
	s7 =	sshrl.u32 s7, $0x3;
	s11 =	sadd.s32 s9, s0  }
0x10: {  	s9 =	sshrl.u32 s21, $0x3;
	s29 =	sadd.s32 $0x1900, s26;
	[dreg:$0xf] =	wrdreg s22  }
0x11: {  	s14 =	sadd.s32 $0x3200, s26;
	s15 =	sadd.s32 $0x4B00, s26;
	[dreg:$0x7] =	wrdreg s29  }
0x12: {  	s16 =	sadd.s32 $0x6400, s26;
	s17 =	sadd.s32 $0x7D00, s26;
	[dreg:$0x8] =	wrdreg s14  }
0x13: {  	s18 =	sadd.s32 $0x9600, s26;
	s21 =	sadd.s32 $0xA, s19;
	[dreg:$0x9] =	wrdreg s15  }
0x14: {  	s13 =	sadd.s32 s6, s19;
	s25 =	smax.u32 s2, $0x1;
	[dreg:$0xa] =	wrdreg s16  }
0x15: {  	s2 =	simm.s32 $0x7;
	s7 =	sadd.s32 s7, s0;
	[dreg:$0xb] =	wrdreg s17  }
0x16: {  	s0 =	sadd.s32 s9, s0;
	s9 =	sor.u32 $0x1C07, s24;
	[dreg:$0xc] =	wrdreg s18  }
0x17: {  	s20 =	sadd.s32 $0x32200, s11;
	[dreg:$0x10] =	wrdreg s13;
	s24 =	sadd.s32 s1, s21  }
0x18: {  	[dreg:$0x14] =	wrdreg s25;
	s29 =	sadd.s32 $0x9C40, s22;
	s11 =	simm.s32 $0x18BF0  }
0x19: {  	s13 =	simm.s32 $0x50;
	s14 =	simm.s32 $0x18BA0;
	s15 =	simm.s32 $0x18C40  }
0x1a: {  	s16 =	simm.s32 $0x18CE0;
	s17 =	simm.s32 $0x2;
	[dreg:$0xe] =	wrdreg s20  }
0x1b: {  	s18 =	simm.s32 $0x1A630;
	s25 =	simm.s32 $0x1D830;
	[dreg:$0x11] =	wrdreg s24  }
0x1c: {  	s7 =	sadd.s32 $0x1400, s7;
	s24 =	sadd.s32 $0xF0, s30;
	[dreg:$0x16] =	wrdreg s29  }
0x1d: {  	s0 =	sadd.s32 $0x3C600, s0;
	s30 =	sadd.s32 $0x9C4A, s22;
	[dreg:$0x6] =	wrdreg s7  }
.Ltmp0:
0x1e: {  	s20 =	simm.s32 $0x1BF30;
	[dreg:$0x13] =	wrdreg s0;
	(pc) =	sbr.rel .LBB2_1-.Ltmp0, $4  }
0x1f: {  	s22 =	simm.s32 $0x4;
	s7 =	sadd.s32 $0xAF00, s26;
	[dreg:$0x17] =	wrdreg s30  }
0x20: {  	s26 =	sshrl.u32 s12, $0x3;
	s0 =	simm.s32 $0x18D30;
	[dreg:$0xd] =	wrdreg s7  }
0x21: {  	s12 =	simm.s32 $0x18C90;
	s7 =	sadd.s32 s6, s21;
	[dreg:$0x15] =	wrdreg s26  }
0x22: {  	s21 =	simm.s32 $0x6;
	[dreg:$0x12] =	wrdreg s7;
	s7 =	simm.s32 $0x3  }
.LBB2_12:
0x23: {  	[spmem:s4] =	stream.indirect.scatter.add.f32 [tilespmem:s25], [sflag:$0x6], $0x50, s15, s13, $0xb8;
	[tilespmem:$0x1F180] =	vst v63  }
0x24: {  	s19 =	simm.s32 $0x5  }
0x25: {  	_ =	swait.ge [sflag:s19], $0x1900  }
0x26: {  	[sflag:s19] =	ssyncset.done $0x0  }
0x27: {  	[sflag:s19] =	ssyncadd.s32 $0xFFFFE700  }
0x28: {  	_ =	swait.ge [sflag:s21], $0x1900  }
0x29: {  	[sflag:s21] =	ssyncset.done $0x0  }
0x2a: {  	[sflag:s21] =	ssyncadd.s32 $0xFFFFE700  }
0x2b: {  	[bflag:$0x0] =	sbarrier.arrive $0xFFFF  }
0x2c: {  	s29 =	sshrl.u32 s10, $0x3;
	s26 =	rddreg [dreg:$0x13]  }
0x2d: {  	[hbm:s26], [sflag:s9] =	dma.local [spmem:s29], $0x1900  }
0x2e: {  	_ =	swait.ge [sflag:s2], $0x1900  }
0x2f: {  	s28 =	sadd.s32 $0x1, s28;
	s30 =	rddreg [dreg:$0x14]  }
0x30: {  	p0 =	sne.s32 s28, s30  }
.Ltmp1:
0x31: {  	_ = 	snop;
	(pc) =	sbr.rel @!p0 .LBB2_13-.Ltmp1, $3  }
0x32: {  	_ =	sdelay $0x1  }
0x33: {  	[sflag:s2] =	ssyncset.done $0x0  }
0x34: {  	[sflag:s2] =	ssyncadd.s32 $0xFFFFE700  }
.LBB2_1:
0x35: {  	s19 =	rddreg [dreg:$0x6]  }
0x36: {  	s26 =	rddreg [dreg:$0x15];
	s29 =	simm.s32 $0xA;
	s30 =	simm.s32 $0x14  }
0x37: {  	[spmem:s26@s29], [sflag:s9] =	dma.strided [hbm:s19@s30], $0x186A, s31, $0xa   }
0x38: {  	_ =	swait.ge [sflag:s2], $0x186A  }
0x39: {  	[sflag:s2] =	ssyncset.done $0x0  }
0x3a: {  	s26 =	rddreg [dreg:$0x5];
	[sflag:s2] =	ssyncadd.s32 $0xFFFFE796  }
0x3b: {  	[tilespmem:s0], [sflag:$0x7] =	stream.linear.gather [hbm4b:s26+s5], $0x1900, $0x38;
	[tilespmem:$0x1F180] =	vst v63  }
0x3c: {  	_ =	swait.ge [sflag:s2], $0x1900  }
0x3d: {  	[sflag:s2] =	ssyncset.done $0x0  }
0x3e: {  	[sflag:s2] =	ssyncadd.s32 $0xFFFFE700  }
0x3f: {  	[spmem:s10] =	stream.linear.scatter [tilespmem:s0], [sflag:$0x3], $0x1900, $0x38;
	[tilespmem:$0x1F180] =	vst v63  }
0x40: {  	s30 =	rddreg [dreg:$0x7]  }
0x41: {  	[spmem:s30] =	stream.linear.scatter [tilespmem:s0], [sflag:$0x3], $0x1900, $0x38;
	[tilespmem:$0x1F180] =	vst v63  }
0x42: {  	s26 =	rddreg [dreg:$0x8]  }
0x43: {  	[spmem:s26] =	stream.linear.scatter [tilespmem:s0], [sflag:$0x3], $0x1900, $0x38;
	[tilespmem:$0x1F180] =	vst v63  }
0x44: {  	s30 =	rddreg [dreg:$0x9]  }
0x45: {  	[spmem:s30] =	stream.linear.scatter [tilespmem:s0], [sflag:$0x3], $0x1900, $0x38;
	[tilespmem:$0x1F180] =	vst v63  }
0x46: {  	s26 =	rddreg [dreg:$0xa]  }
0x47: {  	[spmem:s26] =	stream.linear.scatter [tilespmem:s0], [sflag:$0x3], $0x1900, $0x38;
	[tilespmem:$0x1F180] =	vst v63  }
0x48: {  	s30 =	rddreg [dreg:$0xb]  }
0x49: {  	[spmem:s30] =	stream.linear.scatter [tilespmem:s0], [sflag:$0x3], $0x1900, $0x38;
	[tilespmem:$0x1F180] =	vst v63  }
0x4a: {  	s26 =	rddreg [dreg:$0xc]  }
0x4b: {  	[spmem:s26] =	stream.linear.scatter [tilespmem:s0], [sflag:$0x3], $0x1900, $0x38;
	[tilespmem:$0x1F180] =	vst v63  }
0x4c: {  	s30 =	rddreg [dreg:$0xd]  }
0x4d: {  	[spmem:s30] =	stream.linear.scatter [tilespmem:s0], [sflag:$0x3], $0x1900, $0x38;
	[tilespmem:$0x1F180] =	vst v63  }
0x4e: {  	_ =	swait.ge [sflag:s7], $0x1900  }
0x4f: {  	[sflag:s7] =	ssyncset.done $0x0  }
0x50: {  	[sflag:s7] =	ssyncadd.s32 $0xFFFFE700  }
0x51: {  	_ =	swait.ge [sflag:s7], $0x1900  }
0x52: {  	[sflag:s7] =	ssyncset.done $0x0  }
0x53: {  	[sflag:s7] =	ssyncadd.s32 $0xFFFFE700  }
0x54: {  	_ =	swait.ge [sflag:s7], $0x1900  }
0x55: {  	[sflag:s7] =	ssyncset.done $0x0  }
0x56: {  	[sflag:s7] =	ssyncadd.s32 $0xFFFFE700  }
0x57: {  	_ =	swait.ge [sflag:s7], $0x1900  }
0x58: {  	[sflag:s7] =	ssyncset.done $0x0  }
0x59: {  	[sflag:s7] =	ssyncadd.s32 $0xFFFFE700  }
0x5a: {  	_ =	swait.ge [sflag:s7], $0x1900  }
0x5b: {  	[sflag:s7] =	ssyncset.done $0x0  }
0x5c: {  	[sflag:s7] =	ssyncadd.s32 $0xFFFFE700  }
0x5d: {  	_ =	swait.ge [sflag:s7], $0x1900  }
0x5e: {  	[sflag:s7] =	ssyncset.done $0x0  }
0x5f: {  	[sflag:s7] =	ssyncadd.s32 $0xFFFFE700  }
0x60: {  	_ =	swait.ge [sflag:s7], $0x1900  }
0x61: {  	[sflag:s7] =	ssyncset.done $0x0  }
0x62: {  	[sflag:s7] =	ssyncadd.s32 $0xFFFFE700  }
0x63: {  	_ =	swait.ge [sflag:s7], $0x1900  }
0x64: {  	[sflag:s7] =	ssyncset.done $0x0  }
0x65: {  	s30 =	simm.s32 $0x1F130;
	s26 =	rddreg [dreg:$0xe];
	[sflag:s7] =	ssyncadd.s32 $0xFFFFE700  }
0x66: {  	[tilespmem:s30], [sflag:$0x7] =	stream.linear.gather [hbm4b:s26+s5], $0x50, $0x38;
	[tilespmem:$0x1F180] =	vst v63  }
0x67: {  	_ =	swait.ge [sflag:s2], $0x50  }
0x68: {  	[sflag:s2] =	ssyncset.done $0x0  }
0x69: {  	[sflag:s2] =	ssyncadd.s32 $0xFFFFFFB0  }
0x6a: {  	v0 =	vld [tilespmem:$0x1F130]  }
0x6b: {  	v1 =	vld [tilespmem:$0x1F140]  }
0x6c: {  	v2 =	vld [tilespmem:$0x1F150]  }
0x6d: {  	v3 =	vld [tilespmem:$0x1F160]  }
0x6e: {  	v4 =	vld [tilespmem:$0x1F170];
	[bflag:$0x0] =	sbarrier.arrive $0xFFFF  }
0x6f: {  	s26 =	rddreg [dreg:$0xf]  }
0x70: {  	[tilespmem:s8], [sflag:$0x1] =	stream.linear.gather [hbm4b:s26+s5], $0x50, $0x38;
	[tilespmem:$0x1F180] =	vst v63  }
0x71: {  	s30 =	rddreg [dreg:$0x16]  }
0x72: {  	[tilespmem:s11], [sflag:$0x1] =	stream.linear.gather [hbm4b:s30+s5], $0x50, $0x38;
	[tilespmem:$0x1F180] =	vst v63  }
0x73: {  	s26 =	rddreg [dreg:$0x10]  }
0x74: {  	[tilespmem:s12], [sflag:$0x1] =	stream.linear.gather [hbm4b:s26+s5], $0x50, $0x38;
	[tilespmem:$0x1F180] =	vst v63  }
0x75: {  	_ =	swait.ge [sflag:s31], $0x50  }
0x76: {  	[sflag:s31] =	ssyncset.done $0x0  }
0x77: {  	[sflag:s31] =	ssyncadd.s32 $0xFFFFFFB0  }
0x78: {  	_ =	swait.ge [sflag:s31], $0x50  }
0x79: {  	[sflag:s31] =	ssyncset.done $0x0  }
0x7a: {  	[sflag:s31] =	ssyncadd.s32 $0xFFFFFFB0  }
0x7b: {  	_ =	swait.ge [sflag:s31], $0x50  }
0x7c: {  	[sflag:s31] =	ssyncset.done $0x0  }
0x7d: {  	[sflag:s31] =	ssyncadd.s32 $0xFFFFFFB0  }
0x7e: {  	[tilespmem:s0], [sflag:$0x3] =	stream.indirect.gather [spmem:s3], $0x50, s8, s13, $0xb8;
	[tilespmem:$0x1F180] =	vst v63  }
0x7f: {  	s30 =	rddreg [dreg:$0x11]  }
0x80: {  	[tilespmem:s14], [sflag:$0x2] =	stream.linear.gather [hbm4b:s30+s5], $0x50, $0x38;
	[tilespmem:$0x1F180] =	vst v63  }
0x81: {  	s26 =	rddreg [dreg:$0x17]  }
0x82: {  	[tilespmem:s15], [sflag:$0x2] =	stream.linear.gather [hbm4b:s26+s5], $0x50, $0x38;
	[tilespmem:$0x1F180] =	vst v63  }
0x83: {  	s29 =	simm.s32 $0x0;
	s30 =	rddreg [dreg:$0x12]  }
0x84: {  	[tilespmem:s16], [sflag:$0x2] =	stream.linear.gather [hbm4b:s30+s5], $0x50, $0x38;
	[tilespmem:$0x1F180] =	vst v63  }
.LBB2_2:
0x85: {  	_ =	swait.ge [sflag:s17], $0x50  }
0x86: {  	[sflag:s17] =	ssyncset.done $0x0  }
0x87: {  	[sflag:s17] =	ssyncadd.s32 $0xFFFFFFB0  }
0x88: {  	_ =	swait.ge [sflag:s17], $0x50  }
0x89: {  	[sflag:s17] =	ssyncset.done $0x0  }
0x8a: {  	[sflag:s17] =	ssyncadd.s32 $0xFFFFFFB0  }
0x8b: {  	_ =	swait.ge [sflag:s17], $0x50  }
0x8c: {  	p0 =	seq.s32 s29, $0x0;
	[sflag:s17] =	ssyncset.done $0x0  }
0x8d: {  	s19 =	simm.s32 @!p0 $0x5;
	[sflag:s17] =	ssyncadd.s32 $0xFFFFFFB0  }
0x8e: {  	[tilespmem:s18], [sflag:$0x4] =	stream.indirect.gather [spmem:s3], $0x50, s14, s13, $0xb8;
	[tilespmem:$0x1F180] =	vst v63  }
0x8f: {  	_ =	swait.ge @!p0 [sflag:s19], $0x1900  }
0x90: {  	[sflag:s19] =	ssyncset.done @!p0 $0x0  }
0x91: {  	[sflag:s19] =	ssyncadd.s32 @!p0 $0xFFFFE700  }
0x92: {  	_ =	swait.ge [sflag:s7], $0x1900  }
0x93: {  	[sflag:s7] =	ssyncset.done $0x0  }
0x94: {  	s30 =	simm.s32 $0x0;
	p1 =	por $0x1, $0x1;
	[sflag:s7] =	ssyncadd.s32 $0xFFFFE700  }
.LBB2_3:
0x95: {  	s19 =	sshll.u32 s30, $0x4  }
0x96: {  	s26 =	sand.u32 $0x3FFFFFF0, s19  }
0x97: {  	v6 =	vld [tilespmem:s26+$0x18C90]  }
0x98: {  	s30 =	smul.u32 $0x500, s30;
	_ =	sdelay $0x1  }
0x99: {  	v5 =	vld [tilespmem:s30+$0x18D30]  }
0x9a: {  	v7 =	vld [tilespmem:s30+$0x18D40]  }
0x9b: {  	v8 =	vld [tilespmem:s30+$0x18D50];
	v9 =	vbroadcast v6, $0x0;
	v56 =	vbroadcast v6, $0x1  }
0x9c: {  	v10 =	vld [tilespmem:s30+$0x18D60];
	v61 =	vbroadcast v6, $0x2;
	v33 =	vbroadcast v6, $0x3  }
0x9d: {  	v11 =	vld [tilespmem:s30+$0x18D70];
	v48 =	vbroadcast v6, $0x4;
	v29 =	vbroadcast v6, $0x5  }
0x9e: {  	v14 =	vld [tilespmem:s30+$0x18D80];
	v12 =	vmul.f32 v9, v0;
	v13 =	vmul.f32 v9, v1  }
0x9f: {  	v17 =	vld [tilespmem:s30+$0x18D90];
	v15 =	vmul.f32 v9, v2;
	v16 =	vmul.f32 v9, v3  }
0xa0: {  	v55 =	vld [tilespmem:s30+$0x18DA0];
	v9 =	vmul.f32 v9, v4;
	v59 =	vmul.f32 v56, v0  }
0xa1: {  	v57 =	vld [tilespmem:s30+$0x18DB0];
	v18 =	vmul.f32 v56, v1;
	v19 =	vmul.f32 v56, v2  }
0xa2: {  	v21 =	vld [tilespmem:s30+$0x18DE0];
	v60 =	vmul.f32 v56, v3;
	v31 =	vmul.f32 v61, v0  }
0xa3: {  	v62 =	vld [tilespmem:s30+$0x18DF0];
	v23 =	vmul.f32 v61, v1;
	v32 =	vmul.f32 v61, v2  }
0xa4: {  	v24 =	vld [tilespmem:s30+$0x18E20];
	v25 =	vmul.f32 v61, v3;
	v36 =	vmul.f32 v33, v0  }
0xa5: {  	v26 =	vld [tilespmem:s30+$0x18E30];
	v39 =	vmul.f32 v33, v1;
	v41 =	vmul.f32 v33, v2;
	v5 =	vadd.f32 v12, v5  }
0xa6: {  	v27 =	vld [tilespmem:s30+$0x18E40];
	v44 =	vmul.f32 v33, v3;
	v7 =	vadd.f32 v7, v13;
	v8 =	vadd.f32 v8, v15  }
0xa7: {  	v35 =	vld [tilespmem:s30+$0x18E50];
	v54 =	vmul.f32 v48, v0;
	v10 =	vadd.f32 v10, v16;
	v9 =	vadd.f32 v11, v9  }
0xa8: {  	v42 =	vld [tilespmem:s30+$0x18E70];
	v28 =	vmul.f32 v48, v4;
	v14 =	vadd.f32 v14, v59;
	v17 =	vadd.f32 v17, v18  }
0xa9: {  	v13 =	vmul.f32 v56, v4;
	v12 =	vadd.f32 v55, v19;
	v15 =	vadd.f32 v57, v60  }
0xaa: {  	v58 =	vld [tilespmem:s30+$0x18DC0];
	v21 =	vadd.f32 v21, v23;
	v18 =	vmul.f32 v61, v4;
	v34 =	vadd.f32 v62, v32  }
0xab: {  	v20 =	vld [tilespmem:s30+$0x18DD0];
	v40 =	vadd.f32 v24, v36;
	v43 =	vadd.f32 v26, v39;
	v23 =	vmul.f32 v33, v4  }
0xac: {  	v63 =	vld [tilespmem:s30+$0x18E00];
	v47 =	vadd.f32 v27, v41;
	v50 =	vadd.f32 v35, v44;
	v5 =	vmax.f32 v5, $0.0e+00  }
0xad: {  	v22 =	vld [tilespmem:s30+$0x18E10];
	v55 =	vmul.f32 v48, v1;
	v60 =	vadd.f32 v42, v54;
	v7 =	vmax.f32 v7, $0.0e+00;
	[tilespmem:s30+$0x1BF30] =	vst v5  }
0xae: {  	v37 =	vld [tilespmem:s30+$0x18E60];
	v62 =	vmul.f32 v48, v3;
	v35 =	vmul.f32 v29, v0;
	v8 =	vmax.f32 v8, $0.0e+00;
	[tilespmem:s30+$0x1BF40] =	vst v7  }
0xaf: {  	v45 =	vld [tilespmem:s30+$0x18E80];
	v39 =	vmul.f32 v29, v2;
	v42 =	vmul.f32 v29, v3;
	v10 =	vmax.f32 v10, $0.0e+00;
	[tilespmem:s30+$0x1BF50] =	vst v8  }
0xb0: {  	v52 =	vld [tilespmem:s30+$0x18EA0];
	v9 =	vmax.f32 v9, $0.0e+00;
	v14 =	vmax.f32 v14, $0.0e+00;
	v11 =	vadd.f32 v58, v13;
	[tilespmem:s30+$0x1BF60] =	vst v10  }
0xb1: {  	v49 =	vld [tilespmem:s30+$0x18E90];
	v30 =	vmax.f32 v17, $0.0e+00;
	v12 =	vmax.f32 v12, $0.0e+00;
	v17 =	vadd.f32 v20, v31;
	[tilespmem:s30+$0x1BF70] =	vst v9  }
0xb2: {  	v56 =	vld [tilespmem:s30+$0x18EB0];
	v15 =	vmax.f32 v15, $0.0e+00;
	v13 =	vadd.f32 v63, v25;
	v18 =	vadd.f32 v22, v18;
	[tilespmem:s30+$0x1BF80] =	vst v14  }
0xb3: {  	v59 =	vld [tilespmem:s30+$0x18EC0];
	v38 =	vmax.f32 v34, $0.0e+00;
	v46 =	vmax.f32 v40, $0.0e+00;
	v51 =	vadd.f32 v37, v23;
	[tilespmem:s30+$0x1BF90] =	vst v30  }
0xb4: {  	v33 =	vld [tilespmem:s30+$0x18EF0];
	v53 =	vmax.f32 v47, $0.0e+00;
	v57 =	vmax.f32 v50, $0.0e+00;
	v58 =	vmul.f32 v48, v2;
	[tilespmem:s30+$0x1BFA0] =	vst v12  }
0xb5: {  	v36 =	vld [tilespmem:s30+$0x18F00];
	v61 =	vadd.f32 v45, v55;
	v32 =	vadd.f32 v52, v62;
	v20 =	vmul.f32 v29, v4;
	[tilespmem:s30+$0x1BFB0] =	vst v15  }
0xb6: {  	v54 =	vld [tilespmem:s30+$0x18F50];
	v7 =	vmax.f32 v21, $0.0e+00;
	v9 =	vmax.f32 v43, $0.0e+00;
	[tilespmem:s30+$0x1BFF0] =	vst v38;
	v38 =	vmul.f32 v29, v1  }
0xb7: {  	v63 =	vld [tilespmem:s30+$0x18ED0];
	[tilespmem:s30+$0x1C020] =	vst v46;
	v29 =	vbroadcast v6, $0x7;
	v11 =	vmax.f32 v11, $0.0e+00;
	v5 =	vmax.f32 v17, $0.0e+00  }
0xb8: {  	v40 =	vld [tilespmem:s30+$0x18F10];
	v13 =	vmax.f32 v13, $0.0e+00;
	v10 =	vmax.f32 v18, $0.0e+00;
	v16 =	vmax.f32 v51, $0.0e+00;
	[tilespmem:s30+$0x1BFE0] =	vst v7  }
0xb9: {  	v50 =	vld [tilespmem:s30+$0x18F40];
	v7 =	vmax.f32 v60, $0.0e+00;
	v31 =	vmax.f32 v61, $0.0e+00;
	[tilespmem:s30+$0x1BFD0] =	vst v5;
	v5 =	vadd.f32 v49, v58  }
0xba: {  	v30 =	vld [tilespmem:s30+$0x18EE0];
	[tilespmem:s30+$0x1C040] =	vst v53;
	v37 =	vmax.f32 v32, $0.0e+00;
	v34 =	vadd.f32 v56, v28;
	v41 =	vadd.f32 v59, v35  }
0xbb: {  	v43 =	vld [tilespmem:s30+$0x18F20];
	[tilespmem:s30+$0x1C050] =	vst v57;
	v49 =	vbroadcast v6, $0x6;
	v53 =	vadd.f32 v36, v20;
	v36 =	vmul.f32 v29, v1  }
0xbc: {  	v46 =	vld [tilespmem:s30+$0x18F30];
	v48 =	vadd.f32 v33, v42;
	[tilespmem:s30+$0x1C0A0] =	vst v37;
	v37 =	vmul.f32 v29, v2;
	v19 =	vmul.f32 v29, v4  }
0xbd: {  	v57 =	vld [tilespmem:s30+$0x18F60];
	[tilespmem:s30+$0x1C030] =	vst v9;
	v5 =	vmax.f32 v5, $0.0e+00;
	v8 =	vmax.f32 v34, $0.0e+00;
	v44 =	vadd.f32 v63, v38  }
0xbe: {  	v61 =	vld [tilespmem:s30+$0x18F70];
	[tilespmem:s30+$0x1C010] =	vst v10;
	v47 =	vmax.f32 v41, $0.0e+00;
	v10 =	vmax.f32 v48, $0.0e+00;
	v55 =	vmul.f32 v49, v0  }
0xbf: {  	v32 =	vld [tilespmem:s30+$0x18FA0];
	[tilespmem:s30+$0x1BFC0] =	vst v11;
	v56 =	vmul.f32 v49, v1;
	v58 =	vmax.f32 v53, $0.0e+00;
	v59 =	vmul.f32 v49, v2  }
0xc0: {  	[tilespmem:s30+$0x1C000] =	vst v13;
	v60 =	vmul.f32 v49, v3;
	v17 =	vmul.f32 v49, v4;
	v45 =	vadd.f32 v30, v39  }
0xc1: {  	[tilespmem:s30+$0x1C070] =	vst v7;
	v34 =	vmul.f32 v29, v0;
	v7 =	vadd.f32 v40, v55;
	v62 =	vadd.f32 v43, v56  }
0xc2: {  	[tilespmem:s30+$0x1C060] =	vst v16;
	v51 =	vmax.f32 v44, $0.0e+00;
	v26 =	vadd.f32 v46, v59;
	v28 =	vadd.f32 v50, v60  }
0xc3: {  	[tilespmem:s30+$0x1C080] =	vst v31;
	v63 =	vld [tilespmem:s30+$0x18F80];
	v31 =	vadd.f32 v54, v17;
	v39 =	vadd.f32 v57, v34;
	v40 =	vmul.f32 v29, v3  }
0xc4: {  	v38 =	vld [tilespmem:s30+$0x18FB0];
	[tilespmem:s30+$0x1C090] =	vst v5;
	v42 =	vadd.f32 v61, v36;
	v44 =	vbroadcast v6, $0x8;
	v17 =	vadd.f32 v32, v19  }
0xc5: {  	v41 =	vld [tilespmem:s30+$0x18FC0];
	[tilespmem:s30+$0x1C0B0] =	vst v8;
	v59 =	vbroadcast v6, $0x9;
	v52 =	vmax.f32 v45, $0.0e+00;
	v5 =	vmax.f32 v7, $0.0e+00  }
0xc6: {  	v30 =	vld [tilespmem:s30+$0x18F90];
	[tilespmem:s30+$0x1C0C0] =	vst v47;
	v7 =	vmax.f32 v62, $0.0e+00;
	v11 =	vmax.f32 v26, $0.0e+00;
	v33 =	vmax.f32 v28, $0.0e+00  }
0xc7: {  	v47 =	vld [tilespmem:s30+$0x18FE0];
	[tilespmem:s30+$0x1C100] =	vst v58;
	v35 =	vmax.f32 v31, $0.0e+00;
	v50 =	vmul.f32 v44, v0;
	v53 =	vmul.f32 v44, v1  }
0xc8: {  	v54 =	vld [tilespmem:s30+$0x19000];
	[tilespmem:s30+$0x1C0D0] =	vst v51;
	v9 =	vmax.f32 v39, $0.0e+00;
	v55 =	vmul.f32 v44, v2;
	v56 =	vmul.f32 v44, v3  }
0xc9: {  	v60 =	vld [tilespmem:s30+$0x19020];
	[tilespmem:s30+$0x1C0E0] =	vst v52;
	v48 =	vmax.f32 v42, $0.0e+00;
	v58 =	vmul.f32 v44, v4;
	v26 =	vmul.f32 v59, v0  }
0xca: {  	v27 =	vld [tilespmem:s30+$0x19040];
	v52 =	vmax.f32 v17, $0.0e+00;
	v36 =	vmul.f32 v59, v3;
	v20 =	vmul.f32 v59, v4;
	[tilespmem:s30+$0x1C110] =	vst v5  }
0xcb: {  	v45 =	vld [tilespmem:s30+$0x18FD0];
	v43 =	vadd.f32 v63, v37;
	[tilespmem:s30+$0x1C140] =	vst v33;
	v33 =	vmul.f32 v59, v2;
	v46 =	vadd.f32 v30, v40  }
0xcc: {  	v51 =	vld [tilespmem:s30+$0x18FF0];
	[tilespmem:s30+$0x1C120] =	vst v7;
	v5 =	vadd.f32 v38, v50;
	v7 =	vadd.f32 v41, v53;
	v30 =	vmul.f32 v59, v1  }
0xcd: {  	v25 =	vld [tilespmem:s30+$0x19220];
	[tilespmem:s30+$0x1C0F0] =	vst v10;
	v62 =	vadd.f32 v47, v56;
	v40 =	vbroadcast v6, $0xA;
	v56 =	vbroadcast v6, $0xB  }
0xce: {  	v57 =	vld [tilespmem:s30+$0x19010];
	[tilespmem:s30+$0x1C130] =	vst v11;
	v49 =	vmax.f32 v43, $0.0e+00;
	v32 =	vadd.f32 v54, v26;
	v39 =	vadd.f32 v60, v33  }
0xcf: {  	v34 =	vld [tilespmem:s30+$0x19050];
	[tilespmem:s30+$0x1C150] =	vst v35;
	v43 =	vadd.f32 v27, v20;
	v14 =	vmax.f32 v46, $0.0e+00;
	v5 =	vmax.f32 v5, $0.0e+00  }
0xd0: {  	v44 =	vld [tilespmem:s30+$0x19080];
	[tilespmem:s30+$0x1C160] =	vst v9;
	v61 =	vadd.f32 v45, v55;
	v7 =	vmax.f32 v7, $0.0e+00;
	v45 =	vmul.f32 v40, v0  }
0xd1: {  	v63 =	vld [tilespmem:s30+$0x19030];
	v24 =	vadd.f32 v51, v58;
	[tilespmem:s30+$0x1C180] =	vst v49;
	v46 =	vmul.f32 v40, v1;
	v49 =	vmul.f32 v40, v2  }
0xd2: {  	v37 =	vld [tilespmem:s30+$0x19060];
	[tilespmem:s30+$0x1C1A0] =	vst v52;
	v29 =	vmax.f32 v62, $0.0e+00;
	v52 =	vmul.f32 v40, v3;
	v55 =	vmul.f32 v40, v4  }
0xd3: {  	[tilespmem:s30+$0x1C170] =	vst v48;
	v41 =	vld [tilespmem:s30+$0x19070];
	v35 =	vadd.f32 v57, v30;
	v62 =	vmul.f32 v56, v0;
	v30 =	vmul.f32 v56, v2  }
0xd4: {  	v47 =	vld [tilespmem:s30+$0x19090];
	v33 =	vmul.f32 v56, v3;
	v17 =	vmul.f32 v56, v4;
	v38 =	vmax.f32 v32, $0.0e+00;
	[tilespmem:s30+$0x1C190] =	vst v14  }
0xd5: {  	v50 =	vld [tilespmem:s30+$0x190A0];
	v13 =	vmax.f32 v39, $0.0e+00;
	v48 =	vmax.f32 v43, $0.0e+00;
	[tilespmem:s30+$0x1C1E0] =	vst v29;
	v29 =	vmul.f32 v56, v1  }
0xd6: {  	v53 =	vld [tilespmem:s30+$0x190B0];
	[tilespmem:s30+$0x1C1B0] =	vst v5;
	v39 =	vbroadcast v6, $0xC;
	v28 =	vmax.f32 v61, $0.0e+00;
	v42 =	vadd.f32 v63, v36  }
0xd7: {  	v60 =	vld [tilespmem:s30+$0x190D0];
	[tilespmem:s30+$0x1C1C0] =	vst v7;
	v31 =	vmax.f32 v24, $0.0e+00;
	v7 =	vadd.f32 v34, v45;
	v51 =	vadd.f32 v37, v46  }
0xd8: {  	v57 =	vld [tilespmem:s30+$0x190C0];
	v10 =	vmax.f32 v35, $0.0e+00;
	v59 =	vadd.f32 v44, v52;
	[tilespmem:s30+$0x1C200] =	vst v38;
	v54 =	vadd.f32 v41, v49  }
0xd9: {  	v40 =	vld [tilespmem:s30+$0x19120];
	[tilespmem:s30+$0x1C220] =	vst v13;
	v61 =	vadd.f32 v47, v55;
	v44 =	vmul.f32 v39, v0;
	v45 =	vmul.f32 v39, v1  }
0xda: {  	v43 =	vld [tilespmem:s30+$0x19130];
	[tilespmem:s30+$0x1C240] =	vst v48;
	v32 =	vadd.f32 v50, v62;
	v48 =	vmul.f32 v39, v2;
	v49 =	vmul.f32 v39, v3  }
0xdb: {  	v63 =	vld [tilespmem:s30+$0x190E0];
	[tilespmem:s30+$0x1C1D0] =	vst v28;
	v35 =	vadd.f32 v53, v29;
	v53 =	vbroadcast v6, $0xD;
	v15 =	vmul.f32 v39, v4  }
0xdc: {  	v34 =	vld [tilespmem:s30+$0x19100];
	[tilespmem:s30+$0x1C1F0] =	vst v31;
	v5 =	vmax.f32 v42, $0.0e+00;
	v7 =	vmax.f32 v7, $0.0e+00;
	v58 =	vmax.f32 v51, $0.0e+00  }
0xdd: {  	v37 =	vld [tilespmem:s30+$0x19110];
	[tilespmem:s30+$0x1C210] =	vst v10;
	v28 =	vmax.f32 v59, $0.0e+00;
	v38 =	vadd.f32 v60, v33;
	v8 =	vmax.f32 v54, $0.0e+00  }
0xde: {  	v46 =	vld [tilespmem:s30+$0x19140];
	v9 =	vmax.f32 v61, $0.0e+00;
	v36 =	vadd.f32 v57, v30;
	[tilespmem:s30+$0x1C230] =	vst v5;
	v59 =	vmul.f32 v53, v0  }
0xdf: {  	v31 =	vld [tilespmem:s30+$0x190F0];
	v5 =	vmax.f32 v32, $0.0e+00;
	[tilespmem:s30+$0x1C250] =	vst v7;
	v61 =	vmul.f32 v53, v1;
	v62 =	vmul.f32 v53, v2  }
0xe0: {  	v50 =	vld [tilespmem:s30+$0x19150];
	v13 =	vmax.f32 v35, $0.0e+00;
	[tilespmem:s30+$0x1C260] =	vst v58;
	v29 =	vmul.f32 v53, v3;
	v30 =	vbroadcast v6, $0xE  }
0xe1: {  	v60 =	vld [tilespmem:s30+$0x19180];
	[tilespmem:s30+$0x1C280] =	vst v28;
	v56 =	vadd.f32 v40, v49;
	v33 =	vmul.f32 v53, v4;
	v6 =	vbroadcast v6, $0xF  }
0xe2: {  	v7 =	vmax.f32 v38, $0.0e+00;
	[tilespmem:s30+$0x1C2A0] =	vst v5;
	v15 =	vadd.f32 v43, v15;
	v5 =	vld [tilespmem:s19+$0x18CA0];
	v42 =	vadd.f32 v63, v17  }
0xe3: {  	v54 =	vld [tilespmem:s30+$0x19160];
	[tilespmem:s30+$0x1C270] =	vst v8;
	s19 =	sor.u32 $0x10, s19;
	v41 =	vmax.f32 v36, $0.0e+00;
	v52 =	vadd.f32 v34, v45;
	v55 =	vadd.f32 v37, v48  }
0xe4: {  	v57 =	vld [tilespmem:s30+$0x19170];
	[tilespmem:s30+$0x1C290] =	vst v9;
	v10 =	vadd.f32 v46, v59;
	s19 =	smul.u32 $0x50, s19;
	v36 =	vmul.f32 v30, v0;
	v46 =	vmul.f32 v30, v1  }
0xe5: {  	[tilespmem:s30+$0x1C2B0] =	vst v13;
	v16 =	vmax.f32 v56, $0.0e+00;
	v63 =	vld [tilespmem:s30+$0x19190];
	v49 =	vmul.f32 v30, v2;
	v59 =	vmul.f32 v30, v3  }
0xe6: {  	[tilespmem:s30+$0x1C2D0] =	vst v7;
	v51 =	vadd.f32 v31, v44;
	v32 =	vadd.f32 v50, v61;
	v61 =	vmul.f32 v30, v4;
	v37 =	vld [tilespmem:s19+$0x18D30]  }
0xe7: {  	[tilespmem:s30+$0x1C2C0] =	vst v41;
	v28 =	vmax.f32 v15, $0.0e+00;
	v30 =	vmul.f32 v6, v1;
	v41 =	vld [tilespmem:s19+$0x18D40];
	v40 =	vbroadcast v5, $0x0  }
0xe8: {  	[tilespmem:s30+$0x1C320] =	vst v16;
	v47 =	vmax.f32 v42, $0.0e+00;
	v58 =	vmax.f32 v52, $0.0e+00;
	v12 =	vmax.f32 v55, $0.0e+00;
	v45 =	vld [tilespmem:s19+$0x18D50]  }
0xe9: {  	v7 =	vmax.f32 v10, $0.0e+00;
	v39 =	vadd.f32 v60, v33;
	v48 =	vld [tilespmem:s19+$0x18D60];
	[tilespmem:s30+$0x1C2E0] =	vst v47;
	v47 =	vmul.f32 v40, v0  }
0xea: {  	[tilespmem:s30+$0x1C330] =	vst v28;
	v28 =	vmul.f32 v6, v0;
	v8 =	vmax.f32 v51, $0.0e+00;
	v51 =	vld [tilespmem:s19+$0x18D70];
	v50 =	vmul.f32 v40, v1  }
0xeb: {  	v34 =	vld [tilespmem:s30+$0x191B0];
	v35 =	vadd.f32 v54, v62;
	[tilespmem:s30+$0x1C300] =	vst v58;
	v53 =	vmul.f32 v40, v2;
	v18 =	vadd.f32 v47, v37  }
0xec: {  	v31 =	vld [tilespmem:s30+$0x191A0];
	v15 =	vadd.f32 v57, v29;
	[tilespmem:s30+$0x1C340] =	vst v7;
	v56 =	vmul.f32 v40, v3;
	v55 =	vadd.f32 v41, v50  }
0xed: {  	v52 =	vld [tilespmem:s30+$0x191C0];
	[tilespmem:s30+$0x1C2F0] =	vst v8;
	v13 =	vmul.f32 v40, v4;
	v57 =	vadd.f32 v45, v53;
	v18 =	vmax.f32 v18, $0.0e+00  }
0xee: {  	v60 =	vld [tilespmem:s30+$0x191F0];
	v38 =	vmax.f32 v32, $0.0e+00;
	v20 =	vadd.f32 v48, v56;
	v19 =	vmax.f32 v55, $0.0e+00;
	[tilespmem:s19+$0x1BF30] =	vst v18  }
0xef: {  	v54 =	vld [tilespmem:s30+$0x191D0];
	v10 =	vmax.f32 v39, $0.0e+00;
	v13 =	vadd.f32 v51, v13;
	v8 =	vmax.f32 v57, $0.0e+00;
	[tilespmem:s19+$0x1BF40] =	vst v19  }
0xf0: {  	v58 =	vld [tilespmem:s30+$0x191E0];
	v21 =	vbroadcast v5, $0xA;
	v42 =	vmax.f32 v35, $0.0e+00;
	v24 =	vmax.f32 v20, $0.0e+00;
	[tilespmem:s19+$0x1BF50] =	vst v8  }
0xf1: {  	v62 =	vld [tilespmem:s30+$0x19200];
	v43 =	vmax.f32 v15, $0.0e+00;
	v44 =	vadd.f32 v63, v36;
	v26 =	vmax.f32 v13, $0.0e+00;
	[tilespmem:s19+$0x1BF60] =	vst v24  }
0xf2: {  	v7 =	vadd.f32 v34, v49;
	v63 =	vld [tilespmem:s30+$0x19210];
	v34 =	vmul.f32 v6, v3;
	v49 =	vbroadcast v5, $0x2;
	[tilespmem:s19+$0x1BF70] =	vst v26  }
0xf3: {  	[tilespmem:s30+$0x1C310] =	vst v12;
	v12 =	vadd.f32 v31, v46;
	v31 =	vmul.f32 v6, v2;
	v6 =	vmul.f32 v6, v4;
	v32 =	vld [tilespmem:s30+$0x19280]  }
0xf4: {  	[tilespmem:s30+$0x1C350] =	vst v38;
	v15 =	vmax.f32 v44, $0.0e+00;
	v14 =	vadd.f32 v52, v59;
	v7 =	vmax.f32 v7, $0.0e+00;
	v35 =	vld [tilespmem:s30+$0x19290]  }
0xf5: {  	[tilespmem:s30+$0x1C380] =	vst v10;
	v9 =	vadd.f32 v60, v30;
	v60 =	vmul.f32 v49, v1;
	v16 =	vadd.f32 v54, v61;
	v38 =	vld [tilespmem:s30+$0x192A0]  }
0xf6: {  	[tilespmem:s30+$0x1C360] =	vst v42;
	v12 =	vmax.f32 v12, $0.0e+00;
	v33 =	vadd.f32 v58, v28;
	v36 =	vadd.f32 v62, v31;
	v39 =	vld [tilespmem:s30+$0x192B0]  }
0xf7: {  	[tilespmem:s30+$0x1C370] =	vst v43;
	v37 =	vbroadcast v5, $0x1;
	v6 =	vadd.f32 v25, v6;
	v56 =	vmul.f32 v49, v0;
	v41 =	vld [tilespmem:s30+$0x192C0]  }
0xf8: {  	[tilespmem:s30+$0x1C390] =	vst v15;
	v62 =	vmul.f32 v49, v2;
	v27 =	vmax.f32 v14, $0.0e+00;
	v9 =	vmax.f32 v9, $0.0e+00;
	v43 =	vld [tilespmem:s30+$0x192D0]  }
0xf9: {  	[tilespmem:s30+$0x1C3B0] =	vst v7;
	v29 =	vmax.f32 v16, $0.0e+00;
	v11 =	vmax.f32 v33, $0.0e+00;
	v40 =	vmul.f32 v37, v0;
	v46 =	vld [tilespmem:s30+$0x192E0]  }
0xfa: {  	[tilespmem:s30+$0x1C3A0] =	vst v12;
	v14 =	vadd.f32 v63, v34;
	v42 =	vmul.f32 v37, v1;
	v44 =	vmul.f32 v37, v2;
	v50 =	vld [tilespmem:s30+$0x192F0]  }
0xfb: {  	v10 =	vmax.f32 v36, $0.0e+00;
	[tilespmem:s30+$0x1C3C0] =	vst v27;
	v45 =	vmul.f32 v37, v3;
	v48 =	vmul.f32 v37, v4;
	v54 =	vld [tilespmem:s30+$0x19300]  }
0xfc: {  	v6 =	vmax.f32 v6, $0.0e+00;
	[tilespmem:s30+$0x1C3F0] =	vst v9;
	v16 =	vmul.f32 v49, v4;
	v27 =	vbroadcast v5, $0x3;
	v57 =	vld [tilespmem:s30+$0x19310]  }
0xfd: {  	[tilespmem:s30+$0x1C3D0] =	vst v29;
	v24 =	vmul.f32 v49, v3;
	v7 =	vmax.f32 v14, $0.0e+00;
	v25 =	vld [tilespmem:s30+$0x19330];
	v12 =	vadd.f32 v32, v40  }
0xfe: {  	[tilespmem:s30+$0x1C3E0] =	vst v11;
	v28 =	vld [tilespmem:s30+$0x19340];
	v33 =	vmul.f32 v27, v0;
	v47 =	vadd.f32 v35, v42;
	v52 =	vadd.f32 v38, v44  }
0xff: {  	[tilespmem:s30+$0x1C400] =	vst v10;
	v34 =	vmul.f32 v27, v1;
	v53 =	vadd.f32 v39, v45;
	v55 =	vadd.f32 v41, v48  }
0x100: {  	[tilespmem:s30+$0x1C420] =	vst v6;
	v37 =	vmul.f32 v27, v2;
	v61 =	vadd.f32 v43, v56;
	v6 =	vadd.f32 v46, v60  }
0x101: {  	v63 =	vld [tilespmem:s30+$0x19320];
	[tilespmem:s30+$0x1C410] =	vst v7;
	v26 =	vadd.f32 v50, v62;
	v29 =	vadd.f32 v54, v24;
	v51 =	vmax.f32 v12, $0.0e+00  }
0x102: {  	v31 =	vld [tilespmem:s30+$0x19350];
	v30 =	vadd.f32 v57, v16;
	v39 =	vadd.f32 v25, v34;
	v8 =	vmax.f32 v47, $0.0e+00;
	[tilespmem:s30+$0x1C480] =	vst v51  }
0x103: {  	v35 =	vld [tilespmem:s30+$0x19360];
	v40 =	vmul.f32 v27, v3;
	v42 =	vadd.f32 v28, v37;
	v58 =	vmax.f32 v52, $0.0e+00;
	[tilespmem:s30+$0x1C490] =	vst v8  }
0x104: {  	v38 =	vld [tilespmem:s30+$0x19370];
	v43 =	vmul.f32 v27, v4;
	v44 =	vbroadcast v5, $0x4;
	v59 =	vmax.f32 v53, $0.0e+00;
	[tilespmem:s30+$0x1C4A0] =	vst v58  }
0x105: {  	v41 =	vld [tilespmem:s30+$0x19380];
	v7 =	vmax.f32 v55, $0.0e+00;
	v9 =	vmax.f32 v61, $0.0e+00;
	v6 =	vmax.f32 v6, $0.0e+00;
	[tilespmem:s30+$0x1C4B0] =	vst v59  }
0x106: {  	v45 =	vld [tilespmem:s30+$0x19390];
	v32 =	vmax.f32 v26, $0.0e+00;
	v36 =	vmax.f32 v30, $0.0e+00;
	v49 =	vmul.f32 v44, v0;
	[tilespmem:s30+$0x1C4C0] =	vst v7  }
0x107: {  	v50 =	vld [tilespmem:s30+$0x193B0];
	v46 =	vadd.f32 v31, v40;
	v52 =	vmul.f32 v44, v1;
	v53 =	vmul.f32 v44, v2;
	[tilespmem:s30+$0x1C4D0] =	vst v9  }
0x108: {  	v54 =	vld [tilespmem:s30+$0x193C0];
	v56 =	vmul.f32 v44, v3;
	v62 =	vmul.f32 v44, v4;
	v7 =	vadd.f32 v63, v33;
	[tilespmem:s30+$0x1C4E0] =	vst v6  }
0x109: {  	v57 =	vld [tilespmem:s30+$0x193D0];
	v8 =	vmax.f32 v29, $0.0e+00;
	[tilespmem:s30+$0x1C4F0] =	vst v32;
	v9 =	vmax.f32 v42, $0.0e+00;
	v59 =	vbroadcast v5, $0x5  }
0x10a: {  	v47 =	vld [tilespmem:s30+$0x193A0];
	[tilespmem:s30+$0x1C510] =	vst v36;
	v51 =	vmax.f32 v46, $0.0e+00;
	v6 =	vmax.f32 v7, $0.0e+00;
	v7 =	vmax.f32 v39, $0.0e+00  }
0x10b: {  	v60 =	vld [tilespmem:s30+$0x193E0];
	[tilespmem:s30+$0x1C500] =	vst v8;
	v48 =	vadd.f32 v35, v43;
	v55 =	vadd.f32 v38, v49;
	v25 =	vmul.f32 v59, v0  }
0x10c: {  	v26 =	vld [tilespmem:s30+$0x19400];
	[tilespmem:s30+$0x1C540] =	vst v9;
	v58 =	vadd.f32 v45, v53;
	v29 =	vmul.f32 v59, v1;
	v32 =	vmul.f32 v59, v2  }
0x10d: {  	v34 =	vld [tilespmem:s30+$0x19420];
	[tilespmem:s30+$0x1C550] =	vst v51;
	v28 =	vadd.f32 v50, v62;
	v33 =	vmul.f32 v59, v3;
	v36 =	vmul.f32 v59, v4  }
0x10e: {  	v63 =	vld [tilespmem:s30+$0x193F0];
	v39 =	vbroadcast v5, $0x6;
	[tilespmem:s30+$0x1C520] =	vst v6;
	v6 =	vadd.f32 v41, v52;
	v10 =	vmax.f32 v48, $0.0e+00  }
0x10f: {  	v37 =	vld [tilespmem:s30+$0x19430];
	[tilespmem:s30+$0x1C530] =	vst v7;
	v7 =	vmax.f32 v55, $0.0e+00;
	v61 =	vadd.f32 v47, v56;
	v24 =	vmax.f32 v58, $0.0e+00  }
0x110: {  	v30 =	vld [tilespmem:s30+$0x19410];
	v31 =	vadd.f32 v54, v25;
	v35 =	vadd.f32 v57, v29;
	v46 =	vmul.f32 v39, v0;
	[tilespmem:s30+$0x1C560] =	vst v10  }
0x111: {  	v40 =	vld [tilespmem:s30+$0x19440];
	v43 =	vadd.f32 v26, v36;
	v47 =	vmul.f32 v39, v1;
	v48 =	vmul.f32 v39, v2;
	[tilespmem:s30+$0x1C570] =	vst v7  }
0x112: {  	v44 =	vld [tilespmem:s30+$0x19450];
	v51 =	vmul.f32 v39, v3;
	v14 =	vmul.f32 v39, v4;
	v6 =	vmax.f32 v6, $0.0e+00;
	[tilespmem:s30+$0x1C590] =	vst v24  }
0x113: {  	v55 =	vbroadcast v5, $0x7;
	v7 =	vmax.f32 v28, $0.0e+00;
	v38 =	vadd.f32 v63, v33;
	[tilespmem:s30+$0x1C580] =	vst v6  }
0x114: {  	v49 =	vld [tilespmem:s30+$0x19460];
	v27 =	vmax.f32 v61, $0.0e+00;
	v6 =	vadd.f32 v60, v32;
	v41 =	vmax.f32 v31, $0.0e+00;
	[tilespmem:s30+$0x1C5B0] =	vst v7  }
0x115: {  	v59 =	vld [tilespmem:s30+$0x19490];
	v42 =	vmax.f32 v35, $0.0e+00;
	v50 =	vadd.f32 v30, v46;
	v53 =	vadd.f32 v34, v47;
	[tilespmem:s30+$0x1C5A0] =	vst v27  }
0x116: {  	v52 =	vld [tilespmem:s30+$0x19470];
	v7 =	vmax.f32 v43, $0.0e+00;
	v54 =	vadd.f32 v37, v48;
	v57 =	vadd.f32 v40, v51;
	[tilespmem:s30+$0x1C5C0] =	vst v41  }
0x117: {  	v56 =	vld [tilespmem:s30+$0x19480];
	v58 =	vadd.f32 v44, v14;
	v62 =	vmul.f32 v55, v0;
	v25 =	vmul.f32 v55, v1;
	[tilespmem:s30+$0x1C5D0] =	vst v42  }
0x118: {  	v26 =	vld [tilespmem:s30+$0x194B0];
	v28 =	vmul.f32 v55, v3;
	v31 =	vmul.f32 v55, v4;
	v45 =	vmax.f32 v38, $0.0e+00;
	[tilespmem:s30+$0x1C600] =	vst v7  }
0x119: {  	v36 =	vld [tilespmem:s30+$0x194E0];
	v32 =	vbroadcast v5, $0x8;
	v27 =	vmul.f32 v55, v2;
	v6 =	vmax.f32 v6, $0.0e+00;
	[tilespmem:s30+$0x1C5F0] =	vst v45  }
0x11a: {  	v63 =	vld [tilespmem:s30+$0x194A0];
	v60 =	vmax.f32 v53, $0.0e+00;
	v61 =	vmax.f32 v54, $0.0e+00;
	v7 =	vmax.f32 v57, $0.0e+00;
	[tilespmem:s30+$0x1C5E0] =	vst v6  }
0x11b: {  	v33 =	vld [tilespmem:s30+$0x194D0];
	v24 =	vmax.f32 v58, $0.0e+00;
	v30 =	vadd.f32 v52, v25;
	v38 =	vmul.f32 v32, v0;
	[tilespmem:s30+$0x1C620] =	vst v60  }
0x11c: {  	v39 =	vld [tilespmem:s30+$0x194F0];
	v35 =	vadd.f32 v59, v28;
	v42 =	vmul.f32 v32, v1;
	v44 =	vmul.f32 v32, v2;
	[tilespmem:s30+$0x1C630] =	vst v61  }
0x11d: {  	v29 =	vld [tilespmem:s30+$0x194C0];
	v46 =	vmul.f32 v32, v3;
	v15 =	vmul.f32 v32, v4;
	v6 =	vmax.f32 v50, $0.0e+00;
	[tilespmem:s30+$0x1C640] =	vst v7  }
0x11e: {  	v34 =	vadd.f32 v56, v27;
	v27 =	vmul.f32 v21, v0;
	[tilespmem:s30+$0x1C610] =	vst v6;
	v6 =	vadd.f32 v49, v62  }
0x11f: {  	v22 =	vld [tilespmem:s30+$0x19570];
	[tilespmem:s30+$0x1C650] =	vst v24;
	v7 =	vmax.f32 v30, $0.0e+00;
	v37 =	vadd.f32 v63, v31;
	v41 =	vmax.f32 v35, $0.0e+00  }
0x120: {  	v47 =	vld [tilespmem:s30+$0x19510];
	v43 =	vadd.f32 v26, v38;
	v48 =	vadd.f32 v33, v44;
	v49 =	vbroadcast v5, $0x9;
	[tilespmem:s30+$0x1C670] =	vst v7  }
0x121: {  	v45 =	vld [tilespmem:s30+$0x19500];
	v51 =	vadd.f32 v36, v46;
	v52 =	vadd.f32 v39, v15;
	v40 =	vmax.f32 v34, $0.0e+00;
	[tilespmem:s30+$0x1C690] =	vst v41  }
0x122: {  	v53 =	vld [tilespmem:s30+$0x19530];
	v30 =	vmul.f32 v21, v2;
	v7 =	vadd.f32 v29, v42;
	v6 =	vmax.f32 v6, $0.0e+00;
	[tilespmem:s30+$0x1C680] =	vst v40  }
0x123: {  	v25 =	vld [tilespmem:s30+$0x19580];
	v29 =	vmul.f32 v21, v1;
	v34 =	vmul.f32 v21, v3;
	v8 =	vmax.f32 v43, $0.0e+00;
	[tilespmem:s30+$0x1C660] =	vst v6  }
0x124: {  	v28 =	vld [tilespmem:s30+$0x19590];
	v54 =	vmul.f32 v49, v0;
	v55 =	vmul.f32 v49, v1;
	v57 =	vmax.f32 v51, $0.0e+00;
	[tilespmem:s30+$0x1C6B0] =	vst v8  }
0x125: {  	v56 =	vld [tilespmem:s30+$0x19540];
	v58 =	vmax.f32 v52, $0.0e+00;
	v59 =	vmul.f32 v49, v2;
	v62 =	vmul.f32 v49, v3;
	[tilespmem:s30+$0x1C6E0] =	vst v57  }
0x126: {  	v60 =	vld [tilespmem:s30+$0x19550];
	v11 =	vmul.f32 v49, v4;
	v36 =	vadd.f32 v22, v30;
	v6 =	vmax.f32 v37, $0.0e+00;
	[tilespmem:s30+$0x1C6F0] =	vst v58  }
0x127: {  	v50 =	vld [tilespmem:s30+$0x19520];
	v40 =	vmul.f32 v21, v4;
	v7 =	vmax.f32 v7, $0.0e+00;
	v37 =	vbroadcast v5, $0xB;
	[tilespmem:s30+$0x1C6A0] =	vst v6  }
0x128: {  	v39 =	vadd.f32 v25, v34;
	v6 =	vmax.f32 v48, $0.0e+00;
	[tilespmem:s30+$0x1C6C0] =	vst v7;
	v7 =	vadd.f32 v45, v54  }
0x129: {  	v25 =	vbroadcast v5, $0xD;
	v61 =	vadd.f32 v47, v55;
	v42 =	vmax.f32 v36, $0.0e+00;
	[tilespmem:s30+$0x1C6D0] =	vst v6  }
0x12a: {  	v63 =	vld [tilespmem:s30+$0x19560];
	v24 =	vadd.f32 v53, v62;
	v26 =	vadd.f32 v56, v11;
	[tilespmem:s30+$0x1C770] =	vst v42;
	v7 =	vmax.f32 v7, $0.0e+00  }
0x12b: {  	v31 =	vld [tilespmem:s30+$0x195A0];
	v33 =	vadd.f32 v60, v27;
	v45 =	vadd.f32 v28, v40;
	v23 =	vmax.f32 v61, $0.0e+00;
	[tilespmem:s30+$0x1C700] =	vst v7  }
0x12c: {  	v35 =	vld [tilespmem:s30+$0x195B0];
	v56 =	vbroadcast v5, $0xC;
	v6 =	vadd.f32 v50, v59;
	v32 =	vmax.f32 v26, $0.0e+00;
	[tilespmem:s30+$0x1C710] =	vst v23  }
0x12d: {  	v44 =	vld [tilespmem:s30+$0x195E0];
	v43 =	vmul.f32 v37, v0;
	v46 =	vmul.f32 v37, v1;
	v51 =	vmax.f32 v45, $0.0e+00;
	[tilespmem:s30+$0x1C740] =	vst v32  }
0x12e: {  	v38 =	vld [tilespmem:s30+$0x195C0];
	v48 =	vmul.f32 v37, v2;
	v49 =	vmul.f32 v37, v3;
	v6 =	vmax.f32 v6, $0.0e+00;
	[tilespmem:s30+$0x1C790] =	vst v51  }
0x12f: {  	v41 =	vld [tilespmem:s30+$0x195D0];
	v53 =	vmul.f32 v37, v4;
	v30 =	vmul.f32 v25, v0;
	v7 =	vmax.f32 v24, $0.0e+00;
	[tilespmem:s30+$0x1C720] =	vst v6  }
0x130: {  	v57 =	vld [tilespmem:s30+$0x19620];
	v34 =	vmul.f32 v25, v2;
	v6 =	vadd.f32 v63, v29;
	[tilespmem:s30+$0x1C730] =	vst v7;
	v7 =	vmax.f32 v33, $0.0e+00  }
0x131: {  	v60 =	vld [tilespmem:s30+$0x19630];
	v37 =	vmul.f32 v25, v4;
	v52 =	vadd.f32 v35, v46;
	[tilespmem:s30+$0x1C750] =	vst v7;
	v7 =	vmax.f32 v39, $0.0e+00  }
0x132: {  	v47 =	vld [tilespmem:s30+$0x195F0];
	v61 =	vmul.f32 v56, v0;
	v59 =	vadd.f32 v44, v53;
	v6 =	vmax.f32 v6, $0.0e+00;
	[tilespmem:s30+$0x1C780] =	vst v7  }
0x133: {  	v50 =	vld [tilespmem:s30+$0x19600];
	v20 =	vmul.f32 v56, v2;
	v58 =	vmax.f32 v52, $0.0e+00;
	[tilespmem:s30+$0x1C760] =	vst v6;
	v6 =	vadd.f32 v31, v43  }
0x134: {  	v54 =	vld [tilespmem:s30+$0x19610];
	v12 =	vmul.f32 v56, v4;
	v62 =	vmax.f32 v59, $0.0e+00;
	v7 =	vadd.f32 v38, v48;
	[tilespmem:s30+$0x1C7B0] =	vst v58  }
0x135: {  	v22 =	vmul.f32 v56, v3;
	v26 =	vld [tilespmem:s30+$0x19660];
	v55 =	vadd.f32 v41, v49;
	[tilespmem:s30+$0x1C7E0] =	vst v62;
	v6 =	vmax.f32 v6, $0.0e+00  }
0x136: {  	v63 =	vmul.f32 v56, v1;
	v29 =	vld [tilespmem:s30+$0x19670];
	v28 =	vadd.f32 v60, v12;
	[tilespmem:s30+$0x1C7A0] =	vst v6;
	v6 =	vmax.f32 v7, $0.0e+00  }
0x137: {  	v21 =	vld [tilespmem:s30+$0x19640];
	v35 =	vmul.f32 v25, v3;
	v7 =	vmax.f32 v55, $0.0e+00;
	[tilespmem:s30+$0x1C7C0] =	vst v6;
	v6 =	vadd.f32 v47, v61  }
0x138: {  	v23 =	vld [tilespmem:s30+$0x19650];
	v27 =	vadd.f32 v57, v22;
	v32 =	vmax.f32 v28, $0.0e+00;
	[tilespmem:s30+$0x1C7D0] =	vst v7;
	v7 =	vadd.f32 v50, v63  }
0x139: {  	v49 =	vld [tilespmem:s30+$0x196E0];
	v33 =	vmul.f32 v25, v1;
	v24 =	vadd.f32 v54, v20;
	[tilespmem:s30+$0x1C830] =	vst v32;
	v6 =	vmax.f32 v6, $0.0e+00  }
0x13a: {  	v38 =	vbroadcast v5, $0xE;
	v5 =	vbroadcast v5, $0xF;
	v31 =	vld [tilespmem:s30+$0x19680];
	[tilespmem:s30+$0x1C7F0] =	vst v6;
	v6 =	vmax.f32 v7, $0.0e+00  }
0x13b: {  	v36 =	vld [tilespmem:s30+$0x19690];
	v40 =	vadd.f32 v26, v34;
	v41 =	vadd.f32 v29, v35;
	v7 =	vmax.f32 v24, $0.0e+00;
	[tilespmem:s30+$0x1C800] =	vst v6  }
0x13c: {  	v42 =	vld [tilespmem:s30+$0x196B0];
	v43 =	vmul.f32 v38, v0;
	v6 =	vmax.f32 v27, $0.0e+00;
	[tilespmem:s30+$0x1C810] =	vst v7;
	v7 =	vadd.f32 v21, v30  }
0x13d: {  	v39 =	vld [tilespmem:s30+$0x196A0];
	v56 =	vmul.f32 v5, v0;
	v45 =	vmax.f32 v41, $0.0e+00;
	[tilespmem:s30+$0x1C820] =	vst v6;
	v6 =	vadd.f32 v23, v33  }
0x13e: {  	v44 =	vld [tilespmem:s30+$0x196C0];
	v46 =	vmul.f32 v38, v1;
	v48 =	vmul.f32 v38, v2;
	[tilespmem:s30+$0x1C870] =	vst v45;
	v7 =	vmax.f32 v7, $0.0e+00  }
0x13f: {  	v60 =	vadd.f32 v49, v56;
	[tilespmem:s30+$0x1C840] =	vst v7;
	v6 =	vmax.f32 v6, $0.0e+00;
	v7 =	vadd.f32 v31, v37  }
0x140: {  	v51 =	vmul.f32 v38, v3;
	v53 =	vmul.f32 v38, v4;
	v47 =	vld [tilespmem:s30+$0x196D0];
	[tilespmem:s30+$0x1C850] =	vst v6;
	v6 =	vmax.f32 v40, $0.0e+00  }
0x141: {  	v59 =	vld [tilespmem:s30+$0x19720];
	v8 =	vmax.f32 v60, $0.0e+00;
	[tilespmem:s30+$0x1C860] =	vst v6;
	v6 =	vmax.f32 v7, $0.0e+00;
	v7 =	vadd.f32 v36, v43  }
0x142: {  	v52 =	vld [tilespmem:s30+$0x196F0];
	v58 =	vmul.f32 v5, v1;
	v62 =	vmul.f32 v5, v3;
	v50 =	vadd.f32 v39, v46;
	[tilespmem:s30+$0x1C8E0] =	vst v8  }
0x143: {  	v54 =	vld [tilespmem:s30+$0x19700];
	v55 =	vadd.f32 v44, v51;
	[tilespmem:s30+$0x1C880] =	vst v6;
	v6 =	vmax.f32 v7, $0.0e+00;
	v7 =	vadd.f32 v42, v48  }
0x144: {  	v57 =	vld [tilespmem:s30+$0x19710];
	v61 =	vmul.f32 v5, v2;
	v5 =	vmul.f32 v5, v4;
	[tilespmem:s30+$0x1C890] =	vst v6;
	v6 =	vmax.f32 v50, $0.0e+00  }
0x145: {  	[tilespmem:s30+$0x1C8A0] =	vst v6;
	v6 =	vmax.f32 v7, $0.0e+00;
	v7 =	vadd.f32 v47, v53  }
0x146: {  	v5 =	vadd.f32 v59, v5;
	[tilespmem:s30+$0x1C8B0] =	vst v6;
	v6 =	vmax.f32 v55, $0.0e+00  }
0x147: {  	p2 =	por p1, p1;
	[tilespmem:s30+$0x1C8C0] =	vst v6;
	v6 =	vmax.f32 v7, $0.0e+00;
	v7 =	vadd.f32 v52, v58  }
.Ltmp2:
0x148: {  	v5 =	vmax.f32 v5, $0.0e+00;
	[tilespmem:s30+$0x1C8D0] =	vst v6;
	v6 =	vadd.f32 v54, v61;
	(pc) =	sbr.rel @p2 .LBB2_3-.Ltmp2, $4  }
0x149: {  	v63 =	vadd.f32 v57, v62;
	[tilespmem:s30+$0x1C920] =	vst v5;
	v7 =	vmax.f32 v7, $0.0e+00  }
0x14a: {  	[tilespmem:s30+$0x1C8F0] =	vst v7;
	v6 =	vmax.f32 v6, $0.0e+00  }
0x14b: {  	[tilespmem:s30+$0x1C900] =	vst v6;
	v6 =	vmax.f32 v63, $0.0e+00  }
0x14c: {  	p1 =	por $0x0, $0x0;
	[tilespmem:s30+$0x1C910] =	vst v6;
	s30 =	simm.s32 $0x2  }
0x14d: {  	v5 =	vld [tilespmem:$0x18CD0];
	_ =	sdelay $0x3  }
0x14e: {  	v6 =	vld [tilespmem:$0x1A130]  }
0x14f: {  	v7 =	vld [tilespmem:$0x1A140];
	v9 =	vbroadcast v5, $0x0  }
0x150: {  	v8 =	vld [tilespmem:$0x1A150];
	v53 =	vbroadcast v5, $0x1;
	v58 =	vbroadcast v5, $0x2  }
0x151: {  	v10 =	vld [tilespmem:$0x1A160];
	v32 =	vbroadcast v5, $0x3;
	v49 =	vbroadcast v5, $0x4  }
0x152: {  	v11 =	vld [tilespmem:$0x1A170];
	v12 =	vmul.f32 v9, v0;
	v13 =	vmul.f32 v9, v1  }
0x153: {  	v15 =	vld [tilespmem:$0x1A180];
	v14 =	vmul.f32 v9, v2;
	v52 =	vmul.f32 v9, v3  }
0x154: {  	v16 =	vld [tilespmem:$0x1A190];
	v9 =	vmul.f32 v9, v4;
	v56 =	vmul.f32 v53, v0  }
0x155: {  	v54 =	vld [tilespmem:$0x1A1A0];
	v18 =	vmul.f32 v53, v1;
	v57 =	vmul.f32 v53, v2  }
0x156: {  	v55 =	vld [tilespmem:$0x1A1B0];
	v20 =	vmul.f32 v53, v3;
	v61 =	vmul.f32 v58, v0  }
0x157: {  	v19 =	vld [tilespmem:$0x1A1D0];
	v23 =	vmul.f32 v58, v1;
	v26 =	vmul.f32 v58, v2  }
0x158: {  	v21 =	vld [tilespmem:$0x1A1E0];
	v29 =	vmul.f32 v58, v3;
	v38 =	vmul.f32 v32, v0  }
0x159: {  	v22 =	vld [tilespmem:$0x1A1F0];
	v39 =	vmul.f32 v32, v1;
	v42 =	vmul.f32 v32, v2;
	v6 =	vadd.f32 v12, v6  }
0x15a: {  	v60 =	vld [tilespmem:$0x1A200];
	v46 =	vmul.f32 v32, v3;
	v48 =	vmul.f32 v32, v4;
	v7 =	vadd.f32 v7, v13  }
0x15b: {  	v27 =	vld [tilespmem:$0x1A220];
	v8 =	vadd.f32 v8, v14;
	v10 =	vadd.f32 v10, v52;
	v6 =	vmax.f32 v6, $0.0e+00  }
0x15c: {  	v30 =	vld [tilespmem:$0x1A230];
	v9 =	vadd.f32 v11, v9;
	v12 =	vadd.f32 v15, v56;
	v7 =	vmax.f32 v7, $0.0e+00;
	[tilespmem:$0x1D330] =	vst v6  }
0x15d: {  	v36 =	vld [tilespmem:$0x1A250];
	v16 =	vadd.f32 v16, v18;
	v13 =	vmul.f32 v53, v4;
	v8 =	vmax.f32 v8, $0.0e+00;
	[tilespmem:$0x1D340] =	vst v7  }
0x15e: {  	v40 =	vld [tilespmem:$0x1A260];
	v59 =	vadd.f32 v54, v57;
	v11 =	vadd.f32 v55, v20;
	v10 =	vmax.f32 v10, $0.0e+00;
	[tilespmem:$0x1D350] =	vst v8  }
0x15f: {  	v17 =	vld [tilespmem:$0x1A1C0];
	v25 =	vadd.f32 v19, v61;
	v28 =	vadd.f32 v21, v23;
	v9 =	vmax.f32 v9, $0.0e+00;
	[tilespmem:$0x1D360] =	vst v10  }
0x160: {  	v62 =	vld [tilespmem:$0x1A210];
	v18 =	vmul.f32 v58, v4;
	v31 =	vadd.f32 v22, v26;
	v63 =	vmax.f32 v59, $0.0e+00;
	[tilespmem:$0x1D370] =	vst v9  }
0x161: {  	v43 =	vld [tilespmem:$0x1A270];
	v34 =	vadd.f32 v60, v29;
	v45 =	vadd.f32 v30, v39;
	v11 =	vmax.f32 v11, $0.0e+00;
	[tilespmem:$0x1D3A0] =	vst v63  }
0x162: {  	v44 =	vadd.f32 v27, v38;
	v52 =	vadd.f32 v36, v46;
	v37 =	vmax.f32 v31, $0.0e+00;
	[tilespmem:$0x1D3B0] =	vst v11  }
0x163: {  	v54 =	vadd.f32 v40, v48;
	v55 =	vmul.f32 v49, v0;
	v51 =	vmax.f32 v45, $0.0e+00;
	[tilespmem:$0x1D3F0] =	vst v37  }
0x164: {  	v50 =	vld [tilespmem:$0x1A290];
	v58 =	vmul.f32 v49, v1;
	v21 =	vbroadcast v5, $0xA;
	v57 =	vmax.f32 v52, $0.0e+00;
	[tilespmem:$0x1D430] =	vst v51  }
0x165: {  	v33 =	vld [tilespmem:$0x1A240];
	v13 =	vadd.f32 v17, v13;
	v35 =	vadd.f32 v62, v18;
	v6 =	vmax.f32 v12, $0.0e+00;
	[tilespmem:$0x1D450] =	vst v57  }
0x166: {  	v47 =	vld [tilespmem:$0x1A280];
	v59 =	vmul.f32 v49, v2;
	v61 =	vadd.f32 v43, v55;
	v7 =	vmax.f32 v16, $0.0e+00;
	[tilespmem:$0x1D380] =	vst v6  }
0x167: {  	v53 =	vld [tilespmem:$0x1A2A0];
	v62 =	vmul.f32 v49, v3;
	v45 =	vbroadcast v5, $0x6;
	v9 =	vmax.f32 v34, $0.0e+00;
	[tilespmem:$0x1D390] =	vst v7  }
0x168: {  	v56 =	vld [tilespmem:$0x1A2B0];
	v8 =	vmax.f32 v54, $0.0e+00;
	v24 =	vmax.f32 v13, $0.0e+00;
	v6 =	vmax.f32 v25, $0.0e+00;
	[tilespmem:$0x1D400] =	vst v9  }
0x169: {  	v60 =	vld [tilespmem:$0x1A2C0];
	v7 =	vmax.f32 v28, $0.0e+00;
	v41 =	vmax.f32 v35, $0.0e+00;
	v23 =	vadd.f32 v50, v59;
	[tilespmem:$0x1D460] =	vst v8  }
0x16a: {  	v29 =	vld [tilespmem:$0x1A2F0];
	v26 =	vmax.f32 v61, $0.0e+00;
	v28 =	vmul.f32 v49, v4;
	v51 =	vmul.f32 v45, v0;
	[tilespmem:$0x1D3C0] =	vst v24  }
0x16b: {  	v39 =	vld [tilespmem:$0x1A320];
	v54 =	vmul.f32 v45, v2;
	v14 =	vmul.f32 v45, v4;
	[tilespmem:$0x1D3D0] =	vst v6;
	v6 =	vadd.f32 v33, v42  }
0x16c: {  	v43 =	vld [tilespmem:$0x1A330];
	[tilespmem:$0x1D3E0] =	vst v7;
	v7 =	vmax.f32 v44, $0.0e+00;
	v24 =	vbroadcast v5, $0x5;
	v27 =	vadd.f32 v53, v62  }
0x16d: {  	v63 =	vld [tilespmem:$0x1A2D0];
	v53 =	vmul.f32 v45, v1;
	[tilespmem:$0x1D420] =	vst v7;
	v7 =	vadd.f32 v47, v58;
	v33 =	vadd.f32 v56, v28  }
0x16e: {  	v25 =	vld [tilespmem:$0x1A2E0];
	[tilespmem:$0x1D410] =	vst v41;
	v56 =	vmul.f32 v45, v3;
	v6 =	vmax.f32 v6, $0.0e+00;
	v30 =	vmul.f32 v24, v0  }
0x16f: {  	v31 =	vld [tilespmem:$0x1A300];
	[tilespmem:$0x1D470] =	vst v26;
	v32 =	vmax.f32 v27, $0.0e+00;
	v34 =	vmul.f32 v24, v1;
	v37 =	vmul.f32 v24, v2  }
0x170: {  	v49 =	vld [tilespmem:$0x1A350];
	v38 =	vmul.f32 v24, v3;
	v42 =	vmul.f32 v24, v4;
	v58 =	vadd.f32 v39, v53;
	[tilespmem:$0x1D440] =	vst v6  }
0x171: {  	v59 =	vadd.f32 v43, v54;
	v6 =	vmax.f32 v7, $0.0e+00;
	v7 =	vmax.f32 v23, $0.0e+00;
	[tilespmem:$0x1D4A0] =	vst v32  }
0x172: {  	v46 =	vld [tilespmem:$0x1A340];
	v40 =	vmax.f32 v33, $0.0e+00;
	v36 =	vadd.f32 v60, v30;
	v41 =	vadd.f32 v63, v34;
	[tilespmem:$0x1D480] =	vst v6  }
0x173: {  	v22 =	vld [tilespmem:$0x1A470];
	v33 =	vbroadcast v5, $0x8;
	v6 =	vadd.f32 v25, v37;
	v44 =	vadd.f32 v29, v38;
	[tilespmem:$0x1D490] =	vst v7  }
0x174: {  	v55 =	vld [tilespmem:$0x1A360];
	v48 =	vadd.f32 v31, v42;
	[tilespmem:$0x1D4B0] =	vst v40;
	v60 =	vbroadcast v5, $0x7;
	v8 =	vmax.f32 v58, $0.0e+00  }
0x175: {  	v35 =	vld [tilespmem:$0x1A310];
	v12 =	vadd.f32 v49, v14;
	v63 =	vmax.f32 v59, $0.0e+00;
	v49 =	vbroadcast v5, $0x9;
	[tilespmem:$0x1D520] =	vst v8  }
0x176: {  	v27 =	vld [tilespmem:$0x1A3B0];
	[tilespmem:$0x1D530] =	vst v63;
	v39 =	vmul.f32 v33, v0;
	v42 =	vmul.f32 v33, v1;
	v7 =	vmax.f32 v36, $0.0e+00  }
0x177: {  	v61 =	vld [tilespmem:$0x1A380];
	v15 =	vmul.f32 v33, v4;
	v47 =	vmax.f32 v41, $0.0e+00;
	v6 =	vmax.f32 v6, $0.0e+00;
	[tilespmem:$0x1D4C0] =	vst v7  }
0x178: {  	v62 =	vld [tilespmem:$0x1A390];
	v50 =	vmax.f32 v44, $0.0e+00;
	v52 =	vmax.f32 v48, $0.0e+00;
	v23 =	vmul.f32 v60, v0;
	[tilespmem:$0x1D4D0] =	vst v47  }
0x179: {  	v57 =	vld [tilespmem:$0x1A370];
	v25 =	vmax.f32 v12, $0.0e+00;
	v26 =	vmul.f32 v60, v1;
	v28 =	vmul.f32 v60, v2;
	[tilespmem:$0x1D4E0] =	vst v6  }
0x17a: {  	v40 =	vld [tilespmem:$0x1A3F0];
	v29 =	vmul.f32 v60, v3;
	v32 =	vmul.f32 v60, v4;
	v7 =	vadd.f32 v35, v51;
	[tilespmem:$0x1D4F0] =	vst v50  }
0x17b: {  	v24 =	vld [tilespmem:$0x1A3A0];
	v44 =	vmul.f32 v33, v2;
	v54 =	vmul.f32 v49, v0;
	[tilespmem:$0x1D500] =	vst v52;
	v43 =	vadd.f32 v27, v39  }
0x17c: {  	v53 =	vld [tilespmem:$0x1A430];
	v59 =	vmul.f32 v49, v2;
	[tilespmem:$0x1D550] =	vst v25;
	v35 =	vadd.f32 v61, v28;
	v6 =	vmax.f32 v7, $0.0e+00  }
0x17d: {  	v34 =	vld [tilespmem:$0x1A3D0];
	v20 =	vmul.f32 v49, v4;
	v36 =	vadd.f32 v62, v29;
	v8 =	vmax.f32 v43, $0.0e+00;
	[tilespmem:$0x1D510] =	vst v6  }
0x17e: {  	v37 =	vld [tilespmem:$0x1A3E0];
	v27 =	vmul.f32 v21, v0;
	v7 =	vadd.f32 v46, v56;
	v9 =	vmax.f32 v35, $0.0e+00;
	[tilespmem:$0x1D5B0] =	vst v8  }
0x17f: {  	v30 =	vld [tilespmem:$0x1A3C0];
	v31 =	vadd.f32 v57, v26;
	v52 =	vadd.f32 v40, v15;
	v41 =	vmax.f32 v36, $0.0e+00;
	[tilespmem:$0x1D580] =	vst v9  }
0x180: {  	v47 =	vld [tilespmem:$0x1A410];
	v38 =	vadd.f32 v24, v32;
	v6 =	vadd.f32 v55, v23;
	v7 =	vmax.f32 v7, $0.0e+00;
	[tilespmem:$0x1D590] =	vst v41  }
0x181: {  	v60 =	vld [tilespmem:$0x1A450];
	v62 =	vmul.f32 v49, v3;
	v46 =	vmul.f32 v33, v3;
	v58 =	vmax.f32 v52, $0.0e+00;
	[tilespmem:$0x1D540] =	vst v7  }
0x182: {  	v29 =	vmul.f32 v21, v1;
	v48 =	vadd.f32 v34, v44;
	v56 =	vld [tilespmem:$0x1A440];
	v6 =	vmax.f32 v6, $0.0e+00;
	[tilespmem:$0x1D5F0] =	vst v58  }
0x183: {  	v50 =	vld [tilespmem:$0x1A420];
	v55 =	vmul.f32 v49, v1;
	v51 =	vadd.f32 v37, v46;
	v7 =	vmax.f32 v31, $0.0e+00;
	[tilespmem:$0x1D560] =	vst v6  }
0x184: {  	v25 =	vld [tilespmem:$0x1A480];
	v34 =	vmul.f32 v21, v3;
	v40 =	vmul.f32 v21, v4;
	v6 =	vmax.f32 v38, $0.0e+00;
	[tilespmem:$0x1D570] =	vst v7  }
0x185: {  	v24 =	vadd.f32 v53, v62;
	v35 =	vld [tilespmem:$0x1A4B0];
	v61 =	vadd.f32 v47, v55;
	v57 =	vmax.f32 v51, $0.0e+00;
	[tilespmem:$0x1D5A0] =	vst v6  }
0x186: {  	v44 =	vld [tilespmem:$0x1A4E0];
	v37 =	vbroadcast v5, $0xB;
	v7 =	vadd.f32 v30, v42;
	v6 =	vmax.f32 v48, $0.0e+00;
	[tilespmem:$0x1D5E0] =	vst v57  }
0x187: {  	v45 =	vld [tilespmem:$0x1A400];
	v30 =	vmul.f32 v21, v2;
	v23 =	vmax.f32 v61, $0.0e+00;
	v26 =	vadd.f32 v56, v20;
	[tilespmem:$0x1D5D0] =	vst v6  }
0x188: {  	v46 =	vmul.f32 v37, v1;
	v7 =	vmax.f32 v7, $0.0e+00;
	v6 =	vadd.f32 v50, v59;
	[tilespmem:$0x1D610] =	vst v23  }
0x189: {  	v53 =	vmul.f32 v37, v4;
	v36 =	vadd.f32 v22, v30;
	[tilespmem:$0x1D5C0] =	vst v7;
	v32 =	vmax.f32 v26, $0.0e+00  }
0x18a: {  	v63 =	vld [tilespmem:$0x1A460];
	v33 =	vadd.f32 v60, v27;
	v52 =	vadd.f32 v35, v46;
	v6 =	vmax.f32 v6, $0.0e+00;
	[tilespmem:$0x1D640] =	vst v32  }
0x18b: {  	v28 =	vld [tilespmem:$0x1A490];
	v39 =	vadd.f32 v25, v34;
	v59 =	vadd.f32 v44, v53;
	v42 =	vmax.f32 v36, $0.0e+00;
	[tilespmem:$0x1D620] =	vst v6  }
0x18c: {  	v41 =	vld [tilespmem:$0x1A4D0];
	v25 =	vbroadcast v5, $0xD;
	v7 =	vadd.f32 v45, v54;
	v58 =	vmax.f32 v52, $0.0e+00;
	[tilespmem:$0x1D670] =	vst v42  }
0x18d: {  	v31 =	vld [tilespmem:$0x1A4A0];
	v43 =	vmul.f32 v37, v0;
	v49 =	vmul.f32 v37, v3;
	v62 =	vmax.f32 v59, $0.0e+00;
	[tilespmem:$0x1D6B0] =	vst v58  }
0x18e: {  	v38 =	vld [tilespmem:$0x1A4C0];
	v48 =	vmul.f32 v37, v2;
	v56 =	vbroadcast v5, $0xC;
	v7 =	vmax.f32 v7, $0.0e+00;
	[tilespmem:$0x1D6E0] =	vst v62  }
0x18f: {  	v60 =	vld [tilespmem:$0x1A530];
	v34 =	vmul.f32 v25, v2;
	v6 =	vadd.f32 v63, v29;
	[tilespmem:$0x1D600] =	vst v7;
	v7 =	vmax.f32 v24, $0.0e+00  }
0x190: {  	v47 =	vld [tilespmem:$0x1A4F0];
	v37 =	vmul.f32 v25, v4;
	v30 =	vmul.f32 v25, v0;
	[tilespmem:$0x1D630] =	vst v7;
	v7 =	vmax.f32 v33, $0.0e+00  }
0x191: {  	v57 =	vld [tilespmem:$0x1A520];
	v35 =	vmul.f32 v25, v3;
	v45 =	vadd.f32 v28, v40;
	v6 =	vmax.f32 v6, $0.0e+00;
	[tilespmem:$0x1D650] =	vst v7  }
0x192: {  	v50 =	vld [tilespmem:$0x1A500];
	v55 =	vadd.f32 v41, v49;
	v7 =	vmax.f32 v39, $0.0e+00;
	[tilespmem:$0x1D660] =	vst v6;
	v6 =	vadd.f32 v31, v43  }
0x193: {  	v54 =	vld [tilespmem:$0x1A510];
	v12 =	vmul.f32 v56, v4;
	v51 =	vmax.f32 v45, $0.0e+00;
	[tilespmem:$0x1D680] =	vst v7;
	v7 =	vadd.f32 v38, v48  }
0x194: {  	v61 =	vmul.f32 v56, v0;
	v22 =	vmul.f32 v56, v3;
	v26 =	vld [tilespmem:$0x1A560];
	[tilespmem:$0x1D690] =	vst v51;
	v6 =	vmax.f32 v6, $0.0e+00  }
0x195: {  	v63 =	vmul.f32 v56, v1;
	v28 =	vadd.f32 v60, v12;
	v29 =	vld [tilespmem:$0x1A570];
	[tilespmem:$0x1D6A0] =	vst v6;
	v6 =	vmax.f32 v7, $0.0e+00  }
0x196: {  	v21 =	vld [tilespmem:$0x1A540];
	v20 =	vmul.f32 v56, v2;
	v7 =	vmax.f32 v55, $0.0e+00;
	[tilespmem:$0x1D6C0] =	vst v6;
	v6 =	vadd.f32 v47, v61  }
0x197: {  	v23 =	vld [tilespmem:$0x1A550];
	v27 =	vadd.f32 v57, v22;
	v32 =	vmax.f32 v28, $0.0e+00;
	[tilespmem:$0x1D6D0] =	vst v7;
	v7 =	vadd.f32 v50, v63  }
0x198: {  	v49 =	vld [tilespmem:$0x1A5E0];
	v33 =	vmul.f32 v25, v1;
	v24 =	vadd.f32 v54, v20;
	[tilespmem:$0x1D730] =	vst v32;
	v6 =	vmax.f32 v6, $0.0e+00  }
0x199: {  	v31 =	vld [tilespmem:$0x1A580];
	v40 =	vadd.f32 v26, v34;
	v38 =	vbroadcast v5, $0xE;
	[tilespmem:$0x1D6F0] =	vst v6;
	v6 =	vmax.f32 v7, $0.0e+00  }
0x19a: {  	v5 =	vbroadcast v5, $0xF;
	v41 =	vadd.f32 v29, v35;
	v7 =	vmax.f32 v24, $0.0e+00;
	[tilespmem:$0x1D700] =	vst v6  }
0x19b: {  	v36 =	vld [tilespmem:$0x1A590];
	v43 =	vmul.f32 v38, v0;
	v6 =	vmax.f32 v27, $0.0e+00;
	[tilespmem:$0x1D710] =	vst v7;
	v7 =	vadd.f32 v21, v30  }
0x19c: {  	v39 =	vld [tilespmem:$0x1A5A0];
	v56 =	vmul.f32 v5, v0;
	v45 =	vmax.f32 v41, $0.0e+00;
	[tilespmem:$0x1D720] =	vst v6;
	v6 =	vadd.f32 v23, v33  }
0x19d: {  	v42 =	vld [tilespmem:$0x1A5B0];
	v46 =	vmul.f32 v38, v1;
	v48 =	vmul.f32 v38, v2;
	[tilespmem:$0x1D770] =	vst v45;
	v7 =	vmax.f32 v7, $0.0e+00  }
0x19e: {  	v44 =	vld [tilespmem:$0x1A5C0];
	v60 =	vadd.f32 v49, v56;
	[tilespmem:$0x1D740] =	vst v7;
	v6 =	vmax.f32 v6, $0.0e+00;
	v7 =	vadd.f32 v31, v37  }
0x19f: {  	v51 =	vmul.f32 v38, v3;
	v53 =	vmul.f32 v38, v4;
	v47 =	vld [tilespmem:$0x1A5D0];
	[tilespmem:$0x1D750] =	vst v6;
	v6 =	vmax.f32 v40, $0.0e+00  }
0x1a0: {  	v59 =	vld [tilespmem:$0x1A620];
	v8 =	vmax.f32 v60, $0.0e+00;
	[tilespmem:$0x1D760] =	vst v6;
	v6 =	vmax.f32 v7, $0.0e+00;
	v7 =	vadd.f32 v36, v43  }
0x1a1: {  	v52 =	vld [tilespmem:$0x1A5F0];
	v58 =	vmul.f32 v5, v1;
	v62 =	vmul.f32 v5, v3;
	v50 =	vadd.f32 v39, v46;
	[tilespmem:$0x1D7E0] =	vst v8  }
0x1a2: {  	v54 =	vld [tilespmem:$0x1A600];
	v61 =	vmul.f32 v5, v2;
	[tilespmem:$0x1D780] =	vst v6;
	v6 =	vmax.f32 v7, $0.0e+00;
	v7 =	vadd.f32 v42, v48  }
0x1a3: {  	v57 =	vld [tilespmem:$0x1A610];
	v5 =	vmul.f32 v5, v4;
	v55 =	vadd.f32 v44, v51;
	[tilespmem:$0x1D790] =	vst v6;
	v6 =	vmax.f32 v50, $0.0e+00  }
0x1a4: {  	[tilespmem:$0x1D7A0] =	vst v6;
	v6 =	vmax.f32 v7, $0.0e+00;
	v7 =	vadd.f32 v47, v53  }
0x1a5: {  	v5 =	vadd.f32 v59, v5;
	[tilespmem:$0x1D7B0] =	vst v6;
	v6 =	vmax.f32 v55, $0.0e+00  }
0x1a6: {  	p1 =	sne.s32 s29, $0x7C;
	[tilespmem:$0x1D7C0] =	vst v6;
	v6 =	vmax.f32 v7, $0.0e+00;
	v7 =	vadd.f32 v52, v58  }
.Ltmp3:
0x1a7: {  	v5 =	vmax.f32 v5, $0.0e+00;
	[tilespmem:$0x1D7D0] =	vst v6;
	v6 =	vadd.f32 v54, v61;
	(pc) =	sbr.rel @p1 .LBB2_6-.Ltmp3, $4  }
0x1a8: {  	v63 =	vadd.f32 v57, v62;
	[tilespmem:$0x1D820] =	vst v5;
	v7 =	vmax.f32 v7, $0.0e+00  }
0x1a9: {  	[tilespmem:$0x1D7F0] =	vst v7;
	v6 =	vmax.f32 v6, $0.0e+00  }
0x1aa: {  	[tilespmem:$0x1D800] =	vst v6;
	v6 =	vmax.f32 v63, $0.0e+00  }
0x1ab: {  	[tilespmem:$0x1D810] =	vst v6  }
.Ltmp4:
0x1ac: {  	(pc) =	sbr.rel .LBB2_7-.Ltmp4, $2  }
0x1ad: {  	_ =	sdelay $0x2  }
0x1ae: {  	[spmem:s4] =	stream.indirect.scatter.add.f32 [tilespmem:s20], [sflag:$0x5], $0x50, s11, s13, $0xb8;
	[tilespmem:$0x1F180] =	vst v63  }
.LBB2_6:
0x1af: {  	s19 =	smul.u32 $0xA0, s29;
	_ =	sdelay $0x1  }
0x1b0: {  	s19 =	sadd.s32 s19, s23  }
0x1b1: {  	s19 =	sshrl.u32 s19, $0x3  }
0x1b2: {  	s26 =	sadd.s32 s1, s19  }
0x1b3: {  	[tilespmem:s8], [sflag:$0x1] =	stream.linear.gather [hbm4b:s26+s5], $0x50, $0x38;
	[tilespmem:$0x1F180] =	vst v63  }
0x1b4: {  	s26 =	sadd.s32 $0x9C40, s26  }
0x1b5: {  	[tilespmem:s11], [sflag:$0x1] =	stream.linear.gather [hbm4b:s26+s5], $0x50, $0x38;
	[tilespmem:$0x1F180] =	vst v63  }
0x1b6: {  	s19 =	sadd.s32 s6, s19  }
0x1b7: {  	[tilespmem:s12], [sflag:$0x1] =	stream.linear.gather [hbm4b:s19+s5], $0x50, $0x38;
	[tilespmem:$0x1F180] =	vst v63  }
0x1b8: {  	_ = 	snop  }
0x1b9: {  	[spmem:s4] =	stream.indirect.scatter.add.f32 [tilespmem:s20], [sflag:$0x5], $0x50, s11, s13, $0xb8;
	[tilespmem:$0x1F180] =	vst v63  }
0x1ba: {  	_ =	swait.ge [sflag:s31], $0x50  }
0x1bb: {  	[sflag:s31] =	ssyncset.done $0x0  }
0x1bc: {  	[sflag:s31] =	ssyncadd.s32 $0xFFFFFFB0  }
0x1bd: {  	_ =	swait.ge [sflag:s31], $0x50  }
0x1be: {  	[sflag:s31] =	ssyncset.done $0x0  }
.Ltmp5:
0x1bf: {  	[sflag:s31] =	ssyncadd.s32 $0xFFFFFFB0;
	(pc) =	sbr.rel @p0 .LBB2_8-.Ltmp5, $4  }
0x1c0: {  	_ =	swait.ge [sflag:s31], $0x50  }
0x1c1: {  	[sflag:s31] =	ssyncset.done $0x0  }
0x1c2: {  	[sflag:s31] =	ssyncadd.s32 $0xFFFFFFB0  }
0x1c3: {  	[tilespmem:s0], [sflag:$0x3] =	stream.indirect.gather [spmem:s3], $0x50, s8, s13, $0xb8;
	[tilespmem:$0x1F180] =	vst v63  }
.LBB2_7:
0x1c4: {  	_ =	swait.ge [sflag:s21], $0x1900  }
0x1c5: {  	[sflag:s21] =	ssyncset.done $0x0  }
0x1c6: {  	[sflag:s21] =	ssyncadd.s32 $0xFFFFE700  }
.LBB2_8:
0x1c7: {  	_ =	swait.ge [sflag:s22], $0x1900  }
0x1c8: {  	[sflag:s22] =	ssyncset.done $0x0  }
0x1c9: {  	s30 =	simm.s32 $0x0;
	p0 =	por $0x1, $0x1;
	[sflag:s22] =	ssyncadd.s32 $0xFFFFE700  }
.LBB2_9:
0x1ca: {  	s19 =	sshll.u32 s30, $0x4  }
0x1cb: {  	s26 =	sand.u32 $0x3FFFFFF0, s19  }
0x1cc: {  	v6 =	vld [tilespmem:s26+$0x18CE0]  }
0x1cd: {  	s30 =	smul.u32 $0x500, s30;
	_ =	sdelay $0x1  }
0x1ce: {  	v5 =	vld [tilespmem:s30+$0x1A630]  }
0x1cf: {  	v7 =	vld [tilespmem:s30+$0x1A640]  }
0x1d0: {  	v8 =	vld [tilespmem:s30+$0x1A650];
	v9 =	vbroadcast v6, $0x0;
	v56 =	vbroadcast v6, $0x1  }
0x1d1: {  	v10 =	vld [tilespmem:s30+$0x1A660];
	v61 =	vbroadcast v6, $0x2;
	v33 =	vbroadcast v6, $0x3  }
0x1d2: {  	v11 =	vld [tilespmem:s30+$0x1A670];
	v48 =	vbroadcast v6, $0x4;
	v29 =	vbroadcast v6, $0x5  }
0x1d3: {  	v14 =	vld [tilespmem:s30+$0x1A680];
	v12 =	vmul.f32 v9, v0;
	v13 =	vmul.f32 v9, v1  }
0x1d4: {  	v17 =	vld [tilespmem:s30+$0x1A690];
	v15 =	vmul.f32 v9, v2;
	v16 =	vmul.f32 v9, v3  }
0x1d5: {  	v55 =	vld [tilespmem:s30+$0x1A6A0];
	v9 =	vmul.f32 v9, v4;
	v59 =	vmul.f32 v56, v0  }
0x1d6: {  	v57 =	vld [tilespmem:s30+$0x1A6B0];
	v18 =	vmul.f32 v56, v1;
	v19 =	vmul.f32 v56, v2  }
0x1d7: {  	v21 =	vld [tilespmem:s30+$0x1A6E0];
	v60 =	vmul.f32 v56, v3;
	v31 =	vmul.f32 v61, v0  }
0x1d8: {  	v62 =	vld [tilespmem:s30+$0x1A6F0];
	v23 =	vmul.f32 v61, v1;
	v32 =	vmul.f32 v61, v2  }
0x1d9: {  	v24 =	vld [tilespmem:s30+$0x1A720];
	v25 =	vmul.f32 v61, v3;
	v36 =	vmul.f32 v33, v0  }
0x1da: {  	v26 =	vld [tilespmem:s30+$0x1A730];
	v39 =	vmul.f32 v33, v1;
	v41 =	vmul.f32 v33, v2;
	v5 =	vadd.f32 v12, v5  }
0x1db: {  	v27 =	vld [tilespmem:s30+$0x1A740];
	v44 =	vmul.f32 v33, v3;
	v7 =	vadd.f32 v7, v13;
	v8 =	vadd.f32 v8, v15  }
0x1dc: {  	v35 =	vld [tilespmem:s30+$0x1A750];
	v54 =	vmul.f32 v48, v0;
	v10 =	vadd.f32 v10, v16;
	v9 =	vadd.f32 v11, v9  }
0x1dd: {  	v42 =	vld [tilespmem:s30+$0x1A770];
	v28 =	vmul.f32 v48, v4;
	v14 =	vadd.f32 v14, v59;
	v17 =	vadd.f32 v17, v18  }
0x1de: {  	v13 =	vmul.f32 v56, v4;
	v12 =	vadd.f32 v55, v19;
	v15 =	vadd.f32 v57, v60  }
0x1df: {  	v58 =	vld [tilespmem:s30+$0x1A6C0];
	v21 =	vadd.f32 v21, v23;
	v18 =	vmul.f32 v61, v4;
	v34 =	vadd.f32 v62, v32  }
0x1e0: {  	v20 =	vld [tilespmem:s30+$0x1A6D0];
	v40 =	vadd.f32 v24, v36;
	v43 =	vadd.f32 v26, v39;
	v23 =	vmul.f32 v33, v4  }
0x1e1: {  	v63 =	vld [tilespmem:s30+$0x1A700];
	v47 =	vadd.f32 v27, v41;
	v50 =	vadd.f32 v35, v44;
	v5 =	vmax.f32 v5, $0.0e+00  }
0x1e2: {  	v22 =	vld [tilespmem:s30+$0x1A710];
	v55 =	vmul.f32 v48, v1;
	v60 =	vadd.f32 v42, v54;
	v7 =	vmax.f32 v7, $0.0e+00;
	[tilespmem:s30+$0x1D830] =	vst v5  }
0x1e3: {  	v37 =	vld [tilespmem:s30+$0x1A760];
	v62 =	vmul.f32 v48, v3;
	v35 =	vmul.f32 v29, v0;
	v8 =	vmax.f32 v8, $0.0e+00;
	[tilespmem:s30+$0x1D840] =	vst v7  }
0x1e4: {  	v45 =	vld [tilespmem:s30+$0x1A780];
	v39 =	vmul.f32 v29, v2;
	v42 =	vmul.f32 v29, v3;
	v10 =	vmax.f32 v10, $0.0e+00;
	[tilespmem:s30+$0x1D850] =	vst v8  }
0x1e5: {  	v52 =	vld [tilespmem:s30+$0x1A7A0];
	v9 =	vmax.f32 v9, $0.0e+00;
	v14 =	vmax.f32 v14, $0.0e+00;
	v11 =	vadd.f32 v58, v13;
	[tilespmem:s30+$0x1D860] =	vst v10  }
0x1e6: {  	v49 =	vld [tilespmem:s30+$0x1A790];
	v30 =	vmax.f32 v17, $0.0e+00;
	v12 =	vmax.f32 v12, $0.0e+00;
	v17 =	vadd.f32 v20, v31;
	[tilespmem:s30+$0x1D870] =	vst v9  }
0x1e7: {  	v56 =	vld [tilespmem:s30+$0x1A7B0];
	v15 =	vmax.f32 v15, $0.0e+00;
	v13 =	vadd.f32 v63, v25;
	v18 =	vadd.f32 v22, v18;
	[tilespmem:s30+$0x1D880] =	vst v14  }
0x1e8: {  	v59 =	vld [tilespmem:s30+$0x1A7C0];
	v38 =	vmax.f32 v34, $0.0e+00;
	v46 =	vmax.f32 v40, $0.0e+00;
	v51 =	vadd.f32 v37, v23;
	[tilespmem:s30+$0x1D890] =	vst v30  }
0x1e9: {  	v33 =	vld [tilespmem:s30+$0x1A7F0];
	v53 =	vmax.f32 v47, $0.0e+00;
	v57 =	vmax.f32 v50, $0.0e+00;
	v58 =	vmul.f32 v48, v2;
	[tilespmem:s30+$0x1D8A0] =	vst v12  }
0x1ea: {  	v36 =	vld [tilespmem:s30+$0x1A800];
	v61 =	vadd.f32 v45, v55;
	v32 =	vadd.f32 v52, v62;
	v20 =	vmul.f32 v29, v4;
	[tilespmem:s30+$0x1D8B0] =	vst v15  }
0x1eb: {  	v54 =	vld [tilespmem:s30+$0x1A850];
	v7 =	vmax.f32 v21, $0.0e+00;
	v9 =	vmax.f32 v43, $0.0e+00;
	[tilespmem:s30+$0x1D8F0] =	vst v38;
	v38 =	vmul.f32 v29, v1  }
0x1ec: {  	v63 =	vld [tilespmem:s30+$0x1A7D0];
	[tilespmem:s30+$0x1D920] =	vst v46;
	v29 =	vbroadcast v6, $0x7;
	v11 =	vmax.f32 v11, $0.0e+00;
	v5 =	vmax.f32 v17, $0.0e+00  }
0x1ed: {  	v40 =	vld [tilespmem:s30+$0x1A810];
	v13 =	vmax.f32 v13, $0.0e+00;
	v10 =	vmax.f32 v18, $0.0e+00;
	v16 =	vmax.f32 v51, $0.0e+00;
	[tilespmem:s30+$0x1D8E0] =	vst v7  }
0x1ee: {  	v50 =	vld [tilespmem:s30+$0x1A840];
	v7 =	vmax.f32 v60, $0.0e+00;
	v31 =	vmax.f32 v61, $0.0e+00;
	[tilespmem:s30+$0x1D8D0] =	vst v5;
	v5 =	vadd.f32 v49, v58  }
0x1ef: {  	v30 =	vld [tilespmem:s30+$0x1A7E0];
	[tilespmem:s30+$0x1D940] =	vst v53;
	v37 =	vmax.f32 v32, $0.0e+00;
	v34 =	vadd.f32 v56, v28;
	v41 =	vadd.f32 v59, v35  }
0x1f0: {  	v43 =	vld [tilespmem:s30+$0x1A820];
	[tilespmem:s30+$0x1D950] =	vst v57;
	v49 =	vbroadcast v6, $0x6;
	v53 =	vadd.f32 v36, v20;
	v36 =	vmul.f32 v29, v1  }
0x1f1: {  	v46 =	vld [tilespmem:s30+$0x1A830];
	v48 =	vadd.f32 v33, v42;
	[tilespmem:s30+$0x1D9A0] =	vst v37;
	v37 =	vmul.f32 v29, v2;
	v19 =	vmul.f32 v29, v4  }
0x1f2: {  	v57 =	vld [tilespmem:s30+$0x1A860];
	[tilespmem:s30+$0x1D930] =	vst v9;
	v5 =	vmax.f32 v5, $0.0e+00;
	v8 =	vmax.f32 v34, $0.0e+00;
	v44 =	vadd.f32 v63, v38  }
0x1f3: {  	v61 =	vld [tilespmem:s30+$0x1A870];
	[tilespmem:s30+$0x1D910] =	vst v10;
	v47 =	vmax.f32 v41, $0.0e+00;
	v10 =	vmax.f32 v48, $0.0e+00;
	v55 =	vmul.f32 v49, v0  }
0x1f4: {  	v32 =	vld [tilespmem:s30+$0x1A8A0];
	[tilespmem:s30+$0x1D8C0] =	vst v11;
	v56 =	vmul.f32 v49, v1;
	v58 =	vmax.f32 v53, $0.0e+00;
	v59 =	vmul.f32 v49, v2  }
0x1f5: {  	[tilespmem:s30+$0x1D900] =	vst v13;
	v60 =	vmul.f32 v49, v3;
	v17 =	vmul.f32 v49, v4;
	v45 =	vadd.f32 v30, v39  }
0x1f6: {  	[tilespmem:s30+$0x1D970] =	vst v7;
	v34 =	vmul.f32 v29, v0;
	v7 =	vadd.f32 v40, v55;
	v62 =	vadd.f32 v43, v56  }
0x1f7: {  	[tilespmem:s30+$0x1D960] =	vst v16;
	v51 =	vmax.f32 v44, $0.0e+00;
	v26 =	vadd.f32 v46, v59;
	v28 =	vadd.f32 v50, v60  }
0x1f8: {  	[tilespmem:s30+$0x1D980] =	vst v31;
	v63 =	vld [tilespmem:s30+$0x1A880];
	v31 =	vadd.f32 v54, v17;
	v39 =	vadd.f32 v57, v34;
	v40 =	vmul.f32 v29, v3  }
0x1f9: {  	v38 =	vld [tilespmem:s30+$0x1A8B0];
	[tilespmem:s30+$0x1D990] =	vst v5;
	v42 =	vadd.f32 v61, v36;
	v44 =	vbroadcast v6, $0x8;
	v17 =	vadd.f32 v32, v19  }
0x1fa: {  	v41 =	vld [tilespmem:s30+$0x1A8C0];
	[tilespmem:s30+$0x1D9B0] =	vst v8;
	v59 =	vbroadcast v6, $0x9;
	v52 =	vmax.f32 v45, $0.0e+00;
	v5 =	vmax.f32 v7, $0.0e+00  }
0x1fb: {  	v30 =	vld [tilespmem:s30+$0x1A890];
	[tilespmem:s30+$0x1D9C0] =	vst v47;
	v7 =	vmax.f32 v62, $0.0e+00;
	v11 =	vmax.f32 v26, $0.0e+00;
	v33 =	vmax.f32 v28, $0.0e+00  }
0x1fc: {  	v47 =	vld [tilespmem:s30+$0x1A8E0];
	[tilespmem:s30+$0x1DA00] =	vst v58;
	v35 =	vmax.f32 v31, $0.0e+00;
	v50 =	vmul.f32 v44, v0;
	v53 =	vmul.f32 v44, v1  }
0x1fd: {  	v54 =	vld [tilespmem:s30+$0x1A900];
	[tilespmem:s30+$0x1D9D0] =	vst v51;
	v9 =	vmax.f32 v39, $0.0e+00;
	v55 =	vmul.f32 v44, v2;
	v56 =	vmul.f32 v44, v3  }
0x1fe: {  	v60 =	vld [tilespmem:s30+$0x1A920];
	[tilespmem:s30+$0x1D9E0] =	vst v52;
	v48 =	vmax.f32 v42, $0.0e+00;
	v58 =	vmul.f32 v44, v4;
	v26 =	vmul.f32 v59, v0  }
0x1ff: {  	v27 =	vld [tilespmem:s30+$0x1A940];
	v52 =	vmax.f32 v17, $0.0e+00;
	v36 =	vmul.f32 v59, v3;
	v20 =	vmul.f32 v59, v4;
	[tilespmem:s30+$0x1DA10] =	vst v5  }
0x200: {  	v45 =	vld [tilespmem:s30+$0x1A8D0];
	v43 =	vadd.f32 v63, v37;
	[tilespmem:s30+$0x1DA40] =	vst v33;
	v33 =	vmul.f32 v59, v2;
	v46 =	vadd.f32 v30, v40  }
0x201: {  	v51 =	vld [tilespmem:s30+$0x1A8F0];
	[tilespmem:s30+$0x1DA20] =	vst v7;
	v5 =	vadd.f32 v38, v50;
	v7 =	vadd.f32 v41, v53;
	v30 =	vmul.f32 v59, v1  }
0x202: {  	v25 =	vld [tilespmem:s30+$0x1AB20];
	[tilespmem:s30+$0x1D9F0] =	vst v10;
	v62 =	vadd.f32 v47, v56;
	v40 =	vbroadcast v6, $0xA;
	v56 =	vbroadcast v6, $0xB  }
0x203: {  	v57 =	vld [tilespmem:s30+$0x1A910];
	[tilespmem:s30+$0x1DA30] =	vst v11;
	v49 =	vmax.f32 v43, $0.0e+00;
	v32 =	vadd.f32 v54, v26;
	v39 =	vadd.f32 v60, v33  }
0x204: {  	v34 =	vld [tilespmem:s30+$0x1A950];
	[tilespmem:s30+$0x1DA50] =	vst v35;
	v43 =	vadd.f32 v27, v20;
	v14 =	vmax.f32 v46, $0.0e+00;
	v5 =	vmax.f32 v5, $0.0e+00  }
0x205: {  	v44 =	vld [tilespmem:s30+$0x1A980];
	[tilespmem:s30+$0x1DA60] =	vst v9;
	v61 =	vadd.f32 v45, v55;
	v7 =	vmax.f32 v7, $0.0e+00;
	v45 =	vmul.f32 v40, v0  }
0x206: {  	v63 =	vld [tilespmem:s30+$0x1A930];
	v24 =	vadd.f32 v51, v58;
	[tilespmem:s30+$0x1DA80] =	vst v49;
	v46 =	vmul.f32 v40, v1;
	v49 =	vmul.f32 v40, v2  }
0x207: {  	v37 =	vld [tilespmem:s30+$0x1A960];
	[tilespmem:s30+$0x1DAA0] =	vst v52;
	v29 =	vmax.f32 v62, $0.0e+00;
	v52 =	vmul.f32 v40, v3;
	v55 =	vmul.f32 v40, v4  }
0x208: {  	[tilespmem:s30+$0x1DA70] =	vst v48;
	v41 =	vld [tilespmem:s30+$0x1A970];
	v35 =	vadd.f32 v57, v30;
	v62 =	vmul.f32 v56, v0;
	v30 =	vmul.f32 v56, v2  }
0x209: {  	v47 =	vld [tilespmem:s30+$0x1A990];
	v33 =	vmul.f32 v56, v3;
	v17 =	vmul.f32 v56, v4;
	v38 =	vmax.f32 v32, $0.0e+00;
	[tilespmem:s30+$0x1DA90] =	vst v14  }
0x20a: {  	v50 =	vld [tilespmem:s30+$0x1A9A0];
	v13 =	vmax.f32 v39, $0.0e+00;
	v48 =	vmax.f32 v43, $0.0e+00;
	[tilespmem:s30+$0x1DAE0] =	vst v29;
	v29 =	vmul.f32 v56, v1  }
0x20b: {  	v53 =	vld [tilespmem:s30+$0x1A9B0];
	[tilespmem:s30+$0x1DAB0] =	vst v5;
	v39 =	vbroadcast v6, $0xC;
	v28 =	vmax.f32 v61, $0.0e+00;
	v42 =	vadd.f32 v63, v36  }
0x20c: {  	v60 =	vld [tilespmem:s30+$0x1A9D0];
	[tilespmem:s30+$0x1DAC0] =	vst v7;
	v31 =	vmax.f32 v24, $0.0e+00;
	v7 =	vadd.f32 v34, v45;
	v51 =	vadd.f32 v37, v46  }
0x20d: {  	v57 =	vld [tilespmem:s30+$0x1A9C0];
	v10 =	vmax.f32 v35, $0.0e+00;
	v59 =	vadd.f32 v44, v52;
	[tilespmem:s30+$0x1DB00] =	vst v38;
	v54 =	vadd.f32 v41, v49  }
0x20e: {  	v40 =	vld [tilespmem:s30+$0x1AA20];
	[tilespmem:s30+$0x1DB20] =	vst v13;
	v61 =	vadd.f32 v47, v55;
	v44 =	vmul.f32 v39, v0;
	v45 =	vmul.f32 v39, v1  }
0x20f: {  	v43 =	vld [tilespmem:s30+$0x1AA30];
	[tilespmem:s30+$0x1DB40] =	vst v48;
	v32 =	vadd.f32 v50, v62;
	v48 =	vmul.f32 v39, v2;
	v49 =	vmul.f32 v39, v3  }
0x210: {  	v63 =	vld [tilespmem:s30+$0x1A9E0];
	[tilespmem:s30+$0x1DAD0] =	vst v28;
	v35 =	vadd.f32 v53, v29;
	v53 =	vbroadcast v6, $0xD;
	v15 =	vmul.f32 v39, v4  }
0x211: {  	v34 =	vld [tilespmem:s30+$0x1AA00];
	[tilespmem:s30+$0x1DAF0] =	vst v31;
	v5 =	vmax.f32 v42, $0.0e+00;
	v7 =	vmax.f32 v7, $0.0e+00;
	v58 =	vmax.f32 v51, $0.0e+00  }
0x212: {  	v37 =	vld [tilespmem:s30+$0x1AA10];
	[tilespmem:s30+$0x1DB10] =	vst v10;
	v28 =	vmax.f32 v59, $0.0e+00;
	v38 =	vadd.f32 v60, v33;
	v8 =	vmax.f32 v54, $0.0e+00  }
0x213: {  	v46 =	vld [tilespmem:s30+$0x1AA40];
	v9 =	vmax.f32 v61, $0.0e+00;
	v36 =	vadd.f32 v57, v30;
	[tilespmem:s30+$0x1DB30] =	vst v5;
	v59 =	vmul.f32 v53, v0  }
0x214: {  	v31 =	vld [tilespmem:s30+$0x1A9F0];
	v5 =	vmax.f32 v32, $0.0e+00;
	[tilespmem:s30+$0x1DB50] =	vst v7;
	v61 =	vmul.f32 v53, v1;
	v62 =	vmul.f32 v53, v2  }
0x215: {  	v50 =	vld [tilespmem:s30+$0x1AA50];
	v13 =	vmax.f32 v35, $0.0e+00;
	[tilespmem:s30+$0x1DB60] =	vst v58;
	v29 =	vmul.f32 v53, v3;
	v30 =	vbroadcast v6, $0xE  }
0x216: {  	v60 =	vld [tilespmem:s30+$0x1AA80];
	[tilespmem:s30+$0x1DB80] =	vst v28;
	v56 =	vadd.f32 v40, v49;
	v33 =	vmul.f32 v53, v4;
	v6 =	vbroadcast v6, $0xF  }
0x217: {  	v7 =	vmax.f32 v38, $0.0e+00;
	[tilespmem:s30+$0x1DBA0] =	vst v5;
	v15 =	vadd.f32 v43, v15;
	v5 =	vld [tilespmem:s19+$0x18CF0];
	v42 =	vadd.f32 v63, v17  }
0x218: {  	v54 =	vld [tilespmem:s30+$0x1AA60];
	[tilespmem:s30+$0x1DB70] =	vst v8;
	s19 =	sor.u32 $0x10, s19;
	v41 =	vmax.f32 v36, $0.0e+00;
	v52 =	vadd.f32 v34, v45;
	v55 =	vadd.f32 v37, v48  }
0x219: {  	v57 =	vld [tilespmem:s30+$0x1AA70];
	[tilespmem:s30+$0x1DB90] =	vst v9;
	v10 =	vadd.f32 v46, v59;
	s19 =	smul.u32 $0x50, s19;
	v36 =	vmul.f32 v30, v0;
	v46 =	vmul.f32 v30, v1  }
0x21a: {  	[tilespmem:s30+$0x1DBB0] =	vst v13;
	v16 =	vmax.f32 v56, $0.0e+00;
	v63 =	vld [tilespmem:s30+$0x1AA90];
	v49 =	vmul.f32 v30, v2;
	v59 =	vmul.f32 v30, v3  }
0x21b: {  	[tilespmem:s30+$0x1DBD0] =	vst v7;
	v51 =	vadd.f32 v31, v44;
	v32 =	vadd.f32 v50, v61;
	v61 =	vmul.f32 v30, v4;
	v37 =	vld [tilespmem:s19+$0x1A630]  }
0x21c: {  	[tilespmem:s30+$0x1DBC0] =	vst v41;
	v28 =	vmax.f32 v15, $0.0e+00;
	v30 =	vmul.f32 v6, v1;
	v41 =	vld [tilespmem:s19+$0x1A640];
	v40 =	vbroadcast v5, $0x0  }
0x21d: {  	[tilespmem:s30+$0x1DC20] =	vst v16;
	v47 =	vmax.f32 v42, $0.0e+00;
	v58 =	vmax.f32 v52, $0.0e+00;
	v12 =	vmax.f32 v55, $0.0e+00;
	v45 =	vld [tilespmem:s19+$0x1A650]  }
0x21e: {  	v7 =	vmax.f32 v10, $0.0e+00;
	v39 =	vadd.f32 v60, v33;
	v48 =	vld [tilespmem:s19+$0x1A660];
	[tilespmem:s30+$0x1DBE0] =	vst v47;
	v47 =	vmul.f32 v40, v0  }
0x21f: {  	[tilespmem:s30+$0x1DC30] =	vst v28;
	v28 =	vmul.f32 v6, v0;
	v8 =	vmax.f32 v51, $0.0e+00;
	v51 =	vld [tilespmem:s19+$0x1A670];
	v50 =	vmul.f32 v40, v1  }
0x220: {  	v34 =	vld [tilespmem:s30+$0x1AAB0];
	v35 =	vadd.f32 v54, v62;
	[tilespmem:s30+$0x1DC00] =	vst v58;
	v53 =	vmul.f32 v40, v2;
	v18 =	vadd.f32 v47, v37  }
0x221: {  	v31 =	vld [tilespmem:s30+$0x1AAA0];
	v15 =	vadd.f32 v57, v29;
	[tilespmem:s30+$0x1DC40] =	vst v7;
	v56 =	vmul.f32 v40, v3;
	v55 =	vadd.f32 v41, v50  }
0x222: {  	v52 =	vld [tilespmem:s30+$0x1AAC0];
	[tilespmem:s30+$0x1DBF0] =	vst v8;
	v13 =	vmul.f32 v40, v4;
	v57 =	vadd.f32 v45, v53;
	v18 =	vmax.f32 v18, $0.0e+00  }
0x223: {  	v60 =	vld [tilespmem:s30+$0x1AAF0];
	v38 =	vmax.f32 v32, $0.0e+00;
	v20 =	vadd.f32 v48, v56;
	v19 =	vmax.f32 v55, $0.0e+00;
	[tilespmem:s19+$0x1D830] =	vst v18  }
0x224: {  	v54 =	vld [tilespmem:s30+$0x1AAD0];
	v10 =	vmax.f32 v39, $0.0e+00;
	v13 =	vadd.f32 v51, v13;
	v8 =	vmax.f32 v57, $0.0e+00;
	[tilespmem:s19+$0x1D840] =	vst v19  }
0x225: {  	v58 =	vld [tilespmem:s30+$0x1AAE0];
	v21 =	vbroadcast v5, $0xA;
	v42 =	vmax.f32 v35, $0.0e+00;
	v24 =	vmax.f32 v20, $0.0e+00;
	[tilespmem:s19+$0x1D850] =	vst v8  }
0x226: {  	v62 =	vld [tilespmem:s30+$0x1AB00];
	v43 =	vmax.f32 v15, $0.0e+00;
	v44 =	vadd.f32 v63, v36;
	v26 =	vmax.f32 v13, $0.0e+00;
	[tilespmem:s19+$0x1D860] =	vst v24  }
0x227: {  	v7 =	vadd.f32 v34, v49;
	v63 =	vld [tilespmem:s30+$0x1AB10];
	v34 =	vmul.f32 v6, v3;
	v49 =	vbroadcast v5, $0x2;
	[tilespmem:s19+$0x1D870] =	vst v26  }
0x228: {  	[tilespmem:s30+$0x1DC10] =	vst v12;
	v12 =	vadd.f32 v31, v46;
	v31 =	vmul.f32 v6, v2;
	v6 =	vmul.f32 v6, v4;
	v32 =	vld [tilespmem:s30+$0x1AB80]  }
0x229: {  	[tilespmem:s30+$0x1DC50] =	vst v38;
	v15 =	vmax.f32 v44, $0.0e+00;
	v14 =	vadd.f32 v52, v59;
	v7 =	vmax.f32 v7, $0.0e+00;
	v35 =	vld [tilespmem:s30+$0x1AB90]  }
0x22a: {  	[tilespmem:s30+$0x1DC80] =	vst v10;
	v9 =	vadd.f32 v60, v30;
	v60 =	vmul.f32 v49, v1;
	v16 =	vadd.f32 v54, v61;
	v38 =	vld [tilespmem:s30+$0x1ABA0]  }
0x22b: {  	[tilespmem:s30+$0x1DC60] =	vst v42;
	v12 =	vmax.f32 v12, $0.0e+00;
	v33 =	vadd.f32 v58, v28;
	v36 =	vadd.f32 v62, v31;
	v39 =	vld [tilespmem:s30+$0x1ABB0]  }
0x22c: {  	[tilespmem:s30+$0x1DC70] =	vst v43;
	v37 =	vbroadcast v5, $0x1;
	v6 =	vadd.f32 v25, v6;
	v56 =	vmul.f32 v49, v0;
	v41 =	vld [tilespmem:s30+$0x1ABC0]  }
0x22d: {  	[tilespmem:s30+$0x1DC90] =	vst v15;
	v62 =	vmul.f32 v49, v2;
	v27 =	vmax.f32 v14, $0.0e+00;
	v9 =	vmax.f32 v9, $0.0e+00;
	v43 =	vld [tilespmem:s30+$0x1ABD0]  }
0x22e: {  	[tilespmem:s30+$0x1DCB0] =	vst v7;
	v29 =	vmax.f32 v16, $0.0e+00;
	v11 =	vmax.f32 v33, $0.0e+00;
	v40 =	vmul.f32 v37, v0;
	v46 =	vld [tilespmem:s30+$0x1ABE0]  }
0x22f: {  	[tilespmem:s30+$0x1DCA0] =	vst v12;
	v14 =	vadd.f32 v63, v34;
	v42 =	vmul.f32 v37, v1;
	v44 =	vmul.f32 v37, v2;
	v50 =	vld [tilespmem:s30+$0x1ABF0]  }
0x230: {  	v10 =	vmax.f32 v36, $0.0e+00;
	[tilespmem:s30+$0x1DCC0] =	vst v27;
	v45 =	vmul.f32 v37, v3;
	v48 =	vmul.f32 v37, v4;
	v54 =	vld [tilespmem:s30+$0x1AC00]  }
0x231: {  	v6 =	vmax.f32 v6, $0.0e+00;
	[tilespmem:s30+$0x1DCF0] =	vst v9;
	v16 =	vmul.f32 v49, v4;
	v27 =	vbroadcast v5, $0x3;
	v57 =	vld [tilespmem:s30+$0x1AC10]  }
0x232: {  	[tilespmem:s30+$0x1DCD0] =	vst v29;
	v24 =	vmul.f32 v49, v3;
	v7 =	vmax.f32 v14, $0.0e+00;
	v25 =	vld [tilespmem:s30+$0x1AC30];
	v12 =	vadd.f32 v32, v40  }
0x233: {  	[tilespmem:s30+$0x1DCE0] =	vst v11;
	v28 =	vld [tilespmem:s30+$0x1AC40];
	v33 =	vmul.f32 v27, v0;
	v47 =	vadd.f32 v35, v42;
	v52 =	vadd.f32 v38, v44  }
0x234: {  	[tilespmem:s30+$0x1DD00] =	vst v10;
	v34 =	vmul.f32 v27, v1;
	v53 =	vadd.f32 v39, v45;
	v55 =	vadd.f32 v41, v48  }
0x235: {  	[tilespmem:s30+$0x1DD20] =	vst v6;
	v37 =	vmul.f32 v27, v2;
	v61 =	vadd.f32 v43, v56;
	v6 =	vadd.f32 v46, v60  }
0x236: {  	v63 =	vld [tilespmem:s30+$0x1AC20];
	[tilespmem:s30+$0x1DD10] =	vst v7;
	v26 =	vadd.f32 v50, v62;
	v29 =	vadd.f32 v54, v24;
	v51 =	vmax.f32 v12, $0.0e+00  }
0x237: {  	v31 =	vld [tilespmem:s30+$0x1AC50];
	v30 =	vadd.f32 v57, v16;
	v39 =	vadd.f32 v25, v34;
	v8 =	vmax.f32 v47, $0.0e+00;
	[tilespmem:s30+$0x1DD80] =	vst v51  }
0x238: {  	v35 =	vld [tilespmem:s30+$0x1AC60];
	v40 =	vmul.f32 v27, v3;
	v42 =	vadd.f32 v28, v37;
	v58 =	vmax.f32 v52, $0.0e+00;
	[tilespmem:s30+$0x1DD90] =	vst v8  }
0x239: {  	v38 =	vld [tilespmem:s30+$0x1AC70];
	v43 =	vmul.f32 v27, v4;
	v44 =	vbroadcast v5, $0x4;
	v59 =	vmax.f32 v53, $0.0e+00;
	[tilespmem:s30+$0x1DDA0] =	vst v58  }
0x23a: {  	v41 =	vld [tilespmem:s30+$0x1AC80];
	v7 =	vmax.f32 v55, $0.0e+00;
	v9 =	vmax.f32 v61, $0.0e+00;
	v6 =	vmax.f32 v6, $0.0e+00;
	[tilespmem:s30+$0x1DDB0] =	vst v59  }
0x23b: {  	v45 =	vld [tilespmem:s30+$0x1AC90];
	v32 =	vmax.f32 v26, $0.0e+00;
	v36 =	vmax.f32 v30, $0.0e+00;
	v49 =	vmul.f32 v44, v0;
	[tilespmem:s30+$0x1DDC0] =	vst v7  }
0x23c: {  	v50 =	vld [tilespmem:s30+$0x1ACB0];
	v46 =	vadd.f32 v31, v40;
	v52 =	vmul.f32 v44, v1;
	v53 =	vmul.f32 v44, v2;
	[tilespmem:s30+$0x1DDD0] =	vst v9  }
0x23d: {  	v54 =	vld [tilespmem:s30+$0x1ACC0];
	v56 =	vmul.f32 v44, v3;
	v62 =	vmul.f32 v44, v4;
	v7 =	vadd.f32 v63, v33;
	[tilespmem:s30+$0x1DDE0] =	vst v6  }
0x23e: {  	v57 =	vld [tilespmem:s30+$0x1ACD0];
	v8 =	vmax.f32 v29, $0.0e+00;
	[tilespmem:s30+$0x1DDF0] =	vst v32;
	v9 =	vmax.f32 v42, $0.0e+00;
	v59 =	vbroadcast v5, $0x5  }
0x23f: {  	v47 =	vld [tilespmem:s30+$0x1ACA0];
	[tilespmem:s30+$0x1DE10] =	vst v36;
	v51 =	vmax.f32 v46, $0.0e+00;
	v6 =	vmax.f32 v7, $0.0e+00;
	v7 =	vmax.f32 v39, $0.0e+00  }
0x240: {  	v60 =	vld [tilespmem:s30+$0x1ACE0];
	[tilespmem:s30+$0x1DE00] =	vst v8;
	v48 =	vadd.f32 v35, v43;
	v55 =	vadd.f32 v38, v49;
	v25 =	vmul.f32 v59, v0  }
0x241: {  	v26 =	vld [tilespmem:s30+$0x1AD00];
	[tilespmem:s30+$0x1DE40] =	vst v9;
	v58 =	vadd.f32 v45, v53;
	v29 =	vmul.f32 v59, v1;
	v32 =	vmul.f32 v59, v2  }
0x242: {  	v34 =	vld [tilespmem:s30+$0x1AD20];
	[tilespmem:s30+$0x1DE50] =	vst v51;
	v28 =	vadd.f32 v50, v62;
	v33 =	vmul.f32 v59, v3;
	v36 =	vmul.f32 v59, v4  }
0x243: {  	v63 =	vld [tilespmem:s30+$0x1ACF0];
	v39 =	vbroadcast v5, $0x6;
	[tilespmem:s30+$0x1DE20] =	vst v6;
	v6 =	vadd.f32 v41, v52;
	v10 =	vmax.f32 v48, $0.0e+00  }
0x244: {  	v37 =	vld [tilespmem:s30+$0x1AD30];
	[tilespmem:s30+$0x1DE30] =	vst v7;
	v7 =	vmax.f32 v55, $0.0e+00;
	v61 =	vadd.f32 v47, v56;
	v24 =	vmax.f32 v58, $0.0e+00  }
0x245: {  	v30 =	vld [tilespmem:s30+$0x1AD10];
	v31 =	vadd.f32 v54, v25;
	v35 =	vadd.f32 v57, v29;
	v46 =	vmul.f32 v39, v0;
	[tilespmem:s30+$0x1DE60] =	vst v10  }
0x246: {  	v40 =	vld [tilespmem:s30+$0x1AD40];
	v43 =	vadd.f32 v26, v36;
	v47 =	vmul.f32 v39, v1;
	v48 =	vmul.f32 v39, v2;
	[tilespmem:s30+$0x1DE70] =	vst v7  }
0x247: {  	v44 =	vld [tilespmem:s30+$0x1AD50];
	v51 =	vmul.f32 v39, v3;
	v14 =	vmul.f32 v39, v4;
	v6 =	vmax.f32 v6, $0.0e+00;
	[tilespmem:s30+$0x1DE90] =	vst v24  }
0x248: {  	v55 =	vbroadcast v5, $0x7;
	v7 =	vmax.f32 v28, $0.0e+00;
	v38 =	vadd.f32 v63, v33;
	[tilespmem:s30+$0x1DE80] =	vst v6  }
0x249: {  	v49 =	vld [tilespmem:s30+$0x1AD60];
	v27 =	vmax.f32 v61, $0.0e+00;
	v6 =	vadd.f32 v60, v32;
	v41 =	vmax.f32 v31, $0.0e+00;
	[tilespmem:s30+$0x1DEB0] =	vst v7  }
0x24a: {  	v59 =	vld [tilespmem:s30+$0x1AD90];
	v42 =	vmax.f32 v35, $0.0e+00;
	v50 =	vadd.f32 v30, v46;
	v53 =	vadd.f32 v34, v47;
	[tilespmem:s30+$0x1DEA0] =	vst v27  }
0x24b: {  	v52 =	vld [tilespmem:s30+$0x1AD70];
	v7 =	vmax.f32 v43, $0.0e+00;
	v54 =	vadd.f32 v37, v48;
	v57 =	vadd.f32 v40, v51;
	[tilespmem:s30+$0x1DEC0] =	vst v41  }
0x24c: {  	v56 =	vld [tilespmem:s30+$0x1AD80];
	v58 =	vadd.f32 v44, v14;
	v62 =	vmul.f32 v55, v0;
	v25 =	vmul.f32 v55, v1;
	[tilespmem:s30+$0x1DED0] =	vst v42  }
0x24d: {  	v26 =	vld [tilespmem:s30+$0x1ADB0];
	v28 =	vmul.f32 v55, v3;
	v31 =	vmul.f32 v55, v4;
	v45 =	vmax.f32 v38, $0.0e+00;
	[tilespmem:s30+$0x1DF00] =	vst v7  }
0x24e: {  	v36 =	vld [tilespmem:s30+$0x1ADE0];
	v32 =	vbroadcast v5, $0x8;
	v27 =	vmul.f32 v55, v2;
	v6 =	vmax.f32 v6, $0.0e+00;
	[tilespmem:s30+$0x1DEF0] =	vst v45  }
0x24f: {  	v63 =	vld [tilespmem:s30+$0x1ADA0];
	v60 =	vmax.f32 v53, $0.0e+00;
	v61 =	vmax.f32 v54, $0.0e+00;
	v7 =	vmax.f32 v57, $0.0e+00;
	[tilespmem:s30+$0x1DEE0] =	vst v6  }
0x250: {  	v33 =	vld [tilespmem:s30+$0x1ADD0];
	v24 =	vmax.f32 v58, $0.0e+00;
	v30 =	vadd.f32 v52, v25;
	v38 =	vmul.f32 v32, v0;
	[tilespmem:s30+$0x1DF20] =	vst v60  }
0x251: {  	v39 =	vld [tilespmem:s30+$0x1ADF0];
	v35 =	vadd.f32 v59, v28;
	v42 =	vmul.f32 v32, v1;
	v44 =	vmul.f32 v32, v2;
	[tilespmem:s30+$0x1DF30] =	vst v61  }
0x252: {  	v29 =	vld [tilespmem:s30+$0x1ADC0];
	v46 =	vmul.f32 v32, v3;
	v15 =	vmul.f32 v32, v4;
	v6 =	vmax.f32 v50, $0.0e+00;
	[tilespmem:s30+$0x1DF40] =	vst v7  }
0x253: {  	v34 =	vadd.f32 v56, v27;
	v27 =	vmul.f32 v21, v0;
	[tilespmem:s30+$0x1DF10] =	vst v6;
	v6 =	vadd.f32 v49, v62  }
0x254: {  	v22 =	vld [tilespmem:s30+$0x1AE70];
	[tilespmem:s30+$0x1DF50] =	vst v24;
	v7 =	vmax.f32 v30, $0.0e+00;
	v37 =	vadd.f32 v63, v31;
	v41 =	vmax.f32 v35, $0.0e+00  }
0x255: {  	v47 =	vld [tilespmem:s30+$0x1AE10];
	v43 =	vadd.f32 v26, v38;
	v48 =	vadd.f32 v33, v44;
	v49 =	vbroadcast v5, $0x9;
	[tilespmem:s30+$0x1DF70] =	vst v7  }
0x256: {  	v45 =	vld [tilespmem:s30+$0x1AE00];
	v51 =	vadd.f32 v36, v46;
	v52 =	vadd.f32 v39, v15;
	v40 =	vmax.f32 v34, $0.0e+00;
	[tilespmem:s30+$0x1DF90] =	vst v41  }
0x257: {  	v53 =	vld [tilespmem:s30+$0x1AE30];
	v30 =	vmul.f32 v21, v2;
	v7 =	vadd.f32 v29, v42;
	v6 =	vmax.f32 v6, $0.0e+00;
	[tilespmem:s30+$0x1DF80] =	vst v40  }
0x258: {  	v25 =	vld [tilespmem:s30+$0x1AE80];
	v29 =	vmul.f32 v21, v1;
	v34 =	vmul.f32 v21, v3;
	v8 =	vmax.f32 v43, $0.0e+00;
	[tilespmem:s30+$0x1DF60] =	vst v6  }
0x259: {  	v28 =	vld [tilespmem:s30+$0x1AE90];
	v54 =	vmul.f32 v49, v0;
	v55 =	vmul.f32 v49, v1;
	v57 =	vmax.f32 v51, $0.0e+00;
	[tilespmem:s30+$0x1DFB0] =	vst v8  }
0x25a: {  	v56 =	vld [tilespmem:s30+$0x1AE40];
	v58 =	vmax.f32 v52, $0.0e+00;
	v59 =	vmul.f32 v49, v2;
	v62 =	vmul.f32 v49, v3;
	[tilespmem:s30+$0x1DFE0] =	vst v57  }
0x25b: {  	v60 =	vld [tilespmem:s30+$0x1AE50];
	v11 =	vmul.f32 v49, v4;
	v36 =	vadd.f32 v22, v30;
	v6 =	vmax.f32 v37, $0.0e+00;
	[tilespmem:s30+$0x1DFF0] =	vst v58  }
0x25c: {  	v50 =	vld [tilespmem:s30+$0x1AE20];
	v40 =	vmul.f32 v21, v4;
	v7 =	vmax.f32 v7, $0.0e+00;
	v37 =	vbroadcast v5, $0xB;
	[tilespmem:s30+$0x1DFA0] =	vst v6  }
0x25d: {  	v39 =	vadd.f32 v25, v34;
	v6 =	vmax.f32 v48, $0.0e+00;
	[tilespmem:s30+$0x1DFC0] =	vst v7;
	v7 =	vadd.f32 v45, v54  }
0x25e: {  	v25 =	vbroadcast v5, $0xD;
	v61 =	vadd.f32 v47, v55;
	v42 =	vmax.f32 v36, $0.0e+00;
	[tilespmem:s30+$0x1DFD0] =	vst v6  }
0x25f: {  	v63 =	vld [tilespmem:s30+$0x1AE60];
	v24 =	vadd.f32 v53, v62;
	v26 =	vadd.f32 v56, v11;
	[tilespmem:s30+$0x1E070] =	vst v42;
	v7 =	vmax.f32 v7, $0.0e+00  }
0x260: {  	v31 =	vld [tilespmem:s30+$0x1AEA0];
	v33 =	vadd.f32 v60, v27;
	v45 =	vadd.f32 v28, v40;
	v23 =	vmax.f32 v61, $0.0e+00;
	[tilespmem:s30+$0x1E000] =	vst v7  }
0x261: {  	v35 =	vld [tilespmem:s30+$0x1AEB0];
	v56 =	vbroadcast v5, $0xC;
	v6 =	vadd.f32 v50, v59;
	v32 =	vmax.f32 v26, $0.0e+00;
	[tilespmem:s30+$0x1E010] =	vst v23  }
0x262: {  	v44 =	vld [tilespmem:s30+$0x1AEE0];
	v43 =	vmul.f32 v37, v0;
	v46 =	vmul.f32 v37, v1;
	v51 =	vmax.f32 v45, $0.0e+00;
	[tilespmem:s30+$0x1E040] =	vst v32  }
0x263: {  	v38 =	vld [tilespmem:s30+$0x1AEC0];
	v48 =	vmul.f32 v37, v2;
	v49 =	vmul.f32 v37, v3;
	v6 =	vmax.f32 v6, $0.0e+00;
	[tilespmem:s30+$0x1E090] =	vst v51  }
0x264: {  	v41 =	vld [tilespmem:s30+$0x1AED0];
	v53 =	vmul.f32 v37, v4;
	v30 =	vmul.f32 v25, v0;
	v7 =	vmax.f32 v24, $0.0e+00;
	[tilespmem:s30+$0x1E020] =	vst v6  }
0x265: {  	v57 =	vld [tilespmem:s30+$0x1AF20];
	v34 =	vmul.f32 v25, v2;
	v6 =	vadd.f32 v63, v29;
	[tilespmem:s30+$0x1E030] =	vst v7;
	v7 =	vmax.f32 v33, $0.0e+00  }
0x266: {  	v60 =	vld [tilespmem:s30+$0x1AF30];
	v37 =	vmul.f32 v25, v4;
	v52 =	vadd.f32 v35, v46;
	[tilespmem:s30+$0x1E050] =	vst v7;
	v7 =	vmax.f32 v39, $0.0e+00  }
0x267: {  	v47 =	vld [tilespmem:s30+$0x1AEF0];
	v61 =	vmul.f32 v56, v0;
	v59 =	vadd.f32 v44, v53;
	v6 =	vmax.f32 v6, $0.0e+00;
	[tilespmem:s30+$0x1E080] =	vst v7  }
0x268: {  	v50 =	vld [tilespmem:s30+$0x1AF00];
	v20 =	vmul.f32 v56, v2;
	v58 =	vmax.f32 v52, $0.0e+00;
	[tilespmem:s30+$0x1E060] =	vst v6;
	v6 =	vadd.f32 v31, v43  }
0x269: {  	v54 =	vld [tilespmem:s30+$0x1AF10];
	v12 =	vmul.f32 v56, v4;
	v62 =	vmax.f32 v59, $0.0e+00;
	v7 =	vadd.f32 v38, v48;
	[tilespmem:s30+$0x1E0B0] =	vst v58  }
0x26a: {  	v22 =	vmul.f32 v56, v3;
	v26 =	vld [tilespmem:s30+$0x1AF60];
	v55 =	vadd.f32 v41, v49;
	[tilespmem:s30+$0x1E0E0] =	vst v62;
	v6 =	vmax.f32 v6, $0.0e+00  }
0x26b: {  	v63 =	vmul.f32 v56, v1;
	v29 =	vld [tilespmem:s30+$0x1AF70];
	v28 =	vadd.f32 v60, v12;
	[tilespmem:s30+$0x1E0A0] =	vst v6;
	v6 =	vmax.f32 v7, $0.0e+00  }
0x26c: {  	v21 =	vld [tilespmem:s30+$0x1AF40];
	v35 =	vmul.f32 v25, v3;
	v7 =	vmax.f32 v55, $0.0e+00;
	[tilespmem:s30+$0x1E0C0] =	vst v6;
	v6 =	vadd.f32 v47, v61  }
0x26d: {  	v23 =	vld [tilespmem:s30+$0x1AF50];
	v27 =	vadd.f32 v57, v22;
	v32 =	vmax.f32 v28, $0.0e+00;
	[tilespmem:s30+$0x1E0D0] =	vst v7;
	v7 =	vadd.f32 v50, v63  }
0x26e: {  	v49 =	vld [tilespmem:s30+$0x1AFE0];
	v33 =	vmul.f32 v25, v1;
	v24 =	vadd.f32 v54, v20;
	[tilespmem:s30+$0x1E130] =	vst v32;
	v6 =	vmax.f32 v6, $0.0e+00  }
0x26f: {  	v38 =	vbroadcast v5, $0xE;
	v5 =	vbroadcast v5, $0xF;
	v31 =	vld [tilespmem:s30+$0x1AF80];
	[tilespmem:s30+$0x1E0F0] =	vst v6;
	v6 =	vmax.f32 v7, $0.0e+00  }
0x270: {  	v36 =	vld [tilespmem:s30+$0x1AF90];
	v40 =	vadd.f32 v26, v34;
	v41 =	vadd.f32 v29, v35;
	v7 =	vmax.f32 v24, $0.0e+00;
	[tilespmem:s30+$0x1E100] =	vst v6  }
0x271: {  	v42 =	vld [tilespmem:s30+$0x1AFB0];
	v43 =	vmul.f32 v38, v0;
	v6 =	vmax.f32 v27, $0.0e+00;
	[tilespmem:s30+$0x1E110] =	vst v7;
	v7 =	vadd.f32 v21, v30  }
0x272: {  	v39 =	vld [tilespmem:s30+$0x1AFA0];
	v56 =	vmul.f32 v5, v0;
	v45 =	vmax.f32 v41, $0.0e+00;
	[tilespmem:s30+$0x1E120] =	vst v6;
	v6 =	vadd.f32 v23, v33  }
0x273: {  	v44 =	vld [tilespmem:s30+$0x1AFC0];
	v46 =	vmul.f32 v38, v1;
	v48 =	vmul.f32 v38, v2;
	[tilespmem:s30+$0x1E170] =	vst v45;
	v7 =	vmax.f32 v7, $0.0e+00  }
0x274: {  	v60 =	vadd.f32 v49, v56;
	[tilespmem:s30+$0x1E140] =	vst v7;
	v6 =	vmax.f32 v6, $0.0e+00;
	v7 =	vadd.f32 v31, v37  }
0x275: {  	v51 =	vmul.f32 v38, v3;
	v53 =	vmul.f32 v38, v4;
	v47 =	vld [tilespmem:s30+$0x1AFD0];
	[tilespmem:s30+$0x1E150] =	vst v6;
	v6 =	vmax.f32 v40, $0.0e+00  }
0x276: {  	v59 =	vld [tilespmem:s30+$0x1B020];
	v8 =	vmax.f32 v60, $0.0e+00;
	[tilespmem:s30+$0x1E160] =	vst v6;
	v6 =	vmax.f32 v7, $0.0e+00;
	v7 =	vadd.f32 v36, v43  }
0x277: {  	v52 =	vld [tilespmem:s30+$0x1AFF0];
	v58 =	vmul.f32 v5, v1;
	v62 =	vmul.f32 v5, v3;
	v50 =	vadd.f32 v39, v46;
	[tilespmem:s30+$0x1E1E0] =	vst v8  }
0x278: {  	v54 =	vld [tilespmem:s30+$0x1B000];
	v55 =	vadd.f32 v44, v51;
	[tilespmem:s30+$0x1E180] =	vst v6;
	v6 =	vmax.f32 v7, $0.0e+00;
	v7 =	vadd.f32 v42, v48  }
0x279: {  	v57 =	vld [tilespmem:s30+$0x1B010];
	v61 =	vmul.f32 v5, v2;
	v5 =	vmul.f32 v5, v4;
	[tilespmem:s30+$0x1E190] =	vst v6;
	v6 =	vmax.f32 v50, $0.0e+00  }
0x27a: {  	[tilespmem:s30+$0x1E1A0] =	vst v6;
	v6 =	vmax.f32 v7, $0.0e+00;
	v7 =	vadd.f32 v47, v53  }
0x27b: {  	v5 =	vadd.f32 v59, v5;
	[tilespmem:s30+$0x1E1B0] =	vst v6;
	v6 =	vmax.f32 v55, $0.0e+00  }
0x27c: {  	p1 =	por p0, p0;
	[tilespmem:s30+$0x1E1C0] =	vst v6;
	v6 =	vmax.f32 v7, $0.0e+00;
	v7 =	vadd.f32 v52, v58  }
.Ltmp6:
0x27d: {  	v5 =	vmax.f32 v5, $0.0e+00;
	[tilespmem:s30+$0x1E1D0] =	vst v6;
	v6 =	vadd.f32 v54, v61;
	(pc) =	sbr.rel @p1 .LBB2_9-.Ltmp6, $4  }
0x27e: {  	v63 =	vadd.f32 v57, v62;
	[tilespmem:s30+$0x1E220] =	vst v5;
	v7 =	vmax.f32 v7, $0.0e+00  }
0x27f: {  	[tilespmem:s30+$0x1E1F0] =	vst v7;
	v6 =	vmax.f32 v6, $0.0e+00  }
0x280: {  	[tilespmem:s30+$0x1E200] =	vst v6;
	v6 =	vmax.f32 v63, $0.0e+00  }
0x281: {  	p0 =	por $0x0, $0x0;
	[tilespmem:s30+$0x1E210] =	vst v6;
	s30 =	simm.s32 $0x2  }
0x282: {  	v5 =	vld [tilespmem:$0x18D20];
	_ =	sdelay $0x3  }
0x283: {  	v6 =	vld [tilespmem:$0x1BA30]  }
0x284: {  	v7 =	vld [tilespmem:$0x1BA40];
	v9 =	vbroadcast v5, $0x0  }
0x285: {  	v8 =	vld [tilespmem:$0x1BA50];
	v53 =	vbroadcast v5, $0x1;
	v58 =	vbroadcast v5, $0x2  }
0x286: {  	v10 =	vld [tilespmem:$0x1BA60];
	v32 =	vbroadcast v5, $0x3;
	v49 =	vbroadcast v5, $0x4  }
0x287: {  	v11 =	vld [tilespmem:$0x1BA70];
	v12 =	vmul.f32 v9, v0;
	v13 =	vmul.f32 v9, v1  }
0x288: {  	v15 =	vld [tilespmem:$0x1BA80];
	v14 =	vmul.f32 v9, v2;
	v52 =	vmul.f32 v9, v3  }
0x289: {  	v16 =	vld [tilespmem:$0x1BA90];
	v9 =	vmul.f32 v9, v4;
	v56 =	vmul.f32 v53, v0  }
0x28a: {  	v54 =	vld [tilespmem:$0x1BAA0];
	v18 =	vmul.f32 v53, v1;
	v57 =	vmul.f32 v53, v2  }
0x28b: {  	v55 =	vld [tilespmem:$0x1BAB0];
	v20 =	vmul.f32 v53, v3;
	v61 =	vmul.f32 v58, v0  }
0x28c: {  	v19 =	vld [tilespmem:$0x1BAD0];
	v23 =	vmul.f32 v58, v1;
	v26 =	vmul.f32 v58, v2  }
0x28d: {  	v21 =	vld [tilespmem:$0x1BAE0];
	v29 =	vmul.f32 v58, v3;
	v38 =	vmul.f32 v32, v0  }
0x28e: {  	v22 =	vld [tilespmem:$0x1BAF0];
	v39 =	vmul.f32 v32, v1;
	v42 =	vmul.f32 v32, v2;
	v6 =	vadd.f32 v12, v6  }
0x28f: {  	v60 =	vld [tilespmem:$0x1BB00];
	v46 =	vmul.f32 v32, v3;
	v48 =	vmul.f32 v32, v4;
	v7 =	vadd.f32 v7, v13  }
0x290: {  	v27 =	vld [tilespmem:$0x1BB20];
	v8 =	vadd.f32 v8, v14;
	v10 =	vadd.f32 v10, v52;
	v6 =	vmax.f32 v6, $0.0e+00  }
0x291: {  	v30 =	vld [tilespmem:$0x1BB30];
	v9 =	vadd.f32 v11, v9;
	v12 =	vadd.f32 v15, v56;
	v7 =	vmax.f32 v7, $0.0e+00;
	[tilespmem:$0x1EC30] =	vst v6  }
0x292: {  	v36 =	vld [tilespmem:$0x1BB50];
	v16 =	vadd.f32 v16, v18;
	v13 =	vmul.f32 v53, v4;
	v8 =	vmax.f32 v8, $0.0e+00;
	[tilespmem:$0x1EC40] =	vst v7  }
0x293: {  	v40 =	vld [tilespmem:$0x1BB60];
	v59 =	vadd.f32 v54, v57;
	v11 =	vadd.f32 v55, v20;
	v10 =	vmax.f32 v10, $0.0e+00;
	[tilespmem:$0x1EC50] =	vst v8  }
0x294: {  	v17 =	vld [tilespmem:$0x1BAC0];
	v25 =	vadd.f32 v19, v61;
	v28 =	vadd.f32 v21, v23;
	v9 =	vmax.f32 v9, $0.0e+00;
	[tilespmem:$0x1EC60] =	vst v10  }
0x295: {  	v62 =	vld [tilespmem:$0x1BB10];
	v18 =	vmul.f32 v58, v4;
	v31 =	vadd.f32 v22, v26;
	v63 =	vmax.f32 v59, $0.0e+00;
	[tilespmem:$0x1EC70] =	vst v9  }
0x296: {  	v43 =	vld [tilespmem:$0x1BB70];
	v34 =	vadd.f32 v60, v29;
	v45 =	vadd.f32 v30, v39;
	v11 =	vmax.f32 v11, $0.0e+00;
	[tilespmem:$0x1ECA0] =	vst v63  }
0x297: {  	v44 =	vadd.f32 v27, v38;
	v52 =	vadd.f32 v36, v46;
	v37 =	vmax.f32 v31, $0.0e+00;
	[tilespmem:$0x1ECB0] =	vst v11  }
0x298: {  	v54 =	vadd.f32 v40, v48;
	v55 =	vmul.f32 v49, v0;
	v51 =	vmax.f32 v45, $0.0e+00;
	[tilespmem:$0x1ECF0] =	vst v37  }
0x299: {  	v50 =	vld [tilespmem:$0x1BB90];
	v58 =	vmul.f32 v49, v1;
	v21 =	vbroadcast v5, $0xA;
	v57 =	vmax.f32 v52, $0.0e+00;
	[tilespmem:$0x1ED30] =	vst v51  }
0x29a: {  	v33 =	vld [tilespmem:$0x1BB40];
	v13 =	vadd.f32 v17, v13;
	v35 =	vadd.f32 v62, v18;
	v6 =	vmax.f32 v12, $0.0e+00;
	[tilespmem:$0x1ED50] =	vst v57  }
0x29b: {  	v47 =	vld [tilespmem:$0x1BB80];
	v59 =	vmul.f32 v49, v2;
	v61 =	vadd.f32 v43, v55;
	v7 =	vmax.f32 v16, $0.0e+00;
	[tilespmem:$0x1EC80] =	vst v6  }
0x29c: {  	v53 =	vld [tilespmem:$0x1BBA0];
	v62 =	vmul.f32 v49, v3;
	v45 =	vbroadcast v5, $0x6;
	v9 =	vmax.f32 v34, $0.0e+00;
	[tilespmem:$0x1EC90] =	vst v7  }
0x29d: {  	v56 =	vld [tilespmem:$0x1BBB0];
	v8 =	vmax.f32 v54, $0.0e+00;
	v24 =	vmax.f32 v13, $0.0e+00;
	v6 =	vmax.f32 v25, $0.0e+00;
	[tilespmem:$0x1ED00] =	vst v9  }
0x29e: {  	v60 =	vld [tilespmem:$0x1BBC0];
	v7 =	vmax.f32 v28, $0.0e+00;
	v41 =	vmax.f32 v35, $0.0e+00;
	v23 =	vadd.f32 v50, v59;
	[tilespmem:$0x1ED60] =	vst v8  }
0x29f: {  	v29 =	vld [tilespmem:$0x1BBF0];
	v26 =	vmax.f32 v61, $0.0e+00;
	v28 =	vmul.f32 v49, v4;
	v51 =	vmul.f32 v45, v0;
	[tilespmem:$0x1ECC0] =	vst v24  }
0x2a0: {  	v39 =	vld [tilespmem:$0x1BC20];
	v54 =	vmul.f32 v45, v2;
	v14 =	vmul.f32 v45, v4;
	[tilespmem:$0x1ECD0] =	vst v6;
	v6 =	vadd.f32 v33, v42  }
0x2a1: {  	v43 =	vld [tilespmem:$0x1BC30];
	[tilespmem:$0x1ECE0] =	vst v7;
	v7 =	vmax.f32 v44, $0.0e+00;
	v24 =	vbroadcast v5, $0x5;
	v27 =	vadd.f32 v53, v62  }
0x2a2: {  	v63 =	vld [tilespmem:$0x1BBD0];
	v53 =	vmul.f32 v45, v1;
	[tilespmem:$0x1ED20] =	vst v7;
	v7 =	vadd.f32 v47, v58;
	v33 =	vadd.f32 v56, v28  }
0x2a3: {  	v25 =	vld [tilespmem:$0x1BBE0];
	[tilespmem:$0x1ED10] =	vst v41;
	v56 =	vmul.f32 v45, v3;
	v6 =	vmax.f32 v6, $0.0e+00;
	v30 =	vmul.f32 v24, v0  }
0x2a4: {  	v31 =	vld [tilespmem:$0x1BC00];
	[tilespmem:$0x1ED70] =	vst v26;
	v32 =	vmax.f32 v27, $0.0e+00;
	v34 =	vmul.f32 v24, v1;
	v37 =	vmul.f32 v24, v2  }
0x2a5: {  	v49 =	vld [tilespmem:$0x1BC50];
	v38 =	vmul.f32 v24, v3;
	v42 =	vmul.f32 v24, v4;
	v58 =	vadd.f32 v39, v53;
	[tilespmem:$0x1ED40] =	vst v6  }
0x2a6: {  	v59 =	vadd.f32 v43, v54;
	v6 =	vmax.f32 v7, $0.0e+00;
	v7 =	vmax.f32 v23, $0.0e+00;
	[tilespmem:$0x1EDA0] =	vst v32  }
0x2a7: {  	v46 =	vld [tilespmem:$0x1BC40];
	v40 =	vmax.f32 v33, $0.0e+00;
	v36 =	vadd.f32 v60, v30;
	v41 =	vadd.f32 v63, v34;
	[tilespmem:$0x1ED80] =	vst v6  }
0x2a8: {  	v22 =	vld [tilespmem:$0x1BD70];
	v33 =	vbroadcast v5, $0x8;
	v6 =	vadd.f32 v25, v37;
	v44 =	vadd.f32 v29, v38;
	[tilespmem:$0x1ED90] =	vst v7  }
0x2a9: {  	v55 =	vld [tilespmem:$0x1BC60];
	v48 =	vadd.f32 v31, v42;
	[tilespmem:$0x1EDB0] =	vst v40;
	v60 =	vbroadcast v5, $0x7;
	v8 =	vmax.f32 v58, $0.0e+00  }
0x2aa: {  	v35 =	vld [tilespmem:$0x1BC10];
	v12 =	vadd.f32 v49, v14;
	v63 =	vmax.f32 v59, $0.0e+00;
	v49 =	vbroadcast v5, $0x9;
	[tilespmem:$0x1EE20] =	vst v8  }
0x2ab: {  	v27 =	vld [tilespmem:$0x1BCB0];
	[tilespmem:$0x1EE30] =	vst v63;
	v39 =	vmul.f32 v33, v0;
	v42 =	vmul.f32 v33, v1;
	v7 =	vmax.f32 v36, $0.0e+00  }
0x2ac: {  	v61 =	vld [tilespmem:$0x1BC80];
	v15 =	vmul.f32 v33, v4;
	v47 =	vmax.f32 v41, $0.0e+00;
	v6 =	vmax.f32 v6, $0.0e+00;
	[tilespmem:$0x1EDC0] =	vst v7  }
0x2ad: {  	v62 =	vld [tilespmem:$0x1BC90];
	v50 =	vmax.f32 v44, $0.0e+00;
	v52 =	vmax.f32 v48, $0.0e+00;
	v23 =	vmul.f32 v60, v0;
	[tilespmem:$0x1EDD0] =	vst v47  }
0x2ae: {  	v57 =	vld [tilespmem:$0x1BC70];
	v25 =	vmax.f32 v12, $0.0e+00;
	v26 =	vmul.f32 v60, v1;
	v28 =	vmul.f32 v60, v2;
	[tilespmem:$0x1EDE0] =	vst v6  }
0x2af: {  	v40 =	vld [tilespmem:$0x1BCF0];
	v29 =	vmul.f32 v60, v3;
	v32 =	vmul.f32 v60, v4;
	v7 =	vadd.f32 v35, v51;
	[tilespmem:$0x1EDF0] =	vst v50  }
0x2b0: {  	v24 =	vld [tilespmem:$0x1BCA0];
	v44 =	vmul.f32 v33, v2;
	v54 =	vmul.f32 v49, v0;
	[tilespmem:$0x1EE00] =	vst v52;
	v43 =	vadd.f32 v27, v39  }
0x2b1: {  	v53 =	vld [tilespmem:$0x1BD30];
	v59 =	vmul.f32 v49, v2;
	[tilespmem:$0x1EE50] =	vst v25;
	v35 =	vadd.f32 v61, v28;
	v6 =	vmax.f32 v7, $0.0e+00  }
0x2b2: {  	v34 =	vld [tilespmem:$0x1BCD0];
	v20 =	vmul.f32 v49, v4;
	v36 =	vadd.f32 v62, v29;
	v8 =	vmax.f32 v43, $0.0e+00;
	[tilespmem:$0x1EE10] =	vst v6  }
0x2b3: {  	v37 =	vld [tilespmem:$0x1BCE0];
	v27 =	vmul.f32 v21, v0;
	v7 =	vadd.f32 v46, v56;
	v9 =	vmax.f32 v35, $0.0e+00;
	[tilespmem:$0x1EEB0] =	vst v8  }
0x2b4: {  	v30 =	vld [tilespmem:$0x1BCC0];
	v31 =	vadd.f32 v57, v26;
	v52 =	vadd.f32 v40, v15;
	v41 =	vmax.f32 v36, $0.0e+00;
	[tilespmem:$0x1EE80] =	vst v9  }
0x2b5: {  	v47 =	vld [tilespmem:$0x1BD10];
	v38 =	vadd.f32 v24, v32;
	v6 =	vadd.f32 v55, v23;
	v7 =	vmax.f32 v7, $0.0e+00;
	[tilespmem:$0x1EE90] =	vst v41  }
0x2b6: {  	v60 =	vld [tilespmem:$0x1BD50];
	v62 =	vmul.f32 v49, v3;
	v46 =	vmul.f32 v33, v3;
	v58 =	vmax.f32 v52, $0.0e+00;
	[tilespmem:$0x1EE40] =	vst v7  }
0x2b7: {  	v29 =	vmul.f32 v21, v1;
	v48 =	vadd.f32 v34, v44;
	v56 =	vld [tilespmem:$0x1BD40];
	v6 =	vmax.f32 v6, $0.0e+00;
	[tilespmem:$0x1EEF0] =	vst v58  }
0x2b8: {  	v50 =	vld [tilespmem:$0x1BD20];
	v55 =	vmul.f32 v49, v1;
	v51 =	vadd.f32 v37, v46;
	v7 =	vmax.f32 v31, $0.0e+00;
	[tilespmem:$0x1EE60] =	vst v6  }
0x2b9: {  	v25 =	vld [tilespmem:$0x1BD80];
	v34 =	vmul.f32 v21, v3;
	v40 =	vmul.f32 v21, v4;
	v6 =	vmax.f32 v38, $0.0e+00;
	[tilespmem:$0x1EE70] =	vst v7  }
0x2ba: {  	v24 =	vadd.f32 v53, v62;
	v35 =	vld [tilespmem:$0x1BDB0];
	v61 =	vadd.f32 v47, v55;
	v57 =	vmax.f32 v51, $0.0e+00;
	[tilespmem:$0x1EEA0] =	vst v6  }
0x2bb: {  	v44 =	vld [tilespmem:$0x1BDE0];
	v37 =	vbroadcast v5, $0xB;
	v7 =	vadd.f32 v30, v42;
	v6 =	vmax.f32 v48, $0.0e+00;
	[tilespmem:$0x1EEE0] =	vst v57  }
0x2bc: {  	v45 =	vld [tilespmem:$0x1BD00];
	v30 =	vmul.f32 v21, v2;
	v23 =	vmax.f32 v61, $0.0e+00;
	v26 =	vadd.f32 v56, v20;
	[tilespmem:$0x1EED0] =	vst v6  }
0x2bd: {  	v46 =	vmul.f32 v37, v1;
	v7 =	vmax.f32 v7, $0.0e+00;
	v6 =	vadd.f32 v50, v59;
	[tilespmem:$0x1EF10] =	vst v23  }
0x2be: {  	v53 =	vmul.f32 v37, v4;
	v36 =	vadd.f32 v22, v30;
	[tilespmem:$0x1EEC0] =	vst v7;
	v32 =	vmax.f32 v26, $0.0e+00  }
0x2bf: {  	v63 =	vld [tilespmem:$0x1BD60];
	v33 =	vadd.f32 v60, v27;
	v52 =	vadd.f32 v35, v46;
	v6 =	vmax.f32 v6, $0.0e+00;
	[tilespmem:$0x1EF40] =	vst v32  }
0x2c0: {  	v28 =	vld [tilespmem:$0x1BD90];
	v39 =	vadd.f32 v25, v34;
	v59 =	vadd.f32 v44, v53;
	v42 =	vmax.f32 v36, $0.0e+00;
	[tilespmem:$0x1EF20] =	vst v6  }
0x2c1: {  	v41 =	vld [tilespmem:$0x1BDD0];
	v25 =	vbroadcast v5, $0xD;
	v7 =	vadd.f32 v45, v54;
	v58 =	vmax.f32 v52, $0.0e+00;
	[tilespmem:$0x1EF70] =	vst v42  }
0x2c2: {  	v31 =	vld [tilespmem:$0x1BDA0];
	v43 =	vmul.f32 v37, v0;
	v49 =	vmul.f32 v37, v3;
	v62 =	vmax.f32 v59, $0.0e+00;
	[tilespmem:$0x1EFB0] =	vst v58  }
0x2c3: {  	v38 =	vld [tilespmem:$0x1BDC0];
	v48 =	vmul.f32 v37, v2;
	v56 =	vbroadcast v5, $0xC;
	v7 =	vmax.f32 v7, $0.0e+00;
	[tilespmem:$0x1EFE0] =	vst v62  }
0x2c4: {  	v60 =	vld [tilespmem:$0x1BE30];
	v34 =	vmul.f32 v25, v2;
	v6 =	vadd.f32 v63, v29;
	[tilespmem:$0x1EF00] =	vst v7;
	v7 =	vmax.f32 v24, $0.0e+00  }
0x2c5: {  	v47 =	vld [tilespmem:$0x1BDF0];
	v37 =	vmul.f32 v25, v4;
	v30 =	vmul.f32 v25, v0;
	[tilespmem:$0x1EF30] =	vst v7;
	v7 =	vmax.f32 v33, $0.0e+00  }
0x2c6: {  	v57 =	vld [tilespmem:$0x1BE20];
	v35 =	vmul.f32 v25, v3;
	v45 =	vadd.f32 v28, v40;
	v6 =	vmax.f32 v6, $0.0e+00;
	[tilespmem:$0x1EF50] =	vst v7  }
0x2c7: {  	v50 =	vld [tilespmem:$0x1BE00];
	v55 =	vadd.f32 v41, v49;
	v7 =	vmax.f32 v39, $0.0e+00;
	[tilespmem:$0x1EF60] =	vst v6;
	v6 =	vadd.f32 v31, v43  }
0x2c8: {  	v54 =	vld [tilespmem:$0x1BE10];
	v12 =	vmul.f32 v56, v4;
	v51 =	vmax.f32 v45, $0.0e+00;
	[tilespmem:$0x1EF80] =	vst v7;
	v7 =	vadd.f32 v38, v48  }
0x2c9: {  	v61 =	vmul.f32 v56, v0;
	v22 =	vmul.f32 v56, v3;
	v26 =	vld [tilespmem:$0x1BE60];
	[tilespmem:$0x1EF90] =	vst v51;
	v6 =	vmax.f32 v6, $0.0e+00  }
0x2ca: {  	v63 =	vmul.f32 v56, v1;
	v28 =	vadd.f32 v60, v12;
	v29 =	vld [tilespmem:$0x1BE70];
	[tilespmem:$0x1EFA0] =	vst v6;
	v6 =	vmax.f32 v7, $0.0e+00  }
0x2cb: {  	v21 =	vld [tilespmem:$0x1BE40];
	v20 =	vmul.f32 v56, v2;
	v7 =	vmax.f32 v55, $0.0e+00;
	[tilespmem:$0x1EFC0] =	vst v6;
	v6 =	vadd.f32 v47, v61  }
0x2cc: {  	v23 =	vld [tilespmem:$0x1BE50];
	v27 =	vadd.f32 v57, v22;
	v32 =	vmax.f32 v28, $0.0e+00;
	[tilespmem:$0x1EFD0] =	vst v7;
	v7 =	vadd.f32 v50, v63  }
0x2cd: {  	v49 =	vld [tilespmem:$0x1BEE0];
	v33 =	vmul.f32 v25, v1;
	v24 =	vadd.f32 v54, v20;
	[tilespmem:$0x1F030] =	vst v32;
	v6 =	vmax.f32 v6, $0.0e+00  }
0x2ce: {  	v31 =	vld [tilespmem:$0x1BE80];
	v40 =	vadd.f32 v26, v34;
	v38 =	vbroadcast v5, $0xE;
	[tilespmem:$0x1EFF0] =	vst v6;
	v6 =	vmax.f32 v7, $0.0e+00  }
0x2cf: {  	v5 =	vbroadcast v5, $0xF;
	v41 =	vadd.f32 v29, v35;
	v7 =	vmax.f32 v24, $0.0e+00;
	[tilespmem:$0x1F000] =	vst v6  }
0x2d0: {  	v36 =	vld [tilespmem:$0x1BE90];
	v43 =	vmul.f32 v38, v0;
	v6 =	vmax.f32 v27, $0.0e+00;
	[tilespmem:$0x1F010] =	vst v7;
	v7 =	vadd.f32 v21, v30  }
0x2d1: {  	v39 =	vld [tilespmem:$0x1BEA0];
	v56 =	vmul.f32 v5, v0;
	v45 =	vmax.f32 v41, $0.0e+00;
	[tilespmem:$0x1F020] =	vst v6;
	v6 =	vadd.f32 v23, v33  }
0x2d2: {  	v42 =	vld [tilespmem:$0x1BEB0];
	v46 =	vmul.f32 v38, v1;
	v48 =	vmul.f32 v38, v2;
	[tilespmem:$0x1F070] =	vst v45;
	v7 =	vmax.f32 v7, $0.0e+00  }
0x2d3: {  	v44 =	vld [tilespmem:$0x1BEC0];
	v60 =	vadd.f32 v49, v56;
	[tilespmem:$0x1F040] =	vst v7;
	v6 =	vmax.f32 v6, $0.0e+00;
	v7 =	vadd.f32 v31, v37  }
0x2d4: {  	v51 =	vmul.f32 v38, v3;
	v53 =	vmul.f32 v38, v4;
	v47 =	vld [tilespmem:$0x1BED0];
	[tilespmem:$0x1F050] =	vst v6;
	v6 =	vmax.f32 v40, $0.0e+00  }
0x2d5: {  	v59 =	vld [tilespmem:$0x1BF20];
	v8 =	vmax.f32 v60, $0.0e+00;
	[tilespmem:$0x1F060] =	vst v6;
	v6 =	vmax.f32 v7, $0.0e+00;
	v7 =	vadd.f32 v36, v43  }
0x2d6: {  	v52 =	vld [tilespmem:$0x1BEF0];
	v58 =	vmul.f32 v5, v1;
	v62 =	vmul.f32 v5, v3;
	v50 =	vadd.f32 v39, v46;
	[tilespmem:$0x1F0E0] =	vst v8  }
0x2d7: {  	v54 =	vld [tilespmem:$0x1BF00];
	v61 =	vmul.f32 v5, v2;
	[tilespmem:$0x1F080] =	vst v6;
	v6 =	vmax.f32 v7, $0.0e+00;
	v7 =	vadd.f32 v42, v48  }
0x2d8: {  	v57 =	vld [tilespmem:$0x1BF10];
	v5 =	vmul.f32 v5, v4;
	v55 =	vadd.f32 v44, v51;
	[tilespmem:$0x1F090] =	vst v6;
	v6 =	vmax.f32 v50, $0.0e+00  }
0x2d9: {  	[tilespmem:$0x1F0A0] =	vst v6;
	v6 =	vmax.f32 v7, $0.0e+00;
	v7 =	vadd.f32 v47, v53  }
0x2da: {  	v5 =	vadd.f32 v59, v5;
	[tilespmem:$0x1F0B0] =	vst v6;
	v6 =	vmax.f32 v55, $0.0e+00  }
0x2db: {  	p0 =	seq.s32 s29, $0x7C;
	[tilespmem:$0x1F0C0] =	vst v6;
	v6 =	vmax.f32 v7, $0.0e+00;
	v7 =	vadd.f32 v52, v58  }
.Ltmp7:
0x2dc: {  	v5 =	vmax.f32 v5, $0.0e+00;
	[tilespmem:$0x1F0D0] =	vst v6;
	v6 =	vadd.f32 v54, v61;
	(pc) =	sbr.rel @p0 .LBB2_12-.Ltmp7, $4  }
0x2dd: {  	v63 =	vadd.f32 v57, v62;
	[tilespmem:$0x1F120] =	vst v5;
	v7 =	vmax.f32 v7, $0.0e+00  }
0x2de: {  	[tilespmem:$0x1F0F0] =	vst v7;
	v6 =	vmax.f32 v6, $0.0e+00  }
0x2df: {  	[tilespmem:$0x1F100] =	vst v6;
	v6 =	vmax.f32 v63, $0.0e+00  }
0x2e0: {  	[tilespmem:$0x1F110] =	vst v6  }
0x2e1: {  	s19 =	smul.u32 $0xA0, s29;
	_ =	sdelay $0x1  }
0x2e2: {  	s19 =	sadd.s32 s19, s24  }
0x2e3: {  	s19 =	sshrl.u32 s19, $0x3  }
0x2e4: {  	s26 =	sadd.s32 s1, s19  }
0x2e5: {  	[tilespmem:s14], [sflag:$0x2] =	stream.linear.gather [hbm4b:s26+s5], $0x50, $0x38;
	[tilespmem:$0x1F180] =	vst v63  }
0x2e6: {  	s26 =	sadd.s32 $0x9C40, s26  }
0x2e7: {  	[tilespmem:s15], [sflag:$0x2] =	stream.linear.gather [hbm4b:s26+s5], $0x50, $0x38;
	[tilespmem:$0x1F180] =	vst v63  }
.Ltmp8:
0x2e8: {  	_ = 	snop;
	(pc) =	sbr.rel .LBB2_2-.Ltmp8, $4  }
0x2e9: {  	s19 =	sadd.s32 s6, s19  }
0x2ea: {  	[tilespmem:s16], [sflag:$0x2] =	stream.linear.gather [hbm4b:s19+s5], $0x50, $0x38;
	[tilespmem:$0x1F180] =	vst v63  }
0x2eb: {  	s29 =	sadd.s32 $0x1, s29  }
0x2ec: {  	[spmem:s4] =	stream.indirect.scatter.add.f32 [tilespmem:s25], [sflag:$0x6], $0x50, s15, s13, $0xb8;
	[tilespmem:$0x1F180] =	vst v63  }
.LBB2_13:
0x2ed: {  	_ =	sfence.sel $0x180000  }
0x2ee: {  	[bflag:$0x0] =	sbarrier.arrive $0xFFFF  }
0x2ef: {  	_ =	strace $0x90000047  }
0x2f0: {  	s0 =	stileid.u32;
	[bflag:$0x2] =	sbarrier.arrive $0xFFFF  }
0x2f1: {  	p0 =	sne.s32 s0, $0x0;
	s0 =	rddreg [dreg:$0x4]  }
0x2f2: {  	s0 =	sadd.s32 @!p0 $0x100000, s0  }
0x2f3: {  	[sflag:s0] =	ssyncadd.tile.s32 @!p0 $0x1;
	_ =	shalt  }
.Lfunc_end2:
_tile_overlayer_lowered:
.L_overlay_start_2:
0x2f4: {  	(tag) =	ssettag $0x2  }
0x2f5: {  	s0 =	rddreg [dreg:$0x0];
	s2 =	stileid.u32  }
0x2f6: {  	s1 =	rddreg [dreg:$0x1];
	p0 =	sne.s32 s2, $0x0  }
0x2f7: {  	s3 =	rddreg [dreg:$0x2];
	[bflag:$0x3] =	sbarrier.arrive $0xFFFF;
	s2 =	simm.s32 @!p0 $0x1C07  }
0x2f8: {  	[timem:s3], [sflag:s2] =	dma.local @!p0 [hbm:s0], s1  }
0x2f9: {  	s0 =	simm.s32 @!p0 $0x7  }
0x2fa: {  	_ =	swait.ge @!p0 [sflag:s0], s1  }
0x2fb: {  	s1 =	ssub.s32 @!p0 $0x0, s1;
	[sflag:s0] =	ssyncset.done @!p0 $0x0  }
0x2fc: {  	[sflag:s0] =	ssyncadd.s32 @!p0 s1  }
0x2fd: {  	[bflag:$0x3] =	sbarrier.arrive $0xFFFF  }
0x2fe: {  	_ =	shalt  }

</sc_bundles>
